<compile_context>
chip_gen: v7x
topology: tpu7x:2x2x1
jax: 0.10.2.dev20260603
libtpu: 0.0.44.dev20260713+nightly
codegen_flags: <defaults>
</compile_context>

<pallas_src>
import jax
import jax.numpy as jnp
from jax import lax
from jax.experimental import pallas as pl
from jax.experimental.pallas import tpu as pltpu
from jax.experimental.pallas import tpu_sc as plsc

NC, NS = 2, 16
NW = NC * NS
D0, D1 = 32, 16
D = D0 + D1


def _sc_body(j_hbm, t0_hbm, t1_hbm, o_hbm, idx_all, rows0, rows1, tiles,
             gsem0, gsem1, gsem2, gsem3, wsem0, wsem1, wsem2, wsem3):
    wid = lax.axis_index("s") * NC + lax.axis_index("c")
    pairs_total = j_hbm.shape[0]
    ppw = pairs_total // NW
    units = ppw * 8
    gsems = (gsem0, gsem1, gsem2, gsem3)
    wsems = (wsem0, wsem1, wsem2, wsem3)

    pltpu.sync_copy(j_hbm.at[pl.ds(wid * ppw, ppw)], idx_all)

    iota = lax.iota(jnp.int32, 16)
    cvecs = []
    for h in range(3):
        c_vec = iota + (16 * h)
        cvecs.append((c_vec >> 3, c_vec & 7))

    def unit_coords(u):
        p = u >> 3
        ls = u & 7
        pg = wid * ppw + p
        lt = pg >> 5
        bb = pg & 31
        return p, ls, lt * 8 + ls, bb

    def fire_gathers(u, s):
        p, ls, _, _ = unit_coords(u)
        src = idx_all.at[p, ls]
        pltpu.async_copy(t0_hbm.at[src], rows0.at[s], gsems[s])
        pltpu.async_copy(t1_hbm.at[src], rows1.at[s], gsems[s])

    def wait_gathers(s):
        pltpu.make_async_copy(t0_hbm.at[idx_all.at[0, 0]], rows0.at[s],
                              gsems[s]).wait()
        pltpu.make_async_copy(t1_hbm.at[idx_all.at[0, 0]], rows1.at[s],
                              gsems[s]).wait()

    def transpose(s):
        t3 = tiles.at[s]

        @pl.loop(0, 128, unroll=8)
        def _row(bl):
            bls = jnp.full((16,), 0, jnp.int32) + bl
            plsc.store_scatter(t3, [cvecs[0][0], cvecs[0][1], bls],
                               rows0[s, bl, pl.ds(0, 16)])
            plsc.store_scatter(t3, [cvecs[1][0], cvecs[1][1], bls],
                               rows0[s, bl, pl.ds(16, 16)])
            plsc.store_scatter(t3, [cvecs[2][0], cvecs[2][1], bls],
                               rows1[s, bl, pl.ds(0, 16)])

    def fire_write(u, s):
        _, _, l, bb = unit_coords(u)
        pltpu.async_copy(tiles.at[s, :, :, pl.ds(0, 128)],
                         o_hbm.at[l, :, bb], wsems[s])

    def drain_write(s):
        pltpu.make_async_copy(tiles.at[s, :, :, pl.ds(0, 128)],
                              o_hbm.at[0, :, 0], wsems[s]).wait()

    fire_gathers(0, 0)
    fire_gathers(1, 1)

    @pl.loop(0, units, step=4)
    def _quad(base):
        for k in range(4):
            u = base + k
            s = k
            s2 = (k + 2) % 4

            @pl.when(u + 2 < units)
            def _():
                fire_gathers(u + 2, s2)

            wait_gathers(s)

            @pl.when(u >= 4)
            def _():
                drain_write(s)

            transpose(s)
            fire_write(u, s)

    for s in range(4):
        drain_write(s)


def kernel(inputs, table0, table1):
    B, L = inputs.shape
    J = (inputs.T.reshape(L // 8, 8, B // 128, 128)
         .transpose(0, 2, 1, 3)
         .reshape((L // 8) * (B // 128), 8, 128))
    mesh = plsc.VectorSubcoreMesh(core_axis_name="c", subcore_axis_name="s")
    O = pl.kernel(
        _sc_body,
        out_type=jax.ShapeDtypeStruct((L, 6, B // 128, 8, 128), jnp.float32),
        mesh=mesh,
        compiler_params=pltpu.CompilerParams(use_tc_tiling_on_sc=False,
                                            needs_layout_passes=False),
        scratch_types=[
            pltpu.VMEM((25, 8, 128), jnp.int32),
            pltpu.VMEM((4, 128, D0), jnp.float32),
            pltpu.VMEM((4, 128, D1), jnp.float32),
            pltpu.VMEM((4, 6, 8, 133), jnp.float32),
        ] + [pltpu.SemaphoreType.DMA] * 8,
    )(J, table0, table1)
    return O.transpose(2, 4, 0, 1, 3).reshape(B, L, D)

# --- scband reference (transcript-rebuilt; emitter-appended) ---
"""Pipeline reference for scband-concat-embedding-34471407518121 (READ-ONLY COPY).

The authoritative reference and input builder live on the scoring server;
editing this copy changes nothing except your own understanding.
"""

import jax, jax.numpy as jnp
import numpy as np

VOCAB = 1000000
BATCH = 4096
HIST = 200
DIMS = [32, 16]


def setup_inputs(seed: int = 0) -> dict:
    key = jax.random.key(seed)
    k_idx, k_t0, k_t1 = jax.random.split(key, 3)
    inputs = jax.random.randint(k_idx, (BATCH, HIST), 0, VOCAB, dtype=jnp.int64 if jax.config.jax_enable_x64 else jnp.int32)
    table0 = jax.random.normal(k_t0, (VOCAB, DIMS[0]), dtype=jnp.float32) * 0.02
    table1 = jax.random.normal(k_t1, (VOCAB, DIMS[1]), dtype=jnp.float32) * 0.02
    return {"inputs": inputs, "table0": table0, "table1": table1}


def reference(inputs, table0, table1):
    # ConcatEmbedding.call: run each child embedding lookup on the same
    # integer inputs, then concat along the last axis.
    e0 = jnp.take(table0, inputs, axis=0)  # [B, L, 32]
    e1 = jnp.take(table1, inputs, axis=0)  # [B, L, 16]
    feature = jnp.concatenate([e0, e1], axis=-1)  # [B, L, 48]
    return feature

if __name__ == "__main__":
    import jax
    _d = setup_inputs()
    print(jax.jit(kernel)(*tuple(_d.values())))

</pallas_src>

<mosaic_0001>
#map = affine_map<(d0, d1) -> (0, 0, 0)>
#map1 = affine_map<(d0, d1) -> (0, 0)>
#map2 = affine_map<(d0, d1) -> (0, 0, 0, 0, 0)>
module attributes {stable_mosaic.version = 14 : i64} {
  func.func @_sc_body(%arg0: i32, %arg1: i32, %arg2: memref<800x8x128xi32, #tpu.memory_space<hbm>>, %arg3: memref<1000000x32xf32, #tpu.memory_space<hbm>>, %arg4: memref<1000000x16xf32, #tpu.memory_space<hbm>>, %arg5: memref<200x6x32x8x128xf32, #tpu.memory_space<hbm>>, %arg6: memref<25x8x128xi32, #tpu.memory_space<vmem>>, %arg7: memref<4x128x32xf32, #tpu.memory_space<vmem>>, %arg8: memref<4x128x16xf32, #tpu.memory_space<vmem>>, %arg9: memref<4x6x8x133xf32, #tpu.memory_space<vmem>>, %arg10: memref<!tpu.dma_semaphore, #tpu.memory_space<semaphore_mem>>, %arg11: memref<!tpu.dma_semaphore, #tpu.memory_space<semaphore_mem>>, %arg12: memref<!tpu.dma_semaphore, #tpu.memory_space<semaphore_mem>>, %arg13: memref<!tpu.dma_semaphore, #tpu.memory_space<semaphore_mem>>, %arg14: memref<!tpu.dma_semaphore, #tpu.memory_space<semaphore_mem>>, %arg15: memref<!tpu.dma_semaphore, #tpu.memory_space<semaphore_mem>>, %arg16: memref<!tpu.dma_semaphore, #tpu.memory_space<semaphore_mem>>, %arg17: memref<!tpu.dma_semaphore, #tpu.memory_space<semaphore_mem>>) attributes {dimension_semantics = [#tpu.dimension_semantics<core_parallel>, #tpu.dimension_semantics<subcore_parallel>], iteration_bounds = array<i64: 2, 16>, scalar_prefetch = 0 : i64, scratch_operands = 12 : i64, tpu.core_type = #tpu.core_type<sc_vector_subcore>, window_params = [{transform_indices = #map}, {transform_indices = #map1}, {transform_indices = #map1}, {transform_indices = #map2}]} {
    %mul3A = arith.constant 2 : i32
    %mul3A_0 = arith.muli %arg1, %mul3A : i32
    %add3A = arith.addi %mul3A_0, %arg0 : i32
    %mul3A_1 = arith.constant 25 : i32
    %mul3A_2 = arith.muli %add3A, %mul3A_1 : i32
    "tpu.region"() ({
      %run_scoped3A = tpu.sem_alloc : memref<!tpu.dma_semaphore, #tpu.memory_space<semaphore_mem>>
      %dma_start3A_198 = arith.constant 0 : i32
      %dma_start3A_199 = arith.constant 0 : i32
      %dma_start3A_200 = tpu.memref_slice %arg2[%mul3A_2, %dma_start3A_198, %dma_start3A_199] : memref<800x8x128xi32, #tpu.memory_space<hbm>> -> memref<25x8x128xi32, #tpu.memory_space<hbm>>
      %dma_start3A_201 = arith.constant 0 : i32
      %dma_start3A_202 = arith.constant 0 : i32
      %dma_start3A_203 = tpu.memref_slice %arg2[%mul3A_2, %dma_start3A_201, %dma_start3A_202] : memref<800x8x128xi32, #tpu.memory_space<hbm>> -> memref<25x8x128xi32, #tpu.memory_space<hbm>>
      tpu.enqueue_dma source(%dma_start3A_203 : memref<25x8x128xi32, #tpu.memory_space<hbm>>) target(%arg6 : memref<25x8x128xi32, #tpu.memory_space<vmem>>) target_semaphore(%run_scoped3A : memref<!tpu.dma_semaphore, #tpu.memory_space<semaphore_mem>>)
      %dma_wait3A_204 = arith.constant 0 : i32
      %dma_wait3A_205 = arith.constant 0 : i32
      %dma_wait3A_206 = tpu.memref_slice %arg2[%mul3A_2, %dma_wait3A_204, %dma_wait3A_205] : memref<800x8x128xi32, #tpu.memory_space<hbm>> -> memref<25x8x128xi32, #tpu.memory_space<hbm>>
      %dma_wait3A_207 = arith.constant 0 : i32
      %dma_wait3A_208 = arith.constant 0 : i32
      %dma_wait3A_209 = tpu.memref_slice %arg2[%mul3A_2, %dma_wait3A_207, %dma_wait3A_208] : memref<800x8x128xi32, #tpu.memory_space<hbm>> -> memref<25x8x128xi32, #tpu.memory_space<hbm>>
      tpu.wait_dma2 semaphore(%run_scoped3A : memref<!tpu.dma_semaphore, #tpu.memory_space<semaphore_mem>>) src(%dma_wait3A_209 : memref<25x8x128xi32, #tpu.memory_space<hbm>>) dst(%arg6 : memref<25x8x128xi32, #tpu.memory_space<vmem>>)
      tpu.yield
    }) : () -> ()
    %iota3A = tpu.iota {dimensions = array<i32: 0>} : vector<16xi32>
    %add3A_3 = arith.constant 0 : i32
    %add3A_4 = vector.broadcast %add3A_3 : i32 to vector<16xi32>
    %add3A_5 = arith.addi %iota3A, %add3A_4 : vector<16xi32>
    %shift_right_arithmetic3A = arith.constant 3 : i32
    %shift_right_arithmetic3A_6 = vector.broadcast %shift_right_arithmetic3A : i32 to vector<16xi32>
    %shift_right_arithmetic3A_7 = arith.shrsi %add3A_5, %shift_right_arithmetic3A_6 : vector<16xi32>
    %and3A = arith.constant 7 : i32
    %and3A_8 = vector.broadcast %and3A : i32 to vector<16xi32>
    %and3A_9 = arith.andi %add3A_5, %and3A_8 : vector<16xi32>
    %add3A_10 = arith.constant 16 : i32
    %add3A_11 = vector.broadcast %add3A_10 : i32 to vector<16xi32>
    %add3A_12 = arith.addi %iota3A, %add3A_11 : vector<16xi32>
    %shift_right_arithmetic3A_13 = arith.constant 3 : i32
    %shift_right_arithmetic3A_14 = vector.broadcast %shift_right_arithmetic3A_13 : i32 to vector<16xi32>
    %shift_right_arithmetic3A_15 = arith.shrsi %add3A_12, %shift_right_arithmetic3A_14 : vector<16xi32>
    %and3A_16 = arith.constant 7 : i32
    %and3A_17 = vector.broadcast %and3A_16 : i32 to vector<16xi32>
    %and3A_18 = arith.andi %add3A_12, %and3A_17 : vector<16xi32>
    %add3A_19 = arith.constant 32 : i32
    %add3A_20 = vector.broadcast %add3A_19 : i32 to vector<16xi32>
    %add3A_21 = arith.addi %iota3A, %add3A_20 : vector<16xi32>
    %shift_right_arithmetic3A_22 = arith.constant 3 : i32
    %shift_right_arithmetic3A_23 = vector.broadcast %shift_right_arithmetic3A_22 : i32 to vector<16xi32>
    %shift_right_arithmetic3A_24 = arith.shrsi %add3A_21, %shift_right_arithmetic3A_23 : vector<16xi32>
    %and3A_25 = arith.constant 7 : i32
    %and3A_26 = vector.broadcast %and3A_25 : i32 to vector<16xi32>
    %and3A_27 = arith.andi %add3A_21, %and3A_26 : vector<16xi32>
    %mul3A_28 = arith.constant 25 : i32
    %mul3A_29 = arith.muli %add3A, %mul3A_28 : i32
    %add3A_30 = arith.constant 0 : i32
    %add3A_31 = arith.addi %mul3A_29, %add3A_30 : i32
    %shift_right_arithmetic3A_32 = arith.constant 5 : i32
    %shift_right_arithmetic3A_33 = arith.shrsi %add3A_31, %shift_right_arithmetic3A_32 : i32
    %and3A_34 = arith.constant 31 : i32
    %and3A_35 = arith.andi %add3A_31, %and3A_34 : i32
    %mul3A_36 = arith.constant 8 : i32
    %mul3A_37 = arith.muli %shift_right_arithmetic3A_33, %mul3A_36 : i32
    %add3A_38 = arith.constant 0 : i32
    %add3A_39 = arith.addi %mul3A_37, %add3A_38 : i32
    %dma_start3A = arith.constant 0 : i32
    %dma_start3A_40 = arith.constant 0 : i32
    %dma_start3A_41 = arith.constant 0 : i32
    %dma_start3A_42 = arith.constant 0 : i32
    %dma_start3A_43 = arith.constant 0 : i32
    %dma_start3A_44 = tpu.memref_slice %arg7[%dma_start3A_41, %dma_start3A_42, %dma_start3A_43] : memref<4x128x32xf32, #tpu.memory_space<vmem>> -> memref<1x128x32xf32, #tpu.memory_space<vmem>>
    %dma_start3A_45 = tpu.memref_squeeze %dma_start3A_44 : memref<1x128x32xf32, #tpu.memory_space<vmem>> -> memref<128x32xf32, #tpu.memory_space<vmem>>
    %dma_start3A_46 = arith.constant 0 : i32
    %dma_start3A_47 = tpu.memref_slice %arg6[%dma_start3A, %dma_start3A_40, %dma_start3A_46] : memref<25x8x128xi32, #tpu.memory_space<vmem>> -> memref<1x1x128xi32, #tpu.memory_space<vmem>>
    %dma_start3A_48 = tpu.memref_squeeze %dma_start3A_47 : memref<1x1x128xi32, #tpu.memory_space<vmem>> -> memref<128xi32, #tpu.memory_space<vmem>>
    %dma_start3A_49 = arith.constant 0 : i32
    %dma_start3A_50 = arith.constant 0 : i32
    %dma_start3A_51 = tpu.memref_slice %arg3[%dma_start3A_49, %dma_start3A_50] : memref<1000000x32xf32, #tpu.memory_space<hbm>> -> memref<1000000x32xf32, #tpu.memory_space<hbm>>
    tpu.enqueue_indirect_dma source(%dma_start3A_51 : memref<1000000x32xf32, #tpu.memory_space<hbm>>) target(%dma_start3A_45 : memref<128x32xf32, #tpu.memory_space<vmem>>) offsets(%dma_start3A_48 : memref<128xi32, #tpu.memory_space<vmem>>) semaphore(%arg10 : memref<!tpu.dma_semaphore, #tpu.memory_space<semaphore_mem>>)
    %dma_start3A_52 = arith.constant 0 : i32
    %dma_start3A_53 = arith.constant 0 : i32
    %dma_start3A_54 = arith.constant 0 : i32
    %dma_start3A_55 = arith.constant 0 : i32
    %dma_start3A_56 = arith.constant 0 : i32
    %dma_start3A_57 = tpu.memref_slice %arg8[%dma_start3A_54, %dma_start3A_55, %dma_start3A_56] : memref<4x128x16xf32, #tpu.memory_space<vmem>> -> memref<1x128x16xf32, #tpu.memory_space<vmem>>
    %dma_start3A_58 = tpu.memref_squeeze %dma_start3A_57 : memref<1x128x16xf32, #tpu.memory_space<vmem>> -> memref<128x16xf32, #tpu.memory_space<vmem>>
    %dma_start3A_59 = arith.constant 0 : i32
    %dma_start3A_60 = tpu.memref_slice %arg6[%dma_start3A_52, %dma_start3A_53, %dma_start3A_59] : memref<25x8x128xi32, #tpu.memory_space<vmem>> -> memref<1x1x128xi32, #tpu.memory_space<vmem>>
    %dma_start3A_61 = tpu.memref_squeeze %dma_start3A_60 : memref<1x1x128xi32, #tpu.memory_space<vmem>> -> memref<128xi32, #tpu.memory_space<vmem>>
    %dma_start3A_62 = arith.constant 0 : i32
    %dma_start3A_63 = arith.constant 0 : i32
    %dma_start3A_64 = tpu.memref_slice %arg4[%dma_start3A_62, %dma_start3A_63] : memref<1000000x16xf32, #tpu.memory_space<hbm>> -> memref<1000000x16xf32, #tpu.memory_space<hbm>>
    tpu.enqueue_indirect_dma source(%dma_start3A_64 : memref<1000000x16xf32, #tpu.memory_space<hbm>>) target(%dma_start3A_58 : memref<128x16xf32, #tpu.memory_space<vmem>>) offsets(%dma_start3A_61 : memref<128xi32, #tpu.memory_space<vmem>>) semaphore(%arg10 : memref<!tpu.dma_semaphore, #tpu.memory_space<semaphore_mem>>)
    %mul3A_65 = arith.constant 25 : i32
    %mul3A_66 = arith.muli %add3A, %mul3A_65 : i32
    %add3A_67 = arith.constant 0 : i32
    %add3A_68 = arith.addi %mul3A_66, %add3A_67 : i32
    %shift_right_arithmetic3A_69 = arith.constant 5 : i32
    %shift_right_arithmetic3A_70 = arith.shrsi %add3A_68, %shift_right_arithmetic3A_69 : i32
    %and3A_71 = arith.constant 31 : i32
    %and3A_72 = arith.andi %add3A_68, %and3A_71 : i32
    %mul3A_73 = arith.constant 8 : i32
    %mul3A_74 = arith.muli %shift_right_arithmetic3A_70, %mul3A_73 : i32
    %add3A_75 = arith.constant 1 : i32
    %add3A_76 = arith.addi %mul3A_74, %add3A_75 : i32
    %dma_start3A_77 = arith.constant 0 : i32
    %dma_start3A_78 = arith.constant 1 : i32
    %dma_start3A_79 = arith.constant 1 : i32
    %dma_start3A_80 = arith.constant 0 : i32
    %dma_start3A_81 = arith.constant 0 : i32
    %dma_start3A_82 = tpu.memref_slice %arg7[%dma_start3A_79, %dma_start3A_80, %dma_start3A_81] : memref<4x128x32xf32, #tpu.memory_space<vmem>> -> memref<1x128x32xf32, #tpu.memory_space<vmem>>
    %dma_start3A_83 = tpu.memref_squeeze %dma_start3A_82 : memref<1x128x32xf32, #tpu.memory_space<vmem>> -> memref<128x32xf32, #tpu.memory_space<vmem>>
    %dma_start3A_84 = arith.constant 0 : i32
    %dma_start3A_85 = tpu.memref_slice %arg6[%dma_start3A_77, %dma_start3A_78, %dma_start3A_84] : memref<25x8x128xi32, #tpu.memory_space<vmem>> -> memref<1x1x128xi32, #tpu.memory_space<vmem>>
    %dma_start3A_86 = tpu.memref_squeeze %dma_start3A_85 : memref<1x1x128xi32, #tpu.memory_space<vmem>> -> memref<128xi32, #tpu.memory_space<vmem>>
    %dma_start3A_87 = arith.constant 0 : i32
    %dma_start3A_88 = arith.constant 0 : i32
    %dma_start3A_89 = tpu.memref_slice %arg3[%dma_start3A_87, %dma_start3A_88] : memref<1000000x32xf32, #tpu.memory_space<hbm>> -> memref<1000000x32xf32, #tpu.memory_space<hbm>>
    tpu.enqueue_indirect_dma source(%dma_start3A_89 : memref<1000000x32xf32, #tpu.memory_space<hbm>>) target(%dma_start3A_83 : memref<128x32xf32, #tpu.memory_space<vmem>>) offsets(%dma_start3A_86 : memref<128xi32, #tpu.memory_space<vmem>>) semaphore(%arg11 : memref<!tpu.dma_semaphore, #tpu.memory_space<semaphore_mem>>)
    %dma_start3A_90 = arith.constant 0 : i32
    %dma_start3A_91 = arith.constant 1 : i32
    %dma_start3A_92 = arith.constant 1 : i32
    %dma_start3A_93 = arith.constant 0 : i32
    %dma_start3A_94 = arith.constant 0 : i32
    %dma_start3A_95 = tpu.memref_slice %arg8[%dma_start3A_92, %dma_start3A_93, %dma_start3A_94] : memref<4x128x16xf32, #tpu.memory_space<vmem>> -> memref<1x128x16xf32, #tpu.memory_space<vmem>>
    %dma_start3A_96 = tpu.memref_squeeze %dma_start3A_95 : memref<1x128x16xf32, #tpu.memory_space<vmem>> -> memref<128x16xf32, #tpu.memory_space<vmem>>
    %dma_start3A_97 = arith.constant 0 : i32
    %dma_start3A_98 = tpu.memref_slice %arg6[%dma_start3A_90, %dma_start3A_91, %dma_start3A_97] : memref<25x8x128xi32, #tpu.memory_space<vmem>> -> memref<1x1x128xi32, #tpu.memory_space<vmem>>
    %dma_start3A_99 = tpu.memref_squeeze %dma_start3A_98 : memref<1x1x128xi32, #tpu.memory_space<vmem>> -> memref<128xi32, #tpu.memory_space<vmem>>
    %dma_start3A_100 = arith.constant 0 : i32
    %dma_start3A_101 = arith.constant 0 : i32
    %dma_start3A_102 = tpu.memref_slice %arg4[%dma_start3A_100, %dma_start3A_101] : memref<1000000x16xf32, #tpu.memory_space<hbm>> -> memref<1000000x16xf32, #tpu.memory_space<hbm>>
    tpu.enqueue_indirect_dma source(%dma_start3A_102 : memref<1000000x16xf32, #tpu.memory_space<hbm>>) target(%dma_start3A_96 : memref<128x16xf32, #tpu.memory_space<vmem>>) offsets(%dma_start3A_99 : memref<128xi32, #tpu.memory_space<vmem>>) semaphore(%arg11 : memref<!tpu.dma_semaphore, #tpu.memory_space<semaphore_mem>>)
    %scan3A = arith.constant 0 : i32
    %scan3A_103 = arith.constant 50 : i32
    %scan3A_104 = arith.addi %scan3A, %scan3A_103 : i32
    %scan3A_105 = arith.constant 1 : i32
    scf.for %scan3A_198 = %scan3A to %scan3A_104 step %scan3A_105  : i32 {
      %mul3A_199 = arith.constant 4 : i32
      %mul3A_200 = arith.muli %scan3A_198, %mul3A_199 : i32
      %add3A_201 = arith.constant 0 : i32
      %add3A_202 = arith.addi %add3A_201, %mul3A_200 : i32
      %add3A_203 = arith.constant 0 : i32
      %add3A_204 = arith.addi %add3A_202, %add3A_203 : i32
      %add3A_205 = arith.constant 2 : i32
      %add3A_206 = arith.addi %add3A_204, %add3A_205 : i32
      %lt3A = arith.constant 200 : i32
      %lt3A_207 = arith.cmpi slt, %add3A_206, %lt3A : i32
      %convert_element_type3A = arith.extui %lt3A_207 : i1 to i32
      %cond3A = arith.constant 0 : i32
      %cond3A_208 = arith.cmpi ne, %convert_element_type3A, %cond3A : i32
      scf.if %cond3A_208 {
        %add3A_523 = arith.constant 2 : i32
        %add3A_524 = arith.addi %add3A_204, %add3A_523 : i32
        %shift_right_arithmetic3A_525 = arith.constant 3 : i32
        %shift_right_arithmetic3A_526 = arith.shrsi %add3A_524, %shift_right_arithmetic3A_525 : i32
        %and3A_527 = arith.constant 7 : i32
        %and3A_528 = arith.andi %add3A_524, %and3A_527 : i32
        %mul3A_529 = arith.constant 25 : i32
        %mul3A_530 = arith.muli %add3A, %mul3A_529 : i32
        %add3A_531 = arith.addi %mul3A_530, %shift_right_arithmetic3A_526 : i32
        %shift_right_arithmetic3A_532 = arith.constant 5 : i32
        %shift_right_arithmetic3A_533 = arith.shrsi %add3A_531, %shift_right_arithmetic3A_532 : i32
        %and3A_534 = arith.constant 31 : i32
        %and3A_535 = arith.andi %add3A_531, %and3A_534 : i32
        %mul3A_536 = arith.constant 8 : i32
        %mul3A_537 = arith.muli %shift_right_arithmetic3A_533, %mul3A_536 : i32
        %add3A_538 = arith.addi %mul3A_537, %and3A_528 : i32
        %dma_start3A_539 = arith.constant 2 : i32
        %dma_start3A_540 = arith.constant 0 : i32
        %dma_start3A_541 = arith.constant 0 : i32
        %dma_start3A_542 = tpu.memref_slice %arg7[%dma_start3A_539, %dma_start3A_540, %dma_start3A_541] : memref<4x128x32xf32, #tpu.memory_space<vmem>> -> memref<1x128x32xf32, #tpu.memory_space<vmem>>
        %dma_start3A_543 = tpu.memref_squeeze %dma_start3A_542 : memref<1x128x32xf32, #tpu.memory_space<vmem>> -> memref<128x32xf32, #tpu.memory_space<vmem>>
        %dma_start3A_544 = arith.constant 0 : i32
        %dma_start3A_545 = tpu.memref_slice %arg6[%shift_right_arithmetic3A_526, %and3A_528, %dma_start3A_544] : memref<25x8x128xi32, #tpu.memory_space<vmem>> -> memref<1x1x128xi32, #tpu.memory_space<vmem>>
        %dma_start3A_546 = tpu.memref_squeeze %dma_start3A_545 : memref<1x1x128xi32, #tpu.memory_space<vmem>> -> memref<128xi32, #tpu.memory_space<vmem>>
        %dma_start3A_547 = arith.constant 0 : i32
        %dma_start3A_548 = arith.constant 0 : i32
        %dma_start3A_549 = tpu.memref_slice %arg3[%dma_start3A_547, %dma_start3A_548] : memref<1000000x32xf32, #tpu.memory_space<hbm>> -> memref<1000000x32xf32, #tpu.memory_space<hbm>>
        tpu.enqueue_indirect_dma source(%dma_start3A_549 : memref<1000000x32xf32, #tpu.memory_space<hbm>>) target(%dma_start3A_543 : memref<128x32xf32, #tpu.memory_space<vmem>>) offsets(%dma_start3A_546 : memref<128xi32, #tpu.memory_space<vmem>>) semaphore(%arg12 : memref<!tpu.dma_semaphore, #tpu.memory_space<semaphore_mem>>)
        %dma_start3A_550 = arith.constant 2 : i32
        %dma_start3A_551 = arith.constant 0 : i32
        %dma_start3A_552 = arith.constant 0 : i32
        %dma_start3A_553 = tpu.memref_slice %arg8[%dma_start3A_550, %dma_start3A_551, %dma_start3A_552] : memref<4x128x16xf32, #tpu.memory_space<vmem>> -> memref<1x128x16xf32, #tpu.memory_space<vmem>>
        %dma_start3A_554 = tpu.memref_squeeze %dma_start3A_553 : memref<1x128x16xf32, #tpu.memory_space<vmem>> -> memref<128x16xf32, #tpu.memory_space<vmem>>
        %dma_start3A_555 = arith.constant 0 : i32
        %dma_start3A_556 = tpu.memref_slice %arg6[%shift_right_arithmetic3A_526, %and3A_528, %dma_start3A_555] : memref<25x8x128xi32, #tpu.memory_space<vmem>> -> memref<1x1x128xi32, #tpu.memory_space<vmem>>
        %dma_start3A_557 = tpu.memref_squeeze %dma_start3A_556 : memref<1x1x128xi32, #tpu.memory_space<vmem>> -> memref<128xi32, #tpu.memory_space<vmem>>
        %dma_start3A_558 = arith.constant 0 : i32
        %dma_start3A_559 = arith.constant 0 : i32
        %dma_start3A_560 = tpu.memref_slice %arg4[%dma_start3A_558, %dma_start3A_559] : memref<1000000x16xf32, #tpu.memory_space<hbm>> -> memref<1000000x16xf32, #tpu.memory_space<hbm>>
        tpu.enqueue_indirect_dma source(%dma_start3A_560 : memref<1000000x16xf32, #tpu.memory_space<hbm>>) target(%dma_start3A_554 : memref<128x16xf32, #tpu.memory_space<vmem>>) offsets(%dma_start3A_557 : memref<128xi32, #tpu.memory_space<vmem>>) semaphore(%arg12 : memref<!tpu.dma_semaphore, #tpu.memory_space<semaphore_mem>>)
      } else {
      }
      %dma_wait3A_209 = arith.constant 0 : i32
      %dma_wait3A_210 = arith.constant 0 : i32
      %dma_wait3A_211 = arith.constant 0 : i32
      %dma_wait3A_212 = arith.constant 0 : i32
      %dma_wait3A_213 = arith.constant 0 : i32
      %dma_wait3A_214 = tpu.memref_slice %arg7[%dma_wait3A_211, %dma_wait3A_212, %dma_wait3A_213] : memref<4x128x32xf32, #tpu.memory_space<vmem>> -> memref<1x128x32xf32, #tpu.memory_space<vmem>>
      %dma_wait3A_215 = tpu.memref_squeeze %dma_wait3A_214 : memref<1x128x32xf32, #tpu.memory_space<vmem>> -> memref<128x32xf32, #tpu.memory_space<vmem>>
      %dma_wait3A_216 = arith.constant 0 : i32
      %dma_wait3A_217 = tpu.memref_slice %arg6[%dma_wait3A_209, %dma_wait3A_210, %dma_wait3A_216] : memref<25x8x128xi32, #tpu.memory_space<vmem>> -> memref<1x1x128xi32, #tpu.memory_space<vmem>>
      %dma_wait3A_218 = tpu.memref_squeeze %dma_wait3A_217 : memref<1x1x128xi32, #tpu.memory_space<vmem>> -> memref<128xi32, #tpu.memory_space<vmem>>
      %dma_wait3A_219 = arith.constant 0 : i32
      %dma_wait3A_220 = arith.constant 0 : i32
      %dma_wait3A_221 = tpu.memref_slice %arg3[%dma_wait3A_219, %dma_wait3A_220] : memref<1000000x32xf32, #tpu.memory_space<hbm>> -> memref<1000000x32xf32, #tpu.memory_space<hbm>>
      tpu.wait_indirect_dma semaphore(%arg10 : memref<!tpu.dma_semaphore, #tpu.memory_space<semaphore_mem>>) src(%dma_wait3A_221 : memref<1000000x32xf32, #tpu.memory_space<hbm>>) dst(%dma_wait3A_215 : memref<128x32xf32, #tpu.memory_space<vmem>>)
      %dma_wait3A_222 = arith.constant 0 : i32
      %dma_wait3A_223 = arith.constant 0 : i32
      %dma_wait3A_224 = arith.constant 0 : i32
      %dma_wait3A_225 = arith.constant 0 : i32
      %dma_wait3A_226 = arith.constant 0 : i32
      %dma_wait3A_227 = tpu.memref_slice %arg8[%dma_wait3A_224, %dma_wait3A_225, %dma_wait3A_226] : memref<4x128x16xf32, #tpu.memory_space<vmem>> -> memref<1x128x16xf32, #tpu.memory_space<vmem>>
      %dma_wait3A_228 = tpu.memref_squeeze %dma_wait3A_227 : memref<1x128x16xf32, #tpu.memory_space<vmem>> -> memref<128x16xf32, #tpu.memory_space<vmem>>
      %dma_wait3A_229 = arith.constant 0 : i32
      %dma_wait3A_230 = tpu.memref_slice %arg6[%dma_wait3A_222, %dma_wait3A_223, %dma_wait3A_229] : memref<25x8x128xi32, #tpu.memory_space<vmem>> -> memref<1x1x128xi32, #tpu.memory_space<vmem>>
      %dma_wait3A_231 = tpu.memref_squeeze %dma_wait3A_230 : memref<1x1x128xi32, #tpu.memory_space<vmem>> -> memref<128xi32, #tpu.memory_space<vmem>>
      %dma_wait3A_232 = arith.constant 0 : i32
      %dma_wait3A_233 = arith.constant 0 : i32
      %dma_wait3A_234 = tpu.memref_slice %arg4[%dma_wait3A_232, %dma_wait3A_233] : memref<1000000x16xf32, #tpu.memory_space<hbm>> -> memref<1000000x16xf32, #tpu.memory_space<hbm>>
      tpu.wait_indirect_dma semaphore(%arg10 : memref<!tpu.dma_semaphore, #tpu.memory_space<semaphore_mem>>) src(%dma_wait3A_234 : memref<1000000x16xf32, #tpu.memory_space<hbm>>) dst(%dma_wait3A_228 : memref<128x16xf32, #tpu.memory_space<vmem>>)
      %ge3A = arith.constant 4 : i32
      %ge3A_235 = arith.cmpi sge, %add3A_204, %ge3A : i32
      %convert_element_type3A_236 = arith.extui %ge3A_235 : i1 to i32
      %cond3A_237 = arith.constant 0 : i32
      %cond3A_238 = arith.cmpi ne, %convert_element_type3A_236, %cond3A_237 : i32
      scf.if %cond3A_238 {
        %dma_wait3A_523 = arith.constant 0 : i32
        %dma_wait3A_524 = arith.constant 0 : i32
        %dma_wait3A_525 = arith.constant 0 : i32
        %dma_wait3A_526 = arith.constant 0 : i32
        %dma_wait3A_527 = arith.constant 0 : i32
        %dma_wait3A_528 = arith.constant 0 : i32
        %dma_wait3A_529 = tpu.memref_slice %arg9[%dma_wait3A_523, %dma_wait3A_526, %dma_wait3A_527, %dma_wait3A_528] : memref<4x6x8x133xf32, #tpu.memory_space<vmem>> -> memref<1x6x8x128xf32, #tpu.memory_space<vmem>>
        %dma_wait3A_530 = tpu.memref_squeeze %dma_wait3A_529 : memref<1x6x8x128xf32, #tpu.memory_space<vmem>> -> memref<6x8x128xf32, #tpu.memory_space<vmem>>
        %dma_wait3A_531 = arith.constant 0 : i32
        %dma_wait3A_532 = arith.constant 0 : i32
        %dma_wait3A_533 = arith.constant 0 : i32
        %dma_wait3A_534 = tpu.memref_slice %arg5[%dma_wait3A_524, %dma_wait3A_531, %dma_wait3A_525, %dma_wait3A_532, %dma_wait3A_533] : memref<200x6x32x8x128xf32, #tpu.memory_space<hbm>> -> memref<1x6x1x8x128xf32, #tpu.memory_space<hbm>>
        %dma_wait3A_535 = tpu.memref_squeeze %dma_wait3A_534 : memref<1x6x1x8x128xf32, #tpu.memory_space<hbm>> -> memref<6x8x128xf32, #tpu.memory_space<hbm>>
        %dma_wait3A_536 = arith.constant 0 : i32
        %dma_wait3A_537 = arith.constant 0 : i32
        %dma_wait3A_538 = arith.constant 0 : i32
        %dma_wait3A_539 = tpu.memref_slice %arg5[%dma_wait3A_524, %dma_wait3A_536, %dma_wait3A_525, %dma_wait3A_537, %dma_wait3A_538] : memref<200x6x32x8x128xf32, #tpu.memory_space<hbm>> -> memref<1x6x1x8x128xf32, #tpu.memory_space<hbm>>
        %dma_wait3A_540 = tpu.memref_squeeze %dma_wait3A_539 : memref<1x6x1x8x128xf32, #tpu.memory_space<hbm>> -> memref<6x8x128xf32, #tpu.memory_space<hbm>>
        %dma_wait3A_541 = arith.constant 0 : i32
        %dma_wait3A_542 = arith.constant 0 : i32
        %dma_wait3A_543 = arith.constant 0 : i32
        %dma_wait3A_544 = tpu.memref_slice %arg9[%dma_wait3A_523, %dma_wait3A_541, %dma_wait3A_542, %dma_wait3A_543] : memref<4x6x8x133xf32, #tpu.memory_space<vmem>> -> memref<1x6x8x128xf32, #tpu.memory_space<vmem>>
        %dma_wait3A_545 = tpu.memref_squeeze %dma_wait3A_544 : memref<1x6x8x128xf32, #tpu.memory_space<vmem>> -> memref<6x8x128xf32, #tpu.memory_space<vmem>>
        tpu.wait_dma2 semaphore(%arg14 : memref<!tpu.dma_semaphore, #tpu.memory_space<semaphore_mem>>) src(%dma_wait3A_545 : memref<6x8x128xf32, #tpu.memory_space<vmem>>) dst(%dma_wait3A_540 : memref<6x8x128xf32, #tpu.memory_space<hbm>>)
      } else {
      }
      %scan3A_239 = arith.constant 0 : i32
      %scan3A_240 = arith.constant 0 : i32
      %scan3A_241 = arith.constant 128 : i32
      %scan3A_242 = arith.addi %scan3A_240, %scan3A_241 : i32
      %scan3A_243 = arith.constant 8 : i32
      scf.for %scan3A_523 = %scan3A_240 to %scan3A_242 step %scan3A_243  : i32 {
        %mul3A_524 = arith.constant 1 : i32
        %mul3A_525 = arith.muli %scan3A_523, %mul3A_524 : i32
        %add3A_526 = arith.constant 0 : i32
        %add3A_527 = arith.addi %add3A_526, %mul3A_525 : i32
        %broadcast_in_dim3A = arith.constant 0 : i32
        %broadcast_in_dim3A_528 = vector.broadcast %broadcast_in_dim3A : i32 to vector<16xi32>
        %add3A_529 = vector.broadcast %add3A_527 : i32 to vector<16xi32>
        %add3A_530 = arith.addi %broadcast_in_dim3A_528, %add3A_529 : vector<16xi32>
        %get3A = arith.constant 0 : i32
        %get3A_531 = arith.index_cast %get3A : i32 to index
        %get3A_532 = arith.index_cast %add3A_527 : i32 to index
        %get3A_533 = arith.constant 0 : index
        %get3A_534 = tpu.vector_load %arg7[%get3A_531, %get3A_532, %get3A_533] {strides = array<i32>} : memref<4x128x32xf32, #tpu.memory_space<vmem>>, vector<16xf32>,
        %scatter3A = arith.constant 0 : i32
        %scatter3A_535 = arith.constant 0 : i32
        %scatter3A_536 = arith.constant 0 : i32
        %scatter3A_537 = tpu.memref_slice %arg9[%scan3A_239, %scatter3A, %scatter3A_535, %scatter3A_536] : memref<4x6x8x133xf32, #tpu.memory_space<vmem>> -> memref<1x6x8x133xf32, #tpu.memory_space<vmem>>
        %scatter3A_538 = tpu.memref_squeeze %scatter3A_537 : memref<1x6x8x133xf32, #tpu.memory_space<vmem>> -> memref<6x8x133xf32, #tpu.memory_space<vmem>>
        tpu.vector_store_idx %scatter3A_538[%shift_right_arithmetic3A_7, %and3A_9, %add3A_530], %get3A_534 : memref<6x8x133xf32, #tpu.memory_space<vmem>>[vector<16xi32>, vector<16xi32>, vector<16xi32>], vector<16xf32>,
        %get3A_539 = arith.constant 0 : i32
        %get3A_540 = arith.index_cast %get3A_539 : i32 to index
        %get3A_541 = arith.index_cast %add3A_527 : i32 to index
        %get3A_542 = arith.constant 16 : index
        %get3A_543 = tpu.vector_load %arg7[%get3A_540, %get3A_541, %get3A_542] {strides = array<i32>} : memref<4x128x32xf32, #tpu.memory_space<vmem>>, vector<16xf32>,
        %scatter3A_544 = arith.constant 0 : i32
        %scatter3A_545 = arith.constant 0 : i32
        %scatter3A_546 = arith.constant 0 : i32
        %scatter3A_547 = tpu.memref_slice %arg9[%scan3A_239, %scatter3A_544, %scatter3A_545, %scatter3A_546] : memref<4x6x8x133xf32, #tpu.memory_space<vmem>> -> memref<1x6x8x133xf32, #tpu.memory_space<vmem>>
        %scatter3A_548 = tpu.memref_squeeze %scatter3A_547 : memref<1x6x8x133xf32, #tpu.memory_space<vmem>> -> memref<6x8x133xf32, #tpu.memory_space<vmem>>
        tpu.vector_store_idx %scatter3A_548[%shift_right_arithmetic3A_15, %and3A_18, %add3A_530], %get3A_543 : memref<6x8x133xf32, #tpu.memory_space<vmem>>[vector<16xi32>, vector<16xi32>, vector<16xi32>], vector<16xf32>,
        %get3A_549 = arith.constant 0 : i32
        %get3A_550 = arith.index_cast %get3A_549 : i32 to index
        %get3A_551 = arith.index_cast %add3A_527 : i32 to index
        %get3A_552 = arith.constant 0 : index
        %get3A_553 = tpu.vector_load %arg8[%get3A_550, %get3A_551, %get3A_552] {strides = array<i32>} : memref<4x128x16xf32, #tpu.memory_space<vmem>>, vector<16xf32>,
        %scatter3A_554 = arith.constant 0 : i32
        %scatter3A_555 = arith.constant 0 : i32
        %scatter3A_556 = arith.constant 0 : i32
        %scatter3A_557 = tpu.memref_slice %arg9[%scan3A_239, %scatter3A_554, %scatter3A_555, %scatter3A_556] : memref<4x6x8x133xf32, #tpu.memory_space<vmem>> -> memref<1x6x8x133xf32, #tpu.memory_space<vmem>>
        %scatter3A_558 = tpu.memref_squeeze %scatter3A_557 : memref<1x6x8x133xf32, #tpu.memory_space<vmem>> -> memref<6x8x133xf32, #tpu.memory_space<vmem>>
        tpu.vector_store_idx %scatter3A_558[%shift_right_arithmetic3A_24, %and3A_27, %add3A_530], %get3A_553 : memref<6x8x133xf32, #tpu.memory_space<vmem>>[vector<16xi32>, vector<16xi32>, vector<16xi32>], vector<16xf32>,
        %scan3A_559 = arith.constant 1 : i32
        %scan3A_560 = arith.addi %scan3A_523, %scan3A_559 : i32
        %mul3A_561 = arith.constant 1 : i32
        %mul3A_562 = arith.muli %scan3A_560, %mul3A_561 : i32
        %add3A_563 = arith.constant 0 : i32
        %add3A_564 = arith.addi %add3A_563, %mul3A_562 : i32
        %broadcast_in_dim3A_565 = arith.constant 0 : i32
        %broadcast_in_dim3A_566 = vector.broadcast %broadcast_in_dim3A_565 : i32 to vector<16xi32>
        %add3A_567 = vector.broadcast %add3A_564 : i32 to vector<16xi32>
        %add3A_568 = arith.addi %broadcast_in_dim3A_566, %add3A_567 : vector<16xi32>
        %get3A_569 = arith.constant 0 : i32
        %get3A_570 = arith.index_cast %get3A_569 : i32 to index
        %get3A_571 = arith.index_cast %add3A_564 : i32 to index
        %get3A_572 = arith.constant 0 : index
        %get3A_573 = tpu.vector_load %arg7[%get3A_570, %get3A_571, %get3A_572] {strides = array<i32>} : memref<4x128x32xf32, #tpu.memory_space<vmem>>, vector<16xf32>,
        %scatter3A_574 = arith.constant 0 : i32
        %scatter3A_575 = arith.constant 0 : i32
        %scatter3A_576 = arith.constant 0 : i32
        %scatter3A_577 = tpu.memref_slice %arg9[%scan3A_239, %scatter3A_574, %scatter3A_575, %scatter3A_576] : memref<4x6x8x133xf32, #tpu.memory_space<vmem>> -> memref<1x6x8x133xf32, #tpu.memory_space<vmem>>
        %scatter3A_578 = tpu.memref_squeeze %scatter3A_577 : memref<1x6x8x133xf32, #tpu.memory_space<vmem>> -> memref<6x8x133xf32, #tpu.memory_space<vmem>>
        tpu.vector_store_idx %scatter3A_578[%shift_right_arithmetic3A_7, %and3A_9, %add3A_568], %get3A_573 : memref<6x8x133xf32, #tpu.memory_space<vmem>>[vector<16xi32>, vector<16xi32>, vector<16xi32>], vector<16xf32>,
        %get3A_579 = arith.constant 0 : i32
        %get3A_580 = arith.index_cast %get3A_579 : i32 to index
        %get3A_581 = arith.index_cast %add3A_564 : i32 to index
        %get3A_582 = arith.constant 16 : index
        %get3A_583 = tpu.vector_load %arg7[%get3A_580, %get3A_581, %get3A_582] {strides = array<i32>} : memref<4x128x32xf32, #tpu.memory_space<vmem>>, vector<16xf32>,
        %scatter3A_584 = arith.constant 0 : i32
        %scatter3A_585 = arith.constant 0 : i32
        %scatter3A_586 = arith.constant 0 : i32
        %scatter3A_587 = tpu.memref_slice %arg9[%scan3A_239, %scatter3A_584, %scatter3A_585, %scatter3A_586] : memref<4x6x8x133xf32, #tpu.memory_space<vmem>> -> memref<1x6x8x133xf32, #tpu.memory_space<vmem>>
        %scatter3A_588 = tpu.memref_squeeze %scatter3A_587 : memref<1x6x8x133xf32, #tpu.memory_space<vmem>> -> memref<6x8x133xf32, #tpu.memory_space<vmem>>
        tpu.vector_store_idx %scatter3A_588[%shift_right_arithmetic3A_15, %and3A_18, %add3A_568], %get3A_583 : memref<6x8x133xf32, #tpu.memory_space<vmem>>[vector<16xi32>, vector<16xi32>, vector<16xi32>], vector<16xf32>,
        %get3A_589 = arith.constant 0 : i32
        %get3A_590 = arith.index_cast %get3A_589 : i32 to index
        %get3A_591 = arith.index_cast %add3A_564 : i32 to index
        %get3A_592 = arith.constant 0 : index
        %get3A_593 = tpu.vector_load %arg8[%get3A_590, %get3A_591, %get3A_592] {strides = array<i32>} : memref<4x128x16xf32, #tpu.memory_space<vmem>>, vector<16xf32>,
        %scatter3A_594 = arith.constant 0 : i32
        %scatter3A_595 = arith.constant 0 : i32
        %scatter3A_596 = arith.constant 0 : i32
        %scatter3A_597 = tpu.memref_slice %arg9[%scan3A_239, %scatter3A_594, %scatter3A_595, %scatter3A_596] : memref<4x6x8x133xf32, #tpu.memory_space<vmem>> -> memref<1x6x8x133xf32, #tpu.memory_space<vmem>>
        %scatter3A_598 = tpu.memref_squeeze %scatter3A_597 : memref<1x6x8x133xf32, #tpu.memory_space<vmem>> -> memref<6x8x133xf32, #tpu.memory_space<vmem>>
        tpu.vector_store_idx %scatter3A_598[%shift_right_arithmetic3A_24, %and3A_27, %add3A_568], %get3A_593 : memref<6x8x133xf32, #tpu.memory_space<vmem>>[vector<16xi32>, vector<16xi32>, vector<16xi32>], vector<16xf32>,
        %scan3A_599 = arith.constant 2 : i32
        %scan3A_600 = arith.addi %scan3A_523, %scan3A_599 : i32
        %mul3A_601 = arith.constant 1 : i32
        %mul3A_602 = arith.muli %scan3A_600, %mul3A_601 : i32
        %add3A_603 = arith.constant 0 : i32
        %add3A_604 = arith.addi %add3A_603, %mul3A_602 : i32
        %broadcast_in_dim3A_605 = arith.constant 0 : i32
        %broadcast_in_dim3A_606 = vector.broadcast %broadcast_in_dim3A_605 : i32 to vector<16xi32>
        %add3A_607 = vector.broadcast %add3A_604 : i32 to vector<16xi32>
        %add3A_608 = arith.addi %broadcast_in_dim3A_606, %add3A_607 : vector<16xi32>
        %get3A_609 = arith.constant 0 : i32
        %get3A_610 = arith.index_cast %get3A_609 : i32 to index
        %get3A_611 = arith.index_cast %add3A_604 : i32 to index
        %get3A_612 = arith.constant 0 : index
        %get3A_613 = tpu.vector_load %arg7[%get3A_610, %get3A_611, %get3A_612] {strides = array<i32>} : memref<4x128x32xf32, #tpu.memory_space<vmem>>, vector<16xf32>,
        %scatter3A_614 = arith.constant 0 : i32
        %scatter3A_615 = arith.constant 0 : i32
        %scatter3A_616 = arith.constant 0 : i32
        %scatter3A_617 = tpu.memref_slice %arg9[%scan3A_239, %scatter3A_614, %scatter3A_615, %scatter3A_616] : memref<4x6x8x133xf32, #tpu.memory_space<vmem>> -> memref<1x6x8x133xf32, #tpu.memory_space<vmem>>
        %scatter3A_618 = tpu.memref_squeeze %scatter3A_617 : memref<1x6x8x133xf32, #tpu.memory_space<vmem>> -> memref<6x8x133xf32, #tpu.memory_space<vmem>>
        tpu.vector_store_idx %scatter3A_618[%shift_right_arithmetic3A_7, %and3A_9, %add3A_608], %get3A_613 : memref<6x8x133xf32, #tpu.memory_space<vmem>>[vector<16xi32>, vector<16xi32>, vector<16xi32>], vector<16xf32>,
        %get3A_619 = arith.constant 0 : i32
        %get3A_620 = arith.index_cast %get3A_619 : i32 to index
        %get3A_621 = arith.index_cast %add3A_604 : i32 to index
        %get3A_622 = arith.constant 16 : index
        %get3A_623 = tpu.vector_load %arg7[%get3A_620, %get3A_621, %get3A_622] {strides = array<i32>} : memref<4x128x32xf32, #tpu.memory_space<vmem>>, vector<16xf32>,
        %scatter3A_624 = arith.constant 0 : i32
        %scatter3A_625 = arith.constant 0 : i32
        %scatter3A_626 = arith.constant 0 : i32
        %scatter3A_627 = tpu.memref_slice %arg9[%scan3A_239, %scatter3A_624, %scatter3A_625, %scatter3A_626] : memref<4x6x8x133xf32, #tpu.memory_space<vmem>> -> memref<1x6x8x133xf32, #tpu.memory_space<vmem>>
        %scatter3A_628 = tpu.memref_squeeze %scatter3A_627 : memref<1x6x8x133xf32, #tpu.memory_space<vmem>> -> memref<6x8x133xf32, #tpu.memory_space<vmem>>
        tpu.vector_store_idx %scatter3A_628[%shift_right_arithmetic3A_15, %and3A_18, %add3A_608], %get3A_623 : memref<6x8x133xf32, #tpu.memory_space<vmem>>[vector<16xi32>, vector<16xi32>, vector<16xi32>], vector<16xf32>,
        %get3A_629 = arith.constant 0 : i32
        %get3A_630 = arith.index_cast %get3A_629 : i32 to index
        %get3A_631 = arith.index_cast %add3A_604 : i32 to index
        %get3A_632 = arith.constant 0 : index
        %get3A_633 = tpu.vector_load %arg8[%get3A_630, %get3A_631, %get3A_632] {strides = array<i32>} : memref<4x128x16xf32, #tpu.memory_space<vmem>>, vector<16xf32>,
        %scatter3A_634 = arith.constant 0 : i32
        %scatter3A_635 = arith.constant 0 : i32
        %scatter3A_636 = arith.constant 0 : i32
        %scatter3A_637 = tpu.memref_slice %arg9[%scan3A_239, %scatter3A_634, %scatter3A_635, %scatter3A_636] : memref<4x6x8x133xf32, #tpu.memory_space<vmem>> -> memref<1x6x8x133xf32, #tpu.memory_space<vmem>>
        %scatter3A_638 = tpu.memref_squeeze %scatter3A_637 : memref<1x6x8x133xf32, #tpu.memory_space<vmem>> -> memref<6x8x133xf32, #tpu.memory_space<vmem>>
        tpu.vector_store_idx %scatter3A_638[%shift_right_arithmetic3A_24, %and3A_27, %add3A_608], %get3A_633 : memref<6x8x133xf32, #tpu.memory_space<vmem>>[vector<16xi32>, vector<16xi32>, vector<16xi32>], vector<16xf32>,
        %scan3A_639 = arith.constant 3 : i32
        %scan3A_640 = arith.addi %scan3A_523, %scan3A_639 : i32
        %mul3A_641 = arith.constant 1 : i32
        %mul3A_642 = arith.muli %scan3A_640, %mul3A_641 : i32
        %add3A_643 = arith.constant 0 : i32
        %add3A_644 = arith.addi %add3A_643, %mul3A_642 : i32
        %broadcast_in_dim3A_645 = arith.constant 0 : i32
        %broadcast_in_dim3A_646 = vector.broadcast %broadcast_in_dim3A_645 : i32 to vector<16xi32>
        %add3A_647 = vector.broadcast %add3A_644 : i32 to vector<16xi32>
        %add3A_648 = arith.addi %broadcast_in_dim3A_646, %add3A_647 : vector<16xi32>
        %get3A_649 = arith.constant 0 : i32
        %get3A_650 = arith.index_cast %get3A_649 : i32 to index
        %get3A_651 = arith.index_cast %add3A_644 : i32 to index
        %get3A_652 = arith.constant 0 : index
        %get3A_653 = tpu.vector_load %arg7[%get3A_650, %get3A_651, %get3A_652] {strides = array<i32>} : memref<4x128x32xf32, #tpu.memory_space<vmem>>, vector<16xf32>,
        %scatter3A_654 = arith.constant 0 : i32
        %scatter3A_655 = arith.constant 0 : i32
        %scatter3A_656 = arith.constant 0 : i32
        %scatter3A_657 = tpu.memref_slice %arg9[%scan3A_239, %scatter3A_654, %scatter3A_655, %scatter3A_656] : memref<4x6x8x133xf32, #tpu.memory_space<vmem>> -> memref<1x6x8x133xf32, #tpu.memory_space<vmem>>
        %scatter3A_658 = tpu.memref_squeeze %scatter3A_657 : memref<1x6x8x133xf32, #tpu.memory_space<vmem>> -> memref<6x8x133xf32, #tpu.memory_space<vmem>>
        tpu.vector_store_idx %scatter3A_658[%shift_right_arithmetic3A_7, %and3A_9, %add3A_648], %get3A_653 : memref<6x8x133xf32, #tpu.memory_space<vmem>>[vector<16xi32>, vector<16xi32>, vector<16xi32>], vector<16xf32>,
        %get3A_659 = arith.constant 0 : i32
        %get3A_660 = arith.index_cast %get3A_659 : i32 to index
        %get3A_661 = arith.index_cast %add3A_644 : i32 to index
        %get3A_662 = arith.constant 16 : index
        %get3A_663 = tpu.vector_load %arg7[%get3A_660, %get3A_661, %get3A_662] {strides = array<i32>} : memref<4x128x32xf32, #tpu.memory_space<vmem>>, vector<16xf32>,
        %scatter3A_664 = arith.constant 0 : i32
        %scatter3A_665 = arith.constant 0 : i32
        %scatter3A_666 = arith.constant 0 : i32
        %scatter3A_667 = tpu.memref_slice %arg9[%scan3A_239, %scatter3A_664, %scatter3A_665, %scatter3A_666] : memref<4x6x8x133xf32, #tpu.memory_space<vmem>> -> memref<1x6x8x133xf32, #tpu.memory_space<vmem>>
        %scatter3A_668 = tpu.memref_squeeze %scatter3A_667 : memref<1x6x8x133xf32, #tpu.memory_space<vmem>> -> memref<6x8x133xf32, #tpu.memory_space<vmem>>
        tpu.vector_store_idx %scatter3A_668[%shift_right_arithmetic3A_15, %and3A_18, %add3A_648], %get3A_663 : memref<6x8x133xf32, #tpu.memory_space<vmem>>[vector<16xi32>, vector<16xi32>, vector<16xi32>], vector<16xf32>,
        %get3A_669 = arith.constant 0 : i32
        %get3A_670 = arith.index_cast %get3A_669 : i32 to index
        %get3A_671 = arith.index_cast %add3A_644 : i32 to index
        %get3A_672 = arith.constant 0 : index
        %get3A_673 = tpu.vector_load %arg8[%get3A_670, %get3A_671, %get3A_672] {strides = array<i32>} : memref<4x128x16xf32, #tpu.memory_space<vmem>>, vector<16xf32>,
        %scatter3A_674 = arith.constant 0 : i32
        %scatter3A_675 = arith.constant 0 : i32
        %scatter3A_676 = arith.constant 0 : i32
        %scatter3A_677 = tpu.memref_slice %arg9[%scan3A_239, %scatter3A_674, %scatter3A_675, %scatter3A_676] : memref<4x6x8x133xf32, #tpu.memory_space<vmem>> -> memref<1x6x8x133xf32, #tpu.memory_space<vmem>>
        %scatter3A_678 = tpu.memref_squeeze %scatter3A_677 : memref<1x6x8x133xf32, #tpu.memory_space<vmem>> -> memref<6x8x133xf32, #tpu.memory_space<vmem>>
        tpu.vector_store_idx %scatter3A_678[%shift_right_arithmetic3A_24, %and3A_27, %add3A_648], %get3A_673 : memref<6x8x133xf32, #tpu.memory_space<vmem>>[vector<16xi32>, vector<16xi32>, vector<16xi32>], vector<16xf32>,
        %scan3A_679 = arith.constant 4 : i32
        %scan3A_680 = arith.addi %scan3A_523, %scan3A_679 : i32
        %mul3A_681 = arith.constant 1 : i32
        %mul3A_682 = arith.muli %scan3A_680, %mul3A_681 : i32
        %add3A_683 = arith.constant 0 : i32
        %add3A_684 = arith.addi %add3A_683, %mul3A_682 : i32
        %broadcast_in_dim3A_685 = arith.constant 0 : i32
        %broadcast_in_dim3A_686 = vector.broadcast %broadcast_in_dim3A_685 : i32 to vector<16xi32>
        %add3A_687 = vector.broadcast %add3A_684 : i32 to vector<16xi32>
        %add3A_688 = arith.addi %broadcast_in_dim3A_686, %add3A_687 : vector<16xi32>
        %get3A_689 = arith.constant 0 : i32
        %get3A_690 = arith.index_cast %get3A_689 : i32 to index
        %get3A_691 = arith.index_cast %add3A_684 : i32 to index
        %get3A_692 = arith.constant 0 : index
        %get3A_693 = tpu.vector_load %arg7[%get3A_690, %get3A_691, %get3A_692] {strides = array<i32>} : memref<4x128x32xf32, #tpu.memory_space<vmem>>, vector<16xf32>,
        %scatter3A_694 = arith.constant 0 : i32
        %scatter3A_695 = arith.constant 0 : i32
        %scatter3A_696 = arith.constant 0 : i32
        %scatter3A_697 = tpu.memref_slice %arg9[%scan3A_239, %scatter3A_694, %scatter3A_695, %scatter3A_696] : memref<4x6x8x133xf32, #tpu.memory_space<vmem>> -> memref<1x6x8x133xf32, #tpu.memory_space<vmem>>
        %scatter3A_698 = tpu.memref_squeeze %scatter3A_697 : memref<1x6x8x133xf32, #tpu.memory_space<vmem>> -> memref<6x8x133xf32, #tpu.memory_space<vmem>>
        tpu.vector_store_idx %scatter3A_698[%shift_right_arithmetic3A_7, %and3A_9, %add3A_688], %get3A_693 : memref<6x8x133xf32, #tpu.memory_space<vmem>>[vector<16xi32>, vector<16xi32>, vector<16xi32>], vector<16xf32>,
        %get3A_699 = arith.constant 0 : i32
        %get3A_700 = arith.index_cast %get3A_699 : i32 to index
        %get3A_701 = arith.index_cast %add3A_684 : i32 to index
        %get3A_702 = arith.constant 16 : index
        %get3A_703 = tpu.vector_load %arg7[%get3A_700, %get3A_701, %get3A_702] {strides = array<i32>} : memref<4x128x32xf32, #tpu.memory_space<vmem>>, vector<16xf32>,
        %scatter3A_704 = arith.constant 0 : i32
        %scatter3A_705 = arith.constant 0 : i32
        %scatter3A_706 = arith.constant 0 : i32
        %scatter3A_707 = tpu.memref_slice %arg9[%scan3A_239, %scatter3A_704, %scatter3A_705, %scatter3A_706] : memref<4x6x8x133xf32, #tpu.memory_space<vmem>> -> memref<1x6x8x133xf32, #tpu.memory_space<vmem>>
        %scatter3A_708 = tpu.memref_squeeze %scatter3A_707 : memref<1x6x8x133xf32, #tpu.memory_space<vmem>> -> memref<6x8x133xf32, #tpu.memory_space<vmem>>
        tpu.vector_store_idx %scatter3A_708[%shift_right_arithmetic3A_15, %and3A_18, %add3A_688], %get3A_703 : memref<6x8x133xf32, #tpu.memory_space<vmem>>[vector<16xi32>, vector<16xi32>, vector<16xi32>], vector<16xf32>,
        %get3A_709 = arith.constant 0 : i32
        %get3A_710 = arith.index_cast %get3A_709 : i32 to index
        %get3A_711 = arith.index_cast %add3A_684 : i32 to index
        %get3A_712 = arith.constant 0 : index
        %get3A_713 = tpu.vector_load %arg8[%get3A_710, %get3A_711, %get3A_712] {strides = array<i32>} : memref<4x128x16xf32, #tpu.memory_space<vmem>>, vector<16xf32>,
        %scatter3A_714 = arith.constant 0 : i32
        %scatter3A_715 = arith.constant 0 : i32
        %scatter3A_716 = arith.constant 0 : i32
        %scatter3A_717 = tpu.memref_slice %arg9[%scan3A_239, %scatter3A_714, %scatter3A_715, %scatter3A_716] : memref<4x6x8x133xf32, #tpu.memory_space<vmem>> -> memref<1x6x8x133xf32, #tpu.memory_space<vmem>>
        %scatter3A_718 = tpu.memref_squeeze %scatter3A_717 : memref<1x6x8x133xf32, #tpu.memory_space<vmem>> -> memref<6x8x133xf32, #tpu.memory_space<vmem>>
        tpu.vector_store_idx %scatter3A_718[%shift_right_arithmetic3A_24, %and3A_27, %add3A_688], %get3A_713 : memref<6x8x133xf32, #tpu.memory_space<vmem>>[vector<16xi32>, vector<16xi32>, vector<16xi32>], vector<16xf32>,
        %scan3A_719 = arith.constant 5 : i32
        %scan3A_720 = arith.addi %scan3A_523, %scan3A_719 : i32
        %mul3A_721 = arith.constant 1 : i32
        %mul3A_722 = arith.muli %scan3A_720, %mul3A_721 : i32
        %add3A_723 = arith.constant 0 : i32
        %add3A_724 = arith.addi %add3A_723, %mul3A_722 : i32
        %broadcast_in_dim3A_725 = arith.constant 0 : i32
        %broadcast_in_dim3A_726 = vector.broadcast %broadcast_in_dim3A_725 : i32 to vector<16xi32>
        %add3A_727 = vector.broadcast %add3A_724 : i32 to vector<16xi32>
        %add3A_728 = arith.addi %broadcast_in_dim3A_726, %add3A_727 : vector<16xi32>
        %get3A_729 = arith.constant 0 : i32
        %get3A_730 = arith.index_cast %get3A_729 : i32 to index
        %get3A_731 = arith.index_cast %add3A_724 : i32 to index
        %get3A_732 = arith.constant 0 : index
        %get3A_733 = tpu.vector_load %arg7[%get3A_730, %get3A_731, %get3A_732] {strides = array<i32>} : memref<4x128x32xf32, #tpu.memory_space<vmem>>, vector<16xf32>,
        %scatter3A_734 = arith.constant 0 : i32
        %scatter3A_735 = arith.constant 0 : i32
        %scatter3A_736 = arith.constant 0 : i32
        %scatter3A_737 = tpu.memref_slice %arg9[%scan3A_239, %scatter3A_734, %scatter3A_735, %scatter3A_736] : memref<4x6x8x133xf32, #tpu.memory_space<vmem>> -> memref<1x6x8x133xf32, #tpu.memory_space<vmem>>
        %scatter3A_738 = tpu.memref_squeeze %scatter3A_737 : memref<1x6x8x133xf32, #tpu.memory_space<vmem>> -> memref<6x8x133xf32, #tpu.memory_space<vmem>>
        tpu.vector_store_idx %scatter3A_738[%shift_right_arithmetic3A_7, %and3A_9, %add3A_728], %get3A_733 : memref<6x8x133xf32, #tpu.memory_space<vmem>>[vector<16xi32>, vector<16xi32>, vector<16xi32>], vector<16xf32>,
        %get3A_739 = arith.constant 0 : i32
        %get3A_740 = arith.index_cast %get3A_739 : i32 to index
        %get3A_741 = arith.index_cast %add3A_724 : i32 to index
        %get3A_742 = arith.constant 16 : index
        %get3A_743 = tpu.vector_load %arg7[%get3A_740, %get3A_741, %get3A_742] {strides = array<i32>} : memref<4x128x32xf32, #tpu.memory_space<vmem>>, vector<16xf32>,
        %scatter3A_744 = arith.constant 0 : i32
        %scatter3A_745 = arith.constant 0 : i32
        %scatter3A_746 = arith.constant 0 : i32
        %scatter3A_747 = tpu.memref_slice %arg9[%scan3A_239, %scatter3A_744, %scatter3A_745, %scatter3A_746] : memref<4x6x8x133xf32, #tpu.memory_space<vmem>> -> memref<1x6x8x133xf32, #tpu.memory_space<vmem>>
        %scatter3A_748 = tpu.memref_squeeze %scatter3A_747 : memref<1x6x8x133xf32, #tpu.memory_space<vmem>> -> memref<6x8x133xf32, #tpu.memory_space<vmem>>
        tpu.vector_store_idx %scatter3A_748[%shift_right_arithmetic3A_15, %and3A_18, %add3A_728], %get3A_743 : memref<6x8x133xf32, #tpu.memory_space<vmem>>[vector<16xi32>, vector<16xi32>, vector<16xi32>], vector<16xf32>,
        %get3A_749 = arith.constant 0 : i32
        %get3A_750 = arith.index_cast %get3A_749 : i32 to index
        %get3A_751 = arith.index_cast %add3A_724 : i32 to index
        %get3A_752 = arith.constant 0 : index
        %get3A_753 = tpu.vector_load %arg8[%get3A_750, %get3A_751, %get3A_752] {strides = array<i32>} : memref<4x128x16xf32, #tpu.memory_space<vmem>>, vector<16xf32>,
        %scatter3A_754 = arith.constant 0 : i32
        %scatter3A_755 = arith.constant 0 : i32
        %scatter3A_756 = arith.constant 0 : i32
        %scatter3A_757 = tpu.memref_slice %arg9[%scan3A_239, %scatter3A_754, %scatter3A_755, %scatter3A_756] : memref<4x6x8x133xf32, #tpu.memory_space<vmem>> -> memref<1x6x8x133xf32, #tpu.memory_space<vmem>>
        %scatter3A_758 = tpu.memref_squeeze %scatter3A_757 : memref<1x6x8x133xf32, #tpu.memory_space<vmem>> -> memref<6x8x133xf32, #tpu.memory_space<vmem>>
        tpu.vector_store_idx %scatter3A_758[%shift_right_arithmetic3A_24, %and3A_27, %add3A_728], %get3A_753 : memref<6x8x133xf32, #tpu.memory_space<vmem>>[vector<16xi32>, vector<16xi32>, vector<16xi32>], vector<16xf32>,
        %scan3A_759 = arith.constant 6 : i32
        %scan3A_760 = arith.addi %scan3A_523, %scan3A_759 : i32
        %mul3A_761 = arith.constant 1 : i32
        %mul3A_762 = arith.muli %scan3A_760, %mul3A_761 : i32
        %add3A_763 = arith.constant 0 : i32
        %add3A_764 = arith.addi %add3A_763, %mul3A_762 : i32
        %broadcast_in_dim3A_765 = arith.constant 0 : i32
        %broadcast_in_dim3A_766 = vector.broadcast %broadcast_in_dim3A_765 : i32 to vector<16xi32>
        %add3A_767 = vector.broadcast %add3A_764 : i32 to vector<16xi32>
        %add3A_768 = arith.addi %broadcast_in_dim3A_766, %add3A_767 : vector<16xi32>
        %get3A_769 = arith.constant 0 : i32
        %get3A_770 = arith.index_cast %get3A_769 : i32 to index
        %get3A_771 = arith.index_cast %add3A_764 : i32 to index
        %get3A_772 = arith.constant 0 : index
        %get3A_773 = tpu.vector_load %arg7[%get3A_770, %get3A_771, %get3A_772] {strides = array<i32>} : memref<4x128x32xf32, #tpu.memory_space<vmem>>, vector<16xf32>,
        %scatter3A_774 = arith.constant 0 : i32
        %scatter3A_775 = arith.constant 0 : i32
        %scatter3A_776 = arith.constant 0 : i32
        %scatter3A_777 = tpu.memref_slice %arg9[%scan3A_239, %scatter3A_774, %scatter3A_775, %scatter3A_776] : memref<4x6x8x133xf32, #tpu.memory_space<vmem>> -> memref<1x6x8x133xf32, #tpu.memory_space<vmem>>
        %scatter3A_778 = tpu.memref_squeeze %scatter3A_777 : memref<1x6x8x133xf32, #tpu.memory_space<vmem>> -> memref<6x8x133xf32, #tpu.memory_space<vmem>>
        tpu.vector_store_idx %scatter3A_778[%shift_right_arithmetic3A_7, %and3A_9, %add3A_768], %get3A_773 : memref<6x8x133xf32, #tpu.memory_space<vmem>>[vector<16xi32>, vector<16xi32>, vector<16xi32>], vector<16xf32>,
        %get3A_779 = arith.constant 0 : i32
        %get3A_780 = arith.index_cast %get3A_779 : i32 to index
        %get3A_781 = arith.index_cast %add3A_764 : i32 to index
        %get3A_782 = arith.constant 16 : index
        %get3A_783 = tpu.vector_load %arg7[%get3A_780, %get3A_781, %get3A_782] {strides = array<i32>} : memref<4x128x32xf32, #tpu.memory_space<vmem>>, vector<16xf32>,
        %scatter3A_784 = arith.constant 0 : i32
        %scatter3A_785 = arith.constant 0 : i32
        %scatter3A_786 = arith.constant 0 : i32
        %scatter3A_787 = tpu.memref_slice %arg9[%scan3A_239, %scatter3A_784, %scatter3A_785, %scatter3A_786] : memref<4x6x8x133xf32, #tpu.memory_space<vmem>> -> memref<1x6x8x133xf32, #tpu.memory_space<vmem>>
        %scatter3A_788 = tpu.memref_squeeze %scatter3A_787 : memref<1x6x8x133xf32, #tpu.memory_space<vmem>> -> memref<6x8x133xf32, #tpu.memory_space<vmem>>
        tpu.vector_store_idx %scatter3A_788[%shift_right_arithmetic3A_15, %and3A_18, %add3A_768], %get3A_783 : memref<6x8x133xf32, #tpu.memory_space<vmem>>[vector<16xi32>, vector<16xi32>, vector<16xi32>], vector<16xf32>,
        %get3A_789 = arith.constant 0 : i32
        %get3A_790 = arith.index_cast %get3A_789 : i32 to index
        %get3A_791 = arith.index_cast %add3A_764 : i32 to index
        %get3A_792 = arith.constant 0 : index
        %get3A_793 = tpu.vector_load %arg8[%get3A_790, %get3A_791, %get3A_792] {strides = array<i32>} : memref<4x128x16xf32, #tpu.memory_space<vmem>>, vector<16xf32>,
        %scatter3A_794 = arith.constant 0 : i32
        %scatter3A_795 = arith.constant 0 : i32
        %scatter3A_796 = arith.constant 0 : i32
        %scatter3A_797 = tpu.memref_slice %arg9[%scan3A_239, %scatter3A_794, %scatter3A_795, %scatter3A_796] : memref<4x6x8x133xf32, #tpu.memory_space<vmem>> -> memref<1x6x8x133xf32, #tpu.memory_space<vmem>>
        %scatter3A_798 = tpu.memref_squeeze %scatter3A_797 : memref<1x6x8x133xf32, #tpu.memory_space<vmem>> -> memref<6x8x133xf32, #tpu.memory_space<vmem>>
        tpu.vector_store_idx %scatter3A_798[%shift_right_arithmetic3A_24, %and3A_27, %add3A_768], %get3A_793 : memref<6x8x133xf32, #tpu.memory_space<vmem>>[vector<16xi32>, vector<16xi32>, vector<16xi32>], vector<16xf32>,
        %scan3A_799 = arith.constant 7 : i32
        %scan3A_800 = arith.addi %scan3A_523, %scan3A_799 : i32
        %mul3A_801 = arith.constant 1 : i32
        %mul3A_802 = arith.muli %scan3A_800, %mul3A_801 : i32
        %add3A_803 = arith.constant 0 : i32
        %add3A_804 = arith.addi %add3A_803, %mul3A_802 : i32
        %broadcast_in_dim3A_805 = arith.constant 0 : i32
        %broadcast_in_dim3A_806 = vector.broadcast %broadcast_in_dim3A_805 : i32 to vector<16xi32>
        %add3A_807 = vector.broadcast %add3A_804 : i32 to vector<16xi32>
        %add3A_808 = arith.addi %broadcast_in_dim3A_806, %add3A_807 : vector<16xi32>
        %get3A_809 = arith.constant 0 : i32
        %get3A_810 = arith.index_cast %get3A_809 : i32 to index
        %get3A_811 = arith.index_cast %add3A_804 : i32 to index
        %get3A_812 = arith.constant 0 : index
        %get3A_813 = tpu.vector_load %arg7[%get3A_810, %get3A_811, %get3A_812] {strides = array<i32>} : memref<4x128x32xf32, #tpu.memory_space<vmem>>, vector<16xf32>,
        %scatter3A_814 = arith.constant 0 : i32
        %scatter3A_815 = arith.constant 0 : i32
        %scatter3A_816 = arith.constant 0 : i32
        %scatter3A_817 = tpu.memref_slice %arg9[%scan3A_239, %scatter3A_814, %scatter3A_815, %scatter3A_816] : memref<4x6x8x133xf32, #tpu.memory_space<vmem>> -> memref<1x6x8x133xf32, #tpu.memory_space<vmem>>
        %scatter3A_818 = tpu.memref_squeeze %scatter3A_817 : memref<1x6x8x133xf32, #tpu.memory_space<vmem>> -> memref<6x8x133xf32, #tpu.memory_space<vmem>>
        tpu.vector_store_idx %scatter3A_818[%shift_right_arithmetic3A_7, %and3A_9, %add3A_808], %get3A_813 : memref<6x8x133xf32, #tpu.memory_space<vmem>>[vector<16xi32>, vector<16xi32>, vector<16xi32>], vector<16xf32>,
        %get3A_819 = arith.constant 0 : i32
        %get3A_820 = arith.index_cast %get3A_819 : i32 to index
        %get3A_821 = arith.index_cast %add3A_804 : i32 to index
        %get3A_822 = arith.constant 16 : index
        %get3A_823 = tpu.vector_load %arg7[%get3A_820, %get3A_821, %get3A_822] {strides = array<i32>} : memref<4x128x32xf32, #tpu.memory_space<vmem>>, vector<16xf32>,
        %scatter3A_824 = arith.constant 0 : i32
        %scatter3A_825 = arith.constant 0 : i32
        %scatter3A_826 = arith.constant 0 : i32
        %scatter3A_827 = tpu.memref_slice %arg9[%scan3A_239, %scatter3A_824, %scatter3A_825, %scatter3A_826] : memref<4x6x8x133xf32, #tpu.memory_space<vmem>> -> memref<1x6x8x133xf32, #tpu.memory_space<vmem>>
        %scatter3A_828 = tpu.memref_squeeze %scatter3A_827 : memref<1x6x8x133xf32, #tpu.memory_space<vmem>> -> memref<6x8x133xf32, #tpu.memory_space<vmem>>
        tpu.vector_store_idx %scatter3A_828[%shift_right_arithmetic3A_15, %and3A_18, %add3A_808], %get3A_823 : memref<6x8x133xf32, #tpu.memory_space<vmem>>[vector<16xi32>, vector<16xi32>, vector<16xi32>], vector<16xf32>,
        %get3A_829 = arith.constant 0 : i32
        %get3A_830 = arith.index_cast %get3A_829 : i32 to index
        %get3A_831 = arith.index_cast %add3A_804 : i32 to index
        %get3A_832 = arith.constant 0 : index
        %get3A_833 = tpu.vector_load %arg8[%get3A_830, %get3A_831, %get3A_832] {strides = array<i32>} : memref<4x128x16xf32, #tpu.memory_space<vmem>>, vector<16xf32>,
        %scatter3A_834 = arith.constant 0 : i32
        %scatter3A_835 = arith.constant 0 : i32
        %scatter3A_836 = arith.constant 0 : i32
        %scatter3A_837 = tpu.memref_slice %arg9[%scan3A_239, %scatter3A_834, %scatter3A_835, %scatter3A_836] : memref<4x6x8x133xf32, #tpu.memory_space<vmem>> -> memref<1x6x8x133xf32, #tpu.memory_space<vmem>>
        %scatter3A_838 = tpu.memref_squeeze %scatter3A_837 : memref<1x6x8x133xf32, #tpu.memory_space<vmem>> -> memref<6x8x133xf32, #tpu.memory_space<vmem>>
        tpu.vector_store_idx %scatter3A_838[%shift_right_arithmetic3A_24, %and3A_27, %add3A_808], %get3A_833 : memref<6x8x133xf32, #tpu.memory_space<vmem>>[vector<16xi32>, vector<16xi32>, vector<16xi32>], vector<16xf32>,
      }
      %scan3A_244 = arith.constant 128 : i32
      %shift_right_arithmetic3A_245 = arith.constant 3 : i32
      %shift_right_arithmetic3A_246 = arith.shrsi %add3A_204, %shift_right_arithmetic3A_245 : i32
      %and3A_247 = arith.constant 7 : i32
      %and3A_248 = arith.andi %add3A_204, %and3A_247 : i32
      %mul3A_249 = arith.constant 25 : i32
      %mul3A_250 = arith.muli %add3A, %mul3A_249 : i32
      %add3A_251 = arith.addi %mul3A_250, %shift_right_arithmetic3A_246 : i32
      %shift_right_arithmetic3A_252 = arith.constant 5 : i32
      %shift_right_arithmetic3A_253 = arith.shrsi %add3A_251, %shift_right_arithmetic3A_252 : i32
      %and3A_254 = arith.constant 31 : i32
      %and3A_255 = arith.andi %add3A_251, %and3A_254 : i32
      %mul3A_256 = arith.constant 8 : i32
      %mul3A_257 = arith.muli %shift_right_arithmetic3A_253, %mul3A_256 : i32
      %add3A_258 = arith.addi %mul3A_257, %and3A_248 : i32
      %dma_start3A_259 = arith.constant 0 : i32
      %dma_start3A_260 = arith.constant 0 : i32
      %dma_start3A_261 = arith.constant 0 : i32
      %dma_start3A_262 = arith.constant 0 : i32
      %dma_start3A_263 = tpu.memref_slice %arg9[%dma_start3A_259, %dma_start3A_260, %dma_start3A_261, %dma_start3A_262] : memref<4x6x8x133xf32, #tpu.memory_space<vmem>> -> memref<1x6x8x128xf32, #tpu.memory_space<vmem>>
      %dma_start3A_264 = tpu.memref_squeeze %dma_start3A_263 : memref<1x6x8x128xf32, #tpu.memory_space<vmem>> -> memref<6x8x128xf32, #tpu.memory_space<vmem>>
      %dma_start3A_265 = arith.constant 0 : i32
      %dma_start3A_266 = arith.constant 0 : i32
      %dma_start3A_267 = arith.constant 0 : i32
      %dma_start3A_268 = tpu.memref_slice %arg5[%add3A_258, %dma_start3A_265, %and3A_255, %dma_start3A_266, %dma_start3A_267] : memref<200x6x32x8x128xf32, #tpu.memory_space<hbm>> -> memref<1x6x1x8x128xf32, #tpu.memory_space<hbm>>
      %dma_start3A_269 = tpu.memref_squeeze %dma_start3A_268 : memref<1x6x1x8x128xf32, #tpu.memory_space<hbm>> -> memref<6x8x128xf32, #tpu.memory_space<hbm>>
      %dma_start3A_270 = arith.constant 0 : i32
      %dma_start3A_271 = arith.constant 0 : i32
      %dma_start3A_272 = arith.constant 0 : i32
      %dma_start3A_273 = tpu.memref_slice %arg5[%add3A_258, %dma_start3A_270, %and3A_255, %dma_start3A_271, %dma_start3A_272] : memref<200x6x32x8x128xf32, #tpu.memory_space<hbm>> -> memref<1x6x1x8x128xf32, #tpu.memory_space<hbm>>
      %dma_start3A_274 = tpu.memref_squeeze %dma_start3A_273 : memref<1x6x1x8x128xf32, #tpu.memory_space<hbm>> -> memref<6x8x128xf32, #tpu.memory_space<hbm>>
      %dma_start3A_275 = arith.constant 0 : i32
      %dma_start3A_276 = arith.constant 0 : i32
      %dma_start3A_277 = arith.constant 0 : i32
      %dma_start3A_278 = tpu.memref_slice %arg9[%dma_start3A_259, %dma_start3A_275, %dma_start3A_276, %dma_start3A_277] : memref<4x6x8x133xf32, #tpu.memory_space<vmem>> -> memref<1x6x8x128xf32, #tpu.memory_space<vmem>>
      %dma_start3A_279 = tpu.memref_squeeze %dma_start3A_278 : memref<1x6x8x128xf32, #tpu.memory_space<vmem>> -> memref<6x8x128xf32, #tpu.memory_space<vmem>>
      tpu.enqueue_dma source(%dma_start3A_279 : memref<6x8x128xf32, #tpu.memory_space<vmem>>) target(%dma_start3A_274 : memref<6x8x128xf32, #tpu.memory_space<hbm>>) target_semaphore(%arg14 : memref<!tpu.dma_semaphore, #tpu.memory_space<semaphore_mem>>)
      %add3A_280 = arith.constant 1 : i32
      %add3A_281 = arith.addi %add3A_202, %add3A_280 : i32
      %add3A_282 = arith.constant 2 : i32
      %add3A_283 = arith.addi %add3A_281, %add3A_282 : i32
      %lt3A_284 = arith.constant 200 : i32
      %lt3A_285 = arith.cmpi slt, %add3A_283, %lt3A_284 : i32
      %convert_element_type3A_286 = arith.extui %lt3A_285 : i1 to i32
      %cond3A_287 = arith.constant 0 : i32
      %cond3A_288 = arith.cmpi ne, %convert_element_type3A_286, %cond3A_287 : i32
      scf.if %cond3A_288 {
        %add3A_523 = arith.constant 2 : i32
        %add3A_524 = arith.addi %add3A_281, %add3A_523 : i32
        %shift_right_arithmetic3A_525 = arith.constant 3 : i32
        %shift_right_arithmetic3A_526 = arith.shrsi %add3A_524, %shift_right_arithmetic3A_525 : i32
        %and3A_527 = arith.constant 7 : i32
        %and3A_528 = arith.andi %add3A_524, %and3A_527 : i32
        %mul3A_529 = arith.constant 25 : i32
        %mul3A_530 = arith.muli %add3A, %mul3A_529 : i32
        %add3A_531 = arith.addi %mul3A_530, %shift_right_arithmetic3A_526 : i32
        %shift_right_arithmetic3A_532 = arith.constant 5 : i32
        %shift_right_arithmetic3A_533 = arith.shrsi %add3A_531, %shift_right_arithmetic3A_532 : i32
        %and3A_534 = arith.constant 31 : i32
        %and3A_535 = arith.andi %add3A_531, %and3A_534 : i32
        %mul3A_536 = arith.constant 8 : i32
        %mul3A_537 = arith.muli %shift_right_arithmetic3A_533, %mul3A_536 : i32
        %add3A_538 = arith.addi %mul3A_537, %and3A_528 : i32
        %dma_start3A_539 = arith.constant 3 : i32
        %dma_start3A_540 = arith.constant 0 : i32
        %dma_start3A_541 = arith.constant 0 : i32
        %dma_start3A_542 = tpu.memref_slice %arg7[%dma_start3A_539, %dma_start3A_540, %dma_start3A_541] : memref<4x128x32xf32, #tpu.memory_space<vmem>> -> memref<1x128x32xf32, #tpu.memory_space<vmem>>
        %dma_start3A_543 = tpu.memref_squeeze %dma_start3A_542 : memref<1x128x32xf32, #tpu.memory_space<vmem>> -> memref<128x32xf32, #tpu.memory_space<vmem>>
        %dma_start3A_544 = arith.constant 0 : i32
        %dma_start3A_545 = tpu.memref_slice %arg6[%shift_right_arithmetic3A_526, %and3A_528, %dma_start3A_544] : memref<25x8x128xi32, #tpu.memory_space<vmem>> -> memref<1x1x128xi32, #tpu.memory_space<vmem>>
        %dma_start3A_546 = tpu.memref_squeeze %dma_start3A_545 : memref<1x1x128xi32, #tpu.memory_space<vmem>> -> memref<128xi32, #tpu.memory_space<vmem>>
        %dma_start3A_547 = arith.constant 0 : i32
        %dma_start3A_548 = arith.constant 0 : i32
        %dma_start3A_549 = tpu.memref_slice %arg3[%dma_start3A_547, %dma_start3A_548] : memref<1000000x32xf32, #tpu.memory_space<hbm>> -> memref<1000000x32xf32, #tpu.memory_space<hbm>>
        tpu.enqueue_indirect_dma source(%dma_start3A_549 : memref<1000000x32xf32, #tpu.memory_space<hbm>>) target(%dma_start3A_543 : memref<128x32xf32, #tpu.memory_space<vmem>>) offsets(%dma_start3A_546 : memref<128xi32, #tpu.memory_space<vmem>>) semaphore(%arg13 : memref<!tpu.dma_semaphore, #tpu.memory_space<semaphore_mem>>)
        %dma_start3A_550 = arith.constant 3 : i32
        %dma_start3A_551 = arith.constant 0 : i32
        %dma_start3A_552 = arith.constant 0 : i32
        %dma_start3A_553 = tpu.memref_slice %arg8[%dma_start3A_550, %dma_start3A_551, %dma_start3A_552] : memref<4x128x16xf32, #tpu.memory_space<vmem>> -> memref<1x128x16xf32, #tpu.memory_space<vmem>>
        %dma_start3A_554 = tpu.memref_squeeze %dma_start3A_553 : memref<1x128x16xf32, #tpu.memory_space<vmem>> -> memref<128x16xf32, #tpu.memory_space<vmem>>
        %dma_start3A_555 = arith.constant 0 : i32
        %dma_start3A_556 = tpu.memref_slice %arg6[%shift_right_arithmetic3A_526, %and3A_528, %dma_start3A_555] : memref<25x8x128xi32, #tpu.memory_space<vmem>> -> memref<1x1x128xi32, #tpu.memory_space<vmem>>
        %dma_start3A_557 = tpu.memref_squeeze %dma_start3A_556 : memref<1x1x128xi32, #tpu.memory_space<vmem>> -> memref<128xi32, #tpu.memory_space<vmem>>
        %dma_start3A_558 = arith.constant 0 : i32
        %dma_start3A_559 = arith.constant 0 : i32
        %dma_start3A_560 = tpu.memref_slice %arg4[%dma_start3A_558, %dma_start3A_559] : memref<1000000x16xf32, #tpu.memory_space<hbm>> -> memref<1000000x16xf32, #tpu.memory_space<hbm>>
        tpu.enqueue_indirect_dma source(%dma_start3A_560 : memref<1000000x16xf32, #tpu.memory_space<hbm>>) target(%dma_start3A_554 : memref<128x16xf32, #tpu.memory_space<vmem>>) offsets(%dma_start3A_557 : memref<128xi32, #tpu.memory_space<vmem>>) semaphore(%arg13 : memref<!tpu.dma_semaphore, #tpu.memory_space<semaphore_mem>>)
      } else {
      }
      %dma_wait3A_289 = arith.constant 0 : i32
      %dma_wait3A_290 = arith.constant 0 : i32
      %dma_wait3A_291 = arith.constant 1 : i32
      %dma_wait3A_292 = arith.constant 0 : i32
      %dma_wait3A_293 = arith.constant 0 : i32
      %dma_wait3A_294 = tpu.memref_slice %arg7[%dma_wait3A_291, %dma_wait3A_292, %dma_wait3A_293] : memref<4x128x32xf32, #tpu.memory_space<vmem>> -> memref<1x128x32xf32, #tpu.memory_space<vmem>>
      %dma_wait3A_295 = tpu.memref_squeeze %dma_wait3A_294 : memref<1x128x32xf32, #tpu.memory_space<vmem>> -> memref<128x32xf32, #tpu.memory_space<vmem>>
      %dma_wait3A_296 = arith.constant 0 : i32
      %dma_wait3A_297 = tpu.memref_slice %arg6[%dma_wait3A_289, %dma_wait3A_290, %dma_wait3A_296] : memref<25x8x128xi32, #tpu.memory_space<vmem>> -> memref<1x1x128xi32, #tpu.memory_space<vmem>>
      %dma_wait3A_298 = tpu.memref_squeeze %dma_wait3A_297 : memref<1x1x128xi32, #tpu.memory_space<vmem>> -> memref<128xi32, #tpu.memory_space<vmem>>
      %dma_wait3A_299 = arith.constant 0 : i32
      %dma_wait3A_300 = arith.constant 0 : i32
      %dma_wait3A_301 = tpu.memref_slice %arg3[%dma_wait3A_299, %dma_wait3A_300] : memref<1000000x32xf32, #tpu.memory_space<hbm>> -> memref<1000000x32xf32, #tpu.memory_space<hbm>>
      tpu.wait_indirect_dma semaphore(%arg11 : memref<!tpu.dma_semaphore, #tpu.memory_space<semaphore_mem>>) src(%dma_wait3A_301 : memref<1000000x32xf32, #tpu.memory_space<hbm>>) dst(%dma_wait3A_295 : memref<128x32xf32, #tpu.memory_space<vmem>>)
      %dma_wait3A_302 = arith.constant 0 : i32
      %dma_wait3A_303 = arith.constant 0 : i32
      %dma_wait3A_304 = arith.constant 1 : i32
      %dma_wait3A_305 = arith.constant 0 : i32
      %dma_wait3A_306 = arith.constant 0 : i32
      %dma_wait3A_307 = tpu.memref_slice %arg8[%dma_wait3A_304, %dma_wait3A_305, %dma_wait3A_306] : memref<4x128x16xf32, #tpu.memory_space<vmem>> -> memref<1x128x16xf32, #tpu.memory_space<vmem>>
      %dma_wait3A_308 = tpu.memref_squeeze %dma_wait3A_307 : memref<1x128x16xf32, #tpu.memory_space<vmem>> -> memref<128x16xf32, #tpu.memory_space<vmem>>
      %dma_wait3A_309 = arith.constant 0 : i32
      %dma_wait3A_310 = tpu.memref_slice %arg6[%dma_wait3A_302, %dma_wait3A_303, %dma_wait3A_309] : memref<25x8x128xi32, #tpu.memory_space<vmem>> -> memref<1x1x128xi32, #tpu.memory_space<vmem>>
      %dma_wait3A_311 = tpu.memref_squeeze %dma_wait3A_310 : memref<1x1x128xi32, #tpu.memory_space<vmem>> -> memref<128xi32, #tpu.memory_space<vmem>>
      %dma_wait3A_312 = arith.constant 0 : i32
      %dma_wait3A_313 = arith.constant 0 : i32
      %dma_wait3A_314 = tpu.memref_slice %arg4[%dma_wait3A_312, %dma_wait3A_313] : memref<1000000x16xf32, #tpu.memory_space<hbm>> -> memref<1000000x16xf32, #tpu.memory_space<hbm>>
      tpu.wait_indirect_dma semaphore(%arg11 : memref<!tpu.dma_semaphore, #tpu.memory_space<semaphore_mem>>) src(%dma_wait3A_314 : memref<1000000x16xf32, #tpu.memory_space<hbm>>) dst(%dma_wait3A_308 : memref<128x16xf32, #tpu.memory_space<vmem>>)
      %ge3A_315 = arith.constant 4 : i32
      %ge3A_316 = arith.cmpi sge, %add3A_281, %ge3A_315 : i32
      %convert_element_type3A_317 = arith.extui %ge3A_316 : i1 to i32
      %cond3A_318 = arith.constant 0 : i32
      %cond3A_319 = arith.cmpi ne, %convert_element_type3A_317, %cond3A_318 : i32
      scf.if %cond3A_319 {
        %dma_wait3A_523 = arith.constant 1 : i32
        %dma_wait3A_524 = arith.constant 0 : i32
        %dma_wait3A_525 = arith.constant 0 : i32
        %dma_wait3A_526 = arith.constant 0 : i32
        %dma_wait3A_527 = arith.constant 0 : i32
        %dma_wait3A_528 = arith.constant 0 : i32
        %dma_wait3A_529 = tpu.memref_slice %arg9[%dma_wait3A_523, %dma_wait3A_526, %dma_wait3A_527, %dma_wait3A_528] : memref<4x6x8x133xf32, #tpu.memory_space<vmem>> -> memref<1x6x8x128xf32, #tpu.memory_space<vmem>>
        %dma_wait3A_530 = tpu.memref_squeeze %dma_wait3A_529 : memref<1x6x8x128xf32, #tpu.memory_space<vmem>> -> memref<6x8x128xf32, #tpu.memory_space<vmem>>
        %dma_wait3A_531 = arith.constant 0 : i32
        %dma_wait3A_532 = arith.constant 0 : i32
        %dma_wait3A_533 = arith.constant 0 : i32
        %dma_wait3A_534 = tpu.memref_slice %arg5[%dma_wait3A_524, %dma_wait3A_531, %dma_wait3A_525, %dma_wait3A_532, %dma_wait3A_533] : memref<200x6x32x8x128xf32, #tpu.memory_space<hbm>> -> memref<1x6x1x8x128xf32, #tpu.memory_space<hbm>>
        %dma_wait3A_535 = tpu.memref_squeeze %dma_wait3A_534 : memref<1x6x1x8x128xf32, #tpu.memory_space<hbm>> -> memref<6x8x128xf32, #tpu.memory_space<hbm>>
        %dma_wait3A_536 = arith.constant 0 : i32
        %dma_wait3A_537 = arith.constant 0 : i32
        %dma_wait3A_538 = arith.constant 0 : i32
        %dma_wait3A_539 = tpu.memref_slice %arg5[%dma_wait3A_524, %dma_wait3A_536, %dma_wait3A_525, %dma_wait3A_537, %dma_wait3A_538] : memref<200x6x32x8x128xf32, #tpu.memory_space<hbm>> -> memref<1x6x1x8x128xf32, #tpu.memory_space<hbm>>
        %dma_wait3A_540 = tpu.memref_squeeze %dma_wait3A_539 : memref<1x6x1x8x128xf32, #tpu.memory_space<hbm>> -> memref<6x8x128xf32, #tpu.memory_space<hbm>>
        %dma_wait3A_541 = arith.constant 0 : i32
        %dma_wait3A_542 = arith.constant 0 : i32
        %dma_wait3A_543 = arith.constant 0 : i32
        %dma_wait3A_544 = tpu.memref_slice %arg9[%dma_wait3A_523, %dma_wait3A_541, %dma_wait3A_542, %dma_wait3A_543] : memref<4x6x8x133xf32, #tpu.memory_space<vmem>> -> memref<1x6x8x128xf32, #tpu.memory_space<vmem>>
        %dma_wait3A_545 = tpu.memref_squeeze %dma_wait3A_544 : memref<1x6x8x128xf32, #tpu.memory_space<vmem>> -> memref<6x8x128xf32, #tpu.memory_space<vmem>>
        tpu.wait_dma2 semaphore(%arg15 : memref<!tpu.dma_semaphore, #tpu.memory_space<semaphore_mem>>) src(%dma_wait3A_545 : memref<6x8x128xf32, #tpu.memory_space<vmem>>) dst(%dma_wait3A_540 : memref<6x8x128xf32, #tpu.memory_space<hbm>>)
      } else {
      }
      %scan3A_320 = arith.constant 1 : i32
      %scan3A_321 = arith.constant 0 : i32
      %scan3A_322 = arith.constant 128 : i32
      %scan3A_323 = arith.addi %scan3A_321, %scan3A_322 : i32
      %scan3A_324 = arith.constant 8 : i32
      scf.for %scan3A_523 = %scan3A_321 to %scan3A_323 step %scan3A_324  : i32 {
        %mul3A_524 = arith.constant 1 : i32
        %mul3A_525 = arith.muli %scan3A_523, %mul3A_524 : i32
        %add3A_526 = arith.constant 0 : i32
        %add3A_527 = arith.addi %add3A_526, %mul3A_525 : i32
        %broadcast_in_dim3A = arith.constant 0 : i32
        %broadcast_in_dim3A_528 = vector.broadcast %broadcast_in_dim3A : i32 to vector<16xi32>
        %add3A_529 = vector.broadcast %add3A_527 : i32 to vector<16xi32>
        %add3A_530 = arith.addi %broadcast_in_dim3A_528, %add3A_529 : vector<16xi32>
        %get3A = arith.constant 1 : i32
        %get3A_531 = arith.index_cast %get3A : i32 to index
        %get3A_532 = arith.index_cast %add3A_527 : i32 to index
        %get3A_533 = arith.constant 0 : index
        %get3A_534 = tpu.vector_load %arg7[%get3A_531, %get3A_532, %get3A_533] {strides = array<i32>} : memref<4x128x32xf32, #tpu.memory_space<vmem>>, vector<16xf32>,
        %scatter3A = arith.constant 0 : i32
        %scatter3A_535 = arith.constant 0 : i32
        %scatter3A_536 = arith.constant 0 : i32
        %scatter3A_537 = tpu.memref_slice %arg9[%scan3A_320, %scatter3A, %scatter3A_535, %scatter3A_536] : memref<4x6x8x133xf32, #tpu.memory_space<vmem>> -> memref<1x6x8x133xf32, #tpu.memory_space<vmem>>
        %scatter3A_538 = tpu.memref_squeeze %scatter3A_537 : memref<1x6x8x133xf32, #tpu.memory_space<vmem>> -> memref<6x8x133xf32, #tpu.memory_space<vmem>>
        tpu.vector_store_idx %scatter3A_538[%shift_right_arithmetic3A_7, %and3A_9, %add3A_530], %get3A_534 : memref<6x8x133xf32, #tpu.memory_space<vmem>>[vector<16xi32>, vector<16xi32>, vector<16xi32>], vector<16xf32>,
        %get3A_539 = arith.constant 1 : i32
        %get3A_540 = arith.index_cast %get3A_539 : i32 to index
        %get3A_541 = arith.index_cast %add3A_527 : i32 to index
        %get3A_542 = arith.constant 16 : index
        %get3A_543 = tpu.vector_load %arg7[%get3A_540, %get3A_541, %get3A_542] {strides = array<i32>} : memref<4x128x32xf32, #tpu.memory_space<vmem>>, vector<16xf32>,
        %scatter3A_544 = arith.constant 0 : i32
        %scatter3A_545 = arith.constant 0 : i32
        %scatter3A_546 = arith.constant 0 : i32
        %scatter3A_547 = tpu.memref_slice %arg9[%scan3A_320, %scatter3A_544, %scatter3A_545, %scatter3A_546] : memref<4x6x8x133xf32, #tpu.memory_space<vmem>> -> memref<1x6x8x133xf32, #tpu.memory_space<vmem>>
        %scatter3A_548 = tpu.memref_squeeze %scatter3A_547 : memref<1x6x8x133xf32, #tpu.memory_space<vmem>> -> memref<6x8x133xf32, #tpu.memory_space<vmem>>
        tpu.vector_store_idx %scatter3A_548[%shift_right_arithmetic3A_15, %and3A_18, %add3A_530], %get3A_543 : memref<6x8x133xf32, #tpu.memory_space<vmem>>[vector<16xi32>, vector<16xi32>, vector<16xi32>], vector<16xf32>,
        %get3A_549 = arith.constant 1 : i32
        %get3A_550 = arith.index_cast %get3A_549 : i32 to index
        %get3A_551 = arith.index_cast %add3A_527 : i32 to index
        %get3A_552 = arith.constant 0 : index
        %get3A_553 = tpu.vector_load %arg8[%get3A_550, %get3A_551, %get3A_552] {strides = array<i32>} : memref<4x128x16xf32, #tpu.memory_space<vmem>>, vector<16xf32>,
        %scatter3A_554 = arith.constant 0 : i32
        %scatter3A_555 = arith.constant 0 : i32
        %scatter3A_556 = arith.constant 0 : i32
        %scatter3A_557 = tpu.memref_slice %arg9[%scan3A_320, %scatter3A_554, %scatter3A_555, %scatter3A_556] : memref<4x6x8x133xf32, #tpu.memory_space<vmem>> -> memref<1x6x8x133xf32, #tpu.memory_space<vmem>>
        %scatter3A_558 = tpu.memref_squeeze %scatter3A_557 : memref<1x6x8x133xf32, #tpu.memory_space<vmem>> -> memref<6x8x133xf32, #tpu.memory_space<vmem>>
        tpu.vector_store_idx %scatter3A_558[%shift_right_arithmetic3A_24, %and3A_27, %add3A_530], %get3A_553 : memref<6x8x133xf32, #tpu.memory_space<vmem>>[vector<16xi32>, vector<16xi32>, vector<16xi32>], vector<16xf32>,
        %scan3A_559 = arith.constant 1 : i32
        %scan3A_560 = arith.addi %scan3A_523, %scan3A_559 : i32
        %mul3A_561 = arith.constant 1 : i32
        %mul3A_562 = arith.muli %scan3A_560, %mul3A_561 : i32
        %add3A_563 = arith.constant 0 : i32
        %add3A_564 = arith.addi %add3A_563, %mul3A_562 : i32
        %broadcast_in_dim3A_565 = arith.constant 0 : i32
        %broadcast_in_dim3A_566 = vector.broadcast %broadcast_in_dim3A_565 : i32 to vector<16xi32>
        %add3A_567 = vector.broadcast %add3A_564 : i32 to vector<16xi32>
        %add3A_568 = arith.addi %broadcast_in_dim3A_566, %add3A_567 : vector<16xi32>
        %get3A_569 = arith.constant 1 : i32
        %get3A_570 = arith.index_cast %get3A_569 : i32 to index
        %get3A_571 = arith.index_cast %add3A_564 : i32 to index
        %get3A_572 = arith.constant 0 : index
        %get3A_573 = tpu.vector_load %arg7[%get3A_570, %get3A_571, %get3A_572] {strides = array<i32>} : memref<4x128x32xf32, #tpu.memory_space<vmem>>, vector<16xf32>,
        %scatter3A_574 = arith.constant 0 : i32
        %scatter3A_575 = arith.constant 0 : i32
        %scatter3A_576 = arith.constant 0 : i32
        %scatter3A_577 = tpu.memref_slice %arg9[%scan3A_320, %scatter3A_574, %scatter3A_575, %scatter3A_576] : memref<4x6x8x133xf32, #tpu.memory_space<vmem>> -> memref<1x6x8x133xf32, #tpu.memory_space<vmem>>
        %scatter3A_578 = tpu.memref_squeeze %scatter3A_577 : memref<1x6x8x133xf32, #tpu.memory_space<vmem>> -> memref<6x8x133xf32, #tpu.memory_space<vmem>>
        tpu.vector_store_idx %scatter3A_578[%shift_right_arithmetic3A_7, %and3A_9, %add3A_568], %get3A_573 : memref<6x8x133xf32, #tpu.memory_space<vmem>>[vector<16xi32>, vector<16xi32>, vector<16xi32>], vector<16xf32>,
        %get3A_579 = arith.constant 1 : i32
        %get3A_580 = arith.index_cast %get3A_579 : i32 to index
        %get3A_581 = arith.index_cast %add3A_564 : i32 to index
        %get3A_582 = arith.constant 16 : index
        %get3A_583 = tpu.vector_load %arg7[%get3A_580, %get3A_581, %get3A_582] {strides = array<i32>} : memref<4x128x32xf32, #tpu.memory_space<vmem>>, vector<16xf32>,
        %scatter3A_584 = arith.constant 0 : i32
        %scatter3A_585 = arith.constant 0 : i32
        %scatter3A_586 = arith.constant 0 : i32
        %scatter3A_587 = tpu.memref_slice %arg9[%scan3A_320, %scatter3A_584, %scatter3A_585, %scatter3A_586] : memref<4x6x8x133xf32, #tpu.memory_space<vmem>> -> memref<1x6x8x133xf32, #tpu.memory_space<vmem>>
        %scatter3A_588 = tpu.memref_squeeze %scatter3A_587 : memref<1x6x8x133xf32, #tpu.memory_space<vmem>> -> memref<6x8x133xf32, #tpu.memory_space<vmem>>
        tpu.vector_store_idx %scatter3A_588[%shift_right_arithmetic3A_15, %and3A_18, %add3A_568], %get3A_583 : memref<6x8x133xf32, #tpu.memory_space<vmem>>[vector<16xi32>, vector<16xi32>, vector<16xi32>], vector<16xf32>,
        %get3A_589 = arith.constant 1 : i32
        %get3A_590 = arith.index_cast %get3A_589 : i32 to index
        %get3A_591 = arith.index_cast %add3A_564 : i32 to index
        %get3A_592 = arith.constant 0 : index
        %get3A_593 = tpu.vector_load %arg8[%get3A_590, %get3A_591, %get3A_592] {strides = array<i32>} : memref<4x128x16xf32, #tpu.memory_space<vmem>>, vector<16xf32>,
        %scatter3A_594 = arith.constant 0 : i32
        %scatter3A_595 = arith.constant 0 : i32
        %scatter3A_596 = arith.constant 0 : i32
        %scatter3A_597 = tpu.memref_slice %arg9[%scan3A_320, %scatter3A_594, %scatter3A_595, %scatter3A_596] : memref<4x6x8x133xf32, #tpu.memory_space<vmem>> -> memref<1x6x8x133xf32, #tpu.memory_space<vmem>>
        %scatter3A_598 = tpu.memref_squeeze %scatter3A_597 : memref<1x6x8x133xf32, #tpu.memory_space<vmem>> -> memref<6x8x133xf32, #tpu.memory_space<vmem>>
        tpu.vector_store_idx %scatter3A_598[%shift_right_arithmetic3A_24, %and3A_27, %add3A_568], %get3A_593 : memref<6x8x133xf32, #tpu.memory_space<vmem>>[vector<16xi32>, vector<16xi32>, vector<16xi32>], vector<16xf32>,
        %scan3A_599 = arith.constant 2 : i32
        %scan3A_600 = arith.addi %scan3A_523, %scan3A_599 : i32
        %mul3A_601 = arith.constant 1 : i32
        %mul3A_602 = arith.muli %scan3A_600, %mul3A_601 : i32
        %add3A_603 = arith.constant 0 : i32
        %add3A_604 = arith.addi %add3A_603, %mul3A_602 : i32
        %broadcast_in_dim3A_605 = arith.constant 0 : i32
        %broadcast_in_dim3A_606 = vector.broadcast %broadcast_in_dim3A_605 : i32 to vector<16xi32>
        %add3A_607 = vector.broadcast %add3A_604 : i32 to vector<16xi32>
        %add3A_608 = arith.addi %broadcast_in_dim3A_606, %add3A_607 : vector<16xi32>
        %get3A_609 = arith.constant 1 : i32
        %get3A_610 = arith.index_cast %get3A_609 : i32 to index
        %get3A_611 = arith.index_cast %add3A_604 : i32 to index
        %get3A_612 = arith.constant 0 : index
        %get3A_613 = tpu.vector_load %arg7[%get3A_610, %get3A_611, %get3A_612] {strides = array<i32>} : memref<4x128x32xf32, #tpu.memory_space<vmem>>, vector<16xf32>,
        %scatter3A_614 = arith.constant 0 : i32
        %scatter3A_615 = arith.constant 0 : i32
        %scatter3A_616 = arith.constant 0 : i32
        %scatter3A_617 = tpu.memref_slice %arg9[%scan3A_320, %scatter3A_614, %scatter3A_615, %scatter3A_616] : memref<4x6x8x133xf32, #tpu.memory_space<vmem>> -> memref<1x6x8x133xf32, #tpu.memory_space<vmem>>
        %scatter3A_618 = tpu.memref_squeeze %scatter3A_617 : memref<1x6x8x133xf32, #tpu.memory_space<vmem>> -> memref<6x8x133xf32, #tpu.memory_space<vmem>>
        tpu.vector_store_idx %scatter3A_618[%shift_right_arithmetic3A_7, %and3A_9, %add3A_608], %get3A_613 : memref<6x8x133xf32, #tpu.memory_space<vmem>>[vector<16xi32>, vector<16xi32>, vector<16xi32>], vector<16xf32>,
        %get3A_619 = arith.constant 1 : i32
        %get3A_620 = arith.index_cast %get3A_619 : i32 to index
        %get3A_621 = arith.index_cast %add3A_604 : i32 to index
        %get3A_622 = arith.constant 16 : index
        %get3A_623 = tpu.vector_load %arg7[%get3A_620, %get3A_621, %get3A_622] {strides = array<i32>} : memref<4x128x32xf32, #tpu.memory_space<vmem>>, vector<16xf32>,
        %scatter3A_624 = arith.constant 0 : i32
        %scatter3A_625 = arith.constant 0 : i32
        %scatter3A_626 = arith.constant 0 : i32
        %scatter3A_627 = tpu.memref_slice %arg9[%scan3A_320, %scatter3A_624, %scatter3A_625, %scatter3A_626] : memref<4x6x8x133xf32, #tpu.memory_space<vmem>> -> memref<1x6x8x133xf32, #tpu.memory_space<vmem>>
        %scatter3A_628 = tpu.memref_squeeze %scatter3A_627 : memref<1x6x8x133xf32, #tpu.memory_space<vmem>> -> memref<6x8x133xf32, #tpu.memory_space<vmem>>
        tpu.vector_store_idx %scatter3A_628[%shift_right_arithmetic3A_15, %and3A_18, %add3A_608], %get3A_623 : memref<6x8x133xf32, #tpu.memory_space<vmem>>[vector<16xi32>, vector<16xi32>, vector<16xi32>], vector<16xf32>,
        %get3A_629 = arith.constant 1 : i32
        %get3A_630 = arith.index_cast %get3A_629 : i32 to index
        %get3A_631 = arith.index_cast %add3A_604 : i32 to index
        %get3A_632 = arith.constant 0 : index
        %get3A_633 = tpu.vector_load %arg8[%get3A_630, %get3A_631, %get3A_632] {strides = array<i32>} : memref<4x128x16xf32, #tpu.memory_space<vmem>>, vector<16xf32>,
        %scatter3A_634 = arith.constant 0 : i32
        %scatter3A_635 = arith.constant 0 : i32
        %scatter3A_636 = arith.constant 0 : i32
        %scatter3A_637 = tpu.memref_slice %arg9[%scan3A_320, %scatter3A_634, %scatter3A_635, %scatter3A_636] : memref<4x6x8x133xf32, #tpu.memory_space<vmem>> -> memref<1x6x8x133xf32, #tpu.memory_space<vmem>>
        %scatter3A_638 = tpu.memref_squeeze %scatter3A_637 : memref<1x6x8x133xf32, #tpu.memory_space<vmem>> -> memref<6x8x133xf32, #tpu.memory_space<vmem>>
        tpu.vector_store_idx %scatter3A_638[%shift_right_arithmetic3A_24, %and3A_27, %add3A_608], %get3A_633 : memref<6x8x133xf32, #tpu.memory_space<vmem>>[vector<16xi32>, vector<16xi32>, vector<16xi32>], vector<16xf32>,
        %scan3A_639 = arith.constant 3 : i32
        %scan3A_640 = arith.addi %scan3A_523, %scan3A_639 : i32
        %mul3A_641 = arith.constant 1 : i32
        %mul3A_642 = arith.muli %scan3A_640, %mul3A_641 : i32
        %add3A_643 = arith.constant 0 : i32
        %add3A_644 = arith.addi %add3A_643, %mul3A_642 : i32
        %broadcast_in_dim3A_645 = arith.constant 0 : i32
        %broadcast_in_dim3A_646 = vector.broadcast %broadcast_in_dim3A_645 : i32 to vector<16xi32>
        %add3A_647 = vector.broadcast %add3A_644 : i32 to vector<16xi32>
        %add3A_648 = arith.addi %broadcast_in_dim3A_646, %add3A_647 : vector<16xi32>
        %get3A_649 = arith.constant 1 : i32
        %get3A_650 = arith.index_cast %get3A_649 : i32 to index
        %get3A_651 = arith.index_cast %add3A_644 : i32 to index
        %get3A_652 = arith.constant 0 : index
        %get3A_653 = tpu.vector_load %arg7[%get3A_650, %get3A_651, %get3A_652] {strides = array<i32>} : memref<4x128x32xf32, #tpu.memory_space<vmem>>, vector<16xf32>,
        %scatter3A_654 = arith.constant 0 : i32
        %scatter3A_655 = arith.constant 0 : i32
        %scatter3A_656 = arith.constant 0 : i32
        %scatter3A_657 = tpu.memref_slice %arg9[%scan3A_320, %scatter3A_654, %scatter3A_655, %scatter3A_656] : memref<4x6x8x133xf32, #tpu.memory_space<vmem>> -> memref<1x6x8x133xf32, #tpu.memory_space<vmem>>
        %scatter3A_658 = tpu.memref_squeeze %scatter3A_657 : memref<1x6x8x133xf32, #tpu.memory_space<vmem>> -> memref<6x8x133xf32, #tpu.memory_space<vmem>>
        tpu.vector_store_idx %scatter3A_658[%shift_right_arithmetic3A_7, %and3A_9, %add3A_648], %get3A_653 : memref<6x8x133xf32, #tpu.memory_space<vmem>>[vector<16xi32>, vector<16xi32>, vector<16xi32>], vector<16xf32>,
        %get3A_659 = arith.constant 1 : i32
        %get3A_660 = arith.index_cast %get3A_659 : i32 to index
        %get3A_661 = arith.index_cast %add3A_644 : i32 to index
        %get3A_662 = arith.constant 16 : index
        %get3A_663 = tpu.vector_load %arg7[%get3A_660, %get3A_661, %get3A_662] {strides = array<i32>} : memref<4x128x32xf32, #tpu.memory_space<vmem>>, vector<16xf32>,
        %scatter3A_664 = arith.constant 0 : i32
        %scatter3A_665 = arith.constant 0 : i32
        %scatter3A_666 = arith.constant 0 : i32
        %scatter3A_667 = tpu.memref_slice %arg9[%scan3A_320, %scatter3A_664, %scatter3A_665, %scatter3A_666] : memref<4x6x8x133xf32, #tpu.memory_space<vmem>> -> memref<1x6x8x133xf32, #tpu.memory_space<vmem>>
        %scatter3A_668 = tpu.memref_squeeze %scatter3A_667 : memref<1x6x8x133xf32, #tpu.memory_space<vmem>> -> memref<6x8x133xf32, #tpu.memory_space<vmem>>
        tpu.vector_store_idx %scatter3A_668[%shift_right_arithmetic3A_15, %and3A_18, %add3A_648], %get3A_663 : memref<6x8x133xf32, #tpu.memory_space<vmem>>[vector<16xi32>, vector<16xi32>, vector<16xi32>], vector<16xf32>,
        %get3A_669 = arith.constant 1 : i32
        %get3A_670 = arith.index_cast %get3A_669 : i32 to index
        %get3A_671 = arith.index_cast %add3A_644 : i32 to index
        %get3A_672 = arith.constant 0 : index
        %get3A_673 = tpu.vector_load %arg8[%get3A_670, %get3A_671, %get3A_672] {strides = array<i32>} : memref<4x128x16xf32, #tpu.memory_space<vmem>>, vector<16xf32>,
        %scatter3A_674 = arith.constant 0 : i32
        %scatter3A_675 = arith.constant 0 : i32
        %scatter3A_676 = arith.constant 0 : i32
        %scatter3A_677 = tpu.memref_slice %arg9[%scan3A_320, %scatter3A_674, %scatter3A_675, %scatter3A_676] : memref<4x6x8x133xf32, #tpu.memory_space<vmem>> -> memref<1x6x8x133xf32, #tpu.memory_space<vmem>>
        %scatter3A_678 = tpu.memref_squeeze %scatter3A_677 : memref<1x6x8x133xf32, #tpu.memory_space<vmem>> -> memref<6x8x133xf32, #tpu.memory_space<vmem>>
        tpu.vector_store_idx %scatter3A_678[%shift_right_arithmetic3A_24, %and3A_27, %add3A_648], %get3A_673 : memref<6x8x133xf32, #tpu.memory_space<vmem>>[vector<16xi32>, vector<16xi32>, vector<16xi32>], vector<16xf32>,
        %scan3A_679 = arith.constant 4 : i32
        %scan3A_680 = arith.addi %scan3A_523, %scan3A_679 : i32
        %mul3A_681 = arith.constant 1 : i32
        %mul3A_682 = arith.muli %scan3A_680, %mul3A_681 : i32
        %add3A_683 = arith.constant 0 : i32
        %add3A_684 = arith.addi %add3A_683, %mul3A_682 : i32
        %broadcast_in_dim3A_685 = arith.constant 0 : i32
        %broadcast_in_dim3A_686 = vector.broadcast %broadcast_in_dim3A_685 : i32 to vector<16xi32>
        %add3A_687 = vector.broadcast %add3A_684 : i32 to vector<16xi32>
        %add3A_688 = arith.addi %broadcast_in_dim3A_686, %add3A_687 : vector<16xi32>
        %get3A_689 = arith.constant 1 : i32
        %get3A_690 = arith.index_cast %get3A_689 : i32 to index
        %get3A_691 = arith.index_cast %add3A_684 : i32 to index
        %get3A_692 = arith.constant 0 : index
        %get3A_693 = tpu.vector_load %arg7[%get3A_690, %get3A_691, %get3A_692] {strides = array<i32>} : memref<4x128x32xf32, #tpu.memory_space<vmem>>, vector<16xf32>,
        %scatter3A_694 = arith.constant 0 : i32
        %scatter3A_695 = arith.constant 0 : i32
        %scatter3A_696 = arith.constant 0 : i32
        %scatter3A_697 = tpu.memref_slice %arg9[%scan3A_320, %scatter3A_694, %scatter3A_695, %scatter3A_696] : memref<4x6x8x133xf32, #tpu.memory_space<vmem>> -> memref<1x6x8x133xf32, #tpu.memory_space<vmem>>
        %scatter3A_698 = tpu.memref_squeeze %scatter3A_697 : memref<1x6x8x133xf32, #tpu.memory_space<vmem>> -> memref<6x8x133xf32, #tpu.memory_space<vmem>>
        tpu.vector_store_idx %scatter3A_698[%shift_right_arithmetic3A_7, %and3A_9, %add3A_688], %get3A_693 : memref<6x8x133xf32, #tpu.memory_space<vmem>>[vector<16xi32>, vector<16xi32>, vector<16xi32>], vector<16xf32>,
        %get3A_699 = arith.constant 1 : i32
        %get3A_700 = arith.index_cast %get3A_699 : i32 to index
        %get3A_701 = arith.index_cast %add3A_684 : i32 to index
        %get3A_702 = arith.constant 16 : index
        %get3A_703 = tpu.vector_load %arg7[%get3A_700, %get3A_701, %get3A_702] {strides = array<i32>} : memref<4x128x32xf32, #tpu.memory_space<vmem>>, vector<16xf32>,
        %scatter3A_704 = arith.constant 0 : i32
        %scatter3A_705 = arith.constant 0 : i32
        %scatter3A_706 = arith.constant 0 : i32
        %scatter3A_707 = tpu.memref_slice %arg9[%scan3A_320, %scatter3A_704, %scatter3A_705, %scatter3A_706] : memref<4x6x8x133xf32, #tpu.memory_space<vmem>> -> memref<1x6x8x133xf32, #tpu.memory_space<vmem>>
        %scatter3A_708 = tpu.memref_squeeze %scatter3A_707 : memref<1x6x8x133xf32, #tpu.memory_space<vmem>> -> memref<6x8x133xf32, #tpu.memory_space<vmem>>
        tpu.vector_store_idx %scatter3A_708[%shift_right_arithmetic3A_15, %and3A_18, %add3A_688], %get3A_703 : memref<6x8x133xf32, #tpu.memory_space<vmem>>[vector<16xi32>, vector<16xi32>, vector<16xi32>], vector<16xf32>,
        %get3A_709 = arith.constant 1 : i32
        %get3A_710 = arith.index_cast %get3A_709 : i32 to index
        %get3A_711 = arith.index_cast %add3A_684 : i32 to index
        %get3A_712 = arith.constant 0 : index
        %get3A_713 = tpu.vector_load %arg8[%get3A_710, %get3A_711, %get3A_712] {strides = array<i32>} : memref<4x128x16xf32, #tpu.memory_space<vmem>>, vector<16xf32>,
        %scatter3A_714 = arith.constant 0 : i32
        %scatter3A_715 = arith.constant 0 : i32
        %scatter3A_716 = arith.constant 0 : i32
        %scatter3A_717 = tpu.memref_slice %arg9[%scan3A_320, %scatter3A_714, %scatter3A_715, %scatter3A_716] : memref<4x6x8x133xf32, #tpu.memory_space<vmem>> -> memref<1x6x8x133xf32, #tpu.memory_space<vmem>>
        %scatter3A_718 = tpu.memref_squeeze %scatter3A_717 : memref<1x6x8x133xf32, #tpu.memory_space<vmem>> -> memref<6x8x133xf32, #tpu.memory_space<vmem>>
        tpu.vector_store_idx %scatter3A_718[%shift_right_arithmetic3A_24, %and3A_27, %add3A_688], %get3A_713 : memref<6x8x133xf32, #tpu.memory_space<vmem>>[vector<16xi32>, vector<16xi32>, vector<16xi32>], vector<16xf32>,
        %scan3A_719 = arith.constant 5 : i32
        %scan3A_720 = arith.addi %scan3A_523, %scan3A_719 : i32
        %mul3A_721 = arith.constant 1 : i32
        %mul3A_722 = arith.muli %scan3A_720, %mul3A_721 : i32
        %add3A_723 = arith.constant 0 : i32
        %add3A_724 = arith.addi %add3A_723, %mul3A_722 : i32
        %broadcast_in_dim3A_725 = arith.constant 0 : i32
        %broadcast_in_dim3A_726 = vector.broadcast %broadcast_in_dim3A_725 : i32 to vector<16xi32>
        %add3A_727 = vector.broadcast %add3A_724 : i32 to vector<16xi32>
        %add3A_728 = arith.addi %broadcast_in_dim3A_726, %add3A_727 : vector<16xi32>
        %get3A_729 = arith.constant 1 : i32
        %get3A_730 = arith.index_cast %get3A_729 : i32 to index
        %get3A_731 = arith.index_cast %add3A_724 : i32 to index
        %get3A_732 = arith.constant 0 : index
        %get3A_733 = tpu.vector_load %arg7[%get3A_730, %get3A_731, %get3A_732] {strides = array<i32>} : memref<4x128x32xf32, #tpu.memory_space<vmem>>, vector<16xf32>,
        %scatter3A_734 = arith.constant 0 : i32
        %scatter3A_735 = arith.constant 0 : i32
        %scatter3A_736 = arith.constant 0 : i32
        %scatter3A_737 = tpu.memref_slice %arg9[%scan3A_320, %scatter3A_734, %scatter3A_735, %scatter3A_736] : memref<4x6x8x133xf32, #tpu.memory_space<vmem>> -> memref<1x6x8x133xf32, #tpu.memory_space<vmem>>
        %scatter3A_738 = tpu.memref_squeeze %scatter3A_737 : memref<1x6x8x133xf32, #tpu.memory_space<vmem>> -> memref<6x8x133xf32, #tpu.memory_space<vmem>>
        tpu.vector_store_idx %scatter3A_738[%shift_right_arithmetic3A_7, %and3A_9, %add3A_728], %get3A_733 : memref<6x8x133xf32, #tpu.memory_space<vmem>>[vector<16xi32>, vector<16xi32>, vector<16xi32>], vector<16xf32>,
        %get3A_739 = arith.constant 1 : i32
        %get3A_740 = arith.index_cast %get3A_739 : i32 to index
        %get3A_741 = arith.index_cast %add3A_724 : i32 to index
        %get3A_742 = arith.constant 16 : index
        %get3A_743 = tpu.vector_load %arg7[%get3A_740, %get3A_741, %get3A_742] {strides = array<i32>} : memref<4x128x32xf32, #tpu.memory_space<vmem>>, vector<16xf32>,
        %scatter3A_744 = arith.constant 0 : i32
        %scatter3A_745 = arith.constant 0 : i32
        %scatter3A_746 = arith.constant 0 : i32
        %scatter3A_747 = tpu.memref_slice %arg9[%scan3A_320, %scatter3A_744, %scatter3A_745, %scatter3A_746] : memref<4x6x8x133xf32, #tpu.memory_space<vmem>> -> memref<1x6x8x133xf32, #tpu.memory_space<vmem>>
        %scatter3A_748 = tpu.memref_squeeze %scatter3A_747 : memref<1x6x8x133xf32, #tpu.memory_space<vmem>> -> memref<6x8x133xf32, #tpu.memory_space<vmem>>
        tpu.vector_store_idx %scatter3A_748[%shift_right_arithmetic3A_15, %and3A_18, %add3A_728], %get3A_743 : memref<6x8x133xf32, #tpu.memory_space<vmem>>[vector<16xi32>, vector<16xi32>, vector<16xi32>], vector<16xf32>,
        %get3A_749 = arith.constant 1 : i32
        %get3A_750 = arith.index_cast %get3A_749 : i32 to index
        %get3A_751 = arith.index_cast %add3A_724 : i32 to index
        %get3A_752 = arith.constant 0 : index
        %get3A_753 = tpu.vector_load %arg8[%get3A_750, %get3A_751, %get3A_752] {strides = array<i32>} : memref<4x128x16xf32, #tpu.memory_space<vmem>>, vector<16xf32>,
        %scatter3A_754 = arith.constant 0 : i32
        %scatter3A_755 = arith.constant 0 : i32
        %scatter3A_756 = arith.constant 0 : i32
        %scatter3A_757 = tpu.memref_slice %arg9[%scan3A_320, %scatter3A_754, %scatter3A_755, %scatter3A_756] : memref<4x6x8x133xf32, #tpu.memory_space<vmem>> -> memref<1x6x8x133xf32, #tpu.memory_space<vmem>>
        %scatter3A_758 = tpu.memref_squeeze %scatter3A_757 : memref<1x6x8x133xf32, #tpu.memory_space<vmem>> -> memref<6x8x133xf32, #tpu.memory_space<vmem>>
        tpu.vector_store_idx %scatter3A_758[%shift_right_arithmetic3A_24, %and3A_27, %add3A_728], %get3A_753 : memref<6x8x133xf32, #tpu.memory_space<vmem>>[vector<16xi32>, vector<16xi32>, vector<16xi32>], vector<16xf32>,
        %scan3A_759 = arith.constant 6 : i32
        %scan3A_760 = arith.addi %scan3A_523, %scan3A_759 : i32
        %mul3A_761 = arith.constant 1 : i32
        %mul3A_762 = arith.muli %scan3A_760, %mul3A_761 : i32
        %add3A_763 = arith.constant 0 : i32
        %add3A_764 = arith.addi %add3A_763, %mul3A_762 : i32
        %broadcast_in_dim3A_765 = arith.constant 0 : i32
        %broadcast_in_dim3A_766 = vector.broadcast %broadcast_in_dim3A_765 : i32 to vector<16xi32>
        %add3A_767 = vector.broadcast %add3A_764 : i32 to vector<16xi32>
        %add3A_768 = arith.addi %broadcast_in_dim3A_766, %add3A_767 : vector<16xi32>
        %get3A_769 = arith.constant 1 : i32
        %get3A_770 = arith.index_cast %get3A_769 : i32 to index
        %get3A_771 = arith.index_cast %add3A_764 : i32 to index
        %get3A_772 = arith.constant 0 : index
        %get3A_773 = tpu.vector_load %arg7[%get3A_770, %get3A_771, %get3A_772] {strides = array<i32>} : memref<4x128x32xf32, #tpu.memory_space<vmem>>, vector<16xf32>,
        %scatter3A_774 = arith.constant 0 : i32
        %scatter3A_775 = arith.constant 0 : i32
        %scatter3A_776 = arith.constant 0 : i32
        %scatter3A_777 = tpu.memref_slice %arg9[%scan3A_320, %scatter3A_774, %scatter3A_775, %scatter3A_776] : memref<4x6x8x133xf32, #tpu.memory_space<vmem>> -> memref<1x6x8x133xf32, #tpu.memory_space<vmem>>
        %scatter3A_778 = tpu.memref_squeeze %scatter3A_777 : memref<1x6x8x133xf32, #tpu.memory_space<vmem>> -> memref<6x8x133xf32, #tpu.memory_space<vmem>>
        tpu.vector_store_idx %scatter3A_778[%shift_right_arithmetic3A_7, %and3A_9, %add3A_768], %get3A_773 : memref<6x8x133xf32, #tpu.memory_space<vmem>>[vector<16xi32>, vector<16xi32>, vector<16xi32>], vector<16xf32>,
        %get3A_779 = arith.constant 1 : i32
        %get3A_780 = arith.index_cast %get3A_779 : i32 to index
        %get3A_781 = arith.index_cast %add3A_764 : i32 to index
        %get3A_782 = arith.constant 16 : index
        %get3A_783 = tpu.vector_load %arg7[%get3A_780, %get3A_781, %get3A_782] {strides = array<i32>} : memref<4x128x32xf32, #tpu.memory_space<vmem>>, vector<16xf32>,
        %scatter3A_784 = arith.constant 0 : i32
        %scatter3A_785 = arith.constant 0 : i32
        %scatter3A_786 = arith.constant 0 : i32
        %scatter3A_787 = tpu.memref_slice %arg9[%scan3A_320, %scatter3A_784, %scatter3A_785, %scatter3A_786] : memref<4x6x8x133xf32, #tpu.memory_space<vmem>> -> memref<1x6x8x133xf32, #tpu.memory_space<vmem>>
        %scatter3A_788 = tpu.memref_squeeze %scatter3A_787 : memref<1x6x8x133xf32, #tpu.memory_space<vmem>> -> memref<6x8x133xf32, #tpu.memory_space<vmem>>
        tpu.vector_store_idx %scatter3A_788[%shift_right_arithmetic3A_15, %and3A_18, %add3A_768], %get3A_783 : memref<6x8x133xf32, #tpu.memory_space<vmem>>[vector<16xi32>, vector<16xi32>, vector<16xi32>], vector<16xf32>,
        %get3A_789 = arith.constant 1 : i32
        %get3A_790 = arith.index_cast %get3A_789 : i32 to index
        %get3A_791 = arith.index_cast %add3A_764 : i32 to index
        %get3A_792 = arith.constant 0 : index
        %get3A_793 = tpu.vector_load %arg8[%get3A_790, %get3A_791, %get3A_792] {strides = array<i32>} : memref<4x128x16xf32, #tpu.memory_space<vmem>>, vector<16xf32>,
        %scatter3A_794 = arith.constant 0 : i32
        %scatter3A_795 = arith.constant 0 : i32
        %scatter3A_796 = arith.constant 0 : i32
        %scatter3A_797 = tpu.memref_slice %arg9[%scan3A_320, %scatter3A_794, %scatter3A_795, %scatter3A_796] : memref<4x6x8x133xf32, #tpu.memory_space<vmem>> -> memref<1x6x8x133xf32, #tpu.memory_space<vmem>>
        %scatter3A_798 = tpu.memref_squeeze %scatter3A_797 : memref<1x6x8x133xf32, #tpu.memory_space<vmem>> -> memref<6x8x133xf32, #tpu.memory_space<vmem>>
        tpu.vector_store_idx %scatter3A_798[%shift_right_arithmetic3A_24, %and3A_27, %add3A_768], %get3A_793 : memref<6x8x133xf32, #tpu.memory_space<vmem>>[vector<16xi32>, vector<16xi32>, vector<16xi32>], vector<16xf32>,
        %scan3A_799 = arith.constant 7 : i32
        %scan3A_800 = arith.addi %scan3A_523, %scan3A_799 : i32
        %mul3A_801 = arith.constant 1 : i32
        %mul3A_802 = arith.muli %scan3A_800, %mul3A_801 : i32
        %add3A_803 = arith.constant 0 : i32
        %add3A_804 = arith.addi %add3A_803, %mul3A_802 : i32
        %broadcast_in_dim3A_805 = arith.constant 0 : i32
        %broadcast_in_dim3A_806 = vector.broadcast %broadcast_in_dim3A_805 : i32 to vector<16xi32>
        %add3A_807 = vector.broadcast %add3A_804 : i32 to vector<16xi32>
        %add3A_808 = arith.addi %broadcast_in_dim3A_806, %add3A_807 : vector<16xi32>
        %get3A_809 = arith.constant 1 : i32
        %get3A_810 = arith.index_cast %get3A_809 : i32 to index
        %get3A_811 = arith.index_cast %add3A_804 : i32 to index
        %get3A_812 = arith.constant 0 : index
        %get3A_813 = tpu.vector_load %arg7[%get3A_810, %get3A_811, %get3A_812] {strides = array<i32>} : memref<4x128x32xf32, #tpu.memory_space<vmem>>, vector<16xf32>,
        %scatter3A_814 = arith.constant 0 : i32
        %scatter3A_815 = arith.constant 0 : i32
        %scatter3A_816 = arith.constant 0 : i32
        %scatter3A_817 = tpu.memref_slice %arg9[%scan3A_320, %scatter3A_814, %scatter3A_815, %scatter3A_816] : memref<4x6x8x133xf32, #tpu.memory_space<vmem>> -> memref<1x6x8x133xf32, #tpu.memory_space<vmem>>
        %scatter3A_818 = tpu.memref_squeeze %scatter3A_817 : memref<1x6x8x133xf32, #tpu.memory_space<vmem>> -> memref<6x8x133xf32, #tpu.memory_space<vmem>>
        tpu.vector_store_idx %scatter3A_818[%shift_right_arithmetic3A_7, %and3A_9, %add3A_808], %get3A_813 : memref<6x8x133xf32, #tpu.memory_space<vmem>>[vector<16xi32>, vector<16xi32>, vector<16xi32>], vector<16xf32>,
        %get3A_819 = arith.constant 1 : i32
        %get3A_820 = arith.index_cast %get3A_819 : i32 to index
        %get3A_821 = arith.index_cast %add3A_804 : i32 to index
        %get3A_822 = arith.constant 16 : index
        %get3A_823 = tpu.vector_load %arg7[%get3A_820, %get3A_821, %get3A_822] {strides = array<i32>} : memref<4x128x32xf32, #tpu.memory_space<vmem>>, vector<16xf32>,
        %scatter3A_824 = arith.constant 0 : i32
        %scatter3A_825 = arith.constant 0 : i32
        %scatter3A_826 = arith.constant 0 : i32
        %scatter3A_827 = tpu.memref_slice %arg9[%scan3A_320, %scatter3A_824, %scatter3A_825, %scatter3A_826] : memref<4x6x8x133xf32, #tpu.memory_space<vmem>> -> memref<1x6x8x133xf32, #tpu.memory_space<vmem>>
        %scatter3A_828 = tpu.memref_squeeze %scatter3A_827 : memref<1x6x8x133xf32, #tpu.memory_space<vmem>> -> memref<6x8x133xf32, #tpu.memory_space<vmem>>
        tpu.vector_store_idx %scatter3A_828[%shift_right_arithmetic3A_15, %and3A_18, %add3A_808], %get3A_823 : memref<6x8x133xf32, #tpu.memory_space<vmem>>[vector<16xi32>, vector<16xi32>, vector<16xi32>], vector<16xf32>,
        %get3A_829 = arith.constant 1 : i32
        %get3A_830 = arith.index_cast %get3A_829 : i32 to index
        %get3A_831 = arith.index_cast %add3A_804 : i32 to index
        %get3A_832 = arith.constant 0 : index
        %get3A_833 = tpu.vector_load %arg8[%get3A_830, %get3A_831, %get3A_832] {strides = array<i32>} : memref<4x128x16xf32, #tpu.memory_space<vmem>>, vector<16xf32>,
        %scatter3A_834 = arith.constant 0 : i32
        %scatter3A_835 = arith.constant 0 : i32
        %scatter3A_836 = arith.constant 0 : i32
        %scatter3A_837 = tpu.memref_slice %arg9[%scan3A_320, %scatter3A_834, %scatter3A_835, %scatter3A_836] : memref<4x6x8x133xf32, #tpu.memory_space<vmem>> -> memref<1x6x8x133xf32, #tpu.memory_space<vmem>>
        %scatter3A_838 = tpu.memref_squeeze %scatter3A_837 : memref<1x6x8x133xf32, #tpu.memory_space<vmem>> -> memref<6x8x133xf32, #tpu.memory_space<vmem>>
        tpu.vector_store_idx %scatter3A_838[%shift_right_arithmetic3A_24, %and3A_27, %add3A_808], %get3A_833 : memref<6x8x133xf32, #tpu.memory_space<vmem>>[vector<16xi32>, vector<16xi32>, vector<16xi32>], vector<16xf32>,
      }
      %scan3A_325 = arith.constant 128 : i32
      %shift_right_arithmetic3A_326 = arith.constant 3 : i32
      %shift_right_arithmetic3A_327 = arith.shrsi %add3A_281, %shift_right_arithmetic3A_326 : i32
      %and3A_328 = arith.constant 7 : i32
      %and3A_329 = arith.andi %add3A_281, %and3A_328 : i32
      %mul3A_330 = arith.constant 25 : i32
      %mul3A_331 = arith.muli %add3A, %mul3A_330 : i32
      %add3A_332 = arith.addi %mul3A_331, %shift_right_arithmetic3A_327 : i32
      %shift_right_arithmetic3A_333 = arith.constant 5 : i32
      %shift_right_arithmetic3A_334 = arith.shrsi %add3A_332, %shift_right_arithmetic3A_333 : i32
      %and3A_335 = arith.constant 31 : i32
      %and3A_336 = arith.andi %add3A_332, %and3A_335 : i32
      %mul3A_337 = arith.constant 8 : i32
      %mul3A_338 = arith.muli %shift_right_arithmetic3A_334, %mul3A_337 : i32
      %add3A_339 = arith.addi %mul3A_338, %and3A_329 : i32
      %dma_start3A_340 = arith.constant 1 : i32
      %dma_start3A_341 = arith.constant 0 : i32
      %dma_start3A_342 = arith.constant 0 : i32
      %dma_start3A_343 = arith.constant 0 : i32
      %dma_start3A_344 = tpu.memref_slice %arg9[%dma_start3A_340, %dma_start3A_341, %dma_start3A_342, %dma_start3A_343] : memref<4x6x8x133xf32, #tpu.memory_space<vmem>> -> memref<1x6x8x128xf32, #tpu.memory_space<vmem>>
      %dma_start3A_345 = tpu.memref_squeeze %dma_start3A_344 : memref<1x6x8x128xf32, #tpu.memory_space<vmem>> -> memref<6x8x128xf32, #tpu.memory_space<vmem>>
      %dma_start3A_346 = arith.constant 0 : i32
      %dma_start3A_347 = arith.constant 0 : i32
      %dma_start3A_348 = arith.constant 0 : i32
      %dma_start3A_349 = tpu.memref_slice %arg5[%add3A_339, %dma_start3A_346, %and3A_336, %dma_start3A_347, %dma_start3A_348] : memref<200x6x32x8x128xf32, #tpu.memory_space<hbm>> -> memref<1x6x1x8x128xf32, #tpu.memory_space<hbm>>
      %dma_start3A_350 = tpu.memref_squeeze %dma_start3A_349 : memref<1x6x1x8x128xf32, #tpu.memory_space<hbm>> -> memref<6x8x128xf32, #tpu.memory_space<hbm>>
      %dma_start3A_351 = arith.constant 0 : i32
      %dma_start3A_352 = arith.constant 0 : i32
      %dma_start3A_353 = arith.constant 0 : i32
      %dma_start3A_354 = tpu.memref_slice %arg5[%add3A_339, %dma_start3A_351, %and3A_336, %dma_start3A_352, %dma_start3A_353] : memref<200x6x32x8x128xf32, #tpu.memory_space<hbm>> -> memref<1x6x1x8x128xf32, #tpu.memory_space<hbm>>
      %dma_start3A_355 = tpu.memref_squeeze %dma_start3A_354 : memref<1x6x1x8x128xf32, #tpu.memory_space<hbm>> -> memref<6x8x128xf32, #tpu.memory_space<hbm>>
      %dma_start3A_356 = arith.constant 0 : i32
      %dma_start3A_357 = arith.constant 0 : i32
      %dma_start3A_358 = arith.constant 0 : i32
      %dma_start3A_359 = tpu.memref_slice %arg9[%dma_start3A_340, %dma_start3A_356, %dma_start3A_357, %dma_start3A_358] : memref<4x6x8x133xf32, #tpu.memory_space<vmem>> -> memref<1x6x8x128xf32, #tpu.memory_space<vmem>>
      %dma_start3A_360 = tpu.memref_squeeze %dma_start3A_359 : memref<1x6x8x128xf32, #tpu.memory_space<vmem>> -> memref<6x8x128xf32, #tpu.memory_space<vmem>>
      tpu.enqueue_dma source(%dma_start3A_360 : memref<6x8x128xf32, #tpu.memory_space<vmem>>) target(%dma_start3A_355 : memref<6x8x128xf32, #tpu.memory_space<hbm>>) target_semaphore(%arg15 : memref<!tpu.dma_semaphore, #tpu.memory_space<semaphore_mem>>)
      %add3A_361 = arith.constant 2 : i32
      %add3A_362 = arith.addi %add3A_202, %add3A_361 : i32
      %add3A_363 = arith.constant 2 : i32
      %add3A_364 = arith.addi %add3A_362, %add3A_363 : i32
      %lt3A_365 = arith.constant 200 : i32
      %lt3A_366 = arith.cmpi slt, %add3A_364, %lt3A_365 : i32
      %convert_element_type3A_367 = arith.extui %lt3A_366 : i1 to i32
      %cond3A_368 = arith.constant 0 : i32
      %cond3A_369 = arith.cmpi ne, %convert_element_type3A_367, %cond3A_368 : i32
      scf.if %cond3A_369 {
        %add3A_523 = arith.constant 2 : i32
        %add3A_524 = arith.addi %add3A_362, %add3A_523 : i32
        %shift_right_arithmetic3A_525 = arith.constant 3 : i32
        %shift_right_arithmetic3A_526 = arith.shrsi %add3A_524, %shift_right_arithmetic3A_525 : i32
        %and3A_527 = arith.constant 7 : i32
        %and3A_528 = arith.andi %add3A_524, %and3A_527 : i32
        %mul3A_529 = arith.constant 25 : i32
        %mul3A_530 = arith.muli %add3A, %mul3A_529 : i32
        %add3A_531 = arith.addi %mul3A_530, %shift_right_arithmetic3A_526 : i32
        %shift_right_arithmetic3A_532 = arith.constant 5 : i32
        %shift_right_arithmetic3A_533 = arith.shrsi %add3A_531, %shift_right_arithmetic3A_532 : i32
        %and3A_534 = arith.constant 31 : i32
        %and3A_535 = arith.andi %add3A_531, %and3A_534 : i32
        %mul3A_536 = arith.constant 8 : i32
        %mul3A_537 = arith.muli %shift_right_arithmetic3A_533, %mul3A_536 : i32
        %add3A_538 = arith.addi %mul3A_537, %and3A_528 : i32
        %dma_start3A_539 = arith.constant 0 : i32
        %dma_start3A_540 = arith.constant 0 : i32
        %dma_start3A_541 = arith.constant 0 : i32
        %dma_start3A_542 = tpu.memref_slice %arg7[%dma_start3A_539, %dma_start3A_540, %dma_start3A_541] : memref<4x128x32xf32, #tpu.memory_space<vmem>> -> memref<1x128x32xf32, #tpu.memory_space<vmem>>
        %dma_start3A_543 = tpu.memref_squeeze %dma_start3A_542 : memref<1x128x32xf32, #tpu.memory_space<vmem>> -> memref<128x32xf32, #tpu.memory_space<vmem>>
        %dma_start3A_544 = arith.constant 0 : i32
        %dma_start3A_545 = tpu.memref_slice %arg6[%shift_right_arithmetic3A_526, %and3A_528, %dma_start3A_544] : memref<25x8x128xi32, #tpu.memory_space<vmem>> -> memref<1x1x128xi32, #tpu.memory_space<vmem>>
        %dma_start3A_546 = tpu.memref_squeeze %dma_start3A_545 : memref<1x1x128xi32, #tpu.memory_space<vmem>> -> memref<128xi32, #tpu.memory_space<vmem>>
        %dma_start3A_547 = arith.constant 0 : i32
        %dma_start3A_548 = arith.constant 0 : i32
        %dma_start3A_549 = tpu.memref_slice %arg3[%dma_start3A_547, %dma_start3A_548] : memref<1000000x32xf32, #tpu.memory_space<hbm>> -> memref<1000000x32xf32, #tpu.memory_space<hbm>>
        tpu.enqueue_indirect_dma source(%dma_start3A_549 : memref<1000000x32xf32, #tpu.memory_space<hbm>>) target(%dma_start3A_543 : memref<128x32xf32, #tpu.memory_space<vmem>>) offsets(%dma_start3A_546 : memref<128xi32, #tpu.memory_space<vmem>>) semaphore(%arg10 : memref<!tpu.dma_semaphore, #tpu.memory_space<semaphore_mem>>)
        %dma_start3A_550 = arith.constant 0 : i32
        %dma_start3A_551 = arith.constant 0 : i32
        %dma_start3A_552 = arith.constant 0 : i32
        %dma_start3A_553 = tpu.memref_slice %arg8[%dma_start3A_550, %dma_start3A_551, %dma_start3A_552] : memref<4x128x16xf32, #tpu.memory_space<vmem>> -> memref<1x128x16xf32, #tpu.memory_space<vmem>>
        %dma_start3A_554 = tpu.memref_squeeze %dma_start3A_553 : memref<1x128x16xf32, #tpu.memory_space<vmem>> -> memref<128x16xf32, #tpu.memory_space<vmem>>
        %dma_start3A_555 = arith.constant 0 : i32
        %dma_start3A_556 = tpu.memref_slice %arg6[%shift_right_arithmetic3A_526, %and3A_528, %dma_start3A_555] : memref<25x8x128xi32, #tpu.memory_space<vmem>> -> memref<1x1x128xi32, #tpu.memory_space<vmem>>
        %dma_start3A_557 = tpu.memref_squeeze %dma_start3A_556 : memref<1x1x128xi32, #tpu.memory_space<vmem>> -> memref<128xi32, #tpu.memory_space<vmem>>
        %dma_start3A_558 = arith.constant 0 : i32
        %dma_start3A_559 = arith.constant 0 : i32
        %dma_start3A_560 = tpu.memref_slice %arg4[%dma_start3A_558, %dma_start3A_559] : memref<1000000x16xf32, #tpu.memory_space<hbm>> -> memref<1000000x16xf32, #tpu.memory_space<hbm>>
        tpu.enqueue_indirect_dma source(%dma_start3A_560 : memref<1000000x16xf32, #tpu.memory_space<hbm>>) target(%dma_start3A_554 : memref<128x16xf32, #tpu.memory_space<vmem>>) offsets(%dma_start3A_557 : memref<128xi32, #tpu.memory_space<vmem>>) semaphore(%arg10 : memref<!tpu.dma_semaphore, #tpu.memory_space<semaphore_mem>>)
      } else {
      }
      %dma_wait3A_370 = arith.constant 0 : i32
      %dma_wait3A_371 = arith.constant 0 : i32
      %dma_wait3A_372 = arith.constant 2 : i32
      %dma_wait3A_373 = arith.constant 0 : i32
      %dma_wait3A_374 = arith.constant 0 : i32
      %dma_wait3A_375 = tpu.memref_slice %arg7[%dma_wait3A_372, %dma_wait3A_373, %dma_wait3A_374] : memref<4x128x32xf32, #tpu.memory_space<vmem>> -> memref<1x128x32xf32, #tpu.memory_space<vmem>>
      %dma_wait3A_376 = tpu.memref_squeeze %dma_wait3A_375 : memref<1x128x32xf32, #tpu.memory_space<vmem>> -> memref<128x32xf32, #tpu.memory_space<vmem>>
      %dma_wait3A_377 = arith.constant 0 : i32
      %dma_wait3A_378 = tpu.memref_slice %arg6[%dma_wait3A_370, %dma_wait3A_371, %dma_wait3A_377] : memref<25x8x128xi32, #tpu.memory_space<vmem>> -> memref<1x1x128xi32, #tpu.memory_space<vmem>>
      %dma_wait3A_379 = tpu.memref_squeeze %dma_wait3A_378 : memref<1x1x128xi32, #tpu.memory_space<vmem>> -> memref<128xi32, #tpu.memory_space<vmem>>
      %dma_wait3A_380 = arith.constant 0 : i32
      %dma_wait3A_381 = arith.constant 0 : i32
      %dma_wait3A_382 = tpu.memref_slice %arg3[%dma_wait3A_380, %dma_wait3A_381] : memref<1000000x32xf32, #tpu.memory_space<hbm>> -> memref<1000000x32xf32, #tpu.memory_space<hbm>>
      tpu.wait_indirect_dma semaphore(%arg12 : memref<!tpu.dma_semaphore, #tpu.memory_space<semaphore_mem>>) src(%dma_wait3A_382 : memref<1000000x32xf32, #tpu.memory_space<hbm>>) dst(%dma_wait3A_376 : memref<128x32xf32, #tpu.memory_space<vmem>>)
      %dma_wait3A_383 = arith.constant 0 : i32
      %dma_wait3A_384 = arith.constant 0 : i32
      %dma_wait3A_385 = arith.constant 2 : i32
      %dma_wait3A_386 = arith.constant 0 : i32
      %dma_wait3A_387 = arith.constant 0 : i32
      %dma_wait3A_388 = tpu.memref_slice %arg8[%dma_wait3A_385, %dma_wait3A_386, %dma_wait3A_387] : memref<4x128x16xf32, #tpu.memory_space<vmem>> -> memref<1x128x16xf32, #tpu.memory_space<vmem>>
      %dma_wait3A_389 = tpu.memref_squeeze %dma_wait3A_388 : memref<1x128x16xf32, #tpu.memory_space<vmem>> -> memref<128x16xf32, #tpu.memory_space<vmem>>
      %dma_wait3A_390 = arith.constant 0 : i32
      %dma_wait3A_391 = tpu.memref_slice %arg6[%dma_wait3A_383, %dma_wait3A_384, %dma_wait3A_390] : memref<25x8x128xi32, #tpu.memory_space<vmem>> -> memref<1x1x128xi32, #tpu.memory_space<vmem>>
      %dma_wait3A_392 = tpu.memref_squeeze %dma_wait3A_391 : memref<1x1x128xi32, #tpu.memory_space<vmem>> -> memref<128xi32, #tpu.memory_space<vmem>>
      %dma_wait3A_393 = arith.constant 0 : i32
      %dma_wait3A_394 = arith.constant 0 : i32
      %dma_wait3A_395 = tpu.memref_slice %arg4[%dma_wait3A_393, %dma_wait3A_394] : memref<1000000x16xf32, #tpu.memory_space<hbm>> -> memref<1000000x16xf32, #tpu.memory_space<hbm>>
      tpu.wait_indirect_dma semaphore(%arg12 : memref<!tpu.dma_semaphore, #tpu.memory_space<semaphore_mem>>) src(%dma_wait3A_395 : memref<1000000x16xf32, #tpu.memory_space<hbm>>) dst(%dma_wait3A_389 : memref<128x16xf32, #tpu.memory_space<vmem>>)
      %ge3A_396 = arith.constant 4 : i32
      %ge3A_397 = arith.cmpi sge, %add3A_362, %ge3A_396 : i32
      %convert_element_type3A_398 = arith.extui %ge3A_397 : i1 to i32
      %cond3A_399 = arith.constant 0 : i32
      %cond3A_400 = arith.cmpi ne, %convert_element_type3A_398, %cond3A_399 : i32
      scf.if %cond3A_400 {
        %dma_wait3A_523 = arith.constant 2 : i32
        %dma_wait3A_524 = arith.constant 0 : i32
        %dma_wait3A_525 = arith.constant 0 : i32
        %dma_wait3A_526 = arith.constant 0 : i32
        %dma_wait3A_527 = arith.constant 0 : i32
        %dma_wait3A_528 = arith.constant 0 : i32
        %dma_wait3A_529 = tpu.memref_slice %arg9[%dma_wait3A_523, %dma_wait3A_526, %dma_wait3A_527, %dma_wait3A_528] : memref<4x6x8x133xf32, #tpu.memory_space<vmem>> -> memref<1x6x8x128xf32, #tpu.memory_space<vmem>>
        %dma_wait3A_530 = tpu.memref_squeeze %dma_wait3A_529 : memref<1x6x8x128xf32, #tpu.memory_space<vmem>> -> memref<6x8x128xf32, #tpu.memory_space<vmem>>
        %dma_wait3A_531 = arith.constant 0 : i32
        %dma_wait3A_532 = arith.constant 0 : i32
        %dma_wait3A_533 = arith.constant 0 : i32
        %dma_wait3A_534 = tpu.memref_slice %arg5[%dma_wait3A_524, %dma_wait3A_531, %dma_wait3A_525, %dma_wait3A_532, %dma_wait3A_533] : memref<200x6x32x8x128xf32, #tpu.memory_space<hbm>> -> memref<1x6x1x8x128xf32, #tpu.memory_space<hbm>>
        %dma_wait3A_535 = tpu.memref_squeeze %dma_wait3A_534 : memref<1x6x1x8x128xf32, #tpu.memory_space<hbm>> -> memref<6x8x128xf32, #tpu.memory_space<hbm>>
        %dma_wait3A_536 = arith.constant 0 : i32
        %dma_wait3A_537 = arith.constant 0 : i32
        %dma_wait3A_538 = arith.constant 0 : i32
        %dma_wait3A_539 = tpu.memref_slice %arg5[%dma_wait3A_524, %dma_wait3A_536, %dma_wait3A_525, %dma_wait3A_537, %dma_wait3A_538] : memref<200x6x32x8x128xf32, #tpu.memory_space<hbm>> -> memref<1x6x1x8x128xf32, #tpu.memory_space<hbm>>
        %dma_wait3A_540 = tpu.memref_squeeze %dma_wait3A_539 : memref<1x6x1x8x128xf32, #tpu.memory_space<hbm>> -> memref<6x8x128xf32, #tpu.memory_space<hbm>>
        %dma_wait3A_541 = arith.constant 0 : i32
        %dma_wait3A_542 = arith.constant 0 : i32
        %dma_wait3A_543 = arith.constant 0 : i32
        %dma_wait3A_544 = tpu.memref_slice %arg9[%dma_wait3A_523, %dma_wait3A_541, %dma_wait3A_542, %dma_wait3A_543] : memref<4x6x8x133xf32, #tpu.memory_space<vmem>> -> memref<1x6x8x128xf32, #tpu.memory_space<vmem>>
        %dma_wait3A_545 = tpu.memref_squeeze %dma_wait3A_544 : memref<1x6x8x128xf32, #tpu.memory_space<vmem>> -> memref<6x8x128xf32, #tpu.memory_space<vmem>>
        tpu.wait_dma2 semaphore(%arg16 : memref<!tpu.dma_semaphore, #tpu.memory_space<semaphore_mem>>) src(%dma_wait3A_545 : memref<6x8x128xf32, #tpu.memory_space<vmem>>) dst(%dma_wait3A_540 : memref<6x8x128xf32, #tpu.memory_space<hbm>>)
      } else {
      }
      %scan3A_401 = arith.constant 2 : i32
      %scan3A_402 = arith.constant 0 : i32
      %scan3A_403 = arith.constant 128 : i32
      %scan3A_404 = arith.addi %scan3A_402, %scan3A_403 : i32
      %scan3A_405 = arith.constant 8 : i32
      scf.for %scan3A_523 = %scan3A_402 to %scan3A_404 step %scan3A_405  : i32 {
        %mul3A_524 = arith.constant 1 : i32
        %mul3A_525 = arith.muli %scan3A_523, %mul3A_524 : i32
        %add3A_526 = arith.constant 0 : i32
        %add3A_527 = arith.addi %add3A_526, %mul3A_525 : i32
        %broadcast_in_dim3A = arith.constant 0 : i32
        %broadcast_in_dim3A_528 = vector.broadcast %broadcast_in_dim3A : i32 to vector<16xi32>
        %add3A_529 = vector.broadcast %add3A_527 : i32 to vector<16xi32>
        %add3A_530 = arith.addi %broadcast_in_dim3A_528, %add3A_529 : vector<16xi32>
        %get3A = arith.constant 2 : i32
        %get3A_531 = arith.index_cast %get3A : i32 to index
        %get3A_532 = arith.index_cast %add3A_527 : i32 to index
        %get3A_533 = arith.constant 0 : index
        %get3A_534 = tpu.vector_load %arg7[%get3A_531, %get3A_532, %get3A_533] {strides = array<i32>} : memref<4x128x32xf32, #tpu.memory_space<vmem>>, vector<16xf32>,
        %scatter3A = arith.constant 0 : i32
        %scatter3A_535 = arith.constant 0 : i32
        %scatter3A_536 = arith.constant 0 : i32
        %scatter3A_537 = tpu.memref_slice %arg9[%scan3A_401, %scatter3A, %scatter3A_535, %scatter3A_536] : memref<4x6x8x133xf32, #tpu.memory_space<vmem>> -> memref<1x6x8x133xf32, #tpu.memory_space<vmem>>
        %scatter3A_538 = tpu.memref_squeeze %scatter3A_537 : memref<1x6x8x133xf32, #tpu.memory_space<vmem>> -> memref<6x8x133xf32, #tpu.memory_space<vmem>>
        tpu.vector_store_idx %scatter3A_538[%shift_right_arithmetic3A_7, %and3A_9, %add3A_530], %get3A_534 : memref<6x8x133xf32, #tpu.memory_space<vmem>>[vector<16xi32>, vector<16xi32>, vector<16xi32>], vector<16xf32>,
        %get3A_539 = arith.constant 2 : i32
        %get3A_540 = arith.index_cast %get3A_539 : i32 to index
        %get3A_541 = arith.index_cast %add3A_527 : i32 to index
        %get3A_542 = arith.constant 16 : index
        %get3A_543 = tpu.vector_load %arg7[%get3A_540, %get3A_541, %get3A_542] {strides = array<i32>} : memref<4x128x32xf32, #tpu.memory_space<vmem>>, vector<16xf32>,
        %scatter3A_544 = arith.constant 0 : i32
        %scatter3A_545 = arith.constant 0 : i32
        %scatter3A_546 = arith.constant 0 : i32
        %scatter3A_547 = tpu.memref_slice %arg9[%scan3A_401, %scatter3A_544, %scatter3A_545, %scatter3A_546] : memref<4x6x8x133xf32, #tpu.memory_space<vmem>> -> memref<1x6x8x133xf32, #tpu.memory_space<vmem>>
        %scatter3A_548 = tpu.memref_squeeze %scatter3A_547 : memref<1x6x8x133xf32, #tpu.memory_space<vmem>> -> memref<6x8x133xf32, #tpu.memory_space<vmem>>
        tpu.vector_store_idx %scatter3A_548[%shift_right_arithmetic3A_15, %and3A_18, %add3A_530], %get3A_543 : memref<6x8x133xf32, #tpu.memory_space<vmem>>[vector<16xi32>, vector<16xi32>, vector<16xi32>], vector<16xf32>,
        %get3A_549 = arith.constant 2 : i32
        %get3A_550 = arith.index_cast %get3A_549 : i32 to index
        %get3A_551 = arith.index_cast %add3A_527 : i32 to index
        %get3A_552 = arith.constant 0 : index
        %get3A_553 = tpu.vector_load %arg8[%get3A_550, %get3A_551, %get3A_552] {strides = array<i32>} : memref<4x128x16xf32, #tpu.memory_space<vmem>>, vector<16xf32>,
        %scatter3A_554 = arith.constant 0 : i32
        %scatter3A_555 = arith.constant 0 : i32
        %scatter3A_556 = arith.constant 0 : i32
        %scatter3A_557 = tpu.memref_slice %arg9[%scan3A_401, %scatter3A_554, %scatter3A_555, %scatter3A_556] : memref<4x6x8x133xf32, #tpu.memory_space<vmem>> -> memref<1x6x8x133xf32, #tpu.memory_space<vmem>>
        %scatter3A_558 = tpu.memref_squeeze %scatter3A_557 : memref<1x6x8x133xf32, #tpu.memory_space<vmem>> -> memref<6x8x133xf32, #tpu.memory_space<vmem>>
        tpu.vector_store_idx %scatter3A_558[%shift_right_arithmetic3A_24, %and3A_27, %add3A_530], %get3A_553 : memref<6x8x133xf32, #tpu.memory_space<vmem>>[vector<16xi32>, vector<16xi32>, vector<16xi32>], vector<16xf32>,
        %scan3A_559 = arith.constant 1 : i32
        %scan3A_560 = arith.addi %scan3A_523, %scan3A_559 : i32
        %mul3A_561 = arith.constant 1 : i32
        %mul3A_562 = arith.muli %scan3A_560, %mul3A_561 : i32
        %add3A_563 = arith.constant 0 : i32
        %add3A_564 = arith.addi %add3A_563, %mul3A_562 : i32
        %broadcast_in_dim3A_565 = arith.constant 0 : i32
        %broadcast_in_dim3A_566 = vector.broadcast %broadcast_in_dim3A_565 : i32 to vector<16xi32>
        %add3A_567 = vector.broadcast %add3A_564 : i32 to vector<16xi32>
        %add3A_568 = arith.addi %broadcast_in_dim3A_566, %add3A_567 : vector<16xi32>
        %get3A_569 = arith.constant 2 : i32
        %get3A_570 = arith.index_cast %get3A_569 : i32 to index
        %get3A_571 = arith.index_cast %add3A_564 : i32 to index
        %get3A_572 = arith.constant 0 : index
        %get3A_573 = tpu.vector_load %arg7[%get3A_570, %get3A_571, %get3A_572] {strides = array<i32>} : memref<4x128x32xf32, #tpu.memory_space<vmem>>, vector<16xf32>,
        %scatter3A_574 = arith.constant 0 : i32
        %scatter3A_575 = arith.constant 0 : i32
        %scatter3A_576 = arith.constant 0 : i32
        %scatter3A_577 = tpu.memref_slice %arg9[%scan3A_401, %scatter3A_574, %scatter3A_575, %scatter3A_576] : memref<4x6x8x133xf32, #tpu.memory_space<vmem>> -> memref<1x6x8x133xf32, #tpu.memory_space<vmem>>
        %scatter3A_578 = tpu.memref_squeeze %scatter3A_577 : memref<1x6x8x133xf32, #tpu.memory_space<vmem>> -> memref<6x8x133xf32, #tpu.memory_space<vmem>>
        tpu.vector_store_idx %scatter3A_578[%shift_right_arithmetic3A_7, %and3A_9, %add3A_568], %get3A_573 : memref<6x8x133xf32, #tpu.memory_space<vmem>>[vector<16xi32>, vector<16xi32>, vector<16xi32>], vector<16xf32>,
        %get3A_579 = arith.constant 2 : i32
        %get3A_580 = arith.index_cast %get3A_579 : i32 to index
        %get3A_581 = arith.index_cast %add3A_564 : i32 to index
        %get3A_582 = arith.constant 16 : index
        %get3A_583 = tpu.vector_load %arg7[%get3A_580, %get3A_581, %get3A_582] {strides = array<i32>} : memref<4x128x32xf32, #tpu.memory_space<vmem>>, vector<16xf32>,
        %scatter3A_584 = arith.constant 0 : i32
        %scatter3A_585 = arith.constant 0 : i32
        %scatter3A_586 = arith.constant 0 : i32
        %scatter3A_587 = tpu.memref_slice %arg9[%scan3A_401, %scatter3A_584, %scatter3A_585, %scatter3A_586] : memref<4x6x8x133xf32, #tpu.memory_space<vmem>> -> memref<1x6x8x133xf32, #tpu.memory_space<vmem>>
        %scatter3A_588 = tpu.memref_squeeze %scatter3A_587 : memref<1x6x8x133xf32, #tpu.memory_space<vmem>> -> memref<6x8x133xf32, #tpu.memory_space<vmem>>
        tpu.vector_store_idx %scatter3A_588[%shift_right_arithmetic3A_15, %and3A_18, %add3A_568], %get3A_583 : memref<6x8x133xf32, #tpu.memory_space<vmem>>[vector<16xi32>, vector<16xi32>, vector<16xi32>], vector<16xf32>,
        %get3A_589 = arith.constant 2 : i32
        %get3A_590 = arith.index_cast %get3A_589 : i32 to index
        %get3A_591 = arith.index_cast %add3A_564 : i32 to index
        %get3A_592 = arith.constant 0 : index
        %get3A_593 = tpu.vector_load %arg8[%get3A_590, %get3A_591, %get3A_592] {strides = array<i32>} : memref<4x128x16xf32, #tpu.memory_space<vmem>>, vector<16xf32>,
        %scatter3A_594 = arith.constant 0 : i32
        %scatter3A_595 = arith.constant 0 : i32
        %scatter3A_596 = arith.constant 0 : i32
        %scatter3A_597 = tpu.memref_slice %arg9[%scan3A_401, %scatter3A_594, %scatter3A_595, %scatter3A_596] : memref<4x6x8x133xf32, #tpu.memory_space<vmem>> -> memref<1x6x8x133xf32, #tpu.memory_space<vmem>>
        %scatter3A_598 = tpu.memref_squeeze %scatter3A_597 : memref<1x6x8x133xf32, #tpu.memory_space<vmem>> -> memref<6x8x133xf32, #tpu.memory_space<vmem>>
        tpu.vector_store_idx %scatter3A_598[%shift_right_arithmetic3A_24, %and3A_27, %add3A_568], %get3A_593 : memref<6x8x133xf32, #tpu.memory_space<vmem>>[vector<16xi32>, vector<16xi32>, vector<16xi32>], vector<16xf32>,
        %scan3A_599 = arith.constant 2 : i32
        %scan3A_600 = arith.addi %scan3A_523, %scan3A_599 : i32
        %mul3A_601 = arith.constant 1 : i32
        %mul3A_602 = arith.muli %scan3A_600, %mul3A_601 : i32
        %add3A_603 = arith.constant 0 : i32
        %add3A_604 = arith.addi %add3A_603, %mul3A_602 : i32
        %broadcast_in_dim3A_605 = arith.constant 0 : i32
        %broadcast_in_dim3A_606 = vector.broadcast %broadcast_in_dim3A_605 : i32 to vector<16xi32>
        %add3A_607 = vector.broadcast %add3A_604 : i32 to vector<16xi32>
        %add3A_608 = arith.addi %broadcast_in_dim3A_606, %add3A_607 : vector<16xi32>
        %get3A_609 = arith.constant 2 : i32
        %get3A_610 = arith.index_cast %get3A_609 : i32 to index
        %get3A_611 = arith.index_cast %add3A_604 : i32 to index
        %get3A_612 = arith.constant 0 : index
        %get3A_613 = tpu.vector_load %arg7[%get3A_610, %get3A_611, %get3A_612] {strides = array<i32>} : memref<4x128x32xf32, #tpu.memory_space<vmem>>, vector<16xf32>,
        %scatter3A_614 = arith.constant 0 : i32
        %scatter3A_615 = arith.constant 0 : i32
        %scatter3A_616 = arith.constant 0 : i32
        %scatter3A_617 = tpu.memref_slice %arg9[%scan3A_401, %scatter3A_614, %scatter3A_615, %scatter3A_616] : memref<4x6x8x133xf32, #tpu.memory_space<vmem>> -> memref<1x6x8x133xf32, #tpu.memory_space<vmem>>
        %scatter3A_618 = tpu.memref_squeeze %scatter3A_617 : memref<1x6x8x133xf32, #tpu.memory_space<vmem>> -> memref<6x8x133xf32, #tpu.memory_space<vmem>>
        tpu.vector_store_idx %scatter3A_618[%shift_right_arithmetic3A_7, %and3A_9, %add3A_608], %get3A_613 : memref<6x8x133xf32, #tpu.memory_space<vmem>>[vector<16xi32>, vector<16xi32>, vector<16xi32>], vector<16xf32>,
        %get3A_619 = arith.constant 2 : i32
        %get3A_620 = arith.index_cast %get3A_619 : i32 to index
        %get3A_621 = arith.index_cast %add3A_604 : i32 to index
        %get3A_622 = arith.constant 16 : index
        %get3A_623 = tpu.vector_load %arg7[%get3A_620, %get3A_621, %get3A_622] {strides = array<i32>} : memref<4x128x32xf32, #tpu.memory_space<vmem>>, vector<16xf32>,
        %scatter3A_624 = arith.constant 0 : i32
        %scatter3A_625 = arith.constant 0 : i32
        %scatter3A_626 = arith.constant 0 : i32
        %scatter3A_627 = tpu.memref_slice %arg9[%scan3A_401, %scatter3A_624, %scatter3A_625, %scatter3A_626] : memref<4x6x8x133xf32, #tpu.memory_space<vmem>> -> memref<1x6x8x133xf32, #tpu.memory_space<vmem>>
        %scatter3A_628 = tpu.memref_squeeze %scatter3A_627 : memref<1x6x8x133xf32, #tpu.memory_space<vmem>> -> memref<6x8x133xf32, #tpu.memory_space<vmem>>
        tpu.vector_store_idx %scatter3A_628[%shift_right_arithmetic3A_15, %and3A_18, %add3A_608], %get3A_623 : memref<6x8x133xf32, #tpu.memory_space<vmem>>[vector<16xi32>, vector<16xi32>, vector<16xi32>], vector<16xf32>,
        %get3A_629 = arith.constant 2 : i32
        %get3A_630 = arith.index_cast %get3A_629 : i32 to index
        %get3A_631 = arith.index_cast %add3A_604 : i32 to index
        %get3A_632 = arith.constant 0 : index
        %get3A_633 = tpu.vector_load %arg8[%get3A_630, %get3A_631, %get3A_632] {strides = array<i32>} : memref<4x128x16xf32, #tpu.memory_space<vmem>>, vector<16xf32>,
        %scatter3A_634 = arith.constant 0 : i32
        %scatter3A_635 = arith.constant 0 : i32
        %scatter3A_636 = arith.constant 0 : i32
        %scatter3A_637 = tpu.memref_slice %arg9[%scan3A_401, %scatter3A_634, %scatter3A_635, %scatter3A_636] : memref<4x6x8x133xf32, #tpu.memory_space<vmem>> -> memref<1x6x8x133xf32, #tpu.memory_space<vmem>>
        %scatter3A_638 = tpu.memref_squeeze %scatter3A_637 : memref<1x6x8x133xf32, #tpu.memory_space<vmem>> -> memref<6x8x133xf32, #tpu.memory_space<vmem>>
        tpu.vector_store_idx %scatter3A_638[%shift_right_arithmetic3A_24, %and3A_27, %add3A_608], %get3A_633 : memref<6x8x133xf32, #tpu.memory_space<vmem>>[vector<16xi32>, vector<16xi32>, vector<16xi32>], vector<16xf32>,
        %scan3A_639 = arith.constant 3 : i32
        %scan3A_640 = arith.addi %scan3A_523, %scan3A_639 : i32
        %mul3A_641 = arith.constant 1 : i32
        %mul3A_642 = arith.muli %scan3A_640, %mul3A_641 : i32
        %add3A_643 = arith.constant 0 : i32
        %add3A_644 = arith.addi %add3A_643, %mul3A_642 : i32
        %broadcast_in_dim3A_645 = arith.constant 0 : i32
        %broadcast_in_dim3A_646 = vector.broadcast %broadcast_in_dim3A_645 : i32 to vector<16xi32>
        %add3A_647 = vector.broadcast %add3A_644 : i32 to vector<16xi32>
        %add3A_648 = arith.addi %broadcast_in_dim3A_646, %add3A_647 : vector<16xi32>
        %get3A_649 = arith.constant 2 : i32
        %get3A_650 = arith.index_cast %get3A_649 : i32 to index
        %get3A_651 = arith.index_cast %add3A_644 : i32 to index
        %get3A_652 = arith.constant 0 : index
        %get3A_653 = tpu.vector_load %arg7[%get3A_650, %get3A_651, %get3A_652] {strides = array<i32>} : memref<4x128x32xf32, #tpu.memory_space<vmem>>, vector<16xf32>,
        %scatter3A_654 = arith.constant 0 : i32
        %scatter3A_655 = arith.constant 0 : i32
        %scatter3A_656 = arith.constant 0 : i32
        %scatter3A_657 = tpu.memref_slice %arg9[%scan3A_401, %scatter3A_654, %scatter3A_655, %scatter3A_656] : memref<4x6x8x133xf32, #tpu.memory_space<vmem>> -> memref<1x6x8x133xf32, #tpu.memory_space<vmem>>
        %scatter3A_658 = tpu.memref_squeeze %scatter3A_657 : memref<1x6x8x133xf32, #tpu.memory_space<vmem>> -> memref<6x8x133xf32, #tpu.memory_space<vmem>>
        tpu.vector_store_idx %scatter3A_658[%shift_right_arithmetic3A_7, %and3A_9, %add3A_648], %get3A_653 : memref<6x8x133xf32, #tpu.memory_space<vmem>>[vector<16xi32>, vector<16xi32>, vector<16xi32>], vector<16xf32>,
        %get3A_659 = arith.constant 2 : i32
        %get3A_660 = arith.index_cast %get3A_659 : i32 to index
        %get3A_661 = arith.index_cast %add3A_644 : i32 to index
        %get3A_662 = arith.constant 16 : index
        %get3A_663 = tpu.vector_load %arg7[%get3A_660, %get3A_661, %get3A_662] {strides = array<i32>} : memref<4x128x32xf32, #tpu.memory_space<vmem>>, vector<16xf32>,
        %scatter3A_664 = arith.constant 0 : i32
        %scatter3A_665 = arith.constant 0 : i32
        %scatter3A_666 = arith.constant 0 : i32
        %scatter3A_667 = tpu.memref_slice %arg9[%scan3A_401, %scatter3A_664, %scatter3A_665, %scatter3A_666] : memref<4x6x8x133xf32, #tpu.memory_space<vmem>> -> memref<1x6x8x133xf32, #tpu.memory_space<vmem>>
        %scatter3A_668 = tpu.memref_squeeze %scatter3A_667 : memref<1x6x8x133xf32, #tpu.memory_space<vmem>> -> memref<6x8x133xf32, #tpu.memory_space<vmem>>
        tpu.vector_store_idx %scatter3A_668[%shift_right_arithmetic3A_15, %and3A_18, %add3A_648], %get3A_663 : memref<6x8x133xf32, #tpu.memory_space<vmem>>[vector<16xi32>, vector<16xi32>, vector<16xi32>], vector<16xf32>,
        %get3A_669 = arith.constant 2 : i32
        %get3A_670 = arith.index_cast %get3A_669 : i32 to index
        %get3A_671 = arith.index_cast %add3A_644 : i32 to index
        %get3A_672 = arith.constant 0 : index
        %get3A_673 = tpu.vector_load %arg8[%get3A_670, %get3A_671, %get3A_672] {strides = array<i32>} : memref<4x128x16xf32, #tpu.memory_space<vmem>>, vector<16xf32>,
        %scatter3A_674 = arith.constant 0 : i32
        %scatter3A_675 = arith.constant 0 : i32
        %scatter3A_676 = arith.constant 0 : i32
        %scatter3A_677 = tpu.memref_slice %arg9[%scan3A_401, %scatter3A_674, %scatter3A_675, %scatter3A_676] : memref<4x6x8x133xf32, #tpu.memory_space<vmem>> -> memref<1x6x8x133xf32, #tpu.memory_space<vmem>>
        %scatter3A_678 = tpu.memref_squeeze %scatter3A_677 : memref<1x6x8x133xf32, #tpu.memory_space<vmem>> -> memref<6x8x133xf32, #tpu.memory_space<vmem>>
        tpu.vector_store_idx %scatter3A_678[%shift_right_arithmetic3A_24, %and3A_27, %add3A_648], %get3A_673 : memref<6x8x133xf32, #tpu.memory_space<vmem>>[vector<16xi32>, vector<16xi32>, vector<16xi32>], vector<16xf32>,
        %scan3A_679 = arith.constant 4 : i32
        %scan3A_680 = arith.addi %scan3A_523, %scan3A_679 : i32
        %mul3A_681 = arith.constant 1 : i32
        %mul3A_682 = arith.muli %scan3A_680, %mul3A_681 : i32
        %add3A_683 = arith.constant 0 : i32
        %add3A_684 = arith.addi %add3A_683, %mul3A_682 : i32
        %broadcast_in_dim3A_685 = arith.constant 0 : i32
        %broadcast_in_dim3A_686 = vector.broadcast %broadcast_in_dim3A_685 : i32 to vector<16xi32>
        %add3A_687 = vector.broadcast %add3A_684 : i32 to vector<16xi32>
        %add3A_688 = arith.addi %broadcast_in_dim3A_686, %add3A_687 : vector<16xi32>
        %get3A_689 = arith.constant 2 : i32
        %get3A_690 = arith.index_cast %get3A_689 : i32 to index
        %get3A_691 = arith.index_cast %add3A_684 : i32 to index
        %get3A_692 = arith.constant 0 : index
        %get3A_693 = tpu.vector_load %arg7[%get3A_690, %get3A_691, %get3A_692] {strides = array<i32>} : memref<4x128x32xf32, #tpu.memory_space<vmem>>, vector<16xf32>,
        %scatter3A_694 = arith.constant 0 : i32
        %scatter3A_695 = arith.constant 0 : i32
        %scatter3A_696 = arith.constant 0 : i32
        %scatter3A_697 = tpu.memref_slice %arg9[%scan3A_401, %scatter3A_694, %scatter3A_695, %scatter3A_696] : memref<4x6x8x133xf32, #tpu.memory_space<vmem>> -> memref<1x6x8x133xf32, #tpu.memory_space<vmem>>
        %scatter3A_698 = tpu.memref_squeeze %scatter3A_697 : memref<1x6x8x133xf32, #tpu.memory_space<vmem>> -> memref<6x8x133xf32, #tpu.memory_space<vmem>>
        tpu.vector_store_idx %scatter3A_698[%shift_right_arithmetic3A_7, %and3A_9, %add3A_688], %get3A_693 : memref<6x8x133xf32, #tpu.memory_space<vmem>>[vector<16xi32>, vector<16xi32>, vector<16xi32>], vector<16xf32>,
        %get3A_699 = arith.constant 2 : i32
        %get3A_700 = arith.index_cast %get3A_699 : i32 to index
        %get3A_701 = arith.index_cast %add3A_684 : i32 to index
        %get3A_702 = arith.constant 16 : index
        %get3A_703 = tpu.vector_load %arg7[%get3A_700, %get3A_701, %get3A_702] {strides = array<i32>} : memref<4x128x32xf32, #tpu.memory_space<vmem>>, vector<16xf32>,
        %scatter3A_704 = arith.constant 0 : i32
        %scatter3A_705 = arith.constant 0 : i32
        %scatter3A_706 = arith.constant 0 : i32
        %scatter3A_707 = tpu.memref_slice %arg9[%scan3A_401, %scatter3A_704, %scatter3A_705, %scatter3A_706] : memref<4x6x8x133xf32, #tpu.memory_space<vmem>> -> memref<1x6x8x133xf32, #tpu.memory_space<vmem>>
        %scatter3A_708 = tpu.memref_squeeze %scatter3A_707 : memref<1x6x8x133xf32, #tpu.memory_space<vmem>> -> memref<6x8x133xf32, #tpu.memory_space<vmem>>
        tpu.vector_store_idx %scatter3A_708[%shift_right_arithmetic3A_15, %and3A_18, %add3A_688], %get3A_703 : memref<6x8x133xf32, #tpu.memory_space<vmem>>[vector<16xi32>, vector<16xi32>, vector<16xi32>], vector<16xf32>,
        %get3A_709 = arith.constant 2 : i32
        %get3A_710 = arith.index_cast %get3A_709 : i32 to index
        %get3A_711 = arith.index_cast %add3A_684 : i32 to index
        %get3A_712 = arith.constant 0 : index
        %get3A_713 = tpu.vector_load %arg8[%get3A_710, %get3A_711, %get3A_712] {strides = array<i32>} : memref<4x128x16xf32, #tpu.memory_space<vmem>>, vector<16xf32>,
        %scatter3A_714 = arith.constant 0 : i32
        %scatter3A_715 = arith.constant 0 : i32
        %scatter3A_716 = arith.constant 0 : i32
        %scatter3A_717 = tpu.memref_slice %arg9[%scan3A_401, %scatter3A_714, %scatter3A_715, %scatter3A_716] : memref<4x6x8x133xf32, #tpu.memory_space<vmem>> -> memref<1x6x8x133xf32, #tpu.memory_space<vmem>>
        %scatter3A_718 = tpu.memref_squeeze %scatter3A_717 : memref<1x6x8x133xf32, #tpu.memory_space<vmem>> -> memref<6x8x133xf32, #tpu.memory_space<vmem>>
        tpu.vector_store_idx %scatter3A_718[%shift_right_arithmetic3A_24, %and3A_27, %add3A_688], %get3A_713 : memref<6x8x133xf32, #tpu.memory_space<vmem>>[vector<16xi32>, vector<16xi32>, vector<16xi32>], vector<16xf32>,
        %scan3A_719 = arith.constant 5 : i32
        %scan3A_720 = arith.addi %scan3A_523, %scan3A_719 : i32
        %mul3A_721 = arith.constant 1 : i32
        %mul3A_722 = arith.muli %scan3A_720, %mul3A_721 : i32
        %add3A_723 = arith.constant 0 : i32
        %add3A_724 = arith.addi %add3A_723, %mul3A_722 : i32
        %broadcast_in_dim3A_725 = arith.constant 0 : i32
        %broadcast_in_dim3A_726 = vector.broadcast %broadcast_in_dim3A_725 : i32 to vector<16xi32>
        %add3A_727 = vector.broadcast %add3A_724 : i32 to vector<16xi32>
        %add3A_728 = arith.addi %broadcast_in_dim3A_726, %add3A_727 : vector<16xi32>
        %get3A_729 = arith.constant 2 : i32
        %get3A_730 = arith.index_cast %get3A_729 : i32 to index
        %get3A_731 = arith.index_cast %add3A_724 : i32 to index
        %get3A_732 = arith.constant 0 : index
        %get3A_733 = tpu.vector_load %arg7[%get3A_730, %get3A_731, %get3A_732] {strides = array<i32>} : memref<4x128x32xf32, #tpu.memory_space<vmem>>, vector<16xf32>,
        %scatter3A_734 = arith.constant 0 : i32
        %scatter3A_735 = arith.constant 0 : i32
        %scatter3A_736 = arith.constant 0 : i32
        %scatter3A_737 = tpu.memref_slice %arg9[%scan3A_401, %scatter3A_734, %scatter3A_735, %scatter3A_736] : memref<4x6x8x133xf32, #tpu.memory_space<vmem>> -> memref<1x6x8x133xf32, #tpu.memory_space<vmem>>
        %scatter3A_738 = tpu.memref_squeeze %scatter3A_737 : memref<1x6x8x133xf32, #tpu.memory_space<vmem>> -> memref<6x8x133xf32, #tpu.memory_space<vmem>>
        tpu.vector_store_idx %scatter3A_738[%shift_right_arithmetic3A_7, %and3A_9, %add3A_728], %get3A_733 : memref<6x8x133xf32, #tpu.memory_space<vmem>>[vector<16xi32>, vector<16xi32>, vector<16xi32>], vector<16xf32>,
        %get3A_739 = arith.constant 2 : i32
        %get3A_740 = arith.index_cast %get3A_739 : i32 to index
        %get3A_741 = arith.index_cast %add3A_724 : i32 to index
        %get3A_742 = arith.constant 16 : index
        %get3A_743 = tpu.vector_load %arg7[%get3A_740, %get3A_741, %get3A_742] {strides = array<i32>} : memref<4x128x32xf32, #tpu.memory_space<vmem>>, vector<16xf32>,
        %scatter3A_744 = arith.constant 0 : i32
        %scatter3A_745 = arith.constant 0 : i32
        %scatter3A_746 = arith.constant 0 : i32
        %scatter3A_747 = tpu.memref_slice %arg9[%scan3A_401, %scatter3A_744, %scatter3A_745, %scatter3A_746] : memref<4x6x8x133xf32, #tpu.memory_space<vmem>> -> memref<1x6x8x133xf32, #tpu.memory_space<vmem>>
        %scatter3A_748 = tpu.memref_squeeze %scatter3A_747 : memref<1x6x8x133xf32, #tpu.memory_space<vmem>> -> memref<6x8x133xf32, #tpu.memory_space<vmem>>
        tpu.vector_store_idx %scatter3A_748[%shift_right_arithmetic3A_15, %and3A_18, %add3A_728], %get3A_743 : memref<6x8x133xf32, #tpu.memory_space<vmem>>[vector<16xi32>, vector<16xi32>, vector<16xi32>], vector<16xf32>,
        %get3A_749 = arith.constant 2 : i32
        %get3A_750 = arith.index_cast %get3A_749 : i32 to index
        %get3A_751 = arith.index_cast %add3A_724 : i32 to index
        %get3A_752 = arith.constant 0 : index
        %get3A_753 = tpu.vector_load %arg8[%get3A_750, %get3A_751, %get3A_752] {strides = array<i32>} : memref<4x128x16xf32, #tpu.memory_space<vmem>>, vector<16xf32>,
        %scatter3A_754 = arith.constant 0 : i32
        %scatter3A_755 = arith.constant 0 : i32
        %scatter3A_756 = arith.constant 0 : i32
        %scatter3A_757 = tpu.memref_slice %arg9[%scan3A_401, %scatter3A_754, %scatter3A_755, %scatter3A_756] : memref<4x6x8x133xf32, #tpu.memory_space<vmem>> -> memref<1x6x8x133xf32, #tpu.memory_space<vmem>>
        %scatter3A_758 = tpu.memref_squeeze %scatter3A_757 : memref<1x6x8x133xf32, #tpu.memory_space<vmem>> -> memref<6x8x133xf32, #tpu.memory_space<vmem>>
        tpu.vector_store_idx %scatter3A_758[%shift_right_arithmetic3A_24, %and3A_27, %add3A_728], %get3A_753 : memref<6x8x133xf32, #tpu.memory_space<vmem>>[vector<16xi32>, vector<16xi32>, vector<16xi32>], vector<16xf32>,
        %scan3A_759 = arith.constant 6 : i32
        %scan3A_760 = arith.addi %scan3A_523, %scan3A_759 : i32
        %mul3A_761 = arith.constant 1 : i32
        %mul3A_762 = arith.muli %scan3A_760, %mul3A_761 : i32
        %add3A_763 = arith.constant 0 : i32
        %add3A_764 = arith.addi %add3A_763, %mul3A_762 : i32
        %broadcast_in_dim3A_765 = arith.constant 0 : i32
        %broadcast_in_dim3A_766 = vector.broadcast %broadcast_in_dim3A_765 : i32 to vector<16xi32>
        %add3A_767 = vector.broadcast %add3A_764 : i32 to vector<16xi32>
        %add3A_768 = arith.addi %broadcast_in_dim3A_766, %add3A_767 : vector<16xi32>
        %get3A_769 = arith.constant 2 : i32
        %get3A_770 = arith.index_cast %get3A_769 : i32 to index
        %get3A_771 = arith.index_cast %add3A_764 : i32 to index
        %get3A_772 = arith.constant 0 : index
        %get3A_773 = tpu.vector_load %arg7[%get3A_770, %get3A_771, %get3A_772] {strides = array<i32>} : memref<4x128x32xf32, #tpu.memory_space<vmem>>, vector<16xf32>,
        %scatter3A_774 = arith.constant 0 : i32
        %scatter3A_775 = arith.constant 0 : i32
        %scatter3A_776 = arith.constant 0 : i32
        %scatter3A_777 = tpu.memref_slice %arg9[%scan3A_401, %scatter3A_774, %scatter3A_775, %scatter3A_776] : memref<4x6x8x133xf32, #tpu.memory_space<vmem>> -> memref<1x6x8x133xf32, #tpu.memory_space<vmem>>
        %scatter3A_778 = tpu.memref_squeeze %scatter3A_777 : memref<1x6x8x133xf32, #tpu.memory_space<vmem>> -> memref<6x8x133xf32, #tpu.memory_space<vmem>>
        tpu.vector_store_idx %scatter3A_778[%shift_right_arithmetic3A_7, %and3A_9, %add3A_768], %get3A_773 : memref<6x8x133xf32, #tpu.memory_space<vmem>>[vector<16xi32>, vector<16xi32>, vector<16xi32>], vector<16xf32>,
        %get3A_779 = arith.constant 2 : i32
        %get3A_780 = arith.index_cast %get3A_779 : i32 to index
        %get3A_781 = arith.index_cast %add3A_764 : i32 to index
        %get3A_782 = arith.constant 16 : index
        %get3A_783 = tpu.vector_load %arg7[%get3A_780, %get3A_781, %get3A_782] {strides = array<i32>} : memref<4x128x32xf32, #tpu.memory_space<vmem>>, vector<16xf32>,
        %scatter3A_784 = arith.constant 0 : i32
        %scatter3A_785 = arith.constant 0 : i32
        %scatter3A_786 = arith.constant 0 : i32
        %scatter3A_787 = tpu.memref_slice %arg9[%scan3A_401, %scatter3A_784, %scatter3A_785, %scatter3A_786] : memref<4x6x8x133xf32, #tpu.memory_space<vmem>> -> memref<1x6x8x133xf32, #tpu.memory_space<vmem>>
        %scatter3A_788 = tpu.memref_squeeze %scatter3A_787 : memref<1x6x8x133xf32, #tpu.memory_space<vmem>> -> memref<6x8x133xf32, #tpu.memory_space<vmem>>
        tpu.vector_store_idx %scatter3A_788[%shift_right_arithmetic3A_15, %and3A_18, %add3A_768], %get3A_783 : memref<6x8x133xf32, #tpu.memory_space<vmem>>[vector<16xi32>, vector<16xi32>, vector<16xi32>], vector<16xf32>,
        %get3A_789 = arith.constant 2 : i32
        %get3A_790 = arith.index_cast %get3A_789 : i32 to index
        %get3A_791 = arith.index_cast %add3A_764 : i32 to index
        %get3A_792 = arith.constant 0 : index
        %get3A_793 = tpu.vector_load %arg8[%get3A_790, %get3A_791, %get3A_792] {strides = array<i32>} : memref<4x128x16xf32, #tpu.memory_space<vmem>>, vector<16xf32>,
        %scatter3A_794 = arith.constant 0 : i32
        %scatter3A_795 = arith.constant 0 : i32
        %scatter3A_796 = arith.constant 0 : i32
        %scatter3A_797 = tpu.memref_slice %arg9[%scan3A_401, %scatter3A_794, %scatter3A_795, %scatter3A_796] : memref<4x6x8x133xf32, #tpu.memory_space<vmem>> -> memref<1x6x8x133xf32, #tpu.memory_space<vmem>>
        %scatter3A_798 = tpu.memref_squeeze %scatter3A_797 : memref<1x6x8x133xf32, #tpu.memory_space<vmem>> -> memref<6x8x133xf32, #tpu.memory_space<vmem>>
        tpu.vector_store_idx %scatter3A_798[%shift_right_arithmetic3A_24, %and3A_27, %add3A_768], %get3A_793 : memref<6x8x133xf32, #tpu.memory_space<vmem>>[vector<16xi32>, vector<16xi32>, vector<16xi32>], vector<16xf32>,
        %scan3A_799 = arith.constant 7 : i32
        %scan3A_800 = arith.addi %scan3A_523, %scan3A_799 : i32
        %mul3A_801 = arith.constant 1 : i32
        %mul3A_802 = arith.muli %scan3A_800, %mul3A_801 : i32
        %add3A_803 = arith.constant 0 : i32
        %add3A_804 = arith.addi %add3A_803, %mul3A_802 : i32
        %broadcast_in_dim3A_805 = arith.constant 0 : i32
        %broadcast_in_dim3A_806 = vector.broadcast %broadcast_in_dim3A_805 : i32 to vector<16xi32>
        %add3A_807 = vector.broadcast %add3A_804 : i32 to vector<16xi32>
        %add3A_808 = arith.addi %broadcast_in_dim3A_806, %add3A_807 : vector<16xi32>
        %get3A_809 = arith.constant 2 : i32
        %get3A_810 = arith.index_cast %get3A_809 : i32 to index
        %get3A_811 = arith.index_cast %add3A_804 : i32 to index
        %get3A_812 = arith.constant 0 : index
        %get3A_813 = tpu.vector_load %arg7[%get3A_810, %get3A_811, %get3A_812] {strides = array<i32>} : memref<4x128x32xf32, #tpu.memory_space<vmem>>, vector<16xf32>,
        %scatter3A_814 = arith.constant 0 : i32
        %scatter3A_815 = arith.constant 0 : i32
        %scatter3A_816 = arith.constant 0 : i32
        %scatter3A_817 = tpu.memref_slice %arg9[%scan3A_401, %scatter3A_814, %scatter3A_815, %scatter3A_816] : memref<4x6x8x133xf32, #tpu.memory_space<vmem>> -> memref<1x6x8x133xf32, #tpu.memory_space<vmem>>
        %scatter3A_818 = tpu.memref_squeeze %scatter3A_817 : memref<1x6x8x133xf32, #tpu.memory_space<vmem>> -> memref<6x8x133xf32, #tpu.memory_space<vmem>>
        tpu.vector_store_idx %scatter3A_818[%shift_right_arithmetic3A_7, %and3A_9, %add3A_808], %get3A_813 : memref<6x8x133xf32, #tpu.memory_space<vmem>>[vector<16xi32>, vector<16xi32>, vector<16xi32>], vector<16xf32>,
        %get3A_819 = arith.constant 2 : i32
        %get3A_820 = arith.index_cast %get3A_819 : i32 to index
        %get3A_821 = arith.index_cast %add3A_804 : i32 to index
        %get3A_822 = arith.constant 16 : index
        %get3A_823 = tpu.vector_load %arg7[%get3A_820, %get3A_821, %get3A_822] {strides = array<i32>} : memref<4x128x32xf32, #tpu.memory_space<vmem>>, vector<16xf32>,
        %scatter3A_824 = arith.constant 0 : i32
        %scatter3A_825 = arith.constant 0 : i32
        %scatter3A_826 = arith.constant 0 : i32
        %scatter3A_827 = tpu.memref_slice %arg9[%scan3A_401, %scatter3A_824, %scatter3A_825, %scatter3A_826] : memref<4x6x8x133xf32, #tpu.memory_space<vmem>> -> memref<1x6x8x133xf32, #tpu.memory_space<vmem>>
        %scatter3A_828 = tpu.memref_squeeze %scatter3A_827 : memref<1x6x8x133xf32, #tpu.memory_space<vmem>> -> memref<6x8x133xf32, #tpu.memory_space<vmem>>
        tpu.vector_store_idx %scatter3A_828[%shift_right_arithmetic3A_15, %and3A_18, %add3A_808], %get3A_823 : memref<6x8x133xf32, #tpu.memory_space<vmem>>[vector<16xi32>, vector<16xi32>, vector<16xi32>], vector<16xf32>,
        %get3A_829 = arith.constant 2 : i32
        %get3A_830 = arith.index_cast %get3A_829 : i32 to index
        %get3A_831 = arith.index_cast %add3A_804 : i32 to index
        %get3A_832 = arith.constant 0 : index
        %get3A_833 = tpu.vector_load %arg8[%get3A_830, %get3A_831, %get3A_832] {strides = array<i32>} : memref<4x128x16xf32, #tpu.memory_space<vmem>>, vector<16xf32>,
        %scatter3A_834 = arith.constant 0 : i32
        %scatter3A_835 = arith.constant 0 : i32
        %scatter3A_836 = arith.constant 0 : i32
        %scatter3A_837 = tpu.memref_slice %arg9[%scan3A_401, %scatter3A_834, %scatter3A_835, %scatter3A_836] : memref<4x6x8x133xf32, #tpu.memory_space<vmem>> -> memref<1x6x8x133xf32, #tpu.memory_space<vmem>>
        %scatter3A_838 = tpu.memref_squeeze %scatter3A_837 : memref<1x6x8x133xf32, #tpu.memory_space<vmem>> -> memref<6x8x133xf32, #tpu.memory_space<vmem>>
        tpu.vector_store_idx %scatter3A_838[%shift_right_arithmetic3A_24, %and3A_27, %add3A_808], %get3A_833 : memref<6x8x133xf32, #tpu.memory_space<vmem>>[vector<16xi32>, vector<16xi32>, vector<16xi32>], vector<16xf32>,
      }
      %scan3A_406 = arith.constant 128 : i32
      %shift_right_arithmetic3A_407 = arith.constant 3 : i32
      %shift_right_arithmetic3A_408 = arith.shrsi %add3A_362, %shift_right_arithmetic3A_407 : i32
      %and3A_409 = arith.constant 7 : i32
      %and3A_410 = arith.andi %add3A_362, %and3A_409 : i32
      %mul3A_411 = arith.constant 25 : i32
      %mul3A_412 = arith.muli %add3A, %mul3A_411 : i32
      %add3A_413 = arith.addi %mul3A_412, %shift_right_arithmetic3A_408 : i32
      %shift_right_arithmetic3A_414 = arith.constant 5 : i32
      %shift_right_arithmetic3A_415 = arith.shrsi %add3A_413, %shift_right_arithmetic3A_414 : i32
      %and3A_416 = arith.constant 31 : i32
      %and3A_417 = arith.andi %add3A_413, %and3A_416 : i32
      %mul3A_418 = arith.constant 8 : i32
      %mul3A_419 = arith.muli %shift_right_arithmetic3A_415, %mul3A_418 : i32
      %add3A_420 = arith.addi %mul3A_419, %and3A_410 : i32
      %dma_start3A_421 = arith.constant 2 : i32
      %dma_start3A_422 = arith.constant 0 : i32
      %dma_start3A_423 = arith.constant 0 : i32
      %dma_start3A_424 = arith.constant 0 : i32
      %dma_start3A_425 = tpu.memref_slice %arg9[%dma_start3A_421, %dma_start3A_422, %dma_start3A_423, %dma_start3A_424] : memref<4x6x8x133xf32, #tpu.memory_space<vmem>> -> memref<1x6x8x128xf32, #tpu.memory_space<vmem>>
      %dma_start3A_426 = tpu.memref_squeeze %dma_start3A_425 : memref<1x6x8x128xf32, #tpu.memory_space<vmem>> -> memref<6x8x128xf32, #tpu.memory_space<vmem>>
      %dma_start3A_427 = arith.constant 0 : i32
      %dma_start3A_428 = arith.constant 0 : i32
      %dma_start3A_429 = arith.constant 0 : i32
      %dma_start3A_430 = tpu.memref_slice %arg5[%add3A_420, %dma_start3A_427, %and3A_417, %dma_start3A_428, %dma_start3A_429] : memref<200x6x32x8x128xf32, #tpu.memory_space<hbm>> -> memref<1x6x1x8x128xf32, #tpu.memory_space<hbm>>
      %dma_start3A_431 = tpu.memref_squeeze %dma_start3A_430 : memref<1x6x1x8x128xf32, #tpu.memory_space<hbm>> -> memref<6x8x128xf32, #tpu.memory_space<hbm>>
      %dma_start3A_432 = arith.constant 0 : i32
      %dma_start3A_433 = arith.constant 0 : i32
      %dma_start3A_434 = arith.constant 0 : i32
      %dma_start3A_435 = tpu.memref_slice %arg5[%add3A_420, %dma_start3A_432, %and3A_417, %dma_start3A_433, %dma_start3A_434] : memref<200x6x32x8x128xf32, #tpu.memory_space<hbm>> -> memref<1x6x1x8x128xf32, #tpu.memory_space<hbm>>
      %dma_start3A_436 = tpu.memref_squeeze %dma_start3A_435 : memref<1x6x1x8x128xf32, #tpu.memory_space<hbm>> -> memref<6x8x128xf32, #tpu.memory_space<hbm>>
      %dma_start3A_437 = arith.constant 0 : i32
      %dma_start3A_438 = arith.constant 0 : i32
      %dma_start3A_439 = arith.constant 0 : i32
      %dma_start3A_440 = tpu.memref_slice %arg9[%dma_start3A_421, %dma_start3A_437, %dma_start3A_438, %dma_start3A_439] : memref<4x6x8x133xf32, #tpu.memory_space<vmem>> -> memref<1x6x8x128xf32, #tpu.memory_space<vmem>>
      %dma_start3A_441 = tpu.memref_squeeze %dma_start3A_440 : memref<1x6x8x128xf32, #tpu.memory_space<vmem>> -> memref<6x8x128xf32, #tpu.memory_space<vmem>>
      tpu.enqueue_dma source(%dma_start3A_441 : memref<6x8x128xf32, #tpu.memory_space<vmem>>) target(%dma_start3A_436 : memref<6x8x128xf32, #tpu.memory_space<hbm>>) target_semaphore(%arg16 : memref<!tpu.dma_semaphore, #tpu.memory_space<semaphore_mem>>)
      %add3A_442 = arith.constant 3 : i32
      %add3A_443 = arith.addi %add3A_202, %add3A_442 : i32
      %add3A_444 = arith.constant 2 : i32
      %add3A_445 = arith.addi %add3A_443, %add3A_444 : i32
      %lt3A_446 = arith.constant 200 : i32
      %lt3A_447 = arith.cmpi slt, %add3A_445, %lt3A_446 : i32
      %convert_element_type3A_448 = arith.extui %lt3A_447 : i1 to i32
      %cond3A_449 = arith.constant 0 : i32
      %cond3A_450 = arith.cmpi ne, %convert_element_type3A_448, %cond3A_449 : i32
      scf.if %cond3A_450 {
        %add3A_523 = arith.constant 2 : i32
        %add3A_524 = arith.addi %add3A_443, %add3A_523 : i32
        %shift_right_arithmetic3A_525 = arith.constant 3 : i32
        %shift_right_arithmetic3A_526 = arith.shrsi %add3A_524, %shift_right_arithmetic3A_525 : i32
        %and3A_527 = arith.constant 7 : i32
        %and3A_528 = arith.andi %add3A_524, %and3A_527 : i32
        %mul3A_529 = arith.constant 25 : i32
        %mul3A_530 = arith.muli %add3A, %mul3A_529 : i32
        %add3A_531 = arith.addi %mul3A_530, %shift_right_arithmetic3A_526 : i32
        %shift_right_arithmetic3A_532 = arith.constant 5 : i32
        %shift_right_arithmetic3A_533 = arith.shrsi %add3A_531, %shift_right_arithmetic3A_532 : i32
        %and3A_534 = arith.constant 31 : i32
        %and3A_535 = arith.andi %add3A_531, %and3A_534 : i32
        %mul3A_536 = arith.constant 8 : i32
        %mul3A_537 = arith.muli %shift_right_arithmetic3A_533, %mul3A_536 : i32
        %add3A_538 = arith.addi %mul3A_537, %and3A_528 : i32
        %dma_start3A_539 = arith.constant 1 : i32
        %dma_start3A_540 = arith.constant 0 : i32
        %dma_start3A_541 = arith.constant 0 : i32
        %dma_start3A_542 = tpu.memref_slice %arg7[%dma_start3A_539, %dma_start3A_540, %dma_start3A_541] : memref<4x128x32xf32, #tpu.memory_space<vmem>> -> memref<1x128x32xf32, #tpu.memory_space<vmem>>
        %dma_start3A_543 = tpu.memref_squeeze %dma_start3A_542 : memref<1x128x32xf32, #tpu.memory_space<vmem>> -> memref<128x32xf32, #tpu.memory_space<vmem>>
        %dma_start3A_544 = arith.constant 0 : i32
        %dma_start3A_545 = tpu.memref_slice %arg6[%shift_right_arithmetic3A_526, %and3A_528, %dma_start3A_544] : memref<25x8x128xi32, #tpu.memory_space<vmem>> -> memref<1x1x128xi32, #tpu.memory_space<vmem>>
        %dma_start3A_546 = tpu.memref_squeeze %dma_start3A_545 : memref<1x1x128xi32, #tpu.memory_space<vmem>> -> memref<128xi32, #tpu.memory_space<vmem>>
        %dma_start3A_547 = arith.constant 0 : i32
        %dma_start3A_548 = arith.constant 0 : i32
        %dma_start3A_549 = tpu.memref_slice %arg3[%dma_start3A_547, %dma_start3A_548] : memref<1000000x32xf32, #tpu.memory_space<hbm>> -> memref<1000000x32xf32, #tpu.memory_space<hbm>>
        tpu.enqueue_indirect_dma source(%dma_start3A_549 : memref<1000000x32xf32, #tpu.memory_space<hbm>>) target(%dma_start3A_543 : memref<128x32xf32, #tpu.memory_space<vmem>>) offsets(%dma_start3A_546 : memref<128xi32, #tpu.memory_space<vmem>>) semaphore(%arg11 : memref<!tpu.dma_semaphore, #tpu.memory_space<semaphore_mem>>)
        %dma_start3A_550 = arith.constant 1 : i32
        %dma_start3A_551 = arith.constant 0 : i32
        %dma_start3A_552 = arith.constant 0 : i32
        %dma_start3A_553 = tpu.memref_slice %arg8[%dma_start3A_550, %dma_start3A_551, %dma_start3A_552] : memref<4x128x16xf32, #tpu.memory_space<vmem>> -> memref<1x128x16xf32, #tpu.memory_space<vmem>>
        %dma_start3A_554 = tpu.memref_squeeze %dma_start3A_553 : memref<1x128x16xf32, #tpu.memory_space<vmem>> -> memref<128x16xf32, #tpu.memory_space<vmem>>
        %dma_start3A_555 = arith.constant 0 : i32
        %dma_start3A_556 = tpu.memref_slice %arg6[%shift_right_arithmetic3A_526, %and3A_528, %dma_start3A_555] : memref<25x8x128xi32, #tpu.memory_space<vmem>> -> memref<1x1x128xi32, #tpu.memory_space<vmem>>
        %dma_start3A_557 = tpu.memref_squeeze %dma_start3A_556 : memref<1x1x128xi32, #tpu.memory_space<vmem>> -> memref<128xi32, #tpu.memory_space<vmem>>
        %dma_start3A_558 = arith.constant 0 : i32
        %dma_start3A_559 = arith.constant 0 : i32
        %dma_start3A_560 = tpu.memref_slice %arg4[%dma_start3A_558, %dma_start3A_559] : memref<1000000x16xf32, #tpu.memory_space<hbm>> -> memref<1000000x16xf32, #tpu.memory_space<hbm>>
        tpu.enqueue_indirect_dma source(%dma_start3A_560 : memref<1000000x16xf32, #tpu.memory_space<hbm>>) target(%dma_start3A_554 : memref<128x16xf32, #tpu.memory_space<vmem>>) offsets(%dma_start3A_557 : memref<128xi32, #tpu.memory_space<vmem>>) semaphore(%arg11 : memref<!tpu.dma_semaphore, #tpu.memory_space<semaphore_mem>>)
      } else {
      }
      %dma_wait3A_451 = arith.constant 0 : i32
      %dma_wait3A_452 = arith.constant 0 : i32
      %dma_wait3A_453 = arith.constant 3 : i32
      %dma_wait3A_454 = arith.constant 0 : i32
      %dma_wait3A_455 = arith.constant 0 : i32
      %dma_wait3A_456 = tpu.memref_slice %arg7[%dma_wait3A_453, %dma_wait3A_454, %dma_wait3A_455] : memref<4x128x32xf32, #tpu.memory_space<vmem>> -> memref<1x128x32xf32, #tpu.memory_space<vmem>>
      %dma_wait3A_457 = tpu.memref_squeeze %dma_wait3A_456 : memref<1x128x32xf32, #tpu.memory_space<vmem>> -> memref<128x32xf32, #tpu.memory_space<vmem>>
      %dma_wait3A_458 = arith.constant 0 : i32
      %dma_wait3A_459 = tpu.memref_slice %arg6[%dma_wait3A_451, %dma_wait3A_452, %dma_wait3A_458] : memref<25x8x128xi32, #tpu.memory_space<vmem>> -> memref<1x1x128xi32, #tpu.memory_space<vmem>>
      %dma_wait3A_460 = tpu.memref_squeeze %dma_wait3A_459 : memref<1x1x128xi32, #tpu.memory_space<vmem>> -> memref<128xi32, #tpu.memory_space<vmem>>
      %dma_wait3A_461 = arith.constant 0 : i32
      %dma_wait3A_462 = arith.constant 0 : i32
      %dma_wait3A_463 = tpu.memref_slice %arg3[%dma_wait3A_461, %dma_wait3A_462] : memref<1000000x32xf32, #tpu.memory_space<hbm>> -> memref<1000000x32xf32, #tpu.memory_space<hbm>>
      tpu.wait_indirect_dma semaphore(%arg13 : memref<!tpu.dma_semaphore, #tpu.memory_space<semaphore_mem>>) src(%dma_wait3A_463 : memref<1000000x32xf32, #tpu.memory_space<hbm>>) dst(%dma_wait3A_457 : memref<128x32xf32, #tpu.memory_space<vmem>>)
      %dma_wait3A_464 = arith.constant 0 : i32
      %dma_wait3A_465 = arith.constant 0 : i32
      %dma_wait3A_466 = arith.constant 3 : i32
      %dma_wait3A_467 = arith.constant 0 : i32
      %dma_wait3A_468 = arith.constant 0 : i32
      %dma_wait3A_469 = tpu.memref_slice %arg8[%dma_wait3A_466, %dma_wait3A_467, %dma_wait3A_468] : memref<4x128x16xf32, #tpu.memory_space<vmem>> -> memref<1x128x16xf32, #tpu.memory_space<vmem>>
      %dma_wait3A_470 = tpu.memref_squeeze %dma_wait3A_469 : memref<1x128x16xf32, #tpu.memory_space<vmem>> -> memref<128x16xf32, #tpu.memory_space<vmem>>
      %dma_wait3A_471 = arith.constant 0 : i32
      %dma_wait3A_472 = tpu.memref_slice %arg6[%dma_wait3A_464, %dma_wait3A_465, %dma_wait3A_471] : memref<25x8x128xi32, #tpu.memory_space<vmem>> -> memref<1x1x128xi32, #tpu.memory_space<vmem>>
      %dma_wait3A_473 = tpu.memref_squeeze %dma_wait3A_472 : memref<1x1x128xi32, #tpu.memory_space<vmem>> -> memref<128xi32, #tpu.memory_space<vmem>>
      %dma_wait3A_474 = arith.constant 0 : i32
      %dma_wait3A_475 = arith.constant 0 : i32
      %dma_wait3A_476 = tpu.memref_slice %arg4[%dma_wait3A_474, %dma_wait3A_475] : memref<1000000x16xf32, #tpu.memory_space<hbm>> -> memref<1000000x16xf32, #tpu.memory_space<hbm>>
      tpu.wait_indirect_dma semaphore(%arg13 : memref<!tpu.dma_semaphore, #tpu.memory_space<semaphore_mem>>) src(%dma_wait3A_476 : memref<1000000x16xf32, #tpu.memory_space<hbm>>) dst(%dma_wait3A_470 : memref<128x16xf32, #tpu.memory_space<vmem>>)
      %ge3A_477 = arith.constant 4 : i32
      %ge3A_478 = arith.cmpi sge, %add3A_443, %ge3A_477 : i32
      %convert_element_type3A_479 = arith.extui %ge3A_478 : i1 to i32
      %cond3A_480 = arith.constant 0 : i32
      %cond3A_481 = arith.cmpi ne, %convert_element_type3A_479, %cond3A_480 : i32
      scf.if %cond3A_481 {
        %dma_wait3A_523 = arith.constant 3 : i32
        %dma_wait3A_524 = arith.constant 0 : i32
        %dma_wait3A_525 = arith.constant 0 : i32
        %dma_wait3A_526 = arith.constant 0 : i32
        %dma_wait3A_527 = arith.constant 0 : i32
        %dma_wait3A_528 = arith.constant 0 : i32
        %dma_wait3A_529 = tpu.memref_slice %arg9[%dma_wait3A_523, %dma_wait3A_526, %dma_wait3A_527, %dma_wait3A_528] : memref<4x6x8x133xf32, #tpu.memory_space<vmem>> -> memref<1x6x8x128xf32, #tpu.memory_space<vmem>>
        %dma_wait3A_530 = tpu.memref_squeeze %dma_wait3A_529 : memref<1x6x8x128xf32, #tpu.memory_space<vmem>> -> memref<6x8x128xf32, #tpu.memory_space<vmem>>
        %dma_wait3A_531 = arith.constant 0 : i32
        %dma_wait3A_532 = arith.constant 0 : i32
        %dma_wait3A_533 = arith.constant 0 : i32
        %dma_wait3A_534 = tpu.memref_slice %arg5[%dma_wait3A_524, %dma_wait3A_531, %dma_wait3A_525, %dma_wait3A_532, %dma_wait3A_533] : memref<200x6x32x8x128xf32, #tpu.memory_space<hbm>> -> memref<1x6x1x8x128xf32, #tpu.memory_space<hbm>>
        %dma_wait3A_535 = tpu.memref_squeeze %dma_wait3A_534 : memref<1x6x1x8x128xf32, #tpu.memory_space<hbm>> -> memref<6x8x128xf32, #tpu.memory_space<hbm>>
        %dma_wait3A_536 = arith.constant 0 : i32
        %dma_wait3A_537 = arith.constant 0 : i32
        %dma_wait3A_538 = arith.constant 0 : i32
        %dma_wait3A_539 = tpu.memref_slice %arg5[%dma_wait3A_524, %dma_wait3A_536, %dma_wait3A_525, %dma_wait3A_537, %dma_wait3A_538] : memref<200x6x32x8x128xf32, #tpu.memory_space<hbm>> -> memref<1x6x1x8x128xf32, #tpu.memory_space<hbm>>
        %dma_wait3A_540 = tpu.memref_squeeze %dma_wait3A_539 : memref<1x6x1x8x128xf32, #tpu.memory_space<hbm>> -> memref<6x8x128xf32, #tpu.memory_space<hbm>>
        %dma_wait3A_541 = arith.constant 0 : i32
        %dma_wait3A_542 = arith.constant 0 : i32
        %dma_wait3A_543 = arith.constant 0 : i32
        %dma_wait3A_544 = tpu.memref_slice %arg9[%dma_wait3A_523, %dma_wait3A_541, %dma_wait3A_542, %dma_wait3A_543] : memref<4x6x8x133xf32, #tpu.memory_space<vmem>> -> memref<1x6x8x128xf32, #tpu.memory_space<vmem>>
        %dma_wait3A_545 = tpu.memref_squeeze %dma_wait3A_544 : memref<1x6x8x128xf32, #tpu.memory_space<vmem>> -> memref<6x8x128xf32, #tpu.memory_space<vmem>>
        tpu.wait_dma2 semaphore(%arg17 : memref<!tpu.dma_semaphore, #tpu.memory_space<semaphore_mem>>) src(%dma_wait3A_545 : memref<6x8x128xf32, #tpu.memory_space<vmem>>) dst(%dma_wait3A_540 : memref<6x8x128xf32, #tpu.memory_space<hbm>>)
      } else {
      }
      %scan3A_482 = arith.constant 3 : i32
      %scan3A_483 = arith.constant 0 : i32
      %scan3A_484 = arith.constant 128 : i32
      %scan3A_485 = arith.addi %scan3A_483, %scan3A_484 : i32
      %scan3A_486 = arith.constant 8 : i32
      scf.for %scan3A_523 = %scan3A_483 to %scan3A_485 step %scan3A_486  : i32 {
        %mul3A_524 = arith.constant 1 : i32
        %mul3A_525 = arith.muli %scan3A_523, %mul3A_524 : i32
        %add3A_526 = arith.constant 0 : i32
        %add3A_527 = arith.addi %add3A_526, %mul3A_525 : i32
        %broadcast_in_dim3A = arith.constant 0 : i32
        %broadcast_in_dim3A_528 = vector.broadcast %broadcast_in_dim3A : i32 to vector<16xi32>
        %add3A_529 = vector.broadcast %add3A_527 : i32 to vector<16xi32>
        %add3A_530 = arith.addi %broadcast_in_dim3A_528, %add3A_529 : vector<16xi32>
        %get3A = arith.constant 3 : i32
        %get3A_531 = arith.index_cast %get3A : i32 to index
        %get3A_532 = arith.index_cast %add3A_527 : i32 to index
        %get3A_533 = arith.constant 0 : index
        %get3A_534 = tpu.vector_load %arg7[%get3A_531, %get3A_532, %get3A_533] {strides = array<i32>} : memref<4x128x32xf32, #tpu.memory_space<vmem>>, vector<16xf32>,
        %scatter3A = arith.constant 0 : i32
        %scatter3A_535 = arith.constant 0 : i32
        %scatter3A_536 = arith.constant 0 : i32
        %scatter3A_537 = tpu.memref_slice %arg9[%scan3A_482, %scatter3A, %scatter3A_535, %scatter3A_536] : memref<4x6x8x133xf32, #tpu.memory_space<vmem>> -> memref<1x6x8x133xf32, #tpu.memory_space<vmem>>
        %scatter3A_538 = tpu.memref_squeeze %scatter3A_537 : memref<1x6x8x133xf32, #tpu.memory_space<vmem>> -> memref<6x8x133xf32, #tpu.memory_space<vmem>>
        tpu.vector_store_idx %scatter3A_538[%shift_right_arithmetic3A_7, %and3A_9, %add3A_530], %get3A_534 : memref<6x8x133xf32, #tpu.memory_space<vmem>>[vector<16xi32>, vector<16xi32>, vector<16xi32>], vector<16xf32>,
        %get3A_539 = arith.constant 3 : i32
        %get3A_540 = arith.index_cast %get3A_539 : i32 to index
        %get3A_541 = arith.index_cast %add3A_527 : i32 to index
        %get3A_542 = arith.constant 16 : index
        %get3A_543 = tpu.vector_load %arg7[%get3A_540, %get3A_541, %get3A_542] {strides = array<i32>} : memref<4x128x32xf32, #tpu.memory_space<vmem>>, vector<16xf32>,
        %scatter3A_544 = arith.constant 0 : i32
        %scatter3A_545 = arith.constant 0 : i32
        %scatter3A_546 = arith.constant 0 : i32
        %scatter3A_547 = tpu.memref_slice %arg9[%scan3A_482, %scatter3A_544, %scatter3A_545, %scatter3A_546] : memref<4x6x8x133xf32, #tpu.memory_space<vmem>> -> memref<1x6x8x133xf32, #tpu.memory_space<vmem>>
        %scatter3A_548 = tpu.memref_squeeze %scatter3A_547 : memref<1x6x8x133xf32, #tpu.memory_space<vmem>> -> memref<6x8x133xf32, #tpu.memory_space<vmem>>
        tpu.vector_store_idx %scatter3A_548[%shift_right_arithmetic3A_15, %and3A_18, %add3A_530], %get3A_543 : memref<6x8x133xf32, #tpu.memory_space<vmem>>[vector<16xi32>, vector<16xi32>, vector<16xi32>], vector<16xf32>,
        %get3A_549 = arith.constant 3 : i32
        %get3A_550 = arith.index_cast %get3A_549 : i32 to index
        %get3A_551 = arith.index_cast %add3A_527 : i32 to index
        %get3A_552 = arith.constant 0 : index
        %get3A_553 = tpu.vector_load %arg8[%get3A_550, %get3A_551, %get3A_552] {strides = array<i32>} : memref<4x128x16xf32, #tpu.memory_space<vmem>>, vector<16xf32>,
        %scatter3A_554 = arith.constant 0 : i32
        %scatter3A_555 = arith.constant 0 : i32
        %scatter3A_556 = arith.constant 0 : i32
        %scatter3A_557 = tpu.memref_slice %arg9[%scan3A_482, %scatter3A_554, %scatter3A_555, %scatter3A_556] : memref<4x6x8x133xf32, #tpu.memory_space<vmem>> -> memref<1x6x8x133xf32, #tpu.memory_space<vmem>>
        %scatter3A_558 = tpu.memref_squeeze %scatter3A_557 : memref<1x6x8x133xf32, #tpu.memory_space<vmem>> -> memref<6x8x133xf32, #tpu.memory_space<vmem>>
        tpu.vector_store_idx %scatter3A_558[%shift_right_arithmetic3A_24, %and3A_27, %add3A_530], %get3A_553 : memref<6x8x133xf32, #tpu.memory_space<vmem>>[vector<16xi32>, vector<16xi32>, vector<16xi32>], vector<16xf32>,
        %scan3A_559 = arith.constant 1 : i32
        %scan3A_560 = arith.addi %scan3A_523, %scan3A_559 : i32
        %mul3A_561 = arith.constant 1 : i32
        %mul3A_562 = arith.muli %scan3A_560, %mul3A_561 : i32
        %add3A_563 = arith.constant 0 : i32
        %add3A_564 = arith.addi %add3A_563, %mul3A_562 : i32
        %broadcast_in_dim3A_565 = arith.constant 0 : i32
        %broadcast_in_dim3A_566 = vector.broadcast %broadcast_in_dim3A_565 : i32 to vector<16xi32>
        %add3A_567 = vector.broadcast %add3A_564 : i32 to vector<16xi32>
        %add3A_568 = arith.addi %broadcast_in_dim3A_566, %add3A_567 : vector<16xi32>
        %get3A_569 = arith.constant 3 : i32
        %get3A_570 = arith.index_cast %get3A_569 : i32 to index
        %get3A_571 = arith.index_cast %add3A_564 : i32 to index
        %get3A_572 = arith.constant 0 : index
        %get3A_573 = tpu.vector_load %arg7[%get3A_570, %get3A_571, %get3A_572] {strides = array<i32>} : memref<4x128x32xf32, #tpu.memory_space<vmem>>, vector<16xf32>,
        %scatter3A_574 = arith.constant 0 : i32
        %scatter3A_575 = arith.constant 0 : i32
        %scatter3A_576 = arith.constant 0 : i32
        %scatter3A_577 = tpu.memref_slice %arg9[%scan3A_482, %scatter3A_574, %scatter3A_575, %scatter3A_576] : memref<4x6x8x133xf32, #tpu.memory_space<vmem>> -> memref<1x6x8x133xf32, #tpu.memory_space<vmem>>
        %scatter3A_578 = tpu.memref_squeeze %scatter3A_577 : memref<1x6x8x133xf32, #tpu.memory_space<vmem>> -> memref<6x8x133xf32, #tpu.memory_space<vmem>>
        tpu.vector_store_idx %scatter3A_578[%shift_right_arithmetic3A_7, %and3A_9, %add3A_568], %get3A_573 : memref<6x8x133xf32, #tpu.memory_space<vmem>>[vector<16xi32>, vector<16xi32>, vector<16xi32>], vector<16xf32>,
        %get3A_579 = arith.constant 3 : i32
        %get3A_580 = arith.index_cast %get3A_579 : i32 to index
        %get3A_581 = arith.index_cast %add3A_564 : i32 to index
        %get3A_582 = arith.constant 16 : index
        %get3A_583 = tpu.vector_load %arg7[%get3A_580, %get3A_581, %get3A_582] {strides = array<i32>} : memref<4x128x32xf32, #tpu.memory_space<vmem>>, vector<16xf32>,
        %scatter3A_584 = arith.constant 0 : i32
        %scatter3A_585 = arith.constant 0 : i32
        %scatter3A_586 = arith.constant 0 : i32
        %scatter3A_587 = tpu.memref_slice %arg9[%scan3A_482, %scatter3A_584, %scatter3A_585, %scatter3A_586] : memref<4x6x8x133xf32, #tpu.memory_space<vmem>> -> memref<1x6x8x133xf32, #tpu.memory_space<vmem>>
        %scatter3A_588 = tpu.memref_squeeze %scatter3A_587 : memref<1x6x8x133xf32, #tpu.memory_space<vmem>> -> memref<6x8x133xf32, #tpu.memory_space<vmem>>
        tpu.vector_store_idx %scatter3A_588[%shift_right_arithmetic3A_15, %and3A_18, %add3A_568], %get3A_583 : memref<6x8x133xf32, #tpu.memory_space<vmem>>[vector<16xi32>, vector<16xi32>, vector<16xi32>], vector<16xf32>,
        %get3A_589 = arith.constant 3 : i32
        %get3A_590 = arith.index_cast %get3A_589 : i32 to index
        %get3A_591 = arith.index_cast %add3A_564 : i32 to index
        %get3A_592 = arith.constant 0 : index
        %get3A_593 = tpu.vector_load %arg8[%get3A_590, %get3A_591, %get3A_592] {strides = array<i32>} : memref<4x128x16xf32, #tpu.memory_space<vmem>>, vector<16xf32>,
        %scatter3A_594 = arith.constant 0 : i32
        %scatter3A_595 = arith.constant 0 : i32
        %scatter3A_596 = arith.constant 0 : i32
        %scatter3A_597 = tpu.memref_slice %arg9[%scan3A_482, %scatter3A_594, %scatter3A_595, %scatter3A_596] : memref<4x6x8x133xf32, #tpu.memory_space<vmem>> -> memref<1x6x8x133xf32, #tpu.memory_space<vmem>>
        %scatter3A_598 = tpu.memref_squeeze %scatter3A_597 : memref<1x6x8x133xf32, #tpu.memory_space<vmem>> -> memref<6x8x133xf32, #tpu.memory_space<vmem>>
        tpu.vector_store_idx %scatter3A_598[%shift_right_arithmetic3A_24, %and3A_27, %add3A_568], %get3A_593 : memref<6x8x133xf32, #tpu.memory_space<vmem>>[vector<16xi32>, vector<16xi32>, vector<16xi32>], vector<16xf32>,
        %scan3A_599 = arith.constant 2 : i32
        %scan3A_600 = arith.addi %scan3A_523, %scan3A_599 : i32
        %mul3A_601 = arith.constant 1 : i32
        %mul3A_602 = arith.muli %scan3A_600, %mul3A_601 : i32
        %add3A_603 = arith.constant 0 : i32
        %add3A_604 = arith.addi %add3A_603, %mul3A_602 : i32
        %broadcast_in_dim3A_605 = arith.constant 0 : i32
        %broadcast_in_dim3A_606 = vector.broadcast %broadcast_in_dim3A_605 : i32 to vector<16xi32>
        %add3A_607 = vector.broadcast %add3A_604 : i32 to vector<16xi32>
        %add3A_608 = arith.addi %broadcast_in_dim3A_606, %add3A_607 : vector<16xi32>
        %get3A_609 = arith.constant 3 : i32
        %get3A_610 = arith.index_cast %get3A_609 : i32 to index
        %get3A_611 = arith.index_cast %add3A_604 : i32 to index
        %get3A_612 = arith.constant 0 : index
        %get3A_613 = tpu.vector_load %arg7[%get3A_610, %get3A_611, %get3A_612] {strides = array<i32>} : memref<4x128x32xf32, #tpu.memory_space<vmem>>, vector<16xf32>,
        %scatter3A_614 = arith.constant 0 : i32
        %scatter3A_615 = arith.constant 0 : i32
        %scatter3A_616 = arith.constant 0 : i32
        %scatter3A_617 = tpu.memref_slice %arg9[%scan3A_482, %scatter3A_614, %scatter3A_615, %scatter3A_616] : memref<4x6x8x133xf32, #tpu.memory_space<vmem>> -> memref<1x6x8x133xf32, #tpu.memory_space<vmem>>
        %scatter3A_618 = tpu.memref_squeeze %scatter3A_617 : memref<1x6x8x133xf32, #tpu.memory_space<vmem>> -> memref<6x8x133xf32, #tpu.memory_space<vmem>>
        tpu.vector_store_idx %scatter3A_618[%shift_right_arithmetic3A_7, %and3A_9, %add3A_608], %get3A_613 : memref<6x8x133xf32, #tpu.memory_space<vmem>>[vector<16xi32>, vector<16xi32>, vector<16xi32>], vector<16xf32>,
        %get3A_619 = arith.constant 3 : i32
        %get3A_620 = arith.index_cast %get3A_619 : i32 to index
        %get3A_621 = arith.index_cast %add3A_604 : i32 to index
        %get3A_622 = arith.constant 16 : index
        %get3A_623 = tpu.vector_load %arg7[%get3A_620, %get3A_621, %get3A_622] {strides = array<i32>} : memref<4x128x32xf32, #tpu.memory_space<vmem>>, vector<16xf32>,
        %scatter3A_624 = arith.constant 0 : i32
        %scatter3A_625 = arith.constant 0 : i32
        %scatter3A_626 = arith.constant 0 : i32
        %scatter3A_627 = tpu.memref_slice %arg9[%scan3A_482, %scatter3A_624, %scatter3A_625, %scatter3A_626] : memref<4x6x8x133xf32, #tpu.memory_space<vmem>> -> memref<1x6x8x133xf32, #tpu.memory_space<vmem>>
        %scatter3A_628 = tpu.memref_squeeze %scatter3A_627 : memref<1x6x8x133xf32, #tpu.memory_space<vmem>> -> memref<6x8x133xf32, #tpu.memory_space<vmem>>
        tpu.vector_store_idx %scatter3A_628[%shift_right_arithmetic3A_15, %and3A_18, %add3A_608], %get3A_623 : memref<6x8x133xf32, #tpu.memory_space<vmem>>[vector<16xi32>, vector<16xi32>, vector<16xi32>], vector<16xf32>,
        %get3A_629 = arith.constant 3 : i32
        %get3A_630 = arith.index_cast %get3A_629 : i32 to index
        %get3A_631 = arith.index_cast %add3A_604 : i32 to index
        %get3A_632 = arith.constant 0 : index
        %get3A_633 = tpu.vector_load %arg8[%get3A_630, %get3A_631, %get3A_632] {strides = array<i32>} : memref<4x128x16xf32, #tpu.memory_space<vmem>>, vector<16xf32>,
        %scatter3A_634 = arith.constant 0 : i32
        %scatter3A_635 = arith.constant 0 : i32
        %scatter3A_636 = arith.constant 0 : i32
        %scatter3A_637 = tpu.memref_slice %arg9[%scan3A_482, %scatter3A_634, %scatter3A_635, %scatter3A_636] : memref<4x6x8x133xf32, #tpu.memory_space<vmem>> -> memref<1x6x8x133xf32, #tpu.memory_space<vmem>>
        %scatter3A_638 = tpu.memref_squeeze %scatter3A_637 : memref<1x6x8x133xf32, #tpu.memory_space<vmem>> -> memref<6x8x133xf32, #tpu.memory_space<vmem>>
        tpu.vector_store_idx %scatter3A_638[%shift_right_arithmetic3A_24, %and3A_27, %add3A_608], %get3A_633 : memref<6x8x133xf32, #tpu.memory_space<vmem>>[vector<16xi32>, vector<16xi32>, vector<16xi32>], vector<16xf32>,
        %scan3A_639 = arith.constant 3 : i32
        %scan3A_640 = arith.addi %scan3A_523, %scan3A_639 : i32
        %mul3A_641 = arith.constant 1 : i32
        %mul3A_642 = arith.muli %scan3A_640, %mul3A_641 : i32
        %add3A_643 = arith.constant 0 : i32
        %add3A_644 = arith.addi %add3A_643, %mul3A_642 : i32
        %broadcast_in_dim3A_645 = arith.constant 0 : i32
        %broadcast_in_dim3A_646 = vector.broadcast %broadcast_in_dim3A_645 : i32 to vector<16xi32>
        %add3A_647 = vector.broadcast %add3A_644 : i32 to vector<16xi32>
        %add3A_648 = arith.addi %broadcast_in_dim3A_646, %add3A_647 : vector<16xi32>
        %get3A_649 = arith.constant 3 : i32
        %get3A_650 = arith.index_cast %get3A_649 : i32 to index
        %get3A_651 = arith.index_cast %add3A_644 : i32 to index
        %get3A_652 = arith.constant 0 : index
        %get3A_653 = tpu.vector_load %arg7[%get3A_650, %get3A_651, %get3A_652] {strides = array<i32>} : memref<4x128x32xf32, #tpu.memory_space<vmem>>, vector<16xf32>,
        %scatter3A_654 = arith.constant 0 : i32
        %scatter3A_655 = arith.constant 0 : i32
        %scatter3A_656 = arith.constant 0 : i32
        %scatter3A_657 = tpu.memref_slice %arg9[%scan3A_482, %scatter3A_654, %scatter3A_655, %scatter3A_656] : memref<4x6x8x133xf32, #tpu.memory_space<vmem>> -> memref<1x6x8x133xf32, #tpu.memory_space<vmem>>
        %scatter3A_658 = tpu.memref_squeeze %scatter3A_657 : memref<1x6x8x133xf32, #tpu.memory_space<vmem>> -> memref<6x8x133xf32, #tpu.memory_space<vmem>>
        tpu.vector_store_idx %scatter3A_658[%shift_right_arithmetic3A_7, %and3A_9, %add3A_648], %get3A_653 : memref<6x8x133xf32, #tpu.memory_space<vmem>>[vector<16xi32>, vector<16xi32>, vector<16xi32>], vector<16xf32>,
        %get3A_659 = arith.constant 3 : i32
        %get3A_660 = arith.index_cast %get3A_659 : i32 to index
        %get3A_661 = arith.index_cast %add3A_644 : i32 to index
        %get3A_662 = arith.constant 16 : index
        %get3A_663 = tpu.vector_load %arg7[%get3A_660, %get3A_661, %get3A_662] {strides = array<i32>} : memref<4x128x32xf32, #tpu.memory_space<vmem>>, vector<16xf32>,
        %scatter3A_664 = arith.constant 0 : i32
        %scatter3A_665 = arith.constant 0 : i32
        %scatter3A_666 = arith.constant 0 : i32
        %scatter3A_667 = tpu.memref_slice %arg9[%scan3A_482, %scatter3A_664, %scatter3A_665, %scatter3A_666] : memref<4x6x8x133xf32, #tpu.memory_space<vmem>> -> memref<1x6x8x133xf32, #tpu.memory_space<vmem>>
        %scatter3A_668 = tpu.memref_squeeze %scatter3A_667 : memref<1x6x8x133xf32, #tpu.memory_space<vmem>> -> memref<6x8x133xf32, #tpu.memory_space<vmem>>
        tpu.vector_store_idx %scatter3A_668[%shift_right_arithmetic3A_15, %and3A_18, %add3A_648], %get3A_663 : memref<6x8x133xf32, #tpu.memory_space<vmem>>[vector<16xi32>, vector<16xi32>, vector<16xi32>], vector<16xf32>,
        %get3A_669 = arith.constant 3 : i32
        %get3A_670 = arith.index_cast %get3A_669 : i32 to index
        %get3A_671 = arith.index_cast %add3A_644 : i32 to index
        %get3A_672 = arith.constant 0 : index
        %get3A_673 = tpu.vector_load %arg8[%get3A_670, %get3A_671, %get3A_672] {strides = array<i32>} : memref<4x128x16xf32, #tpu.memory_space<vmem>>, vector<16xf32>,
        %scatter3A_674 = arith.constant 0 : i32
        %scatter3A_675 = arith.constant 0 : i32
        %scatter3A_676 = arith.constant 0 : i32
        %scatter3A_677 = tpu.memref_slice %arg9[%scan3A_482, %scatter3A_674, %scatter3A_675, %scatter3A_676] : memref<4x6x8x133xf32, #tpu.memory_space<vmem>> -> memref<1x6x8x133xf32, #tpu.memory_space<vmem>>
        %scatter3A_678 = tpu.memref_squeeze %scatter3A_677 : memref<1x6x8x133xf32, #tpu.memory_space<vmem>> -> memref<6x8x133xf32, #tpu.memory_space<vmem>>
        tpu.vector_store_idx %scatter3A_678[%shift_right_arithmetic3A_24, %and3A_27, %add3A_648], %get3A_673 : memref<6x8x133xf32, #tpu.memory_space<vmem>>[vector<16xi32>, vector<16xi32>, vector<16xi32>], vector<16xf32>,
        %scan3A_679 = arith.constant 4 : i32
        %scan3A_680 = arith.addi %scan3A_523, %scan3A_679 : i32
        %mul3A_681 = arith.constant 1 : i32
        %mul3A_682 = arith.muli %scan3A_680, %mul3A_681 : i32
        %add3A_683 = arith.constant 0 : i32
        %add3A_684 = arith.addi %add3A_683, %mul3A_682 : i32
        %broadcast_in_dim3A_685 = arith.constant 0 : i32
        %broadcast_in_dim3A_686 = vector.broadcast %broadcast_in_dim3A_685 : i32 to vector<16xi32>
        %add3A_687 = vector.broadcast %add3A_684 : i32 to vector<16xi32>
        %add3A_688 = arith.addi %broadcast_in_dim3A_686, %add3A_687 : vector<16xi32>
        %get3A_689 = arith.constant 3 : i32
        %get3A_690 = arith.index_cast %get3A_689 : i32 to index
        %get3A_691 = arith.index_cast %add3A_684 : i32 to index
        %get3A_692 = arith.constant 0 : index
        %get3A_693 = tpu.vector_load %arg7[%get3A_690, %get3A_691, %get3A_692] {strides = array<i32>} : memref<4x128x32xf32, #tpu.memory_space<vmem>>, vector<16xf32>,
        %scatter3A_694 = arith.constant 0 : i32
        %scatter3A_695 = arith.constant 0 : i32
        %scatter3A_696 = arith.constant 0 : i32
        %scatter3A_697 = tpu.memref_slice %arg9[%scan3A_482, %scatter3A_694, %scatter3A_695, %scatter3A_696] : memref<4x6x8x133xf32, #tpu.memory_space<vmem>> -> memref<1x6x8x133xf32, #tpu.memory_space<vmem>>
        %scatter3A_698 = tpu.memref_squeeze %scatter3A_697 : memref<1x6x8x133xf32, #tpu.memory_space<vmem>> -> memref<6x8x133xf32, #tpu.memory_space<vmem>>
        tpu.vector_store_idx %scatter3A_698[%shift_right_arithmetic3A_7, %and3A_9, %add3A_688], %get3A_693 : memref<6x8x133xf32, #tpu.memory_space<vmem>>[vector<16xi32>, vector<16xi32>, vector<16xi32>], vector<16xf32>,
        %get3A_699 = arith.constant 3 : i32
        %get3A_700 = arith.index_cast %get3A_699 : i32 to index
        %get3A_701 = arith.index_cast %add3A_684 : i32 to index
        %get3A_702 = arith.constant 16 : index
        %get3A_703 = tpu.vector_load %arg7[%get3A_700, %get3A_701, %get3A_702] {strides = array<i32>} : memref<4x128x32xf32, #tpu.memory_space<vmem>>, vector<16xf32>,
        %scatter3A_704 = arith.constant 0 : i32
        %scatter3A_705 = arith.constant 0 : i32
        %scatter3A_706 = arith.constant 0 : i32
        %scatter3A_707 = tpu.memref_slice %arg9[%scan3A_482, %scatter3A_704, %scatter3A_705, %scatter3A_706] : memref<4x6x8x133xf32, #tpu.memory_space<vmem>> -> memref<1x6x8x133xf32, #tpu.memory_space<vmem>>
        %scatter3A_708 = tpu.memref_squeeze %scatter3A_707 : memref<1x6x8x133xf32, #tpu.memory_space<vmem>> -> memref<6x8x133xf32, #tpu.memory_space<vmem>>
        tpu.vector_store_idx %scatter3A_708[%shift_right_arithmetic3A_15, %and3A_18, %add3A_688], %get3A_703 : memref<6x8x133xf32, #tpu.memory_space<vmem>>[vector<16xi32>, vector<16xi32>, vector<16xi32>], vector<16xf32>,
        %get3A_709 = arith.constant 3 : i32
        %get3A_710 = arith.index_cast %get3A_709 : i32 to index
        %get3A_711 = arith.index_cast %add3A_684 : i32 to index
        %get3A_712 = arith.constant 0 : index
        %get3A_713 = tpu.vector_load %arg8[%get3A_710, %get3A_711, %get3A_712] {strides = array<i32>} : memref<4x128x16xf32, #tpu.memory_space<vmem>>, vector<16xf32>,
        %scatter3A_714 = arith.constant 0 : i32
        %scatter3A_715 = arith.constant 0 : i32
        %scatter3A_716 = arith.constant 0 : i32
        %scatter3A_717 = tpu.memref_slice %arg9[%scan3A_482, %scatter3A_714, %scatter3A_715, %scatter3A_716] : memref<4x6x8x133xf32, #tpu.memory_space<vmem>> -> memref<1x6x8x133xf32, #tpu.memory_space<vmem>>
        %scatter3A_718 = tpu.memref_squeeze %scatter3A_717 : memref<1x6x8x133xf32, #tpu.memory_space<vmem>> -> memref<6x8x133xf32, #tpu.memory_space<vmem>>
        tpu.vector_store_idx %scatter3A_718[%shift_right_arithmetic3A_24, %and3A_27, %add3A_688], %get3A_713 : memref<6x8x133xf32, #tpu.memory_space<vmem>>[vector<16xi32>, vector<16xi32>, vector<16xi32>], vector<16xf32>,
        %scan3A_719 = arith.constant 5 : i32
        %scan3A_720 = arith.addi %scan3A_523, %scan3A_719 : i32
        %mul3A_721 = arith.constant 1 : i32
        %mul3A_722 = arith.muli %scan3A_720, %mul3A_721 : i32
        %add3A_723 = arith.constant 0 : i32
        %add3A_724 = arith.addi %add3A_723, %mul3A_722 : i32
        %broadcast_in_dim3A_725 = arith.constant 0 : i32
        %broadcast_in_dim3A_726 = vector.broadcast %broadcast_in_dim3A_725 : i32 to vector<16xi32>
        %add3A_727 = vector.broadcast %add3A_724 : i32 to vector<16xi32>
        %add3A_728 = arith.addi %broadcast_in_dim3A_726, %add3A_727 : vector<16xi32>
        %get3A_729 = arith.constant 3 : i32
        %get3A_730 = arith.index_cast %get3A_729 : i32 to index
        %get3A_731 = arith.index_cast %add3A_724 : i32 to index
        %get3A_732 = arith.constant 0 : index
        %get3A_733 = tpu.vector_load %arg7[%get3A_730, %get3A_731, %get3A_732] {strides = array<i32>} : memref<4x128x32xf32, #tpu.memory_space<vmem>>, vector<16xf32>,
        %scatter3A_734 = arith.constant 0 : i32
        %scatter3A_735 = arith.constant 0 : i32
        %scatter3A_736 = arith.constant 0 : i32
        %scatter3A_737 = tpu.memref_slice %arg9[%scan3A_482, %scatter3A_734, %scatter3A_735, %scatter3A_736] : memref<4x6x8x133xf32, #tpu.memory_space<vmem>> -> memref<1x6x8x133xf32, #tpu.memory_space<vmem>>
        %scatter3A_738 = tpu.memref_squeeze %scatter3A_737 : memref<1x6x8x133xf32, #tpu.memory_space<vmem>> -> memref<6x8x133xf32, #tpu.memory_space<vmem>>
        tpu.vector_store_idx %scatter3A_738[%shift_right_arithmetic3A_7, %and3A_9, %add3A_728], %get3A_733 : memref<6x8x133xf32, #tpu.memory_space<vmem>>[vector<16xi32>, vector<16xi32>, vector<16xi32>], vector<16xf32>,
        %get3A_739 = arith.constant 3 : i32
        %get3A_740 = arith.index_cast %get3A_739 : i32 to index
        %get3A_741 = arith.index_cast %add3A_724 : i32 to index
        %get3A_742 = arith.constant 16 : index
        %get3A_743 = tpu.vector_load %arg7[%get3A_740, %get3A_741, %get3A_742] {strides = array<i32>} : memref<4x128x32xf32, #tpu.memory_space<vmem>>, vector<16xf32>,
        %scatter3A_744 = arith.constant 0 : i32
        %scatter3A_745 = arith.constant 0 : i32
        %scatter3A_746 = arith.constant 0 : i32
        %scatter3A_747 = tpu.memref_slice %arg9[%scan3A_482, %scatter3A_744, %scatter3A_745, %scatter3A_746] : memref<4x6x8x133xf32, #tpu.memory_space<vmem>> -> memref<1x6x8x133xf32, #tpu.memory_space<vmem>>
        %scatter3A_748 = tpu.memref_squeeze %scatter3A_747 : memref<1x6x8x133xf32, #tpu.memory_space<vmem>> -> memref<6x8x133xf32, #tpu.memory_space<vmem>>
        tpu.vector_store_idx %scatter3A_748[%shift_right_arithmetic3A_15, %and3A_18, %add3A_728], %get3A_743 : memref<6x8x133xf32, #tpu.memory_space<vmem>>[vector<16xi32>, vector<16xi32>, vector<16xi32>], vector<16xf32>,
        %get3A_749 = arith.constant 3 : i32
        %get3A_750 = arith.index_cast %get3A_749 : i32 to index
        %get3A_751 = arith.index_cast %add3A_724 : i32 to index
        %get3A_752 = arith.constant 0 : index
        %get3A_753 = tpu.vector_load %arg8[%get3A_750, %get3A_751, %get3A_752] {strides = array<i32>} : memref<4x128x16xf32, #tpu.memory_space<vmem>>, vector<16xf32>,
        %scatter3A_754 = arith.constant 0 : i32
        %scatter3A_755 = arith.constant 0 : i32
        %scatter3A_756 = arith.constant 0 : i32
        %scatter3A_757 = tpu.memref_slice %arg9[%scan3A_482, %scatter3A_754, %scatter3A_755, %scatter3A_756] : memref<4x6x8x133xf32, #tpu.memory_space<vmem>> -> memref<1x6x8x133xf32, #tpu.memory_space<vmem>>
        %scatter3A_758 = tpu.memref_squeeze %scatter3A_757 : memref<1x6x8x133xf32, #tpu.memory_space<vmem>> -> memref<6x8x133xf32, #tpu.memory_space<vmem>>
        tpu.vector_store_idx %scatter3A_758[%shift_right_arithmetic3A_24, %and3A_27, %add3A_728], %get3A_753 : memref<6x8x133xf32, #tpu.memory_space<vmem>>[vector<16xi32>, vector<16xi32>, vector<16xi32>], vector<16xf32>,
        %scan3A_759 = arith.constant 6 : i32
        %scan3A_760 = arith.addi %scan3A_523, %scan3A_759 : i32
        %mul3A_761 = arith.constant 1 : i32
        %mul3A_762 = arith.muli %scan3A_760, %mul3A_761 : i32
        %add3A_763 = arith.constant 0 : i32
        %add3A_764 = arith.addi %add3A_763, %mul3A_762 : i32
        %broadcast_in_dim3A_765 = arith.constant 0 : i32
        %broadcast_in_dim3A_766 = vector.broadcast %broadcast_in_dim3A_765 : i32 to vector<16xi32>
        %add3A_767 = vector.broadcast %add3A_764 : i32 to vector<16xi32>
        %add3A_768 = arith.addi %broadcast_in_dim3A_766, %add3A_767 : vector<16xi32>
        %get3A_769 = arith.constant 3 : i32
        %get3A_770 = arith.index_cast %get3A_769 : i32 to index
        %get3A_771 = arith.index_cast %add3A_764 : i32 to index
        %get3A_772 = arith.constant 0 : index
        %get3A_773 = tpu.vector_load %arg7[%get3A_770, %get3A_771, %get3A_772] {strides = array<i32>} : memref<4x128x32xf32, #tpu.memory_space<vmem>>, vector<16xf32>,
        %scatter3A_774 = arith.constant 0 : i32
        %scatter3A_775 = arith.constant 0 : i32
        %scatter3A_776 = arith.constant 0 : i32
        %scatter3A_777 = tpu.memref_slice %arg9[%scan3A_482, %scatter3A_774, %scatter3A_775, %scatter3A_776] : memref<4x6x8x133xf32, #tpu.memory_space<vmem>> -> memref<1x6x8x133xf32, #tpu.memory_space<vmem>>
        %scatter3A_778 = tpu.memref_squeeze %scatter3A_777 : memref<1x6x8x133xf32, #tpu.memory_space<vmem>> -> memref<6x8x133xf32, #tpu.memory_space<vmem>>
        tpu.vector_store_idx %scatter3A_778[%shift_right_arithmetic3A_7, %and3A_9, %add3A_768], %get3A_773 : memref<6x8x133xf32, #tpu.memory_space<vmem>>[vector<16xi32>, vector<16xi32>, vector<16xi32>], vector<16xf32>,
        %get3A_779 = arith.constant 3 : i32
        %get3A_780 = arith.index_cast %get3A_779 : i32 to index
        %get3A_781 = arith.index_cast %add3A_764 : i32 to index
        %get3A_782 = arith.constant 16 : index
        %get3A_783 = tpu.vector_load %arg7[%get3A_780, %get3A_781, %get3A_782] {strides = array<i32>} : memref<4x128x32xf32, #tpu.memory_space<vmem>>, vector<16xf32>,
        %scatter3A_784 = arith.constant 0 : i32
        %scatter3A_785 = arith.constant 0 : i32
        %scatter3A_786 = arith.constant 0 : i32
        %scatter3A_787 = tpu.memref_slice %arg9[%scan3A_482, %scatter3A_784, %scatter3A_785, %scatter3A_786] : memref<4x6x8x133xf32, #tpu.memory_space<vmem>> -> memref<1x6x8x133xf32, #tpu.memory_space<vmem>>
        %scatter3A_788 = tpu.memref_squeeze %scatter3A_787 : memref<1x6x8x133xf32, #tpu.memory_space<vmem>> -> memref<6x8x133xf32, #tpu.memory_space<vmem>>
        tpu.vector_store_idx %scatter3A_788[%shift_right_arithmetic3A_15, %and3A_18, %add3A_768], %get3A_783 : memref<6x8x133xf32, #tpu.memory_space<vmem>>[vector<16xi32>, vector<16xi32>, vector<16xi32>], vector<16xf32>,
        %get3A_789 = arith.constant 3 : i32
        %get3A_790 = arith.index_cast %get3A_789 : i32 to index
        %get3A_791 = arith.index_cast %add3A_764 : i32 to index
        %get3A_792 = arith.constant 0 : index
        %get3A_793 = tpu.vector_load %arg8[%get3A_790, %get3A_791, %get3A_792] {strides = array<i32>} : memref<4x128x16xf32, #tpu.memory_space<vmem>>, vector<16xf32>,
        %scatter3A_794 = arith.constant 0 : i32
        %scatter3A_795 = arith.constant 0 : i32
        %scatter3A_796 = arith.constant 0 : i32
        %scatter3A_797 = tpu.memref_slice %arg9[%scan3A_482, %scatter3A_794, %scatter3A_795, %scatter3A_796] : memref<4x6x8x133xf32, #tpu.memory_space<vmem>> -> memref<1x6x8x133xf32, #tpu.memory_space<vmem>>
        %scatter3A_798 = tpu.memref_squeeze %scatter3A_797 : memref<1x6x8x133xf32, #tpu.memory_space<vmem>> -> memref<6x8x133xf32, #tpu.memory_space<vmem>>
        tpu.vector_store_idx %scatter3A_798[%shift_right_arithmetic3A_24, %and3A_27, %add3A_768], %get3A_793 : memref<6x8x133xf32, #tpu.memory_space<vmem>>[vector<16xi32>, vector<16xi32>, vector<16xi32>], vector<16xf32>,
        %scan3A_799 = arith.constant 7 : i32
        %scan3A_800 = arith.addi %scan3A_523, %scan3A_799 : i32
        %mul3A_801 = arith.constant 1 : i32
        %mul3A_802 = arith.muli %scan3A_800, %mul3A_801 : i32
        %add3A_803 = arith.constant 0 : i32
        %add3A_804 = arith.addi %add3A_803, %mul3A_802 : i32
        %broadcast_in_dim3A_805 = arith.constant 0 : i32
        %broadcast_in_dim3A_806 = vector.broadcast %broadcast_in_dim3A_805 : i32 to vector<16xi32>
        %add3A_807 = vector.broadcast %add3A_804 : i32 to vector<16xi32>
        %add3A_808 = arith.addi %broadcast_in_dim3A_806, %add3A_807 : vector<16xi32>
        %get3A_809 = arith.constant 3 : i32
        %get3A_810 = arith.index_cast %get3A_809 : i32 to index
        %get3A_811 = arith.index_cast %add3A_804 : i32 to index
        %get3A_812 = arith.constant 0 : index
        %get3A_813 = tpu.vector_load %arg7[%get3A_810, %get3A_811, %get3A_812] {strides = array<i32>} : memref<4x128x32xf32, #tpu.memory_space<vmem>>, vector<16xf32>,
        %scatter3A_814 = arith.constant 0 : i32
        %scatter3A_815 = arith.constant 0 : i32
        %scatter3A_816 = arith.constant 0 : i32
        %scatter3A_817 = tpu.memref_slice %arg9[%scan3A_482, %scatter3A_814, %scatter3A_815, %scatter3A_816] : memref<4x6x8x133xf32, #tpu.memory_space<vmem>> -> memref<1x6x8x133xf32, #tpu.memory_space<vmem>>
        %scatter3A_818 = tpu.memref_squeeze %scatter3A_817 : memref<1x6x8x133xf32, #tpu.memory_space<vmem>> -> memref<6x8x133xf32, #tpu.memory_space<vmem>>
        tpu.vector_store_idx %scatter3A_818[%shift_right_arithmetic3A_7, %and3A_9, %add3A_808], %get3A_813 : memref<6x8x133xf32, #tpu.memory_space<vmem>>[vector<16xi32>, vector<16xi32>, vector<16xi32>], vector<16xf32>,
        %get3A_819 = arith.constant 3 : i32
        %get3A_820 = arith.index_cast %get3A_819 : i32 to index
        %get3A_821 = arith.index_cast %add3A_804 : i32 to index
        %get3A_822 = arith.constant 16 : index
        %get3A_823 = tpu.vector_load %arg7[%get3A_820, %get3A_821, %get3A_822] {strides = array<i32>} : memref<4x128x32xf32, #tpu.memory_space<vmem>>, vector<16xf32>,
        %scatter3A_824 = arith.constant 0 : i32
        %scatter3A_825 = arith.constant 0 : i32
        %scatter3A_826 = arith.constant 0 : i32
        %scatter3A_827 = tpu.memref_slice %arg9[%scan3A_482, %scatter3A_824, %scatter3A_825, %scatter3A_826] : memref<4x6x8x133xf32, #tpu.memory_space<vmem>> -> memref<1x6x8x133xf32, #tpu.memory_space<vmem>>
        %scatter3A_828 = tpu.memref_squeeze %scatter3A_827 : memref<1x6x8x133xf32, #tpu.memory_space<vmem>> -> memref<6x8x133xf32, #tpu.memory_space<vmem>>
        tpu.vector_store_idx %scatter3A_828[%shift_right_arithmetic3A_15, %and3A_18, %add3A_808], %get3A_823 : memref<6x8x133xf32, #tpu.memory_space<vmem>>[vector<16xi32>, vector<16xi32>, vector<16xi32>], vector<16xf32>,
        %get3A_829 = arith.constant 3 : i32
        %get3A_830 = arith.index_cast %get3A_829 : i32 to index
        %get3A_831 = arith.index_cast %add3A_804 : i32 to index
        %get3A_832 = arith.constant 0 : index
        %get3A_833 = tpu.vector_load %arg8[%get3A_830, %get3A_831, %get3A_832] {strides = array<i32>} : memref<4x128x16xf32, #tpu.memory_space<vmem>>, vector<16xf32>,
        %scatter3A_834 = arith.constant 0 : i32
        %scatter3A_835 = arith.constant 0 : i32
        %scatter3A_836 = arith.constant 0 : i32
        %scatter3A_837 = tpu.memref_slice %arg9[%scan3A_482, %scatter3A_834, %scatter3A_835, %scatter3A_836] : memref<4x6x8x133xf32, #tpu.memory_space<vmem>> -> memref<1x6x8x133xf32, #tpu.memory_space<vmem>>
        %scatter3A_838 = tpu.memref_squeeze %scatter3A_837 : memref<1x6x8x133xf32, #tpu.memory_space<vmem>> -> memref<6x8x133xf32, #tpu.memory_space<vmem>>
        tpu.vector_store_idx %scatter3A_838[%shift_right_arithmetic3A_24, %and3A_27, %add3A_808], %get3A_833 : memref<6x8x133xf32, #tpu.memory_space<vmem>>[vector<16xi32>, vector<16xi32>, vector<16xi32>], vector<16xf32>,
      }
      %scan3A_487 = arith.constant 128 : i32
      %shift_right_arithmetic3A_488 = arith.constant 3 : i32
      %shift_right_arithmetic3A_489 = arith.shrsi %add3A_443, %shift_right_arithmetic3A_488 : i32
      %and3A_490 = arith.constant 7 : i32
      %and3A_491 = arith.andi %add3A_443, %and3A_490 : i32
      %mul3A_492 = arith.constant 25 : i32
      %mul3A_493 = arith.muli %add3A, %mul3A_492 : i32
      %add3A_494 = arith.addi %mul3A_493, %shift_right_arithmetic3A_489 : i32
      %shift_right_arithmetic3A_495 = arith.constant 5 : i32
      %shift_right_arithmetic3A_496 = arith.shrsi %add3A_494, %shift_right_arithmetic3A_495 : i32
      %and3A_497 = arith.constant 31 : i32
      %and3A_498 = arith.andi %add3A_494, %and3A_497 : i32
      %mul3A_499 = arith.constant 8 : i32
      %mul3A_500 = arith.muli %shift_right_arithmetic3A_496, %mul3A_499 : i32
      %add3A_501 = arith.addi %mul3A_500, %and3A_491 : i32
      %dma_start3A_502 = arith.constant 3 : i32
      %dma_start3A_503 = arith.constant 0 : i32
      %dma_start3A_504 = arith.constant 0 : i32
      %dma_start3A_505 = arith.constant 0 : i32
      %dma_start3A_506 = tpu.memref_slice %arg9[%dma_start3A_502, %dma_start3A_503, %dma_start3A_504, %dma_start3A_505] : memref<4x6x8x133xf32, #tpu.memory_space<vmem>> -> memref<1x6x8x128xf32, #tpu.memory_space<vmem>>
      %dma_start3A_507 = tpu.memref_squeeze %dma_start3A_506 : memref<1x6x8x128xf32, #tpu.memory_space<vmem>> -> memref<6x8x128xf32, #tpu.memory_space<vmem>>
      %dma_start3A_508 = arith.constant 0 : i32
      %dma_start3A_509 = arith.constant 0 : i32
      %dma_start3A_510 = arith.constant 0 : i32
      %dma_start3A_511 = tpu.memref_slice %arg5[%add3A_501, %dma_start3A_508, %and3A_498, %dma_start3A_509, %dma_start3A_510] : memref<200x6x32x8x128xf32, #tpu.memory_space<hbm>> -> memref<1x6x1x8x128xf32, #tpu.memory_space<hbm>>
      %dma_start3A_512 = tpu.memref_squeeze %dma_start3A_511 : memref<1x6x1x8x128xf32, #tpu.memory_space<hbm>> -> memref<6x8x128xf32, #tpu.memory_space<hbm>>
      %dma_start3A_513 = arith.constant 0 : i32
      %dma_start3A_514 = arith.constant 0 : i32
      %dma_start3A_515 = arith.constant 0 : i32
      %dma_start3A_516 = tpu.memref_slice %arg5[%add3A_501, %dma_start3A_513, %and3A_498, %dma_start3A_514, %dma_start3A_515] : memref<200x6x32x8x128xf32, #tpu.memory_space<hbm>> -> memref<1x6x1x8x128xf32, #tpu.memory_space<hbm>>
      %dma_start3A_517 = tpu.memref_squeeze %dma_start3A_516 : memref<1x6x1x8x128xf32, #tpu.memory_space<hbm>> -> memref<6x8x128xf32, #tpu.memory_space<hbm>>
      %dma_start3A_518 = arith.constant 0 : i32
      %dma_start3A_519 = arith.constant 0 : i32
      %dma_start3A_520 = arith.constant 0 : i32
      %dma_start3A_521 = tpu.memref_slice %arg9[%dma_start3A_502, %dma_start3A_518, %dma_start3A_519, %dma_start3A_520] : memref<4x6x8x133xf32, #tpu.memory_space<vmem>> -> memref<1x6x8x128xf32, #tpu.memory_space<vmem>>
      %dma_start3A_522 = tpu.memref_squeeze %dma_start3A_521 : memref<1x6x8x128xf32, #tpu.memory_space<vmem>> -> memref<6x8x128xf32, #tpu.memory_space<vmem>>
      tpu.enqueue_dma source(%dma_start3A_522 : memref<6x8x128xf32, #tpu.memory_space<vmem>>) target(%dma_start3A_517 : memref<6x8x128xf32, #tpu.memory_space<hbm>>) target_semaphore(%arg17 : memref<!tpu.dma_semaphore, #tpu.memory_space<semaphore_mem>>)
    }
    %scan3A_106 = arith.constant 50 : i32
    %dma_wait3A = arith.constant 0 : i32
    %dma_wait3A_107 = arith.constant 0 : i32
    %dma_wait3A_108 = arith.constant 0 : i32
    %dma_wait3A_109 = arith.constant 0 : i32
    %dma_wait3A_110 = arith.constant 0 : i32
    %dma_wait3A_111 = arith.constant 0 : i32
    %dma_wait3A_112 = tpu.memref_slice %arg9[%dma_wait3A, %dma_wait3A_109, %dma_wait3A_110, %dma_wait3A_111] : memref<4x6x8x133xf32, #tpu.memory_space<vmem>> -> memref<1x6x8x128xf32, #tpu.memory_space<vmem>>
    %dma_wait3A_113 = tpu.memref_squeeze %dma_wait3A_112 : memref<1x6x8x128xf32, #tpu.memory_space<vmem>> -> memref<6x8x128xf32, #tpu.memory_space<vmem>>
    %dma_wait3A_114 = arith.constant 0 : i32
    %dma_wait3A_115 = arith.constant 0 : i32
    %dma_wait3A_116 = arith.constant 0 : i32
    %dma_wait3A_117 = tpu.memref_slice %arg5[%dma_wait3A_107, %dma_wait3A_114, %dma_wait3A_108, %dma_wait3A_115, %dma_wait3A_116] : memref<200x6x32x8x128xf32, #tpu.memory_space<hbm>> -> memref<1x6x1x8x128xf32, #tpu.memory_space<hbm>>
    %dma_wait3A_118 = tpu.memref_squeeze %dma_wait3A_117 : memref<1x6x1x8x128xf32, #tpu.memory_space<hbm>> -> memref<6x8x128xf32, #tpu.memory_space<hbm>>
    %dma_wait3A_119 = arith.constant 0 : i32
    %dma_wait3A_120 = arith.constant 0 : i32
    %dma_wait3A_121 = arith.constant 0 : i32
    %dma_wait3A_122 = tpu.memref_slice %arg5[%dma_wait3A_107, %dma_wait3A_119, %dma_wait3A_108, %dma_wait3A_120, %dma_wait3A_121] : memref<200x6x32x8x128xf32, #tpu.memory_space<hbm>> -> memref<1x6x1x8x128xf32, #tpu.memory_space<hbm>>
    %dma_wait3A_123 = tpu.memref_squeeze %dma_wait3A_122 : memref<1x6x1x8x128xf32, #tpu.memory_space<hbm>> -> memref<6x8x128xf32, #tpu.memory_space<hbm>>
    %dma_wait3A_124 = arith.constant 0 : i32
    %dma_wait3A_125 = arith.constant 0 : i32
    %dma_wait3A_126 = arith.constant 0 : i32
    %dma_wait3A_127 = tpu.memref_slice %arg9[%dma_wait3A, %dma_wait3A_124, %dma_wait3A_125, %dma_wait3A_126] : memref<4x6x8x133xf32, #tpu.memory_space<vmem>> -> memref<1x6x8x128xf32, #tpu.memory_space<vmem>>
    %dma_wait3A_128 = tpu.memref_squeeze %dma_wait3A_127 : memref<1x6x8x128xf32, #tpu.memory_space<vmem>> -> memref<6x8x128xf32, #tpu.memory_space<vmem>>
    tpu.wait_dma2 semaphore(%arg14 : memref<!tpu.dma_semaphore, #tpu.memory_space<semaphore_mem>>) src(%dma_wait3A_128 : memref<6x8x128xf32, #tpu.memory_space<vmem>>) dst(%dma_wait3A_123 : memref<6x8x128xf32, #tpu.memory_space<hbm>>)
    %dma_wait3A_129 = arith.constant 1 : i32
    %dma_wait3A_130 = arith.constant 0 : i32
    %dma_wait3A_131 = arith.constant 0 : i32
    %dma_wait3A_132 = arith.constant 0 : i32
    %dma_wait3A_133 = arith.constant 0 : i32
    %dma_wait3A_134 = arith.constant 0 : i32
    %dma_wait3A_135 = tpu.memref_slice %arg9[%dma_wait3A_129, %dma_wait3A_132, %dma_wait3A_133, %dma_wait3A_134] : memref<4x6x8x133xf32, #tpu.memory_space<vmem>> -> memref<1x6x8x128xf32, #tpu.memory_space<vmem>>
    %dma_wait3A_136 = tpu.memref_squeeze %dma_wait3A_135 : memref<1x6x8x128xf32, #tpu.memory_space<vmem>> -> memref<6x8x128xf32, #tpu.memory_space<vmem>>
    %dma_wait3A_137 = arith.constant 0 : i32
    %dma_wait3A_138 = arith.constant 0 : i32
    %dma_wait3A_139 = arith.constant 0 : i32
    %dma_wait3A_140 = tpu.memref_slice %arg5[%dma_wait3A_130, %dma_wait3A_137, %dma_wait3A_131, %dma_wait3A_138, %dma_wait3A_139] : memref<200x6x32x8x128xf32, #tpu.memory_space<hbm>> -> memref<1x6x1x8x128xf32, #tpu.memory_space<hbm>>
    %dma_wait3A_141 = tpu.memref_squeeze %dma_wait3A_140 : memref<1x6x1x8x128xf32, #tpu.memory_space<hbm>> -> memref<6x8x128xf32, #tpu.memory_space<hbm>>
    %dma_wait3A_142 = arith.constant 0 : i32
    %dma_wait3A_143 = arith.constant 0 : i32
    %dma_wait3A_144 = arith.constant 0 : i32
    %dma_wait3A_145 = tpu.memref_slice %arg5[%dma_wait3A_130, %dma_wait3A_142, %dma_wait3A_131, %dma_wait3A_143, %dma_wait3A_144] : memref<200x6x32x8x128xf32, #tpu.memory_space<hbm>> -> memref<1x6x1x8x128xf32, #tpu.memory_space<hbm>>
    %dma_wait3A_146 = tpu.memref_squeeze %dma_wait3A_145 : memref<1x6x1x8x128xf32, #tpu.memory_space<hbm>> -> memref<6x8x128xf32, #tpu.memory_space<hbm>>
    %dma_wait3A_147 = arith.constant 0 : i32
    %dma_wait3A_148 = arith.constant 0 : i32
    %dma_wait3A_149 = arith.constant 0 : i32
    %dma_wait3A_150 = tpu.memref_slice %arg9[%dma_wait3A_129, %dma_wait3A_147, %dma_wait3A_148, %dma_wait3A_149] : memref<4x6x8x133xf32, #tpu.memory_space<vmem>> -> memref<1x6x8x128xf32, #tpu.memory_space<vmem>>
    %dma_wait3A_151 = tpu.memref_squeeze %dma_wait3A_150 : memref<1x6x8x128xf32, #tpu.memory_space<vmem>> -> memref<6x8x128xf32, #tpu.memory_space<vmem>>
    tpu.wait_dma2 semaphore(%arg15 : memref<!tpu.dma_semaphore, #tpu.memory_space<semaphore_mem>>) src(%dma_wait3A_151 : memref<6x8x128xf32, #tpu.memory_space<vmem>>) dst(%dma_wait3A_146 : memref<6x8x128xf32, #tpu.memory_space<hbm>>)
    %dma_wait3A_152 = arith.constant 2 : i32
    %dma_wait3A_153 = arith.constant 0 : i32
    %dma_wait3A_154 = arith.constant 0 : i32
    %dma_wait3A_155 = arith.constant 0 : i32
    %dma_wait3A_156 = arith.constant 0 : i32
    %dma_wait3A_157 = arith.constant 0 : i32
    %dma_wait3A_158 = tpu.memref_slice %arg9[%dma_wait3A_152, %dma_wait3A_155, %dma_wait3A_156, %dma_wait3A_157] : memref<4x6x8x133xf32, #tpu.memory_space<vmem>> -> memref<1x6x8x128xf32, #tpu.memory_space<vmem>>
    %dma_wait3A_159 = tpu.memref_squeeze %dma_wait3A_158 : memref<1x6x8x128xf32, #tpu.memory_space<vmem>> -> memref<6x8x128xf32, #tpu.memory_space<vmem>>
    %dma_wait3A_160 = arith.constant 0 : i32
    %dma_wait3A_161 = arith.constant 0 : i32
    %dma_wait3A_162 = arith.constant 0 : i32
    %dma_wait3A_163 = tpu.memref_slice %arg5[%dma_wait3A_153, %dma_wait3A_160, %dma_wait3A_154, %dma_wait3A_161, %dma_wait3A_162] : memref<200x6x32x8x128xf32, #tpu.memory_space<hbm>> -> memref<1x6x1x8x128xf32, #tpu.memory_space<hbm>>
    %dma_wait3A_164 = tpu.memref_squeeze %dma_wait3A_163 : memref<1x6x1x8x128xf32, #tpu.memory_space<hbm>> -> memref<6x8x128xf32, #tpu.memory_space<hbm>>
    %dma_wait3A_165 = arith.constant 0 : i32
    %dma_wait3A_166 = arith.constant 0 : i32
    %dma_wait3A_167 = arith.constant 0 : i32
    %dma_wait3A_168 = tpu.memref_slice %arg5[%dma_wait3A_153, %dma_wait3A_165, %dma_wait3A_154, %dma_wait3A_166, %dma_wait3A_167] : memref<200x6x32x8x128xf32, #tpu.memory_space<hbm>> -> memref<1x6x1x8x128xf32, #tpu.memory_space<hbm>>
    %dma_wait3A_169 = tpu.memref_squeeze %dma_wait3A_168 : memref<1x6x1x8x128xf32, #tpu.memory_space<hbm>> -> memref<6x8x128xf32, #tpu.memory_space<hbm>>
    %dma_wait3A_170 = arith.constant 0 : i32
    %dma_wait3A_171 = arith.constant 0 : i32
    %dma_wait3A_172 = arith.constant 0 : i32
    %dma_wait3A_173 = tpu.memref_slice %arg9[%dma_wait3A_152, %dma_wait3A_170, %dma_wait3A_171, %dma_wait3A_172] : memref<4x6x8x133xf32, #tpu.memory_space<vmem>> -> memref<1x6x8x128xf32, #tpu.memory_space<vmem>>
    %dma_wait3A_174 = tpu.memref_squeeze %dma_wait3A_173 : memref<1x6x8x128xf32, #tpu.memory_space<vmem>> -> memref<6x8x128xf32, #tpu.memory_space<vmem>>
    tpu.wait_dma2 semaphore(%arg16 : memref<!tpu.dma_semaphore, #tpu.memory_space<semaphore_mem>>) src(%dma_wait3A_174 : memref<6x8x128xf32, #tpu.memory_space<vmem>>) dst(%dma_wait3A_169 : memref<6x8x128xf32, #tpu.memory_space<hbm>>)
    %dma_wait3A_175 = arith.constant 3 : i32
    %dma_wait3A_176 = arith.constant 0 : i32
    %dma_wait3A_177 = arith.constant 0 : i32
    %dma_wait3A_178 = arith.constant 0 : i32
    %dma_wait3A_179 = arith.constant 0 : i32
    %dma_wait3A_180 = arith.constant 0 : i32
    %dma_wait3A_181 = tpu.memref_slice %arg9[%dma_wait3A_175, %dma_wait3A_178, %dma_wait3A_179, %dma_wait3A_180] : memref<4x6x8x133xf32, #tpu.memory_space<vmem>> -> memref<1x6x8x128xf32, #tpu.memory_space<vmem>>
    %dma_wait3A_182 = tpu.memref_squeeze %dma_wait3A_181 : memref<1x6x8x128xf32, #tpu.memory_space<vmem>> -> memref<6x8x128xf32, #tpu.memory_space<vmem>>
    %dma_wait3A_183 = arith.constant 0 : i32
    %dma_wait3A_184 = arith.constant 0 : i32
    %dma_wait3A_185 = arith.constant 0 : i32
    %dma_wait3A_186 = tpu.memref_slice %arg5[%dma_wait3A_176, %dma_wait3A_183, %dma_wait3A_177, %dma_wait3A_184, %dma_wait3A_185] : memref<200x6x32x8x128xf32, #tpu.memory_space<hbm>> -> memref<1x6x1x8x128xf32, #tpu.memory_space<hbm>>
    %dma_wait3A_187 = tpu.memref_squeeze %dma_wait3A_186 : memref<1x6x1x8x128xf32, #tpu.memory_space<hbm>> -> memref<6x8x128xf32, #tpu.memory_space<hbm>>
    %dma_wait3A_188 = arith.constant 0 : i32
    %dma_wait3A_189 = arith.constant 0 : i32
    %dma_wait3A_190 = arith.constant 0 : i32
    %dma_wait3A_191 = tpu.memref_slice %arg5[%dma_wait3A_176, %dma_wait3A_188, %dma_wait3A_177, %dma_wait3A_189, %dma_wait3A_190] : memref<200x6x32x8x128xf32, #tpu.memory_space<hbm>> -> memref<1x6x1x8x128xf32, #tpu.memory_space<hbm>>
    %dma_wait3A_192 = tpu.memref_squeeze %dma_wait3A_191 : memref<1x6x1x8x128xf32, #tpu.memory_space<hbm>> -> memref<6x8x128xf32, #tpu.memory_space<hbm>>
    %dma_wait3A_193 = arith.constant 0 : i32
    %dma_wait3A_194 = arith.constant 0 : i32
    %dma_wait3A_195 = arith.constant 0 : i32
    %dma_wait3A_196 = tpu.memref_slice %arg9[%dma_wait3A_175, %dma_wait3A_193, %dma_wait3A_194, %dma_wait3A_195] : memref<4x6x8x133xf32, #tpu.memory_space<vmem>> -> memref<1x6x8x128xf32, #tpu.memory_space<vmem>>
    %dma_wait3A_197 = tpu.memref_squeeze %dma_wait3A_196 : memref<1x6x8x128xf32, #tpu.memory_space<vmem>> -> memref<6x8x128xf32, #tpu.memory_space<vmem>>
    tpu.wait_dma2 semaphore(%arg17 : memref<!tpu.dma_semaphore, #tpu.memory_space<semaphore_mem>>) src(%dma_wait3A_197 : memref<6x8x128xf32, #tpu.memory_space<vmem>>) dst(%dma_wait3A_192 : memref<6x8x128xf32, #tpu.memory_space<hbm>>)
    return
  }
}

</mosaic_0001>

<sc_bundles>
// kernel: kernel.3.cloned.1.call-start
scs
__scs_entry_jumppad:
0x0: {  	(pc) =	sbr.rel $0x88, $3  }
0x1: {  	(tag) =	ssettag $0x0;
	lr =	simm.s32 $0x1  }
0x2: {  	[smem:$0x3F9E] =	sst lr;
	_ =	strace $0xD0000000  }
0x3: {  	_ = 	snop  }
0x4: {  	_ = 	snop  }
0x5: {  	_ = 	snop  }
0x6: {  	_ = 	snop  }
0x7: {  	_ = 	snop  }
__scs_overlays_trampoline_lowered:
0x8: {  	[smem:$0x3FAD] =	sst s0  }
0x9: {  	[smem:$0x3FAE] =	sst s1  }
0xa: {  	[smem:$0x3FAF] =	sst s2  }
0xb: {  	[smem:$0x3FB0] =	sst s3  }
0xc: {  	[smem:$0x3FB1] =	sst s4  }
0xd: {  	[smem:$0x3FB2] =	sst s5  }
0xe: {  	[smem:$0x3FB3] =	sst s6  }
0xf: {  	[smem:$0x3FB4] =	sst s7  }
0x10: {  	[smem:$0x3FB5] =	sst s8  }
0x11: {  	[smem:$0x3FB6] =	sst s9;
	s0 =	simm.s32 @!p0 $0x0  }
0x12: {  	s1 =	sld [smem:$0x3F9C];
	s0 =	simm.s32 @p0 $0x1  }
0x13: {  	[smem:$0x3FB7] =	sst s0;
	s0 =	simm.s32 @!p1 $0x0  }
0x14: {  	s2 =	sld [smem:$0x3F9B];
	s0 =	simm.s32 @p1 $0x1  }
0x15: {  	[smem:$0x3FB8] =	sst s0;
	s0 =	simm.s32 @!p2 $0x0  }
0x16: {  	s3 =	sld [smem:$0x3FDB];
	s0 =	simm.s32 @p2 $0x1  }
0x17: {  	s4 =	simm.s32 $0x1BF5;
	[smem:$0x3FBA] =	sst s0  }
0x18: {  	s0 =	sld [smem:$0x3F9D];
	_ =	swait.ge [sflag:s4], $0x0  }
0x19: {  	s7 =	sld [smem:$0x3F9E]  }
0x1a: {  	s8 =	sadd.s32 $0xFFFFE003, lr  }
0x1b: {  	s9 =	sadd.s32 $0xFFFFFEF7, lr;
	s5 =	simm.s32 $0xFFFFFFFF;
	p2 =	slt.u32 s8, $0xFFFFF086  }
0x1c: {  	p1 =	slt.u32 s9, $0xF7A;
	s5 =	simm.s32 @!p2 $0x0  }
0x1d: {  	s5 =	simm.s32 @p1 $0x1;
	p0 =	seq.s32 s7, s2  }
0x1e: {  	s7 =	smul.u32 @!p0 $0xF7A, s2;
	p2 =	seq.s32 @!p0 s5, $0x0  }
0x1f: {  	s9 =	smul.u32 $0xF7A, s1;
	s8 =	simm.s32 @!p0 $0x1BF5;
	p2 =	por !p2, p0  }
0x20: {  	[sflag:s8] =	ssyncset.s32 @!p0 $0xFFFFF086;
	s6 =	sadd.s32 @!p0 s3, s7;
	s7 =	simm.s32 @!p0 $0x108  }
0x21: {  	s3 =	sadd.s32 s3, s9;
	s6 =	sadd.s32 @!p0 $0x88, s6;
	s7 =	simm.s32 @p2 $0x1082  }
0x22: {  	[simem:s7], [sflag:s8] =	dma.local @!p0 [hbm:s6], $0xF7A  }
0x23: {  	s9 =	sor.u32 $0xD0000000, s2;
	s6 =	simm.s32 $0x108;
	_ =	swait.ge @!p0 [sflag:s8], $0x0  }
0x24: {  	s3 =	sadd.s32 $0x88, s3;
	s6 =	simm.s32 @!p1 $0x1082;
	[sflag:s4] =	ssyncset.s32 $0xFFFFF086  }
0x25: {  	[simem:s6], [sflag:s4] =	dma.local [hbm:s3], $0xF7A  }
0x26: {  	[smem:$0x3F9E] =	sst s1;
	(tag) =	ssettag s2;
	_ =	strace s9  }
0x27: {  	s1 =	sld [smem:$0x3FAE]  }
0x28: {  	s2 =	sld [smem:$0x3FAF]  }
0x29: {  	s4 =	sld [smem:$0x3FB1]  }
0x2a: {  	p0 =	seq.s32 s5, $0x0;
	s5 =	sld [smem:$0x3FB2]  }
0x2b: {  	s6 =	sld [smem:$0x3FB3]  }
0x2c: {  	s7 =	sld [smem:$0x3FB4]  }
0x2d: {  	s3 =	simm.s32 $0x108;
	s8 =	sld [smem:$0x3FB5]  }
0x2e: {  	s3 =	simm.s32 @!p0 $0x1082;
	s9 =	sld [smem:$0x3FB6]  }
0x2f: {  	lr =	sadd.s32 s0, s3;
	s0 =	sld [smem:$0x3FAD]  }
0x30: {  	s3 =	sld [smem:$0x3FB0]  }
0x31: {  	[smem:$0x3FB9] =	sst s10  }
0x32: {  	s10 =	sld [smem:$0x3FB7];
	_ =	sdelay $0x3  }
0x33: {  	p0 =	seq.s32 s10, $0x1;
	s10 =	sld [smem:$0x3FB9];
	_ =	sdelay $0x3  }
0x34: {  	[smem:$0x3FB9] =	sst s10  }
0x35: {  	s10 =	sld [smem:$0x3FB8];
	_ =	sdelay $0x3  }
0x36: {  	p1 =	seq.s32 s10, $0x1;
	s10 =	sld [smem:$0x3FB9];
	_ =	sdelay $0x3  }
0x37: {  	[smem:$0x3FB9] =	sst s10  }
0x38: {  	s10 =	sld [smem:$0x3FBA]  }
0x39: {  	_ = 	snop;
	(pc) =	sbr.ind lr, $3  }
0x3a: {  	_ = 	snop  }
0x3b: {  	_ = 	snop  }
0x3c: {  	p2 =	seq.s32 s10, $0x1;
	s10 =	sld [smem:$0x3FB9]  }
0x3d: {  	_ =	shalt  }
0x3e: {  	_ =	shalt  }
0x3f: {  	_ =	shalt  }
0x40: {  	_ =	shalt  }
0x41: {  	_ =	shalt  }
0x42: {  	_ =	shalt  }
0x43: {  	_ =	shalt  }
0x44: {  	_ =	shalt  }
0x45: {  	_ =	shalt  }
0x46: {  	_ =	shalt  }
0x47: {  	_ =	shalt  }
0x48: {  	_ =	shalt  }
0x49: {  	_ =	shalt  }
0x4a: {  	_ =	shalt  }
0x4b: {  	_ =	shalt  }
0x4c: {  	_ =	shalt  }
0x4d: {  	_ =	shalt  }
0x4e: {  	_ =	shalt  }
0x4f: {  	_ =	shalt  }
0x50: {  	_ =	shalt  }
0x51: {  	_ =	shalt  }
0x52: {  	_ =	shalt  }
0x53: {  	_ =	shalt  }
0x54: {  	_ =	shalt  }
0x55: {  	_ =	shalt  }
0x56: {  	_ =	shalt  }
0x57: {  	_ =	shalt  }
0x58: {  	_ =	shalt  }
0x59: {  	_ =	shalt  }
0x5a: {  	_ =	shalt  }
0x5b: {  	_ =	shalt  }
0x5c: {  	_ =	shalt  }
0x5d: {  	_ =	shalt  }
0x5e: {  	_ =	shalt  }
0x5f: {  	_ =	shalt  }
0x60: {  	_ =	shalt  }
0x61: {  	_ =	shalt  }
0x62: {  	_ =	shalt  }
0x63: {  	_ =	shalt  }
0x64: {  	_ =	shalt  }
0x65: {  	_ =	shalt  }
0x66: {  	_ =	shalt  }
0x67: {  	_ =	shalt  }
0x68: {  	_ =	shalt  }
0x69: {  	_ =	shalt  }
0x6a: {  	_ =	shalt  }
0x6b: {  	_ =	shalt  }
0x6c: {  	_ =	shalt  }
0x6d: {  	_ =	shalt  }
0x6e: {  	_ =	shalt  }
0x6f: {  	_ =	shalt  }
0x70: {  	_ =	shalt  }
0x71: {  	_ =	shalt  }
0x72: {  	_ =	shalt  }
0x73: {  	_ =	shalt  }
0x74: {  	_ =	shalt  }
0x75: {  	_ =	shalt  }
0x76: {  	_ =	shalt  }
0x77: {  	_ =	shalt  }
0x78: {  	_ =	shalt  }
0x79: {  	_ =	shalt  }
0x7a: {  	_ =	shalt  }
0x7b: {  	_ =	shalt  }
0x7c: {  	_ =	shalt  }
0x7d: {  	_ =	shalt  }
0x7e: {  	_ =	shalt  }
0x7f: {  	_ =	shalt  }
0x80: {  	_ =	shalt  }
0x81: {  	_ =	shalt  }
0x82: {  	_ =	shalt  }
0x83: {  	_ =	shalt  }
0x84: {  	_ =	shalt  }
0x85: {  	_ =	shalt  }
0x86: {  	_ =	shalt  }
0x87: {  	_ =	shalt  }
.Lfunc_end0:
.L_simem_size_0:
called_computation_lowered:
.L_overlay_start_0:
0x88: {  	s2 =	sld [smem:$0x3FD9]  }
0x89: {  	s3 =	sld [smem:$0x3FFE];
	_ =	sdelay $0x1  }
0x8a: {  	s1 =	srdreg.scid  }
0x8b: {  	s0 =	sand.u32 $0x1, s1  }
0x8c: {  	s17 =	sshll.u32 s0, $0xA;
	s2 =	sadd.s32 s3, s2  }
0x8d: {  	s2 =	sadd.s32 s2, s17  }
0x8e: {  	[smem:$0x3FC5] =	sst s2  }
0x8f: {  	_ = 	snop  }
0x90: {  	s2 =	sld [smem:$0x3FC9]  }
0x91: {  	s18 =	sld [smem:$0x3FD0];
	(tm) =	ssettm $0x1  }
0x92: {  	s4 =	sld [smem:$0x3FFB];
	_ =	sdelay $0x3  }
0x93: {  	_ =	strace s4  }
0x94: {  	s4 =	sld [smem:$0x3FFC];
	_ =	sdelay $0x3  }
0x95: {  	_ =	strace s4  }
0x96: {  	s4 =	sld [smem:$0x3FFD];
	_ =	sdelay $0x3  }
0x97: {  	_ =	strace s4  }
0x98: {  	_ =	strace $0x8FFFFFFF  }
0x99: {  	s19 =	sld [smem:$0x3FDB];
	_ =	sdelay $0x1  }
0x9a: {  	s5 =	simm.s32 $_scs_section_size  }
0x9b: {  	s6 =	simm.s32 $_size__tile_overlayer_lowered;
	s7 =	simm.s32 $_tile_overlayer_lowered  }
0x9c: {  	s22 =	simm.s32 $0x1BFF;
	s21 =	sshll.u32 s7, $0x1;
	s4 =	sadd.s32 s5, s19  }
0x9d: {  	s8 =	simm.s32 $0x0;
	s20 =	sshll.u32 s6, $0x1;
	s6 =	sadd.s32 s21, s4  }
0x9e: {  	[timem:s8], [sflag:s22] =	dma.local [hbm:s6], s20  }
0x9f: {  	_ =	swait.ge [sflag:s22], s20  }
0xa0: {  	s5 =	ssub.s32 $0x0, s20;
	[sflag:s22] =	ssyncset.done $0x0  }
0xa1: {  	[sflag:s22] =	ssyncadd.s32 s5;
	_ =	sdelay $0x1  }
0xa2: {  	s23 =	simm.s32 $0x1B8B  }
0xa3: {  	_ =	swait.ge [sflag:s23], $0x1  }
0xa4: {  	[sflag:s23] =	ssyncset.done $0x0  }
0xa5: {  	s25 =	simm.s32 $0x1B8E;
	s24 =	sld [smem:$0x3FFE];
	[sflag:s23] =	ssyncadd.s32 $0xFFFFFFFF  }
0xa6: {  	s26 =	simm.s32 $execute0_lowered;
	[smem:$0x3FD2] =	sst s25  }
0xa7: {  	s6 =	sshll.u32 s26, $0x1;
	_ =	strace $0x80000046;
	[dreg:$0x1] =	wrdreg $0xFFFFFFFF  }
0xa8: {  	s28 =	simm.s32 $_size_execute0_lowered;
	s4 =	sadd.s32 s4, s6;
	[dreg:$0x0] =	wrdreg $0x0  }
0xa9: {  	s6 =	sshll.u32 s28, $0x1;
	[dreg:$0x2] =	wrdreg s4  }
0xaa: {  	[dreg:$0x3] =	wrdreg s6  }
0xab: {  	[dreg:$0x4] =	wrdreg $0xC0  }
0xac: {  	_ =	task [dreg:s8], $0x5FFFF  }
0xad: {  	[dreg:$0x1] =	wrdreg $0xFFFFFFFF  }
0xae: {  	[dreg:$0x0] =	wrdreg $0x60  }
0xaf: {  	[dreg:$0x2] =	wrdreg s2  }
0xb0: {  	[dreg:$0x3] =	wrdreg s24  }
0xb1: {  	[dreg:$0x4] =	wrdreg s18  }
0xb2: {  	[dreg:$0x5] =	wrdreg $0x9  }
0xb3: {  	_ =	task.clear_ibuf [dreg:s8], $0x6FFFF;
	_ =	strace $0x90000046  }
0xb4: {  	s29 =	simm.s32 $0x9;
	_ =	strace $0x80000048  }
0xb5: {  	_ =	swait.ge [sflag:s29], $0x1  }
0xb6: {  	[sflag:s29] =	ssyncadd.s32 $0xFFFFFFFF  }
0xb7: {  	_ =	strace $0x90000048  }
0xb8: {  	_ =	sfence  }
0xb9: {  	s30 =	sld [smem:$0x0];
	_ =	sdelay $0x2  }
0xba: {  	s31 =	sshll.u32 s1, $0xD;
	s1 =	sshrl.u32 s1, $0x2  }
0xbb: {  	s3 =	sand.u32 $0x4000, s31;
	s1 =	sadd.s32 s1, s30  }
0xbc: {  	s0 =	sor.u32 s3, s0;
	s1 =	sshll.u32 s1, $0x11  }
0xbd: {  	s0 =	sor.u32 s1, s0  }
0xbe: {  	s0 =	sadd.s32 $0x8F2B, s0  }
0xbf: {  	[sflag:s0] =	ssyncadd.remote.s32 $0x1  }
0xc0: {  	_ =	sfence.sel $0xFFFF  }
0xc1: {  	[dreg:$0x0] =	wrdreg $0xFFFFFFFF;
	(pc) =	sbr.abs _section_cstart, $3  }
0xc2: {  	[dreg:$0x1] =	wrdreg $0xFFFFFFFF  }
0xc3: {  	_ =	task.clear_ibuf [dreg:s8], $0x2FFFF;
	_ =	strace $0x9FFFFFFF  }
0xc4: {  	(tm) =	ssettm $0x7FFFFFFF  }
0xc5: {  	_ =	shalt  }
tec
execute0_lowered:
.L_overlay_start_1:
0x0: {  	(tag) =	ssettag $0x1  }
0x1: {  	s0 =	rddreg [dreg:$0x0]  }
0x2: {  	s1 =	rddreg [dreg:$0x1]  }
0x3: {  	s2 =	rddreg [dreg:$0x2]  }
0x4: {  	s4 =	srdreg.scid;
	s5 =	stileid.u32;
	v0 =	vlaneseq.u32  }
0x5: {  	s3 =	simm.s32 $0x0;
	s10 =	simm.s32 $0x80;
	s16 =	simm.s32 $0xB400;
	v0 =	vmul.u32 $0x88, v0  }
0x6: {  	v1 =	vimm.s32 $0x0;
	vm0 =	vcmask $0x300;
	s17 =	simm.s32 $0x1;
	s18 =	simm.s32 $0xC400;
	s19 =	simm.s32 $0x9400  }
0x7: {  	s20 =	simm.s32 $0xBC00;
	s21 =	simm.s32 $0x2;
	s22 =	simm.s32 $0xDD80;
	v1 =	vsel vm0, $0x3, v1;
	v2 =	vadd.s32 $0x880, v0;
	v3 =	vadd.s32 $0x1100, v0  }
0x8: {  	s23 =	simm.s32 $0x3;
	s4 =	sand.u32 $0x1, s4;
	s5 =	sshll.u32 s5, $0x1;
	v4 =	vor.u32 $0x1, v0;
	v5 =	vadd.s32 $0x881, v0;
	v6 =	vadd.s32 $0x1101, v0  }
0x9: {  	s24 =	simm.s32 $0xF700;
	s25 =	simm.s32 $0x4;
	s6 =	sor.u32 s4, s5;
	v7 =	vor.u32 $0x2, v0;
	v8 =	vadd.s32 $0x882, v0;
	v9 =	vadd.s32 $0x1102, v0  }
0xa: {  	s26 =	simm.s32 $0x11080;
	s7 =	ssub.s32 $0x2, s4;
	s8 =	smul.u32 $0xC80, s6;
	v10 =	vor.u32 $0x3, v0;
	v11 =	vadd.s32 $0x883, v0;
	v12 =	vadd.s32 $0x1103, v0  }
0xb: {  	[smem:$0x7FF] =	sst s3;
	s4 =	sadd.s32 $0xF42800, s1;
	s30 =	sshrl.u32 s7, $0x1;
	v13 =	vor.u32 $0x4, v0;
	v14 =	vadd.s32 $0x884, v0;
	v15 =	vadd.s32 $0x1104, v0  }
0xc: {  	s5 =	sadd.s32 $0x1313200, s1;
	v16 =	vor.u32 $0x5, v0;
	v17 =	vadd.s32 $0x885, v0;
	v18 =	vadd.s32 $0x1105, v0;
	s1 =	ssub.s32 s7, s30;
	s0 =	sadd.s32 s0, s8  }
0xd: {  	_ =	strace $0x80000047;
	v19 =	vor.u32 $0x6, v0;
	v20 =	vadd.s32 $0x886, v0;
	v21 =	vadd.s32 $0x1106, v0;
	s31 =	smax.u32 s1, $0x1;
	[dreg:$0x4] =	wrdreg s0  }
0xe: {  	s6 =	smul.u32 $0x19, s6;
	v22 =	vor.u32 $0x7, v0;
	v23 =	vadd.s32 $0x887, v0;
	v24 =	vadd.s32 $0x1107, v0;
	s7 =	simm.s32 $0x0;
	[dreg:$0x5] =	wrdreg s31  }
.LBB2_1:
0xf: {  	[dreg:$0x6] =	wrdreg s7  }
0x10: {  	s0 =	rddreg [dreg:$0x4];
	s15 =	simm.s32 $0x9  }
0x11: {  	[tilespmem:s3], [sflag:$0x9] =	stream.linear.gather [hbm4b:s0+s3], $0x6400, $0x38;
	[tilespmem:$0x12A00] =	vst v63  }
0x12: {  	_ =	swait.ge [sflag:s15], $0x6400  }
0x13: {  	[sflag:s15] =	ssyncset.done $0x0  }
0x14: {  	s28 =	simm.s32 $0x6400;
	[sflag:s15] =	ssyncadd.s32 $0xFFFF9C00  }
0x15: {  	[tilespmem:s28], [sflag:$0x1] =	stream.indirect.gather [hbm4b:s4+s10], $0x20, s3, s10, $0xb8;
	[tilespmem:$0x12A00] =	vst v63  }
0x16: {  	s29 =	simm.s32 $0xA400  }
0x17: {  	[tilespmem:s29], [sflag:$0x1] =	stream.indirect.gather [hbm4b:s5+s10], $0x10, s3, s10, $0xb8;
	[tilespmem:$0x12A00] =	vst v63  }
0x18: {  	s30 =	simm.s32 $0x7400  }
0x19: {  	[tilespmem:s30], [sflag:$0x2] =	stream.indirect.gather [hbm4b:s4+s10], $0x20, s10, s10, $0xb8;
	[tilespmem:$0x12A00] =	vst v63  }
0x1a: {  	s31 =	simm.s32 $0xAC00;
	s1 =	simm.s32 $0x0  }
0x1b: {  	[tilespmem:s31], [sflag:$0x2] =	stream.indirect.gather [hbm4b:s5+s10], $0x10, s10, s10, $0xb8;
	[tilespmem:$0x12A00] =	vst v63  }
.LBB2_2:
0x1c: {  	s7 =	sshll.u32 s1, $0x2  }
0x1d: {  	s14 =	sor.u32 $0x2, s7  }
0x1e: {  	s11 =	sshll.u32 s1, $0x9;
	s0 =	sshll.u32 s14, $0x7  }
0x1f: {  	s8 =	sand.u32 $0x7C00, s11;
	s0 =	sand.u32 $0x300, s0  }
0x20: {  	s9 =	simm.s32 $0x8400;
	s0 =	sor.u32 s0, s8  }
0x21: {  	[tilespmem:s9], [sflag:$0x3] =	stream.indirect.gather [hbm4b:s4+s10], $0x20, s0, s10, $0xb8;
	[tilespmem:$0x12A00] =	vst v63  }
0x22: {  	_ = 	snop  }
0x23: {  	[tilespmem:s16], [sflag:$0x3] =	stream.indirect.gather [hbm4b:s5+s10], $0x10, s0, s10, $0xb8;
	[tilespmem:$0x12A00] =	vst v63  }
0x24: {  	_ =	swait.ge [sflag:s17], $0x1000  }
0x25: {  	[sflag:s17] =	ssyncset.done $0x0  }
0x26: {  	[sflag:s17] =	ssyncadd.s32 $0xFFFFF000  }
0x27: {  	s29 =	simm.s32 $0x0;
	_ =	swait.ge [sflag:s17], $0x800  }
0x28: {  	p0 =	seq.s32 s1, $0x0;
	v25 =	vmov s29;
	[sflag:s17] =	ssyncset.done $0x0  }
0x29: {  	v25 =	vshrl.u32 v25, $0x3;
	s0 =	simm.s32 @!p0 $0x5;
	[sflag:s17] =	ssyncadd.s32 $0xFFFFF800  }
0x2a: {  	v25 =	vshll.u32 v25, v1;
	_ =	swait.ge @!p0 [sflag:s0], $0x1800  }
0x2b: {  	v25 =	vbroadcast v25, $0x0;
	[sflag:s0] =	ssyncset.done @!p0 $0x0  }
0x2c: {  	s12 =	simm.s32 $0x6480;
	[sflag:s0] =	ssyncadd.s32 @!p0 $0xFFFFE800  }
0x2d: {  	v27 =	vadd.s32 v0, v25;
	v26 =	vld [tilespmem:s12+$0xFFFFFF80];
	_ =	sdelay $0x4  }
0x2e: {  	[tilespmem:v27+s18+$0x0] =	vst.idx.msk $0xffff, v26  }
0x2f: {  	v27 =	vadd.s32 v2, v25;
	v26 =	vld [tilespmem:s12+$0xFFFFFF90];
	_ =	sdelay $0x4  }
0x30: {  	s9 =	simm.s32 $0xA440;
	[tilespmem:v27+s18+$0x0] =	vst.idx.msk $0xffff, v26  }
0x31: {  	s30 =	simm.s32 $0x1;
	v25 =	vadd.s32 v3, v25;
	v26 =	vld [tilespmem:s9+$0xFFFFFFC0]  }
0x32: {  	v27 =	vmov s30  }
0x33: {  	v27 =	vshrl.u32 v27, $0x3  }
0x34: {  	v27 =	vshll.u32 v27, v1  }
0x35: {  	v27 =	vbroadcast v27, $0x0  }
0x36: {  	[tilespmem:v25+s18+$0x0] =	vst.idx.msk $0xffff, v26  }
0x37: {  	v26 =	vadd.s32 v4, v27;
	v25 =	vld [tilespmem:s12+$0xFFFFFFA0];
	_ =	sdelay $0x4  }
0x38: {  	[tilespmem:v26+s18+$0x0] =	vst.idx.msk $0xffff, v25  }
0x39: {  	v26 =	vadd.s32 v5, v27;
	v25 =	vld [tilespmem:s12+$0xFFFFFFB0];
	_ =	sdelay $0x4  }
0x3a: {  	[tilespmem:v26+s18+$0x0] =	vst.idx.msk $0xffff, v25  }
0x3b: {  	s31 =	simm.s32 $0x2;
	v26 =	vadd.s32 v6, v27;
	v25 =	vld [tilespmem:s9+$0xFFFFFFD0]  }
0x3c: {  	v27 =	vmov s31  }
0x3d: {  	v27 =	vshrl.u32 v27, $0x3  }
0x3e: {  	v27 =	vshll.u32 v27, v1  }
0x3f: {  	v27 =	vbroadcast v27, $0x0  }
0x40: {  	[tilespmem:v26+s18+$0x0] =	vst.idx.msk $0xffff, v25  }
0x41: {  	v26 =	vadd.s32 v7, v27;
	v25 =	vld [tilespmem:s12+$0xFFFFFFC0];
	_ =	sdelay $0x4  }
0x42: {  	[tilespmem:v26+s18+$0x0] =	vst.idx.msk $0xffff, v25  }
0x43: {  	v26 =	vadd.s32 v8, v27;
	v25 =	vld [tilespmem:s12+$0xFFFFFFD0];
	_ =	sdelay $0x4  }
0x44: {  	[tilespmem:v26+s18+$0x0] =	vst.idx.msk $0xffff, v25  }
0x45: {  	s13 =	simm.s32 $0x3;
	v26 =	vadd.s32 v9, v27;
	v25 =	vld [tilespmem:s9+$0xFFFFFFE0]  }
0x46: {  	v27 =	vmov s13  }
0x47: {  	v27 =	vshrl.u32 v27, $0x3  }
0x48: {  	v27 =	vshll.u32 v27, v1  }
0x49: {  	v27 =	vbroadcast v27, $0x0  }
0x4a: {  	[tilespmem:v26+s18+$0x0] =	vst.idx.msk $0xffff, v25  }
0x4b: {  	v26 =	vadd.s32 v10, v27;
	v25 =	vld [tilespmem:s12+$0xFFFFFFE0];
	_ =	sdelay $0x4  }
0x4c: {  	[tilespmem:v26+s18+$0x0] =	vst.idx.msk $0xffff, v25  }
0x4d: {  	v26 =	vadd.s32 v11, v27;
	v25 =	vld [tilespmem:s12+$0xFFFFFFF0];
	_ =	sdelay $0x4  }
0x4e: {  	[tilespmem:v26+s18+$0x0] =	vst.idx.msk $0xffff, v25  }
0x4f: {  	s15 =	simm.s32 $0x4;
	v26 =	vadd.s32 v12, v27;
	v25 =	vld [tilespmem:s9+$0xFFFFFFF0]  }
0x50: {  	v27 =	vmov s15  }
0x51: {  	v27 =	vshrl.u32 v27, $0x3  }
0x52: {  	v27 =	vshll.u32 v27, v1  }
0x53: {  	v27 =	vbroadcast v27, $0x0  }
0x54: {  	[tilespmem:v26+s18+$0x0] =	vst.idx.msk $0xffff, v25  }
0x55: {  	v26 =	vadd.s32 v13, v27;
	v25 =	vld [tilespmem:s12+$0x0];
	_ =	sdelay $0x4  }
0x56: {  	[tilespmem:v26+s18+$0x0] =	vst.idx.msk $0xffff, v25  }
0x57: {  	v26 =	vadd.s32 v14, v27;
	v25 =	vld [tilespmem:s12+$0x10];
	_ =	sdelay $0x4  }
0x58: {  	[tilespmem:v26+s18+$0x0] =	vst.idx.msk $0xffff, v25  }
0x59: {  	s29 =	simm.s32 $0x5;
	v26 =	vadd.s32 v15, v27;
	v25 =	vld [tilespmem:s9+$0x0]  }
0x5a: {  	v27 =	vmov s29  }
0x5b: {  	v27 =	vshrl.u32 v27, $0x3  }
0x5c: {  	v27 =	vshll.u32 v27, v1  }
0x5d: {  	v27 =	vbroadcast v27, $0x0  }
0x5e: {  	[tilespmem:v26+s18+$0x0] =	vst.idx.msk $0xffff, v25  }
0x5f: {  	v26 =	vadd.s32 v16, v27;
	v25 =	vld [tilespmem:s12+$0x20];
	_ =	sdelay $0x4  }
0x60: {  	[tilespmem:v26+s18+$0x0] =	vst.idx.msk $0xffff, v25  }
0x61: {  	v26 =	vadd.s32 v17, v27;
	v25 =	vld [tilespmem:s12+$0x30];
	_ =	sdelay $0x4  }
0x62: {  	[tilespmem:v26+s18+$0x0] =	vst.idx.msk $0xffff, v25  }
0x63: {  	s30 =	simm.s32 $0x6;
	v26 =	vadd.s32 v18, v27;
	v25 =	vld [tilespmem:s9+$0x10]  }
0x64: {  	v27 =	vmov s30  }
0x65: {  	v27 =	vshrl.u32 v27, $0x3  }
0x66: {  	v27 =	vshll.u32 v27, v1  }
0x67: {  	v27 =	vbroadcast v27, $0x0  }
0x68: {  	[tilespmem:v26+s18+$0x0] =	vst.idx.msk $0xffff, v25  }
0x69: {  	v26 =	vadd.s32 v19, v27;
	v25 =	vld [tilespmem:s12+$0x40];
	_ =	sdelay $0x4  }
0x6a: {  	[tilespmem:v26+s18+$0x0] =	vst.idx.msk $0xffff, v25  }
0x6b: {  	v26 =	vadd.s32 v20, v27;
	v25 =	vld [tilespmem:s12+$0x50];
	_ =	sdelay $0x4  }
0x6c: {  	[tilespmem:v26+s18+$0x0] =	vst.idx.msk $0xffff, v25  }
0x6d: {  	s31 =	simm.s32 $0x7;
	v26 =	vadd.s32 v21, v27;
	v25 =	vld [tilespmem:s9+$0x20]  }
0x6e: {  	v27 =	vmov s31  }
0x6f: {  	v27 =	vshrl.u32 v27, $0x3  }
0x70: {  	v27 =	vshll.u32 v27, v1  }
0x71: {  	v27 =	vbroadcast v27, $0x0  }
0x72: {  	[tilespmem:v26+s18+$0x0] =	vst.idx.msk $0xffff, v25  }
0x73: {  	v26 =	vadd.s32 v22, v27;
	v25 =	vld [tilespmem:s12+$0x60];
	_ =	sdelay $0x4  }
0x74: {  	[tilespmem:v26+s18+$0x0] =	vst.idx.msk $0xffff, v25  }
0x75: {  	v26 =	vadd.s32 v23, v27;
	v25 =	vld [tilespmem:s12+$0x70];
	_ =	sdelay $0x4  }
0x76: {  	[tilespmem:v26+s18+$0x0] =	vst.idx.msk $0xffff, v25  }
0x77: {  	s13 =	simm.s32 $0x8;
	v26 =	vadd.s32 v24, v27;
	v25 =	vld [tilespmem:s9+$0x30]  }
0x78: {  	s28 =	simm.s32 $0x10;
	v27 =	vmov s13  }
.LBB2_3:
0x79: {  	p1 =	slt.u32 s28, $0x78;
	v27 =	vshrl.u32 v27, $0x3  }
0x7a: {  	v27 =	vshll.u32 v27, v1  }
0x7b: {  	v27 =	vbroadcast v27, $0x0  }
0x7c: {  	s12 =	sadd.s32 $0x100, s12;
	[tilespmem:v26+s18+$0x0] =	vst.idx.msk $0xffff, v25  }
0x7d: {  	v25 =	vld [tilespmem:s12+$0xFFFFFF80];
	v26 =	vadd.s32 v0, v27;
	_ =	sdelay $0x4  }
0x7e: {  	[tilespmem:v26+s18+$0x0] =	vst.idx.msk $0xffff, v25  }
0x7f: {  	v26 =	vadd.s32 v2, v27;
	v25 =	vld [tilespmem:s12+$0xFFFFFF90];
	_ =	sdelay $0x4  }
0x80: {  	s9 =	sadd.s32 $0x80, s9;
	[tilespmem:v26+s18+$0x0] =	vst.idx.msk $0xffff, v25  }
0x81: {  	s0 =	sadd.s32 $0x1, s13;
	v26 =	vadd.s32 v3, v27;
	v25 =	vld [tilespmem:s9+$0xFFFFFFC0]  }
0x82: {  	v27 =	vmov s0  }
0x83: {  	v27 =	vshrl.u32 v27, $0x3  }
0x84: {  	v27 =	vshll.u32 v27, v1  }
0x85: {  	v27 =	vbroadcast v27, $0x0  }
0x86: {  	[tilespmem:v26+s18+$0x0] =	vst.idx.msk $0xffff, v25  }
0x87: {  	v26 =	vadd.s32 v4, v27;
	v25 =	vld [tilespmem:s12+$0xFFFFFFA0];
	_ =	sdelay $0x4  }
0x88: {  	[tilespmem:v26+s18+$0x0] =	vst.idx.msk $0xffff, v25  }
0x89: {  	v26 =	vadd.s32 v5, v27;
	v25 =	vld [tilespmem:s12+$0xFFFFFFB0];
	_ =	sdelay $0x4  }
0x8a: {  	[tilespmem:v26+s18+$0x0] =	vst.idx.msk $0xffff, v25  }
0x8b: {  	s0 =	sadd.s32 $0x2, s13;
	v26 =	vadd.s32 v6, v27;
	v25 =	vld [tilespmem:s9+$0xFFFFFFD0]  }
0x8c: {  	v27 =	vmov s0  }
0x8d: {  	v27 =	vshrl.u32 v27, $0x3  }
0x8e: {  	v27 =	vshll.u32 v27, v1  }
0x8f: {  	v27 =	vbroadcast v27, $0x0  }
0x90: {  	[tilespmem:v26+s18+$0x0] =	vst.idx.msk $0xffff, v25  }
0x91: {  	v26 =	vadd.s32 v7, v27;
	v25 =	vld [tilespmem:s12+$0xFFFFFFC0];
	_ =	sdelay $0x4  }
0x92: {  	[tilespmem:v26+s18+$0x0] =	vst.idx.msk $0xffff, v25  }
0x93: {  	v26 =	vadd.s32 v8, v27;
	v25 =	vld [tilespmem:s12+$0xFFFFFFD0];
	_ =	sdelay $0x4  }
0x94: {  	[tilespmem:v26+s18+$0x0] =	vst.idx.msk $0xffff, v25  }
0x95: {  	s0 =	sadd.s32 $0x3, s13;
	v26 =	vadd.s32 v9, v27;
	v25 =	vld [tilespmem:s9+$0xFFFFFFE0]  }
0x96: {  	v27 =	vmov s0  }
0x97: {  	v27 =	vshrl.u32 v27, $0x3  }
0x98: {  	v27 =	vshll.u32 v27, v1  }
0x99: {  	v27 =	vbroadcast v27, $0x0  }
0x9a: {  	[tilespmem:v26+s18+$0x0] =	vst.idx.msk $0xffff, v25  }
0x9b: {  	v26 =	vadd.s32 v10, v27;
	v25 =	vld [tilespmem:s12+$0xFFFFFFE0];
	_ =	sdelay $0x4  }
0x9c: {  	[tilespmem:v26+s18+$0x0] =	vst.idx.msk $0xffff, v25  }
0x9d: {  	v26 =	vadd.s32 v11, v27;
	v25 =	vld [tilespmem:s12+$0xFFFFFFF0];
	_ =	sdelay $0x4  }
0x9e: {  	[tilespmem:v26+s18+$0x0] =	vst.idx.msk $0xffff, v25  }
0x9f: {  	s0 =	sadd.s32 $0x4, s13;
	v26 =	vadd.s32 v12, v27;
	v25 =	vld [tilespmem:s9+$0xFFFFFFF0]  }
0xa0: {  	v27 =	vmov s0  }
0xa1: {  	v27 =	vshrl.u32 v27, $0x3  }
0xa2: {  	v27 =	vshll.u32 v27, v1  }
0xa3: {  	v27 =	vbroadcast v27, $0x0  }
0xa4: {  	[tilespmem:v26+s18+$0x0] =	vst.idx.msk $0xffff, v25  }
0xa5: {  	v26 =	vadd.s32 v13, v27;
	v25 =	vld [tilespmem:s12+$0x0];
	_ =	sdelay $0x4  }
0xa6: {  	[tilespmem:v26+s18+$0x0] =	vst.idx.msk $0xffff, v25  }
0xa7: {  	v26 =	vadd.s32 v14, v27;
	v25 =	vld [tilespmem:s12+$0x10];
	_ =	sdelay $0x4  }
0xa8: {  	[tilespmem:v26+s18+$0x0] =	vst.idx.msk $0xffff, v25  }
0xa9: {  	s0 =	sadd.s32 $0x5, s13;
	v26 =	vadd.s32 v15, v27;
	v25 =	vld [tilespmem:s9+$0x0]  }
0xaa: {  	v27 =	vmov s0  }
0xab: {  	v27 =	vshrl.u32 v27, $0x3  }
0xac: {  	v27 =	vshll.u32 v27, v1  }
0xad: {  	v27 =	vbroadcast v27, $0x0  }
0xae: {  	[tilespmem:v26+s18+$0x0] =	vst.idx.msk $0xffff, v25  }
0xaf: {  	v26 =	vadd.s32 v16, v27;
	v25 =	vld [tilespmem:s12+$0x20];
	_ =	sdelay $0x4  }
0xb0: {  	[tilespmem:v26+s18+$0x0] =	vst.idx.msk $0xffff, v25  }
0xb1: {  	v26 =	vadd.s32 v17, v27;
	v25 =	vld [tilespmem:s12+$0x30];
	_ =	sdelay $0x4  }
0xb2: {  	[tilespmem:v26+s18+$0x0] =	vst.idx.msk $0xffff, v25  }
0xb3: {  	s0 =	sadd.s32 $0x6, s13;
	v26 =	vadd.s32 v18, v27;
	v25 =	vld [tilespmem:s9+$0x10]  }
0xb4: {  	v27 =	vmov s0  }
0xb5: {  	v27 =	vshrl.u32 v27, $0x3  }
0xb6: {  	v27 =	vshll.u32 v27, v1  }
0xb7: {  	v27 =	vbroadcast v27, $0x0  }
0xb8: {  	[tilespmem:v26+s18+$0x0] =	vst.idx.msk $0xffff, v25  }
0xb9: {  	v26 =	vadd.s32 v19, v27;
	v25 =	vld [tilespmem:s12+$0x40];
	_ =	sdelay $0x4  }
0xba: {  	[tilespmem:v26+s18+$0x0] =	vst.idx.msk $0xffff, v25  }
0xbb: {  	v26 =	vadd.s32 v20, v27;
	v25 =	vld [tilespmem:s12+$0x50];
	_ =	sdelay $0x4  }
0xbc: {  	[tilespmem:v26+s18+$0x0] =	vst.idx.msk $0xffff, v25  }
0xbd: {  	s0 =	sadd.s32 $0x7, s13;
	s13 =	smov.u32 s28;
	v26 =	vadd.s32 v21, v27;
	v25 =	vld [tilespmem:s9+$0x20]  }
0xbe: {  	v27 =	vmov s0  }
0xbf: {  	v27 =	vshrl.u32 v27, $0x3  }
0xc0: {  	v27 =	vshll.u32 v27, v1  }
0xc1: {  	v27 =	vbroadcast v27, $0x0  }
0xc2: {  	[tilespmem:v26+s18+$0x0] =	vst.idx.msk $0xffff, v25  }
0xc3: {  	v26 =	vadd.s32 v22, v27;
	v25 =	vld [tilespmem:s12+$0x60];
	_ =	sdelay $0x4  }
0xc4: {  	[tilespmem:v26+s18+$0x0] =	vst.idx.msk $0xffff, v25  }
0xc5: {  	v26 =	vadd.s32 v23, v27;
	v25 =	vld [tilespmem:s12+$0x70];
	_ =	sdelay $0x2  }
.Ltmp0:
0xc6: {  	(pc) =	sbr.rel @p1 .LBB2_3-.Ltmp0, $4  }
0xc7: {  	_ = 	snop  }
0xc8: {  	[tilespmem:v26+s18+$0x0] =	vst.idx.msk $0xffff, v25  }
0xc9: {  	v26 =	vadd.s32 v24, v27;
	v25 =	vld [tilespmem:s9+$0x30]  }
0xca: {  	s28 =	sadd.s32 $0x8, s28;
	v27 =	vmov s13  }
0xcb: {  	_ = 	snop  }
0xcc: {  	v27 =	vshrl.u32 v27, $0x3  }
0xcd: {  	v27 =	vshll.u32 v27, v1  }
0xce: {  	v27 =	vbroadcast v27, $0x0  }
0xcf: {  	s12 =	sadd.s32 $0x100, s12;
	[tilespmem:v26+s18+$0x0] =	vst.idx.msk $0xffff, v25  }
0xd0: {  	v25 =	vld [tilespmem:s12+$0xFFFFFF80];
	v26 =	vadd.s32 v0, v27;
	_ =	sdelay $0x4  }
0xd1: {  	[tilespmem:v26+s18+$0x0] =	vst.idx.msk $0xffff, v25  }
0xd2: {  	v26 =	vadd.s32 v2, v27;
	v25 =	vld [tilespmem:s12+$0xFFFFFF90];
	_ =	sdelay $0x4  }
0xd3: {  	s28 =	sadd.s32 $0x80, s9;
	[tilespmem:v26+s18+$0x0] =	vst.idx.msk $0xffff, v25  }
0xd4: {  	s0 =	sadd.s32 $0x1, s13;
	v26 =	vadd.s32 v3, v27;
	v25 =	vld [tilespmem:s28+$0xFFFFFFC0]  }
0xd5: {  	v27 =	vmov s0  }
0xd6: {  	v27 =	vshrl.u32 v27, $0x3  }
0xd7: {  	v27 =	vshll.u32 v27, v1  }
0xd8: {  	v27 =	vbroadcast v27, $0x0  }
0xd9: {  	[tilespmem:v26+s18+$0x0] =	vst.idx.msk $0xffff, v25  }
0xda: {  	v26 =	vadd.s32 v4, v27;
	v25 =	vld [tilespmem:s12+$0xFFFFFFA0];
	_ =	sdelay $0x4  }
0xdb: {  	[tilespmem:v26+s18+$0x0] =	vst.idx.msk $0xffff, v25  }
0xdc: {  	v26 =	vadd.s32 v5, v27;
	v25 =	vld [tilespmem:s12+$0xFFFFFFB0];
	_ =	sdelay $0x4  }
0xdd: {  	[tilespmem:v26+s18+$0x0] =	vst.idx.msk $0xffff, v25  }
0xde: {  	s15 =	sadd.s32 $0x2, s13;
	v26 =	vadd.s32 v6, v27;
	v25 =	vld [tilespmem:s28+$0xFFFFFFD0]  }
0xdf: {  	v27 =	vmov s15  }
0xe0: {  	v27 =	vshrl.u32 v27, $0x3  }
0xe1: {  	v27 =	vshll.u32 v27, v1  }
0xe2: {  	v27 =	vbroadcast v27, $0x0  }
0xe3: {  	[tilespmem:v26+s18+$0x0] =	vst.idx.msk $0xffff, v25  }
0xe4: {  	v26 =	vadd.s32 v7, v27;
	v25 =	vld [tilespmem:s12+$0xFFFFFFC0];
	_ =	sdelay $0x4  }
0xe5: {  	[tilespmem:v26+s18+$0x0] =	vst.idx.msk $0xffff, v25  }
0xe6: {  	v26 =	vadd.s32 v8, v27;
	v25 =	vld [tilespmem:s12+$0xFFFFFFD0];
	_ =	sdelay $0x4  }
0xe7: {  	[tilespmem:v26+s18+$0x0] =	vst.idx.msk $0xffff, v25  }
0xe8: {  	s9 =	sadd.s32 $0x3, s13;
	v26 =	vadd.s32 v9, v27;
	v25 =	vld [tilespmem:s28+$0xFFFFFFE0]  }
0xe9: {  	v27 =	vmov s9  }
0xea: {  	v27 =	vshrl.u32 v27, $0x3  }
0xeb: {  	v27 =	vshll.u32 v27, v1  }
0xec: {  	v27 =	vbroadcast v27, $0x0  }
0xed: {  	[tilespmem:v26+s18+$0x0] =	vst.idx.msk $0xffff, v25  }
0xee: {  	v26 =	vadd.s32 v10, v27;
	v25 =	vld [tilespmem:s12+$0xFFFFFFE0];
	_ =	sdelay $0x4  }
0xef: {  	[tilespmem:v26+s18+$0x0] =	vst.idx.msk $0xffff, v25  }
0xf0: {  	v26 =	vadd.s32 v11, v27;
	v25 =	vld [tilespmem:s12+$0xFFFFFFF0];
	_ =	sdelay $0x4  }
0xf1: {  	[tilespmem:v26+s18+$0x0] =	vst.idx.msk $0xffff, v25  }
0xf2: {  	s15 =	sadd.s32 $0x4, s13;
	v26 =	vadd.s32 v12, v27;
	v25 =	vld [tilespmem:s28+$0xFFFFFFF0]  }
0xf3: {  	v27 =	vmov s15  }
0xf4: {  	v27 =	vshrl.u32 v27, $0x3  }
0xf5: {  	v27 =	vshll.u32 v27, v1  }
0xf6: {  	v27 =	vbroadcast v27, $0x0  }
0xf7: {  	[tilespmem:v26+s18+$0x0] =	vst.idx.msk $0xffff, v25  }
0xf8: {  	v26 =	vadd.s32 v13, v27;
	v25 =	vld [tilespmem:s12+$0x0];
	_ =	sdelay $0x4  }
0xf9: {  	[tilespmem:v26+s18+$0x0] =	vst.idx.msk $0xffff, v25  }
0xfa: {  	v26 =	vadd.s32 v14, v27;
	v25 =	vld [tilespmem:s12+$0x10];
	_ =	sdelay $0x4  }
0xfb: {  	[tilespmem:v26+s18+$0x0] =	vst.idx.msk $0xffff, v25  }
0xfc: {  	s9 =	sadd.s32 $0x5, s13;
	v26 =	vadd.s32 v15, v27;
	v25 =	vld [tilespmem:s28+$0x0]  }
0xfd: {  	v27 =	vmov s9  }
0xfe: {  	v27 =	vshrl.u32 v27, $0x3  }
0xff: {  	v27 =	vshll.u32 v27, v1  }
0x100: {  	v27 =	vbroadcast v27, $0x0  }
0x101: {  	[tilespmem:v26+s18+$0x0] =	vst.idx.msk $0xffff, v25  }
0x102: {  	v26 =	vadd.s32 v16, v27;
	v25 =	vld [tilespmem:s12+$0x20];
	_ =	sdelay $0x4  }
0x103: {  	[tilespmem:v26+s18+$0x0] =	vst.idx.msk $0xffff, v25  }
0x104: {  	v26 =	vadd.s32 v17, v27;
	v25 =	vld [tilespmem:s12+$0x30];
	_ =	sdelay $0x4  }
0x105: {  	[tilespmem:v26+s18+$0x0] =	vst.idx.msk $0xffff, v25  }
0x106: {  	s15 =	sadd.s32 $0x6, s13;
	v26 =	vadd.s32 v18, v27;
	v25 =	vld [tilespmem:s28+$0x10]  }
0x107: {  	v27 =	vmov s15  }
0x108: {  	v27 =	vshrl.u32 v27, $0x3  }
0x109: {  	v27 =	vshll.u32 v27, v1  }
0x10a: {  	v27 =	vbroadcast v27, $0x0  }
0x10b: {  	[tilespmem:v26+s18+$0x0] =	vst.idx.msk $0xffff, v25  }
0x10c: {  	v26 =	vadd.s32 v19, v27;
	v25 =	vld [tilespmem:s12+$0x40];
	_ =	sdelay $0x4  }
0x10d: {  	[tilespmem:v26+s18+$0x0] =	vst.idx.msk $0xffff, v25  }
0x10e: {  	v26 =	vadd.s32 v20, v27;
	v25 =	vld [tilespmem:s12+$0x50];
	_ =	sdelay $0x4  }
0x10f: {  	[tilespmem:v26+s18+$0x0] =	vst.idx.msk $0xffff, v25  }
0x110: {  	s9 =	sadd.s32 $0x7, s13;
	v26 =	vadd.s32 v21, v27;
	v25 =	vld [tilespmem:s28+$0x20]  }
0x111: {  	v27 =	vmov s9  }
0x112: {  	v27 =	vshrl.u32 v27, $0x3  }
0x113: {  	v27 =	vshll.u32 v27, v1  }
0x114: {  	v27 =	vbroadcast v27, $0x0  }
0x115: {  	[tilespmem:v26+s18+$0x0] =	vst.idx.msk $0xffff, v25  }
0x116: {  	v26 =	vadd.s32 v22, v27;
	v25 =	vld [tilespmem:s12+$0x60];
	_ =	sdelay $0x4  }
0x117: {  	[tilespmem:v26+s18+$0x0] =	vst.idx.msk $0xffff, v25  }
0x118: {  	v26 =	vadd.s32 v23, v27;
	v25 =	vld [tilespmem:s12+$0x70];
	_ =	sdelay $0x1  }
0x119: {  	s12 =	sshrl.u32 s1, $0x1  }
0x11a: {  	s0 =	sadd.s32 s6, s12  }
0x11b: {  	s13 =	sshrl.u32 s0, $0x2  }
0x11c: {  	s9 =	sand.u32 $0x4, s7;
	s12 =	sand.u32 $0x1FFFFFF8, s13;
	[tilespmem:v26+s18+$0x0] =	vst.idx.msk $0xffff, v25  }
0x11d: {  	s15 =	sor.u32 s9, s12;
	v26 =	vadd.s32 v24, v27;
	v25 =	vld [tilespmem:s28+$0x30]  }
0x11e: {  	s0 =	sshll.u32 s0, $0xA;
	s28 =	smul.u32 $0x30000, s15  }
0x11f: {  	s13 =	sand.u32 $0x7C00, s0  }
0x120: {  	s0 =	sor.u32 s13, s28  }
0x121: {  	s0 =	sshrl.u32 s0, $0x3  }
0x122: {  	s15 =	simm.s32 $0xC400;
	s29 =	sadd.s32 s2, s0;
	[tilespmem:v26+s18+$0x0] =	vst.idx.msk $0xffff, v25  }
0x123: {  	[hbm4b:s29+s3] =	stream.linear.scatter [tilespmem:s15], [sflag:$0x5], $0x80, $0x38;
	[tilespmem:$0x12A00] =	vst v63  }
0x124: {  	s28 =	sadd.s32 $0x10, s29;
	s15 =	simm.s32 $0xC488  }
0x125: {  	[hbm4b:s28+s3] =	stream.linear.scatter [tilespmem:s15], [sflag:$0x5], $0x80, $0x38;
	[tilespmem:$0x12A00] =	vst v63  }
0x126: {  	s15 =	simm.s32 $0xC510;
	s28 =	sadd.s32 $0x20, s29  }
0x127: {  	[hbm4b:s28+s3] =	stream.linear.scatter [tilespmem:s15], [sflag:$0x5], $0x80, $0x38;
	[tilespmem:$0x12A00] =	vst v63  }
0x128: {  	s15 =	simm.s32 $0xC598;
	s28 =	sadd.s32 $0x30, s29  }
0x129: {  	[hbm4b:s28+s3] =	stream.linear.scatter [tilespmem:s15], [sflag:$0x5], $0x80, $0x38;
	[tilespmem:$0x12A00] =	vst v63  }
0x12a: {  	s15 =	simm.s32 $0xC620;
	s28 =	sadd.s32 $0x40, s29  }
0x12b: {  	[hbm4b:s28+s3] =	stream.linear.scatter [tilespmem:s15], [sflag:$0x5], $0x80, $0x38;
	[tilespmem:$0x12A00] =	vst v63  }
0x12c: {  	s30 =	simm.s32 $0x2200;
	s15 =	simm.s32 $0xC6A8;
	s28 =	sadd.s32 $0x50, s29  }
0x12d: {  	[hbm4b:s28+s3] =	stream.linear.scatter [tilespmem:s15], [sflag:$0x5], $0x80, $0x38;
	[tilespmem:$0x12A00] =	vst v63  }
0x12e: {  	s31 =	simm.s32 $0xC7B8;
	s15 =	simm.s32 $0xC730;
	s28 =	sadd.s32 $0x60, s29  }
0x12f: {  	[hbm4b:s28+s3] =	stream.linear.scatter [tilespmem:s15], [sflag:$0x5], $0x80, $0x38;
	[tilespmem:$0x12A00] =	vst v63  }
0x130: {  	s0 =	sadd.s32 $0x70, s29;
	s29 =	sadd.s32 $0x1000, s29;
	s28 =	simm.s32 $0x440  }
.LBB2_5:
0x131: {  	[hbm4b:s0+s3] =	stream.linear.scatter [tilespmem:s31], [sflag:$0x5], $0x80, $0x38;
	[tilespmem:$0x12A00] =	vst v63  }
0x132: {  	s0 =	smov.u32 s28;
	s28 =	smov.u32 s30  }
0x133: {  	s15 =	sadd.s32 $0x1100, s30;
	s28 =	sshra.s32 s28, $0x2;
	s31 =	sadd.s32 $0xC400, s0  }
0x134: {  	[hbm4b:s29+s3] =	stream.linear.scatter [tilespmem:s31], [sflag:$0x5], $0x80, $0x38;
	[tilespmem:$0x12A00] =	vst v63  }
0x135: {  	p1 =	sne.s32 s30, $0x5500;
	s30 =	sadd.s32 $0xC488, s0;
	s31 =	sadd.s32 $0x10, s29  }
0x136: {  	[hbm4b:s31+s3] =	stream.linear.scatter [tilespmem:s30], [sflag:$0x5], $0x80, $0x38;
	[tilespmem:$0x12A00] =	vst v63  }
0x137: {  	s30 =	sadd.s32 $0xC510, s0;
	s31 =	sadd.s32 $0x20, s29  }
0x138: {  	[hbm4b:s31+s3] =	stream.linear.scatter [tilespmem:s30], [sflag:$0x5], $0x80, $0x38;
	[tilespmem:$0x12A00] =	vst v63  }
0x139: {  	s30 =	sadd.s32 $0xC598, s0;
	s31 =	sadd.s32 $0x30, s29  }
0x13a: {  	[hbm4b:s31+s3] =	stream.linear.scatter [tilespmem:s30], [sflag:$0x5], $0x80, $0x38;
	[tilespmem:$0x12A00] =	vst v63  }
0x13b: {  	s30 =	sadd.s32 $0xC620, s0;
	s31 =	sadd.s32 $0x40, s29  }
0x13c: {  	[hbm4b:s31+s3] =	stream.linear.scatter [tilespmem:s30], [sflag:$0x5], $0x80, $0x38;
	[tilespmem:$0x12A00] =	vst v63  }
0x13d: {  	s30 =	sadd.s32 $0xC6A8, s0;
	s31 =	sadd.s32 $0x50, s29  }
0x13e: {  	[hbm4b:s31+s3] =	stream.linear.scatter [tilespmem:s30], [sflag:$0x5], $0x80, $0x38;
	[tilespmem:$0x12A00] =	vst v63  }
.Ltmp1:
0x13f: {  	_ = 	snop;
	(pc) =	sbr.rel @p1 .LBB2_5-.Ltmp1, $4  }
0x140: {  	s30 =	sadd.s32 $0xC730, s0;
	s31 =	sadd.s32 $0x60, s29  }
0x141: {  	[hbm4b:s31+s3] =	stream.linear.scatter [tilespmem:s30], [sflag:$0x5], $0x80, $0x38;
	[tilespmem:$0x12A00] =	vst v63  }
0x142: {  	s31 =	sadd.s32 $0xC7B8, s0  }
0x143: {  	s0 =	sadd.s32 $0x70, s29;
	s29 =	sadd.s32 $0x1000, s29;
	s30 =	smov.u32 s15  }
0x144: {  	[hbm4b:s0+s3] =	stream.linear.scatter [tilespmem:s31], [sflag:$0x5], $0x80, $0x38;
	[tilespmem:$0x12A00] =	vst v63  }
0x145: {  	s15 =	sadd.s32 $0xC400, s28  }
0x146: {  	[hbm4b:s29+s3] =	stream.linear.scatter [tilespmem:s15], [sflag:$0x5], $0x80, $0x38;
	[tilespmem:$0x12A00] =	vst v63  }
0x147: {  	s31 =	sadd.s32 $0xC488, s28;
	s15 =	sadd.s32 $0x10, s29  }
0x148: {  	[hbm4b:s15+s3] =	stream.linear.scatter [tilespmem:s31], [sflag:$0x5], $0x80, $0x38;
	[tilespmem:$0x12A00] =	vst v63  }
0x149: {  	s15 =	sadd.s32 $0xC510, s28;
	s31 =	sadd.s32 $0x20, s29  }
0x14a: {  	[hbm4b:s31+s3] =	stream.linear.scatter [tilespmem:s15], [sflag:$0x5], $0x80, $0x38;
	[tilespmem:$0x12A00] =	vst v63  }
0x14b: {  	s15 =	sadd.s32 $0xC598, s28;
	s31 =	sadd.s32 $0x30, s29  }
0x14c: {  	[hbm4b:s31+s3] =	stream.linear.scatter [tilespmem:s15], [sflag:$0x5], $0x80, $0x38;
	[tilespmem:$0x12A00] =	vst v63  }
0x14d: {  	s15 =	sadd.s32 $0xC620, s28;
	s31 =	sadd.s32 $0x40, s29  }
0x14e: {  	[hbm4b:s31+s3] =	stream.linear.scatter [tilespmem:s15], [sflag:$0x5], $0x80, $0x38;
	[tilespmem:$0x12A00] =	vst v63  }
0x14f: {  	s15 =	sadd.s32 $0xC6A8, s28;
	s31 =	sadd.s32 $0x50, s29  }
0x150: {  	[hbm4b:s31+s3] =	stream.linear.scatter [tilespmem:s15], [sflag:$0x5], $0x80, $0x38;
	[tilespmem:$0x12A00] =	vst v63  }
0x151: {  	s15 =	sadd.s32 $0xC730, s28;
	s31 =	sadd.s32 $0x60, s29  }
0x152: {  	[hbm4b:s31+s3] =	stream.linear.scatter [tilespmem:s15], [sflag:$0x5], $0x80, $0x38;
	[tilespmem:$0x12A00] =	vst v63  }
0x153: {  	s7 =	sor.u32 $0x3, s7;
	s15 =	sadd.s32 $0xC7B8, s28;
	s31 =	sadd.s32 $0x70, s29  }
0x154: {  	[hbm4b:s31+s3] =	stream.linear.scatter [tilespmem:s15], [sflag:$0x5], $0x80, $0x38;
	[tilespmem:$0x12A00] =	vst v63  }
0x155: {  	s31 =	sshll.u32 s7, $0x7  }
0x156: {  	s0 =	sand.u32 $0x380, s31  }
0x157: {  	s0 =	sadd.s32 s0, s8  }
0x158: {  	[tilespmem:s19], [sflag:$0x4] =	stream.indirect.gather [hbm4b:s4+s10], $0x20, s0, s10, $0xb8;
	[tilespmem:$0x12A00] =	vst v63  }
0x159: {  	_ = 	snop  }
0x15a: {  	[tilespmem:s20], [sflag:$0x4] =	stream.indirect.gather [hbm4b:s5+s10], $0x10, s0, s10, $0xb8;
	[tilespmem:$0x12A00] =	vst v63  }
0x15b: {  	_ =	swait.ge [sflag:s21], $0x1000  }
0x15c: {  	[sflag:s21] =	ssyncset.done $0x0  }
0x15d: {  	[sflag:s21] =	ssyncadd.s32 $0xFFFFF000  }
0x15e: {  	s15 =	simm.s32 $0x0;
	_ =	swait.ge [sflag:s21], $0x800  }
0x15f: {  	v25 =	vmov s15;
	[sflag:s21] =	ssyncset.done $0x0  }
0x160: {  	v25 =	vshrl.u32 v25, $0x3;
	s0 =	simm.s32 @!p0 $0x6;
	[sflag:s21] =	ssyncadd.s32 $0xFFFFF800  }
0x161: {  	v25 =	vshll.u32 v25, v1;
	_ =	swait.ge @!p0 [sflag:s0], $0x1800  }
0x162: {  	v25 =	vbroadcast v25, $0x0;
	[sflag:s0] =	ssyncset.done @!p0 $0x0  }
0x163: {  	s28 =	simm.s32 $0x74F0;
	[sflag:s0] =	ssyncadd.s32 @!p0 $0xFFFFE800  }
0x164: {  	v27 =	vadd.s32 v0, v25;
	v26 =	vld [tilespmem:s28+$0xFFFFFF10];
	_ =	sdelay $0x4  }
0x165: {  	[tilespmem:v27+s22+$0x0] =	vst.idx.msk $0xffff, v26  }
0x166: {  	v27 =	vadd.s32 v2, v25;
	v26 =	vld [tilespmem:s28+$0xFFFFFF20];
	_ =	sdelay $0x4  }
0x167: {  	s8 =	simm.s32 $0xAC70;
	[tilespmem:v27+s22+$0x0] =	vst.idx.msk $0xffff, v26  }
0x168: {  	s31 =	simm.s32 $0x1;
	v25 =	vadd.s32 v3, v25;
	v26 =	vld [tilespmem:s8+$0xFFFFFF90]  }
0x169: {  	v27 =	vmov s31  }
0x16a: {  	v27 =	vshrl.u32 v27, $0x3  }
0x16b: {  	v27 =	vshll.u32 v27, v1  }
0x16c: {  	v27 =	vbroadcast v27, $0x0  }
0x16d: {  	[tilespmem:v25+s22+$0x0] =	vst.idx.msk $0xffff, v26  }
0x16e: {  	v26 =	vadd.s32 v4, v27;
	v25 =	vld [tilespmem:s28+$0xFFFFFF30];
	_ =	sdelay $0x4  }
0x16f: {  	[tilespmem:v26+s22+$0x0] =	vst.idx.msk $0xffff, v25  }
0x170: {  	v26 =	vadd.s32 v5, v27;
	v25 =	vld [tilespmem:s28+$0xFFFFFF40];
	_ =	sdelay $0x4  }
0x171: {  	[tilespmem:v26+s22+$0x0] =	vst.idx.msk $0xffff, v25  }
0x172: {  	s15 =	simm.s32 $0x2;
	v26 =	vadd.s32 v6, v27;
	v25 =	vld [tilespmem:s8+$0xFFFFFFA0]  }
0x173: {  	v27 =	vmov s15  }
0x174: {  	v27 =	vshrl.u32 v27, $0x3  }
0x175: {  	v27 =	vshll.u32 v27, v1  }
0x176: {  	v27 =	vbroadcast v27, $0x0  }
0x177: {  	[tilespmem:v26+s22+$0x0] =	vst.idx.msk $0xffff, v25  }
0x178: {  	v26 =	vadd.s32 v7, v27;
	v25 =	vld [tilespmem:s28+$0xFFFFFF50];
	_ =	sdelay $0x4  }
0x179: {  	[tilespmem:v26+s22+$0x0] =	vst.idx.msk $0xffff, v25  }
0x17a: {  	v26 =	vadd.s32 v8, v27;
	v25 =	vld [tilespmem:s28+$0xFFFFFF60];
	_ =	sdelay $0x4  }
0x17b: {  	[tilespmem:v26+s22+$0x0] =	vst.idx.msk $0xffff, v25  }
0x17c: {  	s31 =	simm.s32 $0x3;
	v26 =	vadd.s32 v9, v27;
	v25 =	vld [tilespmem:s8+$0xFFFFFFB0]  }
0x17d: {  	v27 =	vmov s31  }
0x17e: {  	v27 =	vshrl.u32 v27, $0x3  }
0x17f: {  	v27 =	vshll.u32 v27, v1  }
0x180: {  	v27 =	vbroadcast v27, $0x0  }
0x181: {  	[tilespmem:v26+s22+$0x0] =	vst.idx.msk $0xffff, v25  }
0x182: {  	v26 =	vadd.s32 v10, v27;
	v25 =	vld [tilespmem:s28+$0xFFFFFF70];
	_ =	sdelay $0x4  }
0x183: {  	[tilespmem:v26+s22+$0x0] =	vst.idx.msk $0xffff, v25  }
0x184: {  	v26 =	vadd.s32 v11, v27;
	v25 =	vld [tilespmem:s28+$0xFFFFFF80];
	_ =	sdelay $0x4  }
0x185: {  	[tilespmem:v26+s22+$0x0] =	vst.idx.msk $0xffff, v25  }
0x186: {  	s15 =	simm.s32 $0x4;
	v26 =	vadd.s32 v12, v27;
	v25 =	vld [tilespmem:s8+$0xFFFFFFC0]  }
0x187: {  	v27 =	vmov s15  }
0x188: {  	v27 =	vshrl.u32 v27, $0x3  }
0x189: {  	v27 =	vshll.u32 v27, v1  }
0x18a: {  	v27 =	vbroadcast v27, $0x0  }
0x18b: {  	[tilespmem:v26+s22+$0x0] =	vst.idx.msk $0xffff, v25  }
0x18c: {  	v26 =	vadd.s32 v13, v27;
	v25 =	vld [tilespmem:s28+$0xFFFFFF90];
	_ =	sdelay $0x4  }
0x18d: {  	[tilespmem:v26+s22+$0x0] =	vst.idx.msk $0xffff, v25  }
0x18e: {  	v26 =	vadd.s32 v14, v27;
	v25 =	vld [tilespmem:s28+$0xFFFFFFA0];
	_ =	sdelay $0x4  }
0x18f: {  	[tilespmem:v26+s22+$0x0] =	vst.idx.msk $0xffff, v25  }
0x190: {  	s31 =	simm.s32 $0x5;
	v26 =	vadd.s32 v15, v27;
	v25 =	vld [tilespmem:s8+$0xFFFFFFD0]  }
0x191: {  	v27 =	vmov s31  }
0x192: {  	v27 =	vshrl.u32 v27, $0x3  }
0x193: {  	v27 =	vshll.u32 v27, v1  }
0x194: {  	v27 =	vbroadcast v27, $0x0  }
0x195: {  	[tilespmem:v26+s22+$0x0] =	vst.idx.msk $0xffff, v25  }
0x196: {  	v26 =	vadd.s32 v16, v27;
	v25 =	vld [tilespmem:s28+$0xFFFFFFB0];
	_ =	sdelay $0x4  }
0x197: {  	[tilespmem:v26+s22+$0x0] =	vst.idx.msk $0xffff, v25  }
0x198: {  	v26 =	vadd.s32 v17, v27;
	v25 =	vld [tilespmem:s28+$0xFFFFFFC0];
	_ =	sdelay $0x4  }
0x199: {  	[tilespmem:v26+s22+$0x0] =	vst.idx.msk $0xffff, v25  }
0x19a: {  	s15 =	simm.s32 $0x6;
	v26 =	vadd.s32 v18, v27;
	v25 =	vld [tilespmem:s8+$0xFFFFFFE0]  }
0x19b: {  	v27 =	vmov s15  }
0x19c: {  	v27 =	vshrl.u32 v27, $0x3  }
0x19d: {  	v27 =	vshll.u32 v27, v1  }
0x19e: {  	v27 =	vbroadcast v27, $0x0  }
0x19f: {  	[tilespmem:v26+s22+$0x0] =	vst.idx.msk $0xffff, v25  }
0x1a0: {  	v26 =	vadd.s32 v19, v27;
	v25 =	vld [tilespmem:s28+$0xFFFFFFD0];
	_ =	sdelay $0x4  }
0x1a1: {  	[tilespmem:v26+s22+$0x0] =	vst.idx.msk $0xffff, v25  }
0x1a2: {  	v26 =	vadd.s32 v20, v27;
	v25 =	vld [tilespmem:s28+$0xFFFFFFE0];
	_ =	sdelay $0x4  }
0x1a3: {  	[tilespmem:v26+s22+$0x0] =	vst.idx.msk $0xffff, v25  }
0x1a4: {  	s31 =	simm.s32 $0x7;
	v26 =	vadd.s32 v21, v27;
	v25 =	vld [tilespmem:s8+$0xFFFFFFF0]  }
0x1a5: {  	v27 =	vmov s31  }
0x1a6: {  	v27 =	vshrl.u32 v27, $0x3  }
0x1a7: {  	v27 =	vshll.u32 v27, v1  }
0x1a8: {  	v27 =	vbroadcast v27, $0x0  }
0x1a9: {  	[tilespmem:v26+s22+$0x0] =	vst.idx.msk $0xffff, v25  }
0x1aa: {  	v26 =	vadd.s32 v22, v27;
	v25 =	vld [tilespmem:s28+$0xFFFFFFF0];
	_ =	sdelay $0x4  }
0x1ab: {  	[tilespmem:v26+s22+$0x0] =	vst.idx.msk $0xffff, v25  }
0x1ac: {  	v26 =	vadd.s32 v23, v27;
	v25 =	vld [tilespmem:s28+$0x0];
	_ =	sdelay $0x4  }
0x1ad: {  	[tilespmem:v26+s22+$0x0] =	vst.idx.msk $0xffff, v25  }
0x1ae: {  	s29 =	simm.s32 $0x8;
	v26 =	vadd.s32 v24, v27;
	v25 =	vld [tilespmem:s8+$0x0]  }
0x1af: {  	s30 =	simm.s32 $0x10;
	v27 =	vmov s29  }
.LBB2_7:
0x1b0: {  	p1 =	slt.u32 s30, $0x78;
	v27 =	vshrl.u32 v27, $0x3  }
0x1b1: {  	v27 =	vshll.u32 v27, v1  }
0x1b2: {  	v27 =	vbroadcast v27, $0x0  }
0x1b3: {  	s28 =	sadd.s32 $0x100, s28;
	[tilespmem:v26+s22+$0x0] =	vst.idx.msk $0xffff, v25  }
0x1b4: {  	v25 =	vld [tilespmem:s28+$0xFFFFFF10];
	v26 =	vadd.s32 v0, v27;
	_ =	sdelay $0x4  }
0x1b5: {  	[tilespmem:v26+s22+$0x0] =	vst.idx.msk $0xffff, v25  }
0x1b6: {  	v26 =	vadd.s32 v2, v27;
	v25 =	vld [tilespmem:s28+$0xFFFFFF20];
	_ =	sdelay $0x4  }
0x1b7: {  	s8 =	sadd.s32 $0x80, s8;
	[tilespmem:v26+s22+$0x0] =	vst.idx.msk $0xffff, v25  }
0x1b8: {  	s0 =	sadd.s32 $0x1, s29;
	v26 =	vadd.s32 v3, v27;
	v25 =	vld [tilespmem:s8+$0xFFFFFF90]  }
0x1b9: {  	v27 =	vmov s0  }
0x1ba: {  	v27 =	vshrl.u32 v27, $0x3  }
0x1bb: {  	v27 =	vshll.u32 v27, v1  }
0x1bc: {  	v27 =	vbroadcast v27, $0x0  }
0x1bd: {  	[tilespmem:v26+s22+$0x0] =	vst.idx.msk $0xffff, v25  }
0x1be: {  	v26 =	vadd.s32 v4, v27;
	v25 =	vld [tilespmem:s28+$0xFFFFFF30];
	_ =	sdelay $0x4  }
0x1bf: {  	[tilespmem:v26+s22+$0x0] =	vst.idx.msk $0xffff, v25  }
0x1c0: {  	v26 =	vadd.s32 v5, v27;
	v25 =	vld [tilespmem:s28+$0xFFFFFF40];
	_ =	sdelay $0x4  }
0x1c1: {  	[tilespmem:v26+s22+$0x0] =	vst.idx.msk $0xffff, v25  }
0x1c2: {  	s0 =	sadd.s32 $0x2, s29;
	v26 =	vadd.s32 v6, v27;
	v25 =	vld [tilespmem:s8+$0xFFFFFFA0]  }
0x1c3: {  	v27 =	vmov s0  }
0x1c4: {  	v27 =	vshrl.u32 v27, $0x3  }
0x1c5: {  	v27 =	vshll.u32 v27, v1  }
0x1c6: {  	v27 =	vbroadcast v27, $0x0  }
0x1c7: {  	[tilespmem:v26+s22+$0x0] =	vst.idx.msk $0xffff, v25  }
0x1c8: {  	v26 =	vadd.s32 v7, v27;
	v25 =	vld [tilespmem:s28+$0xFFFFFF50];
	_ =	sdelay $0x4  }
0x1c9: {  	[tilespmem:v26+s22+$0x0] =	vst.idx.msk $0xffff, v25  }
0x1ca: {  	v26 =	vadd.s32 v8, v27;
	v25 =	vld [tilespmem:s28+$0xFFFFFF60];
	_ =	sdelay $0x4  }
0x1cb: {  	[tilespmem:v26+s22+$0x0] =	vst.idx.msk $0xffff, v25  }
0x1cc: {  	s0 =	sadd.s32 $0x3, s29;
	v26 =	vadd.s32 v9, v27;
	v25 =	vld [tilespmem:s8+$0xFFFFFFB0]  }
0x1cd: {  	v27 =	vmov s0  }
0x1ce: {  	v27 =	vshrl.u32 v27, $0x3  }
0x1cf: {  	v27 =	vshll.u32 v27, v1  }
0x1d0: {  	v27 =	vbroadcast v27, $0x0  }
0x1d1: {  	[tilespmem:v26+s22+$0x0] =	vst.idx.msk $0xffff, v25  }
0x1d2: {  	v26 =	vadd.s32 v10, v27;
	v25 =	vld [tilespmem:s28+$0xFFFFFF70];
	_ =	sdelay $0x4  }
0x1d3: {  	[tilespmem:v26+s22+$0x0] =	vst.idx.msk $0xffff, v25  }
0x1d4: {  	v26 =	vadd.s32 v11, v27;
	v25 =	vld [tilespmem:s28+$0xFFFFFF80];
	_ =	sdelay $0x4  }
0x1d5: {  	[tilespmem:v26+s22+$0x0] =	vst.idx.msk $0xffff, v25  }
0x1d6: {  	s0 =	sadd.s32 $0x4, s29;
	v26 =	vadd.s32 v12, v27;
	v25 =	vld [tilespmem:s8+$0xFFFFFFC0]  }
0x1d7: {  	v27 =	vmov s0  }
0x1d8: {  	v27 =	vshrl.u32 v27, $0x3  }
0x1d9: {  	v27 =	vshll.u32 v27, v1  }
0x1da: {  	v27 =	vbroadcast v27, $0x0  }
0x1db: {  	[tilespmem:v26+s22+$0x0] =	vst.idx.msk $0xffff, v25  }
0x1dc: {  	v26 =	vadd.s32 v13, v27;
	v25 =	vld [tilespmem:s28+$0xFFFFFF90];
	_ =	sdelay $0x4  }
0x1dd: {  	[tilespmem:v26+s22+$0x0] =	vst.idx.msk $0xffff, v25  }
0x1de: {  	v26 =	vadd.s32 v14, v27;
	v25 =	vld [tilespmem:s28+$0xFFFFFFA0];
	_ =	sdelay $0x4  }
0x1df: {  	[tilespmem:v26+s22+$0x0] =	vst.idx.msk $0xffff, v25  }
0x1e0: {  	s0 =	sadd.s32 $0x5, s29;
	v26 =	vadd.s32 v15, v27;
	v25 =	vld [tilespmem:s8+$0xFFFFFFD0]  }
0x1e1: {  	v27 =	vmov s0  }
0x1e2: {  	v27 =	vshrl.u32 v27, $0x3  }
0x1e3: {  	v27 =	vshll.u32 v27, v1  }
0x1e4: {  	v27 =	vbroadcast v27, $0x0  }
0x1e5: {  	[tilespmem:v26+s22+$0x0] =	vst.idx.msk $0xffff, v25  }
0x1e6: {  	v26 =	vadd.s32 v16, v27;
	v25 =	vld [tilespmem:s28+$0xFFFFFFB0];
	_ =	sdelay $0x4  }
0x1e7: {  	[tilespmem:v26+s22+$0x0] =	vst.idx.msk $0xffff, v25  }
0x1e8: {  	v26 =	vadd.s32 v17, v27;
	v25 =	vld [tilespmem:s28+$0xFFFFFFC0];
	_ =	sdelay $0x4  }
0x1e9: {  	[tilespmem:v26+s22+$0x0] =	vst.idx.msk $0xffff, v25  }
0x1ea: {  	s0 =	sadd.s32 $0x6, s29;
	v26 =	vadd.s32 v18, v27;
	v25 =	vld [tilespmem:s8+$0xFFFFFFE0]  }
0x1eb: {  	v27 =	vmov s0  }
0x1ec: {  	v27 =	vshrl.u32 v27, $0x3  }
0x1ed: {  	v27 =	vshll.u32 v27, v1  }
0x1ee: {  	v27 =	vbroadcast v27, $0x0  }
0x1ef: {  	[tilespmem:v26+s22+$0x0] =	vst.idx.msk $0xffff, v25  }
0x1f0: {  	v26 =	vadd.s32 v19, v27;
	v25 =	vld [tilespmem:s28+$0xFFFFFFD0];
	_ =	sdelay $0x4  }
0x1f1: {  	[tilespmem:v26+s22+$0x0] =	vst.idx.msk $0xffff, v25  }
0x1f2: {  	v26 =	vadd.s32 v20, v27;
	v25 =	vld [tilespmem:s28+$0xFFFFFFE0];
	_ =	sdelay $0x4  }
0x1f3: {  	[tilespmem:v26+s22+$0x0] =	vst.idx.msk $0xffff, v25  }
0x1f4: {  	s0 =	sadd.s32 $0x7, s29;
	s29 =	smov.u32 s30;
	v26 =	vadd.s32 v21, v27;
	v25 =	vld [tilespmem:s8+$0xFFFFFFF0]  }
0x1f5: {  	v27 =	vmov s0  }
0x1f6: {  	v27 =	vshrl.u32 v27, $0x3  }
0x1f7: {  	v27 =	vshll.u32 v27, v1  }
0x1f8: {  	v27 =	vbroadcast v27, $0x0  }
0x1f9: {  	[tilespmem:v26+s22+$0x0] =	vst.idx.msk $0xffff, v25  }
0x1fa: {  	v26 =	vadd.s32 v22, v27;
	v25 =	vld [tilespmem:s28+$0xFFFFFFF0];
	_ =	sdelay $0x4  }
0x1fb: {  	[tilespmem:v26+s22+$0x0] =	vst.idx.msk $0xffff, v25  }
0x1fc: {  	v26 =	vadd.s32 v23, v27;
	v25 =	vld [tilespmem:s28+$0x0];
	_ =	sdelay $0x2  }
.Ltmp2:
0x1fd: {  	(pc) =	sbr.rel @p1 .LBB2_7-.Ltmp2, $4  }
0x1fe: {  	_ = 	snop  }
0x1ff: {  	[tilespmem:v26+s22+$0x0] =	vst.idx.msk $0xffff, v25  }
0x200: {  	v26 =	vadd.s32 v24, v27;
	v25 =	vld [tilespmem:s8+$0x0]  }
0x201: {  	s30 =	sadd.s32 $0x8, s30;
	v27 =	vmov s29  }
0x202: {  	_ = 	snop  }
0x203: {  	v27 =	vshrl.u32 v27, $0x3  }
0x204: {  	v27 =	vshll.u32 v27, v1  }
0x205: {  	v27 =	vbroadcast v27, $0x0  }
0x206: {  	s28 =	sadd.s32 $0x100, s28;
	[tilespmem:v26+s22+$0x0] =	vst.idx.msk $0xffff, v25  }
0x207: {  	v25 =	vld [tilespmem:s28+$0xFFFFFF10];
	v26 =	vadd.s32 v0, v27;
	_ =	sdelay $0x4  }
0x208: {  	[tilespmem:v26+s22+$0x0] =	vst.idx.msk $0xffff, v25  }
0x209: {  	v26 =	vadd.s32 v2, v27;
	v25 =	vld [tilespmem:s28+$0xFFFFFF20];
	_ =	sdelay $0x4  }
0x20a: {  	s8 =	sadd.s32 $0x80, s8;
	[tilespmem:v26+s22+$0x0] =	vst.idx.msk $0xffff, v25  }
0x20b: {  	s0 =	sadd.s32 $0x1, s29;
	v26 =	vadd.s32 v3, v27;
	v25 =	vld [tilespmem:s8+$0xFFFFFF90]  }
0x20c: {  	v27 =	vmov s0  }
0x20d: {  	v27 =	vshrl.u32 v27, $0x3  }
0x20e: {  	v27 =	vshll.u32 v27, v1  }
0x20f: {  	v27 =	vbroadcast v27, $0x0  }
0x210: {  	[tilespmem:v26+s22+$0x0] =	vst.idx.msk $0xffff, v25  }
0x211: {  	v26 =	vadd.s32 v4, v27;
	v25 =	vld [tilespmem:s28+$0xFFFFFF30];
	_ =	sdelay $0x4  }
0x212: {  	[tilespmem:v26+s22+$0x0] =	vst.idx.msk $0xffff, v25  }
0x213: {  	v26 =	vadd.s32 v5, v27;
	v25 =	vld [tilespmem:s28+$0xFFFFFF40];
	_ =	sdelay $0x4  }
0x214: {  	[tilespmem:v26+s22+$0x0] =	vst.idx.msk $0xffff, v25  }
0x215: {  	s30 =	sadd.s32 $0x2, s29;
	v26 =	vadd.s32 v6, v27;
	v25 =	vld [tilespmem:s8+$0xFFFFFFA0]  }
0x216: {  	v27 =	vmov s30  }
0x217: {  	v27 =	vshrl.u32 v27, $0x3  }
0x218: {  	v27 =	vshll.u32 v27, v1  }
0x219: {  	v27 =	vbroadcast v27, $0x0  }
0x21a: {  	[tilespmem:v26+s22+$0x0] =	vst.idx.msk $0xffff, v25  }
0x21b: {  	v26 =	vadd.s32 v7, v27;
	v25 =	vld [tilespmem:s28+$0xFFFFFF50];
	_ =	sdelay $0x4  }
0x21c: {  	[tilespmem:v26+s22+$0x0] =	vst.idx.msk $0xffff, v25  }
0x21d: {  	v26 =	vadd.s32 v8, v27;
	v25 =	vld [tilespmem:s28+$0xFFFFFF60];
	_ =	sdelay $0x4  }
0x21e: {  	[tilespmem:v26+s22+$0x0] =	vst.idx.msk $0xffff, v25  }
0x21f: {  	s31 =	sadd.s32 $0x3, s29;
	v26 =	vadd.s32 v9, v27;
	v25 =	vld [tilespmem:s8+$0xFFFFFFB0]  }
0x220: {  	v27 =	vmov s31  }
0x221: {  	v27 =	vshrl.u32 v27, $0x3  }
0x222: {  	v27 =	vshll.u32 v27, v1  }
0x223: {  	v27 =	vbroadcast v27, $0x0  }
0x224: {  	[tilespmem:v26+s22+$0x0] =	vst.idx.msk $0xffff, v25  }
0x225: {  	v26 =	vadd.s32 v10, v27;
	v25 =	vld [tilespmem:s28+$0xFFFFFF70];
	_ =	sdelay $0x4  }
0x226: {  	[tilespmem:v26+s22+$0x0] =	vst.idx.msk $0xffff, v25  }
0x227: {  	v26 =	vadd.s32 v11, v27;
	v25 =	vld [tilespmem:s28+$0xFFFFFF80];
	_ =	sdelay $0x4  }
0x228: {  	[tilespmem:v26+s22+$0x0] =	vst.idx.msk $0xffff, v25  }
0x229: {  	s15 =	sadd.s32 $0x4, s29;
	v26 =	vadd.s32 v12, v27;
	v25 =	vld [tilespmem:s8+$0xFFFFFFC0]  }
0x22a: {  	v27 =	vmov s15  }
0x22b: {  	v27 =	vshrl.u32 v27, $0x3  }
0x22c: {  	v27 =	vshll.u32 v27, v1  }
0x22d: {  	v27 =	vbroadcast v27, $0x0  }
0x22e: {  	[tilespmem:v26+s22+$0x0] =	vst.idx.msk $0xffff, v25  }
0x22f: {  	v26 =	vadd.s32 v13, v27;
	v25 =	vld [tilespmem:s28+$0xFFFFFF90];
	_ =	sdelay $0x4  }
0x230: {  	[tilespmem:v26+s22+$0x0] =	vst.idx.msk $0xffff, v25  }
0x231: {  	v26 =	vadd.s32 v14, v27;
	v25 =	vld [tilespmem:s28+$0xFFFFFFA0];
	_ =	sdelay $0x4  }
0x232: {  	[tilespmem:v26+s22+$0x0] =	vst.idx.msk $0xffff, v25  }
0x233: {  	s30 =	sadd.s32 $0x5, s29;
	v26 =	vadd.s32 v15, v27;
	v25 =	vld [tilespmem:s8+$0xFFFFFFD0]  }
0x234: {  	v27 =	vmov s30  }
0x235: {  	v27 =	vshrl.u32 v27, $0x3  }
0x236: {  	v27 =	vshll.u32 v27, v1  }
0x237: {  	v27 =	vbroadcast v27, $0x0  }
0x238: {  	[tilespmem:v26+s22+$0x0] =	vst.idx.msk $0xffff, v25  }
0x239: {  	v26 =	vadd.s32 v16, v27;
	v25 =	vld [tilespmem:s28+$0xFFFFFFB0];
	_ =	sdelay $0x4  }
0x23a: {  	[tilespmem:v26+s22+$0x0] =	vst.idx.msk $0xffff, v25  }
0x23b: {  	v26 =	vadd.s32 v17, v27;
	v25 =	vld [tilespmem:s28+$0xFFFFFFC0];
	_ =	sdelay $0x4  }
0x23c: {  	[tilespmem:v26+s22+$0x0] =	vst.idx.msk $0xffff, v25  }
0x23d: {  	s31 =	sadd.s32 $0x6, s29;
	v26 =	vadd.s32 v18, v27;
	v25 =	vld [tilespmem:s8+$0xFFFFFFE0]  }
0x23e: {  	v27 =	vmov s31  }
0x23f: {  	v27 =	vshrl.u32 v27, $0x3  }
0x240: {  	v27 =	vshll.u32 v27, v1  }
0x241: {  	v27 =	vbroadcast v27, $0x0  }
0x242: {  	[tilespmem:v26+s22+$0x0] =	vst.idx.msk $0xffff, v25  }
0x243: {  	v26 =	vadd.s32 v19, v27;
	v25 =	vld [tilespmem:s28+$0xFFFFFFD0];
	_ =	sdelay $0x4  }
0x244: {  	[tilespmem:v26+s22+$0x0] =	vst.idx.msk $0xffff, v25  }
0x245: {  	v26 =	vadd.s32 v20, v27;
	v25 =	vld [tilespmem:s28+$0xFFFFFFE0];
	_ =	sdelay $0x4  }
0x246: {  	[tilespmem:v26+s22+$0x0] =	vst.idx.msk $0xffff, v25  }
0x247: {  	s15 =	sadd.s32 $0x7, s29;
	v26 =	vadd.s32 v21, v27;
	v25 =	vld [tilespmem:s8+$0xFFFFFFF0]  }
0x248: {  	v27 =	vmov s15  }
0x249: {  	v27 =	vshrl.u32 v27, $0x3  }
0x24a: {  	v27 =	vshll.u32 v27, v1  }
0x24b: {  	v27 =	vbroadcast v27, $0x0  }
0x24c: {  	[tilespmem:v26+s22+$0x0] =	vst.idx.msk $0xffff, v25  }
0x24d: {  	v26 =	vadd.s32 v22, v27;
	v25 =	vld [tilespmem:s28+$0xFFFFFFF0];
	_ =	sdelay $0x4  }
0x24e: {  	[tilespmem:v26+s22+$0x0] =	vst.idx.msk $0xffff, v25  }
0x24f: {  	v26 =	vadd.s32 v23, v27;
	v25 =	vld [tilespmem:s28+$0x0];
	_ =	sdelay $0x4  }
0x250: {  	s30 =	sor.u32 s12, s9;
	[tilespmem:v26+s22+$0x0] =	vst.idx.msk $0xffff, v25  }
0x251: {  	s0 =	sor.u32 $0x1, s30;
	v26 =	vadd.s32 v24, v27;
	v25 =	vld [tilespmem:s8+$0x0]  }
0x252: {  	s0 =	smul.u32 $0x30000, s0;
	_ =	sdelay $0x1  }
0x253: {  	s0 =	sor.u32 s13, s0  }
0x254: {  	s0 =	sshrl.u32 s0, $0x3  }
0x255: {  	s9 =	sadd.s32 s2, s0;
	s31 =	simm.s32 $0xDD80;
	[tilespmem:v26+s22+$0x0] =	vst.idx.msk $0xffff, v25  }
0x256: {  	[hbm4b:s9+s3] =	stream.linear.scatter [tilespmem:s31], [sflag:$0x6], $0x80, $0x38;
	[tilespmem:$0x12A00] =	vst v63  }
0x257: {  	s15 =	sadd.s32 $0x10, s9;
	s8 =	simm.s32 $0xDE08  }
0x258: {  	[hbm4b:s15+s3] =	stream.linear.scatter [tilespmem:s8], [sflag:$0x6], $0x80, $0x38;
	[tilespmem:$0x12A00] =	vst v63  }
0x259: {  	s29 =	simm.s32 $0xE138;
	s30 =	simm.s32 $0xDE90;
	s31 =	sadd.s32 $0x20, s9  }
0x25a: {  	[hbm4b:s31+s3] =	stream.linear.scatter [tilespmem:s30], [sflag:$0x6], $0x80, $0x38;
	[tilespmem:$0x12A00] =	vst v63  }
0x25b: {  	s0 =	sadd.s32 $0x70, s9;
	s8 =	simm.s32 $0xDF18;
	s15 =	sadd.s32 $0x30, s9  }
0x25c: {  	[hbm4b:s15+s3] =	stream.linear.scatter [tilespmem:s8], [sflag:$0x6], $0x80, $0x38;
	[tilespmem:$0x12A00] =	vst v63  }
0x25d: {  	s28 =	simm.s32 $0x2200;
	s30 =	simm.s32 $0xDFA0;
	s31 =	sadd.s32 $0x40, s9  }
0x25e: {  	[hbm4b:s31+s3] =	stream.linear.scatter [tilespmem:s30], [sflag:$0x6], $0x80, $0x38;
	[tilespmem:$0x12A00] =	vst v63  }
0x25f: {  	s8 =	simm.s32 $0xE028;
	s15 =	sadd.s32 $0x50, s9;
	s30 =	simm.s32 $0xE0B0  }
0x260: {  	[hbm4b:s15+s3] =	stream.linear.scatter [tilespmem:s8], [sflag:$0x6], $0x80, $0x38;
	[tilespmem:$0x12A00] =	vst v63  }
0x261: {  	s31 =	sadd.s32 $0x60, s9;
	s9 =	sadd.s32 $0x1000, s9;
	s8 =	simm.s32 $0x440  }
0x262: {  	[hbm4b:s31+s3] =	stream.linear.scatter [tilespmem:s30], [sflag:$0x6], $0x80, $0x38;
	[tilespmem:$0x12A00] =	vst v63  }
.LBB2_9:
0x263: {  	[hbm4b:s0+s3] =	stream.linear.scatter [tilespmem:s29], [sflag:$0x6], $0x80, $0x38;
	[tilespmem:$0x12A00] =	vst v63  }
0x264: {  	s0 =	smov.u32 s8;
	s8 =	smov.u32 s28  }
0x265: {  	s15 =	sadd.s32 $0x1100, s28;
	s8 =	sshra.s32 s8, $0x2;
	s29 =	sadd.s32 $0xDD80, s0  }
0x266: {  	[hbm4b:s9+s3] =	stream.linear.scatter [tilespmem:s29], [sflag:$0x6], $0x80, $0x38;
	[tilespmem:$0x12A00] =	vst v63  }
0x267: {  	p1 =	sne.s32 s28, $0x5500;
	s28 =	sadd.s32 $0xDE08, s0;
	s29 =	sadd.s32 $0x10, s9  }
0x268: {  	[hbm4b:s29+s3] =	stream.linear.scatter [tilespmem:s28], [sflag:$0x6], $0x80, $0x38;
	[tilespmem:$0x12A00] =	vst v63  }
0x269: {  	s28 =	sadd.s32 $0xDE90, s0;
	s29 =	sadd.s32 $0x20, s9  }
0x26a: {  	[hbm4b:s29+s3] =	stream.linear.scatter [tilespmem:s28], [sflag:$0x6], $0x80, $0x38;
	[tilespmem:$0x12A00] =	vst v63  }
0x26b: {  	s28 =	sadd.s32 $0xDF18, s0;
	s29 =	sadd.s32 $0x30, s9  }
0x26c: {  	[hbm4b:s29+s3] =	stream.linear.scatter [tilespmem:s28], [sflag:$0x6], $0x80, $0x38;
	[tilespmem:$0x12A00] =	vst v63  }
0x26d: {  	s28 =	sadd.s32 $0xDFA0, s0;
	s29 =	sadd.s32 $0x40, s9  }
0x26e: {  	[hbm4b:s29+s3] =	stream.linear.scatter [tilespmem:s28], [sflag:$0x6], $0x80, $0x38;
	[tilespmem:$0x12A00] =	vst v63  }
0x26f: {  	s28 =	sadd.s32 $0xE028, s0;
	s29 =	sadd.s32 $0x50, s9  }
0x270: {  	[hbm4b:s29+s3] =	stream.linear.scatter [tilespmem:s28], [sflag:$0x6], $0x80, $0x38;
	[tilespmem:$0x12A00] =	vst v63  }
.Ltmp3:
0x271: {  	_ = 	snop;
	(pc) =	sbr.rel @p1 .LBB2_9-.Ltmp3, $4  }
0x272: {  	s28 =	sadd.s32 $0xE0B0, s0;
	s29 =	sadd.s32 $0x60, s9  }
0x273: {  	[hbm4b:s29+s3] =	stream.linear.scatter [tilespmem:s28], [sflag:$0x6], $0x80, $0x38;
	[tilespmem:$0x12A00] =	vst v63  }
0x274: {  	s29 =	sadd.s32 $0xE138, s0  }
0x275: {  	s0 =	sadd.s32 $0x70, s9;
	s9 =	sadd.s32 $0x1000, s9;
	s28 =	smov.u32 s15  }
0x276: {  	[hbm4b:s0+s3] =	stream.linear.scatter [tilespmem:s29], [sflag:$0x6], $0x80, $0x38;
	[tilespmem:$0x12A00] =	vst v63  }
0x277: {  	s30 =	sadd.s32 $0xDD80, s8  }
0x278: {  	[hbm4b:s9+s3] =	stream.linear.scatter [tilespmem:s30], [sflag:$0x6], $0x80, $0x38;
	[tilespmem:$0x12A00] =	vst v63  }
0x279: {  	s31 =	sadd.s32 $0xDE08, s8;
	s15 =	sadd.s32 $0x10, s9  }
0x27a: {  	[hbm4b:s15+s3] =	stream.linear.scatter [tilespmem:s31], [sflag:$0x6], $0x80, $0x38;
	[tilespmem:$0x12A00] =	vst v63  }
0x27b: {  	s30 =	sadd.s32 $0xDE90, s8;
	s31 =	sadd.s32 $0x20, s9  }
0x27c: {  	[hbm4b:s31+s3] =	stream.linear.scatter [tilespmem:s30], [sflag:$0x6], $0x80, $0x38;
	[tilespmem:$0x12A00] =	vst v63  }
0x27d: {  	s30 =	sadd.s32 $0xDF18, s8;
	s31 =	sadd.s32 $0x30, s9  }
0x27e: {  	[hbm4b:s31+s3] =	stream.linear.scatter [tilespmem:s30], [sflag:$0x6], $0x80, $0x38;
	[tilespmem:$0x12A00] =	vst v63  }
0x27f: {  	s30 =	sadd.s32 $0xDFA0, s8;
	s31 =	sadd.s32 $0x40, s9  }
0x280: {  	[hbm4b:s31+s3] =	stream.linear.scatter [tilespmem:s30], [sflag:$0x6], $0x80, $0x38;
	[tilespmem:$0x12A00] =	vst v63  }
0x281: {  	s30 =	sadd.s32 $0xE028, s8;
	s31 =	sadd.s32 $0x50, s9  }
0x282: {  	[hbm4b:s31+s3] =	stream.linear.scatter [tilespmem:s30], [sflag:$0x6], $0x80, $0x38;
	[tilespmem:$0x12A00] =	vst v63  }
0x283: {  	p1 =	seq.s32 s1, $0x31;
	s30 =	sadd.s32 $0xE0B0, s8;
	s31 =	sadd.s32 $0x60, s9  }
0x284: {  	[hbm4b:s31+s3] =	stream.linear.scatter [tilespmem:s30], [sflag:$0x6], $0x80, $0x38;
	[tilespmem:$0x12A00] =	vst v63  }
0x285: {  	s0 =	sadd.s32 @!p1 $0x200, s11;
	s15 =	sadd.s32 $0x70, s9;
	s8 =	sadd.s32 $0xE138, s8  }
0x286: {  	[hbm4b:s15+s3] =	stream.linear.scatter [tilespmem:s8], [sflag:$0x6], $0x80, $0x38;
	[tilespmem:$0x12A00] =	vst v63  }
0x287: {  	s0 =	sand.u32 @!p1 $0xFE00, s0;
	s9 =	simm.s32 @!p1 $0x6400;
	s8 =	simm.s32 @!p1 $0x80  }
0x288: {  	[tilespmem:s9], [sflag:$0x1] =	stream.indirect.gather @!p1 [hbm4b:s4+s8], $0x20, s0, s8, $0xb8;
	[tilespmem:$0x12A00] =	vst v63  }
0x289: {  	s9 =	simm.s32 @!p1 $0xA400  }
0x28a: {  	[tilespmem:s9], [sflag:$0x1] =	stream.indirect.gather @!p1 [hbm4b:s5+s8], $0x10, s0, s8, $0xb8;
	[tilespmem:$0x12A00] =	vst v63  }
0x28b: {  	_ =	swait.ge [sflag:s23], $0x1000  }
0x28c: {  	[sflag:s23] =	ssyncset.done $0x0  }
0x28d: {  	[sflag:s23] =	ssyncadd.s32 $0xFFFFF000  }
0x28e: {  	s30 =	simm.s32 $0x0;
	_ =	swait.ge [sflag:s23], $0x800  }
0x28f: {  	v25 =	vmov s30;
	[sflag:s23] =	ssyncset.done $0x0  }
0x290: {  	v25 =	vshrl.u32 v25, $0x3;
	s0 =	simm.s32 @!p0 $0x7;
	[sflag:s23] =	ssyncadd.s32 $0xFFFFF800  }
0x291: {  	v25 =	vshll.u32 v25, v1;
	_ =	swait.ge @!p0 [sflag:s0], $0x1800  }
0x292: {  	v25 =	vbroadcast v25, $0x0;
	[sflag:s0] =	ssyncset.done @!p0 $0x0  }
0x293: {  	s9 =	simm.s32 $0x84F0;
	[sflag:s0] =	ssyncadd.s32 @!p0 $0xFFFFE800  }
0x294: {  	v27 =	vadd.s32 v0, v25;
	v26 =	vld [tilespmem:s9+$0xFFFFFF10];
	_ =	sdelay $0x4  }
0x295: {  	[tilespmem:v27+s24+$0x0] =	vst.idx.msk $0xffff, v26  }
0x296: {  	v27 =	vadd.s32 v2, v25;
	v26 =	vld [tilespmem:s9+$0xFFFFFF20];
	_ =	sdelay $0x4  }
0x297: {  	s8 =	simm.s32 $0xB470;
	[tilespmem:v27+s24+$0x0] =	vst.idx.msk $0xffff, v26  }
0x298: {  	s31 =	simm.s32 $0x1;
	v25 =	vadd.s32 v3, v25;
	v26 =	vld [tilespmem:s8+$0xFFFFFF90]  }
0x299: {  	v27 =	vmov s31  }
0x29a: {  	v27 =	vshrl.u32 v27, $0x3  }
0x29b: {  	v27 =	vshll.u32 v27, v1  }
0x29c: {  	v27 =	vbroadcast v27, $0x0  }
0x29d: {  	[tilespmem:v25+s24+$0x0] =	vst.idx.msk $0xffff, v26  }
0x29e: {  	v26 =	vadd.s32 v4, v27;
	v25 =	vld [tilespmem:s9+$0xFFFFFF30];
	_ =	sdelay $0x4  }
0x29f: {  	[tilespmem:v26+s24+$0x0] =	vst.idx.msk $0xffff, v25  }
0x2a0: {  	v26 =	vadd.s32 v5, v27;
	v25 =	vld [tilespmem:s9+$0xFFFFFF40];
	_ =	sdelay $0x4  }
0x2a1: {  	[tilespmem:v26+s24+$0x0] =	vst.idx.msk $0xffff, v25  }
0x2a2: {  	s15 =	simm.s32 $0x2;
	v26 =	vadd.s32 v6, v27;
	v25 =	vld [tilespmem:s8+$0xFFFFFFA0]  }
0x2a3: {  	v27 =	vmov s15  }
0x2a4: {  	v27 =	vshrl.u32 v27, $0x3  }
0x2a5: {  	v27 =	vshll.u32 v27, v1  }
0x2a6: {  	v27 =	vbroadcast v27, $0x0  }
0x2a7: {  	[tilespmem:v26+s24+$0x0] =	vst.idx.msk $0xffff, v25  }
0x2a8: {  	v26 =	vadd.s32 v7, v27;
	v25 =	vld [tilespmem:s9+$0xFFFFFF50];
	_ =	sdelay $0x4  }
0x2a9: {  	[tilespmem:v26+s24+$0x0] =	vst.idx.msk $0xffff, v25  }
0x2aa: {  	v26 =	vadd.s32 v8, v27;
	v25 =	vld [tilespmem:s9+$0xFFFFFF60];
	_ =	sdelay $0x4  }
0x2ab: {  	[tilespmem:v26+s24+$0x0] =	vst.idx.msk $0xffff, v25  }
0x2ac: {  	s30 =	simm.s32 $0x3;
	v26 =	vadd.s32 v9, v27;
	v25 =	vld [tilespmem:s8+$0xFFFFFFB0]  }
0x2ad: {  	v27 =	vmov s30  }
0x2ae: {  	v27 =	vshrl.u32 v27, $0x3  }
0x2af: {  	v27 =	vshll.u32 v27, v1  }
0x2b0: {  	v27 =	vbroadcast v27, $0x0  }
0x2b1: {  	[tilespmem:v26+s24+$0x0] =	vst.idx.msk $0xffff, v25  }
0x2b2: {  	v26 =	vadd.s32 v10, v27;
	v25 =	vld [tilespmem:s9+$0xFFFFFF70];
	_ =	sdelay $0x4  }
0x2b3: {  	[tilespmem:v26+s24+$0x0] =	vst.idx.msk $0xffff, v25  }
0x2b4: {  	v26 =	vadd.s32 v11, v27;
	v25 =	vld [tilespmem:s9+$0xFFFFFF80];
	_ =	sdelay $0x4  }
0x2b5: {  	[tilespmem:v26+s24+$0x0] =	vst.idx.msk $0xffff, v25  }
0x2b6: {  	s31 =	simm.s32 $0x4;
	v26 =	vadd.s32 v12, v27;
	v25 =	vld [tilespmem:s8+$0xFFFFFFC0]  }
0x2b7: {  	v27 =	vmov s31  }
0x2b8: {  	v27 =	vshrl.u32 v27, $0x3  }
0x2b9: {  	v27 =	vshll.u32 v27, v1  }
0x2ba: {  	v27 =	vbroadcast v27, $0x0  }
0x2bb: {  	[tilespmem:v26+s24+$0x0] =	vst.idx.msk $0xffff, v25  }
0x2bc: {  	v26 =	vadd.s32 v13, v27;
	v25 =	vld [tilespmem:s9+$0xFFFFFF90];
	_ =	sdelay $0x4  }
0x2bd: {  	[tilespmem:v26+s24+$0x0] =	vst.idx.msk $0xffff, v25  }
0x2be: {  	v26 =	vadd.s32 v14, v27;
	v25 =	vld [tilespmem:s9+$0xFFFFFFA0];
	_ =	sdelay $0x4  }
0x2bf: {  	[tilespmem:v26+s24+$0x0] =	vst.idx.msk $0xffff, v25  }
0x2c0: {  	s15 =	simm.s32 $0x5;
	v26 =	vadd.s32 v15, v27;
	v25 =	vld [tilespmem:s8+$0xFFFFFFD0]  }
0x2c1: {  	v27 =	vmov s15  }
0x2c2: {  	v27 =	vshrl.u32 v27, $0x3  }
0x2c3: {  	v27 =	vshll.u32 v27, v1  }
0x2c4: {  	v27 =	vbroadcast v27, $0x0  }
0x2c5: {  	[tilespmem:v26+s24+$0x0] =	vst.idx.msk $0xffff, v25  }
0x2c6: {  	v26 =	vadd.s32 v16, v27;
	v25 =	vld [tilespmem:s9+$0xFFFFFFB0];
	_ =	sdelay $0x4  }
0x2c7: {  	[tilespmem:v26+s24+$0x0] =	vst.idx.msk $0xffff, v25  }
0x2c8: {  	v26 =	vadd.s32 v17, v27;
	v25 =	vld [tilespmem:s9+$0xFFFFFFC0];
	_ =	sdelay $0x4  }
0x2c9: {  	[tilespmem:v26+s24+$0x0] =	vst.idx.msk $0xffff, v25  }
0x2ca: {  	s30 =	simm.s32 $0x6;
	v26 =	vadd.s32 v18, v27;
	v25 =	vld [tilespmem:s8+$0xFFFFFFE0]  }
0x2cb: {  	v27 =	vmov s30  }
0x2cc: {  	v27 =	vshrl.u32 v27, $0x3  }
0x2cd: {  	v27 =	vshll.u32 v27, v1  }
0x2ce: {  	v27 =	vbroadcast v27, $0x0  }
0x2cf: {  	[tilespmem:v26+s24+$0x0] =	vst.idx.msk $0xffff, v25  }
0x2d0: {  	v26 =	vadd.s32 v19, v27;
	v25 =	vld [tilespmem:s9+$0xFFFFFFD0];
	_ =	sdelay $0x4  }
0x2d1: {  	[tilespmem:v26+s24+$0x0] =	vst.idx.msk $0xffff, v25  }
0x2d2: {  	v26 =	vadd.s32 v20, v27;
	v25 =	vld [tilespmem:s9+$0xFFFFFFE0];
	_ =	sdelay $0x4  }
0x2d3: {  	[tilespmem:v26+s24+$0x0] =	vst.idx.msk $0xffff, v25  }
0x2d4: {  	s31 =	simm.s32 $0x7;
	v26 =	vadd.s32 v21, v27;
	v25 =	vld [tilespmem:s8+$0xFFFFFFF0]  }
0x2d5: {  	v27 =	vmov s31  }
0x2d6: {  	v27 =	vshrl.u32 v27, $0x3  }
0x2d7: {  	v27 =	vshll.u32 v27, v1  }
0x2d8: {  	v27 =	vbroadcast v27, $0x0  }
0x2d9: {  	[tilespmem:v26+s24+$0x0] =	vst.idx.msk $0xffff, v25  }
0x2da: {  	v26 =	vadd.s32 v22, v27;
	v25 =	vld [tilespmem:s9+$0xFFFFFFF0];
	_ =	sdelay $0x4  }
0x2db: {  	[tilespmem:v26+s24+$0x0] =	vst.idx.msk $0xffff, v25  }
0x2dc: {  	v26 =	vadd.s32 v23, v27;
	v25 =	vld [tilespmem:s9+$0x0];
	_ =	sdelay $0x4  }
0x2dd: {  	[tilespmem:v26+s24+$0x0] =	vst.idx.msk $0xffff, v25  }
0x2de: {  	s28 =	simm.s32 $0x8;
	v26 =	vadd.s32 v24, v27;
	v25 =	vld [tilespmem:s8+$0x0]  }
0x2df: {  	s29 =	simm.s32 $0x10;
	v27 =	vmov s28  }
.LBB2_11:
0x2e0: {  	p2 =	slt.u32 s29, $0x78;
	v27 =	vshrl.u32 v27, $0x3  }
0x2e1: {  	v27 =	vshll.u32 v27, v1  }
0x2e2: {  	v27 =	vbroadcast v27, $0x0  }
0x2e3: {  	s9 =	sadd.s32 $0x100, s9;
	[tilespmem:v26+s24+$0x0] =	vst.idx.msk $0xffff, v25  }
0x2e4: {  	v25 =	vld [tilespmem:s9+$0xFFFFFF10];
	v26 =	vadd.s32 v0, v27;
	_ =	sdelay $0x4  }
0x2e5: {  	[tilespmem:v26+s24+$0x0] =	vst.idx.msk $0xffff, v25  }
0x2e6: {  	v26 =	vadd.s32 v2, v27;
	v25 =	vld [tilespmem:s9+$0xFFFFFF20];
	_ =	sdelay $0x4  }
0x2e7: {  	s8 =	sadd.s32 $0x80, s8;
	[tilespmem:v26+s24+$0x0] =	vst.idx.msk $0xffff, v25  }
0x2e8: {  	s0 =	sadd.s32 $0x1, s28;
	v26 =	vadd.s32 v3, v27;
	v25 =	vld [tilespmem:s8+$0xFFFFFF90]  }
0x2e9: {  	v27 =	vmov s0  }
0x2ea: {  	v27 =	vshrl.u32 v27, $0x3  }
0x2eb: {  	v27 =	vshll.u32 v27, v1  }
0x2ec: {  	v27 =	vbroadcast v27, $0x0  }
0x2ed: {  	[tilespmem:v26+s24+$0x0] =	vst.idx.msk $0xffff, v25  }
0x2ee: {  	v26 =	vadd.s32 v4, v27;
	v25 =	vld [tilespmem:s9+$0xFFFFFF30];
	_ =	sdelay $0x4  }
0x2ef: {  	[tilespmem:v26+s24+$0x0] =	vst.idx.msk $0xffff, v25  }
0x2f0: {  	v26 =	vadd.s32 v5, v27;
	v25 =	vld [tilespmem:s9+$0xFFFFFF40];
	_ =	sdelay $0x4  }
0x2f1: {  	[tilespmem:v26+s24+$0x0] =	vst.idx.msk $0xffff, v25  }
0x2f2: {  	s0 =	sadd.s32 $0x2, s28;
	v26 =	vadd.s32 v6, v27;
	v25 =	vld [tilespmem:s8+$0xFFFFFFA0]  }
0x2f3: {  	v27 =	vmov s0  }
0x2f4: {  	v27 =	vshrl.u32 v27, $0x3  }
0x2f5: {  	v27 =	vshll.u32 v27, v1  }
0x2f6: {  	v27 =	vbroadcast v27, $0x0  }
0x2f7: {  	[tilespmem:v26+s24+$0x0] =	vst.idx.msk $0xffff, v25  }
0x2f8: {  	v26 =	vadd.s32 v7, v27;
	v25 =	vld [tilespmem:s9+$0xFFFFFF50];
	_ =	sdelay $0x4  }
0x2f9: {  	[tilespmem:v26+s24+$0x0] =	vst.idx.msk $0xffff, v25  }
0x2fa: {  	v26 =	vadd.s32 v8, v27;
	v25 =	vld [tilespmem:s9+$0xFFFFFF60];
	_ =	sdelay $0x4  }
0x2fb: {  	[tilespmem:v26+s24+$0x0] =	vst.idx.msk $0xffff, v25  }
0x2fc: {  	s0 =	sadd.s32 $0x3, s28;
	v26 =	vadd.s32 v9, v27;
	v25 =	vld [tilespmem:s8+$0xFFFFFFB0]  }
0x2fd: {  	v27 =	vmov s0  }
0x2fe: {  	v27 =	vshrl.u32 v27, $0x3  }
0x2ff: {  	v27 =	vshll.u32 v27, v1  }
0x300: {  	v27 =	vbroadcast v27, $0x0  }
0x301: {  	[tilespmem:v26+s24+$0x0] =	vst.idx.msk $0xffff, v25  }
0x302: {  	v26 =	vadd.s32 v10, v27;
	v25 =	vld [tilespmem:s9+$0xFFFFFF70];
	_ =	sdelay $0x4  }
0x303: {  	[tilespmem:v26+s24+$0x0] =	vst.idx.msk $0xffff, v25  }
0x304: {  	v26 =	vadd.s32 v11, v27;
	v25 =	vld [tilespmem:s9+$0xFFFFFF80];
	_ =	sdelay $0x4  }
0x305: {  	[tilespmem:v26+s24+$0x0] =	vst.idx.msk $0xffff, v25  }
0x306: {  	s0 =	sadd.s32 $0x4, s28;
	v26 =	vadd.s32 v12, v27;
	v25 =	vld [tilespmem:s8+$0xFFFFFFC0]  }
0x307: {  	v27 =	vmov s0  }
0x308: {  	v27 =	vshrl.u32 v27, $0x3  }
0x309: {  	v27 =	vshll.u32 v27, v1  }
0x30a: {  	v27 =	vbroadcast v27, $0x0  }
0x30b: {  	[tilespmem:v26+s24+$0x0] =	vst.idx.msk $0xffff, v25  }
0x30c: {  	v26 =	vadd.s32 v13, v27;
	v25 =	vld [tilespmem:s9+$0xFFFFFF90];
	_ =	sdelay $0x4  }
0x30d: {  	[tilespmem:v26+s24+$0x0] =	vst.idx.msk $0xffff, v25  }
0x30e: {  	v26 =	vadd.s32 v14, v27;
	v25 =	vld [tilespmem:s9+$0xFFFFFFA0];
	_ =	sdelay $0x4  }
0x30f: {  	[tilespmem:v26+s24+$0x0] =	vst.idx.msk $0xffff, v25  }
0x310: {  	s0 =	sadd.s32 $0x5, s28;
	v26 =	vadd.s32 v15, v27;
	v25 =	vld [tilespmem:s8+$0xFFFFFFD0]  }
0x311: {  	v27 =	vmov s0  }
0x312: {  	v27 =	vshrl.u32 v27, $0x3  }
0x313: {  	v27 =	vshll.u32 v27, v1  }
0x314: {  	v27 =	vbroadcast v27, $0x0  }
0x315: {  	[tilespmem:v26+s24+$0x0] =	vst.idx.msk $0xffff, v25  }
0x316: {  	v26 =	vadd.s32 v16, v27;
	v25 =	vld [tilespmem:s9+$0xFFFFFFB0];
	_ =	sdelay $0x4  }
0x317: {  	[tilespmem:v26+s24+$0x0] =	vst.idx.msk $0xffff, v25  }
0x318: {  	v26 =	vadd.s32 v17, v27;
	v25 =	vld [tilespmem:s9+$0xFFFFFFC0];
	_ =	sdelay $0x4  }
0x319: {  	[tilespmem:v26+s24+$0x0] =	vst.idx.msk $0xffff, v25  }
0x31a: {  	s0 =	sadd.s32 $0x6, s28;
	v26 =	vadd.s32 v18, v27;
	v25 =	vld [tilespmem:s8+$0xFFFFFFE0]  }
0x31b: {  	v27 =	vmov s0  }
0x31c: {  	v27 =	vshrl.u32 v27, $0x3  }
0x31d: {  	v27 =	vshll.u32 v27, v1  }
0x31e: {  	v27 =	vbroadcast v27, $0x0  }
0x31f: {  	[tilespmem:v26+s24+$0x0] =	vst.idx.msk $0xffff, v25  }
0x320: {  	v26 =	vadd.s32 v19, v27;
	v25 =	vld [tilespmem:s9+$0xFFFFFFD0];
	_ =	sdelay $0x4  }
0x321: {  	[tilespmem:v26+s24+$0x0] =	vst.idx.msk $0xffff, v25  }
0x322: {  	v26 =	vadd.s32 v20, v27;
	v25 =	vld [tilespmem:s9+$0xFFFFFFE0];
	_ =	sdelay $0x4  }
0x323: {  	[tilespmem:v26+s24+$0x0] =	vst.idx.msk $0xffff, v25  }
0x324: {  	s0 =	sadd.s32 $0x7, s28;
	s28 =	smov.u32 s29;
	v26 =	vadd.s32 v21, v27;
	v25 =	vld [tilespmem:s8+$0xFFFFFFF0]  }
0x325: {  	v27 =	vmov s0  }
0x326: {  	v27 =	vshrl.u32 v27, $0x3  }
0x327: {  	v27 =	vshll.u32 v27, v1  }
0x328: {  	v27 =	vbroadcast v27, $0x0  }
0x329: {  	[tilespmem:v26+s24+$0x0] =	vst.idx.msk $0xffff, v25  }
0x32a: {  	v26 =	vadd.s32 v22, v27;
	v25 =	vld [tilespmem:s9+$0xFFFFFFF0];
	_ =	sdelay $0x4  }
0x32b: {  	[tilespmem:v26+s24+$0x0] =	vst.idx.msk $0xffff, v25  }
0x32c: {  	v26 =	vadd.s32 v23, v27;
	v25 =	vld [tilespmem:s9+$0x0];
	_ =	sdelay $0x2  }
.Ltmp4:
0x32d: {  	(pc) =	sbr.rel @p2 .LBB2_11-.Ltmp4, $4  }
0x32e: {  	_ = 	snop  }
0x32f: {  	[tilespmem:v26+s24+$0x0] =	vst.idx.msk $0xffff, v25  }
0x330: {  	v26 =	vadd.s32 v24, v27;
	v25 =	vld [tilespmem:s8+$0x0]  }
0x331: {  	s29 =	sadd.s32 $0x8, s29;
	v27 =	vmov s28  }
0x332: {  	_ = 	snop  }
0x333: {  	v27 =	vshrl.u32 v27, $0x3  }
0x334: {  	v27 =	vshll.u32 v27, v1  }
0x335: {  	v27 =	vbroadcast v27, $0x0  }
0x336: {  	s9 =	sadd.s32 $0x100, s9;
	[tilespmem:v26+s24+$0x0] =	vst.idx.msk $0xffff, v25  }
0x337: {  	v25 =	vld [tilespmem:s9+$0xFFFFFF10];
	v26 =	vadd.s32 v0, v27;
	_ =	sdelay $0x4  }
0x338: {  	[tilespmem:v26+s24+$0x0] =	vst.idx.msk $0xffff, v25  }
0x339: {  	v26 =	vadd.s32 v2, v27;
	v25 =	vld [tilespmem:s9+$0xFFFFFF20];
	_ =	sdelay $0x4  }
0x33a: {  	s8 =	sadd.s32 $0x80, s8;
	[tilespmem:v26+s24+$0x0] =	vst.idx.msk $0xffff, v25  }
0x33b: {  	s0 =	sadd.s32 $0x1, s28;
	v26 =	vadd.s32 v3, v27;
	v25 =	vld [tilespmem:s8+$0xFFFFFF90]  }
0x33c: {  	v27 =	vmov s0  }
0x33d: {  	v27 =	vshrl.u32 v27, $0x3  }
0x33e: {  	v27 =	vshll.u32 v27, v1  }
0x33f: {  	v27 =	vbroadcast v27, $0x0  }
0x340: {  	[tilespmem:v26+s24+$0x0] =	vst.idx.msk $0xffff, v25  }
0x341: {  	v26 =	vadd.s32 v4, v27;
	v25 =	vld [tilespmem:s9+$0xFFFFFF30];
	_ =	sdelay $0x4  }
0x342: {  	[tilespmem:v26+s24+$0x0] =	vst.idx.msk $0xffff, v25  }
0x343: {  	v26 =	vadd.s32 v5, v27;
	v25 =	vld [tilespmem:s9+$0xFFFFFF40];
	_ =	sdelay $0x4  }
0x344: {  	[tilespmem:v26+s24+$0x0] =	vst.idx.msk $0xffff, v25  }
0x345: {  	s15 =	sadd.s32 $0x2, s28;
	v26 =	vadd.s32 v6, v27;
	v25 =	vld [tilespmem:s8+$0xFFFFFFA0]  }
0x346: {  	v27 =	vmov s15  }
0x347: {  	v27 =	vshrl.u32 v27, $0x3  }
0x348: {  	v27 =	vshll.u32 v27, v1  }
0x349: {  	v27 =	vbroadcast v27, $0x0  }
0x34a: {  	[tilespmem:v26+s24+$0x0] =	vst.idx.msk $0xffff, v25  }
0x34b: {  	v26 =	vadd.s32 v7, v27;
	v25 =	vld [tilespmem:s9+$0xFFFFFF50];
	_ =	sdelay $0x4  }
0x34c: {  	[tilespmem:v26+s24+$0x0] =	vst.idx.msk $0xffff, v25  }
0x34d: {  	v26 =	vadd.s32 v8, v27;
	v25 =	vld [tilespmem:s9+$0xFFFFFF60];
	_ =	sdelay $0x4  }
0x34e: {  	[tilespmem:v26+s24+$0x0] =	vst.idx.msk $0xffff, v25  }
0x34f: {  	s29 =	sadd.s32 $0x3, s28;
	v26 =	vadd.s32 v9, v27;
	v25 =	vld [tilespmem:s8+$0xFFFFFFB0]  }
0x350: {  	v27 =	vmov s29  }
0x351: {  	v27 =	vshrl.u32 v27, $0x3  }
0x352: {  	v27 =	vshll.u32 v27, v1  }
0x353: {  	v27 =	vbroadcast v27, $0x0  }
0x354: {  	[tilespmem:v26+s24+$0x0] =	vst.idx.msk $0xffff, v25  }
0x355: {  	v26 =	vadd.s32 v10, v27;
	v25 =	vld [tilespmem:s9+$0xFFFFFF70];
	_ =	sdelay $0x4  }
0x356: {  	[tilespmem:v26+s24+$0x0] =	vst.idx.msk $0xffff, v25  }
0x357: {  	v26 =	vadd.s32 v11, v27;
	v25 =	vld [tilespmem:s9+$0xFFFFFF80];
	_ =	sdelay $0x4  }
0x358: {  	[tilespmem:v26+s24+$0x0] =	vst.idx.msk $0xffff, v25  }
0x359: {  	s30 =	sadd.s32 $0x4, s28;
	v26 =	vadd.s32 v12, v27;
	v25 =	vld [tilespmem:s8+$0xFFFFFFC0]  }
0x35a: {  	v27 =	vmov s30  }
0x35b: {  	v27 =	vshrl.u32 v27, $0x3  }
0x35c: {  	v27 =	vshll.u32 v27, v1  }
0x35d: {  	v27 =	vbroadcast v27, $0x0  }
0x35e: {  	[tilespmem:v26+s24+$0x0] =	vst.idx.msk $0xffff, v25  }
0x35f: {  	v26 =	vadd.s32 v13, v27;
	v25 =	vld [tilespmem:s9+$0xFFFFFF90];
	_ =	sdelay $0x4  }
0x360: {  	[tilespmem:v26+s24+$0x0] =	vst.idx.msk $0xffff, v25  }
0x361: {  	v26 =	vadd.s32 v14, v27;
	v25 =	vld [tilespmem:s9+$0xFFFFFFA0];
	_ =	sdelay $0x4  }
0x362: {  	[tilespmem:v26+s24+$0x0] =	vst.idx.msk $0xffff, v25  }
0x363: {  	s31 =	sadd.s32 $0x5, s28;
	v26 =	vadd.s32 v15, v27;
	v25 =	vld [tilespmem:s8+$0xFFFFFFD0]  }
0x364: {  	v27 =	vmov s31  }
0x365: {  	v27 =	vshrl.u32 v27, $0x3  }
0x366: {  	v27 =	vshll.u32 v27, v1  }
0x367: {  	v27 =	vbroadcast v27, $0x0  }
0x368: {  	[tilespmem:v26+s24+$0x0] =	vst.idx.msk $0xffff, v25  }
0x369: {  	v26 =	vadd.s32 v16, v27;
	v25 =	vld [tilespmem:s9+$0xFFFFFFB0];
	_ =	sdelay $0x4  }
0x36a: {  	[tilespmem:v26+s24+$0x0] =	vst.idx.msk $0xffff, v25  }
0x36b: {  	v26 =	vadd.s32 v17, v27;
	v25 =	vld [tilespmem:s9+$0xFFFFFFC0];
	_ =	sdelay $0x4  }
0x36c: {  	[tilespmem:v26+s24+$0x0] =	vst.idx.msk $0xffff, v25  }
0x36d: {  	s15 =	sadd.s32 $0x6, s28;
	v26 =	vadd.s32 v18, v27;
	v25 =	vld [tilespmem:s8+$0xFFFFFFE0]  }
0x36e: {  	v27 =	vmov s15  }
0x36f: {  	v27 =	vshrl.u32 v27, $0x3  }
0x370: {  	v27 =	vshll.u32 v27, v1  }
0x371: {  	v27 =	vbroadcast v27, $0x0  }
0x372: {  	[tilespmem:v26+s24+$0x0] =	vst.idx.msk $0xffff, v25  }
0x373: {  	v26 =	vadd.s32 v19, v27;
	v25 =	vld [tilespmem:s9+$0xFFFFFFD0];
	_ =	sdelay $0x4  }
0x374: {  	[tilespmem:v26+s24+$0x0] =	vst.idx.msk $0xffff, v25  }
0x375: {  	v26 =	vadd.s32 v20, v27;
	v25 =	vld [tilespmem:s9+$0xFFFFFFE0];
	_ =	sdelay $0x4  }
0x376: {  	[tilespmem:v26+s24+$0x0] =	vst.idx.msk $0xffff, v25  }
0x377: {  	s29 =	sadd.s32 $0x7, s28;
	v26 =	vadd.s32 v21, v27;
	v25 =	vld [tilespmem:s8+$0xFFFFFFF0]  }
0x378: {  	v27 =	vmov s29  }
0x379: {  	v27 =	vshrl.u32 v27, $0x3  }
0x37a: {  	v27 =	vshll.u32 v27, v1  }
0x37b: {  	v27 =	vbroadcast v27, $0x0  }
0x37c: {  	[tilespmem:v26+s24+$0x0] =	vst.idx.msk $0xffff, v25  }
0x37d: {  	v26 =	vadd.s32 v22, v27;
	v25 =	vld [tilespmem:s9+$0xFFFFFFF0];
	_ =	sdelay $0x4  }
0x37e: {  	[tilespmem:v26+s24+$0x0] =	vst.idx.msk $0xffff, v25  }
0x37f: {  	v26 =	vadd.s32 v23, v27;
	v25 =	vld [tilespmem:s9+$0x0];
	_ =	sdelay $0x4  }
0x380: {  	s30 =	sand.u32 $0x6, s14;
	[tilespmem:v26+s24+$0x0] =	vst.idx.msk $0xffff, v25  }
0x381: {  	s0 =	sor.u32 s30, s12;
	v26 =	vadd.s32 v24, v27;
	v25 =	vld [tilespmem:s8+$0x0]  }
0x382: {  	s0 =	smul.u32 $0x30000, s0;
	_ =	sdelay $0x1  }
0x383: {  	s0 =	sor.u32 s13, s0  }
0x384: {  	s0 =	sshrl.u32 s0, $0x3  }
0x385: {  	s31 =	simm.s32 $0xF700;
	s9 =	sadd.s32 s2, s0;
	[tilespmem:v26+s24+$0x0] =	vst.idx.msk $0xffff, v25  }
0x386: {  	[hbm4b:s9+s3] =	stream.linear.scatter [tilespmem:s31], [sflag:$0x7], $0x80, $0x38;
	[tilespmem:$0x12A00] =	vst v63  }
0x387: {  	s14 =	sadd.s32 $0x10, s9;
	s8 =	simm.s32 $0xF788  }
0x388: {  	[hbm4b:s14+s3] =	stream.linear.scatter [tilespmem:s8], [sflag:$0x7], $0x80, $0x38;
	[tilespmem:$0x12A00] =	vst v63  }
0x389: {  	s28 =	simm.s32 $0xFAB8;
	s15 =	simm.s32 $0xF810;
	s29 =	sadd.s32 $0x20, s9  }
0x38a: {  	[hbm4b:s29+s3] =	stream.linear.scatter [tilespmem:s15], [sflag:$0x7], $0x80, $0x38;
	[tilespmem:$0x12A00] =	vst v63  }
0x38b: {  	s30 =	simm.s32 $0xF898;
	s0 =	sadd.s32 $0x70, s9;
	s31 =	sadd.s32 $0x30, s9  }
0x38c: {  	[hbm4b:s31+s3] =	stream.linear.scatter [tilespmem:s30], [sflag:$0x7], $0x80, $0x38;
	[tilespmem:$0x12A00] =	vst v63  }
0x38d: {  	s8 =	simm.s32 $0xF920;
	s14 =	sadd.s32 $0x40, s9;
	s15 =	simm.s32 $0xF9A8  }
0x38e: {  	[hbm4b:s14+s3] =	stream.linear.scatter [tilespmem:s8], [sflag:$0x7], $0x80, $0x38;
	[tilespmem:$0x12A00] =	vst v63  }
0x38f: {  	s29 =	sadd.s32 $0x50, s9;
	s30 =	simm.s32 $0xFA30;
	s31 =	sadd.s32 $0x60, s9  }
0x390: {  	[hbm4b:s29+s3] =	stream.linear.scatter [tilespmem:s15], [sflag:$0x7], $0x80, $0x38;
	[tilespmem:$0x12A00] =	vst v63  }
0x391: {  	s9 =	sadd.s32 $0x1000, s9;
	s8 =	simm.s32 $0x440;
	s14 =	simm.s32 $0x2200  }
0x392: {  	[hbm4b:s31+s3] =	stream.linear.scatter [tilespmem:s30], [sflag:$0x7], $0x80, $0x38;
	[tilespmem:$0x12A00] =	vst v63  }
.LBB2_13:
0x393: {  	[hbm4b:s0+s3] =	stream.linear.scatter [tilespmem:s28], [sflag:$0x7], $0x80, $0x38;
	[tilespmem:$0x12A00] =	vst v63  }
0x394: {  	s0 =	smov.u32 s8;
	s8 =	smov.u32 s14  }
0x395: {  	s15 =	sadd.s32 $0x1100, s14;
	s8 =	sshra.s32 s8, $0x2;
	s28 =	sadd.s32 $0xF700, s0  }
0x396: {  	[hbm4b:s9+s3] =	stream.linear.scatter [tilespmem:s28], [sflag:$0x7], $0x80, $0x38;
	[tilespmem:$0x12A00] =	vst v63  }
0x397: {  	p2 =	sne.s32 s14, $0x5500;
	s14 =	sadd.s32 $0xF788, s0;
	s28 =	sadd.s32 $0x10, s9  }
0x398: {  	[hbm4b:s28+s3] =	stream.linear.scatter [tilespmem:s14], [sflag:$0x7], $0x80, $0x38;
	[tilespmem:$0x12A00] =	vst v63  }
0x399: {  	s14 =	sadd.s32 $0xF810, s0;
	s28 =	sadd.s32 $0x20, s9  }
0x39a: {  	[hbm4b:s28+s3] =	stream.linear.scatter [tilespmem:s14], [sflag:$0x7], $0x80, $0x38;
	[tilespmem:$0x12A00] =	vst v63  }
0x39b: {  	s14 =	sadd.s32 $0xF898, s0;
	s28 =	sadd.s32 $0x30, s9  }
0x39c: {  	[hbm4b:s28+s3] =	stream.linear.scatter [tilespmem:s14], [sflag:$0x7], $0x80, $0x38;
	[tilespmem:$0x12A00] =	vst v63  }
0x39d: {  	s14 =	sadd.s32 $0xF920, s0;
	s28 =	sadd.s32 $0x40, s9  }
0x39e: {  	[hbm4b:s28+s3] =	stream.linear.scatter [tilespmem:s14], [sflag:$0x7], $0x80, $0x38;
	[tilespmem:$0x12A00] =	vst v63  }
0x39f: {  	s14 =	sadd.s32 $0xF9A8, s0;
	s28 =	sadd.s32 $0x50, s9  }
0x3a0: {  	[hbm4b:s28+s3] =	stream.linear.scatter [tilespmem:s14], [sflag:$0x7], $0x80, $0x38;
	[tilespmem:$0x12A00] =	vst v63  }
.Ltmp5:
0x3a1: {  	_ = 	snop;
	(pc) =	sbr.rel @p2 .LBB2_13-.Ltmp5, $4  }
0x3a2: {  	s14 =	sadd.s32 $0xFA30, s0;
	s28 =	sadd.s32 $0x60, s9  }
0x3a3: {  	[hbm4b:s28+s3] =	stream.linear.scatter [tilespmem:s14], [sflag:$0x7], $0x80, $0x38;
	[tilespmem:$0x12A00] =	vst v63  }
0x3a4: {  	s28 =	sadd.s32 $0xFAB8, s0  }
0x3a5: {  	s0 =	sadd.s32 $0x70, s9;
	s9 =	sadd.s32 $0x1000, s9;
	s14 =	smov.u32 s15  }
0x3a6: {  	[hbm4b:s0+s3] =	stream.linear.scatter [tilespmem:s28], [sflag:$0x7], $0x80, $0x38;
	[tilespmem:$0x12A00] =	vst v63  }
0x3a7: {  	s30 =	sadd.s32 $0xF700, s8  }
0x3a8: {  	[hbm4b:s9+s3] =	stream.linear.scatter [tilespmem:s30], [sflag:$0x7], $0x80, $0x38;
	[tilespmem:$0x12A00] =	vst v63  }
0x3a9: {  	s31 =	sadd.s32 $0xF788, s8;
	s14 =	sadd.s32 $0x10, s9  }
0x3aa: {  	[hbm4b:s14+s3] =	stream.linear.scatter [tilespmem:s31], [sflag:$0x7], $0x80, $0x38;
	[tilespmem:$0x12A00] =	vst v63  }
0x3ab: {  	s15 =	sadd.s32 $0x20, s9;
	s14 =	sadd.s32 $0xF810, s8  }
0x3ac: {  	[hbm4b:s15+s3] =	stream.linear.scatter [tilespmem:s14], [sflag:$0x7], $0x80, $0x38;
	[tilespmem:$0x12A00] =	vst v63  }
0x3ad: {  	s28 =	sadd.s32 $0xF898, s8;
	s29 =	sadd.s32 $0x30, s9  }
0x3ae: {  	[hbm4b:s29+s3] =	stream.linear.scatter [tilespmem:s28], [sflag:$0x7], $0x80, $0x38;
	[tilespmem:$0x12A00] =	vst v63  }
0x3af: {  	s30 =	sadd.s32 $0xF920, s8;
	s31 =	sadd.s32 $0x40, s9  }
0x3b0: {  	[hbm4b:s31+s3] =	stream.linear.scatter [tilespmem:s30], [sflag:$0x7], $0x80, $0x38;
	[tilespmem:$0x12A00] =	vst v63  }
0x3b1: {  	s14 =	sadd.s32 $0xF9A8, s8;
	s15 =	sadd.s32 $0x50, s9  }
0x3b2: {  	[hbm4b:s15+s3] =	stream.linear.scatter [tilespmem:s14], [sflag:$0x7], $0x80, $0x38;
	[tilespmem:$0x12A00] =	vst v63  }
0x3b3: {  	s28 =	sadd.s32 $0xFA30, s8;
	s29 =	sadd.s32 $0x60, s9  }
0x3b4: {  	[hbm4b:s29+s3] =	stream.linear.scatter [tilespmem:s28], [sflag:$0x7], $0x80, $0x38;
	[tilespmem:$0x12A00] =	vst v63  }
0x3b5: {  	s0 =	sadd.s32 @!p1 $0x280, s11;
	s30 =	sadd.s32 $0xFAB8, s8;
	s31 =	sadd.s32 $0x70, s9  }
0x3b6: {  	[hbm4b:s31+s3] =	stream.linear.scatter [tilespmem:s30], [sflag:$0x7], $0x80, $0x38;
	[tilespmem:$0x12A00] =	vst v63  }
0x3b7: {  	s0 =	sand.u32 @!p1 $0xFE80, s0;
	s8 =	simm.s32 @!p1 $0x80;
	s9 =	simm.s32 @!p1 $0x7400  }
0x3b8: {  	[tilespmem:s9], [sflag:$0x2] =	stream.indirect.gather @!p1 [hbm4b:s4+s8], $0x20, s0, s8, $0xb8;
	[tilespmem:$0x12A00] =	vst v63  }
0x3b9: {  	s9 =	simm.s32 @!p1 $0xAC00  }
0x3ba: {  	[tilespmem:s9], [sflag:$0x2] =	stream.indirect.gather @!p1 [hbm4b:s5+s8], $0x10, s0, s8, $0xb8;
	[tilespmem:$0x12A00] =	vst v63  }
0x3bb: {  	_ =	swait.ge [sflag:s25], $0x1000  }
0x3bc: {  	[sflag:s25] =	ssyncset.done $0x0  }
0x3bd: {  	[sflag:s25] =	ssyncadd.s32 $0xFFFFF000  }
0x3be: {  	s9 =	simm.s32 $0x0;
	_ =	swait.ge [sflag:s25], $0x800  }
0x3bf: {  	v25 =	vmov s9;
	[sflag:s25] =	ssyncset.done $0x0  }
0x3c0: {  	s0 =	simm.s32 @!p0 $0x8;
	v25 =	vshrl.u32 v25, $0x3;
	[sflag:s25] =	ssyncadd.s32 $0xFFFFF800  }
0x3c1: {  	v25 =	vshll.u32 v25, v1;
	_ =	swait.ge @!p0 [sflag:s0], $0x1800  }
0x3c2: {  	v25 =	vbroadcast v25, $0x0;
	[sflag:s0] =	ssyncset.done @!p0 $0x0  }
0x3c3: {  	s9 =	simm.s32 $0x94F0;
	[sflag:s0] =	ssyncadd.s32 @!p0 $0xFFFFE800  }
0x3c4: {  	v27 =	vadd.s32 v0, v25;
	v26 =	vld [tilespmem:s9+$0xFFFFFF10];
	_ =	sdelay $0x4  }
0x3c5: {  	[tilespmem:v27+s26+$0x0] =	vst.idx.msk $0xffff, v26  }
0x3c6: {  	v27 =	vadd.s32 v2, v25;
	v26 =	vld [tilespmem:s9+$0xFFFFFF20];
	_ =	sdelay $0x4  }
0x3c7: {  	s8 =	simm.s32 $0xBC70;
	[tilespmem:v27+s26+$0x0] =	vst.idx.msk $0xffff, v26  }
0x3c8: {  	s11 =	simm.s32 $0x1;
	v25 =	vadd.s32 v3, v25;
	v26 =	vld [tilespmem:s8+$0xFFFFFF90]  }
0x3c9: {  	v27 =	vmov s11  }
0x3ca: {  	v27 =	vshrl.u32 v27, $0x3  }
0x3cb: {  	v27 =	vshll.u32 v27, v1  }
0x3cc: {  	v27 =	vbroadcast v27, $0x0  }
0x3cd: {  	[tilespmem:v25+s26+$0x0] =	vst.idx.msk $0xffff, v26  }
0x3ce: {  	v26 =	vadd.s32 v4, v27;
	v25 =	vld [tilespmem:s9+$0xFFFFFF30];
	_ =	sdelay $0x4  }
0x3cf: {  	[tilespmem:v26+s26+$0x0] =	vst.idx.msk $0xffff, v25  }
0x3d0: {  	v26 =	vadd.s32 v5, v27;
	v25 =	vld [tilespmem:s9+$0xFFFFFF40];
	_ =	sdelay $0x4  }
0x3d1: {  	[tilespmem:v26+s26+$0x0] =	vst.idx.msk $0xffff, v25  }
0x3d2: {  	s14 =	simm.s32 $0x2;
	v26 =	vadd.s32 v6, v27;
	v25 =	vld [tilespmem:s8+$0xFFFFFFA0]  }
0x3d3: {  	v27 =	vmov s14  }
0x3d4: {  	v27 =	vshrl.u32 v27, $0x3  }
0x3d5: {  	v27 =	vshll.u32 v27, v1  }
0x3d6: {  	v27 =	vbroadcast v27, $0x0  }
0x3d7: {  	[tilespmem:v26+s26+$0x0] =	vst.idx.msk $0xffff, v25  }
0x3d8: {  	v26 =	vadd.s32 v7, v27;
	v25 =	vld [tilespmem:s9+$0xFFFFFF50];
	_ =	sdelay $0x4  }
0x3d9: {  	[tilespmem:v26+s26+$0x0] =	vst.idx.msk $0xffff, v25  }
0x3da: {  	v26 =	vadd.s32 v8, v27;
	v25 =	vld [tilespmem:s9+$0xFFFFFF60];
	_ =	sdelay $0x4  }
0x3db: {  	[tilespmem:v26+s26+$0x0] =	vst.idx.msk $0xffff, v25  }
0x3dc: {  	s15 =	simm.s32 $0x3;
	v26 =	vadd.s32 v9, v27;
	v25 =	vld [tilespmem:s8+$0xFFFFFFB0]  }
0x3dd: {  	v27 =	vmov s15  }
0x3de: {  	v27 =	vshrl.u32 v27, $0x3  }
0x3df: {  	v27 =	vshll.u32 v27, v1  }
0x3e0: {  	v27 =	vbroadcast v27, $0x0  }
0x3e1: {  	[tilespmem:v26+s26+$0x0] =	vst.idx.msk $0xffff, v25  }
0x3e2: {  	v26 =	vadd.s32 v10, v27;
	v25 =	vld [tilespmem:s9+$0xFFFFFF70];
	_ =	sdelay $0x4  }
0x3e3: {  	[tilespmem:v26+s26+$0x0] =	vst.idx.msk $0xffff, v25  }
0x3e4: {  	v26 =	vadd.s32 v11, v27;
	v25 =	vld [tilespmem:s9+$0xFFFFFF80];
	_ =	sdelay $0x4  }
0x3e5: {  	[tilespmem:v26+s26+$0x0] =	vst.idx.msk $0xffff, v25  }
0x3e6: {  	s28 =	simm.s32 $0x4;
	v26 =	vadd.s32 v12, v27;
	v25 =	vld [tilespmem:s8+$0xFFFFFFC0]  }
0x3e7: {  	v27 =	vmov s28  }
0x3e8: {  	v27 =	vshrl.u32 v27, $0x3  }
0x3e9: {  	v27 =	vshll.u32 v27, v1  }
0x3ea: {  	v27 =	vbroadcast v27, $0x0  }
0x3eb: {  	[tilespmem:v26+s26+$0x0] =	vst.idx.msk $0xffff, v25  }
0x3ec: {  	v26 =	vadd.s32 v13, v27;
	v25 =	vld [tilespmem:s9+$0xFFFFFF90];
	_ =	sdelay $0x4  }
0x3ed: {  	[tilespmem:v26+s26+$0x0] =	vst.idx.msk $0xffff, v25  }
0x3ee: {  	v26 =	vadd.s32 v14, v27;
	v25 =	vld [tilespmem:s9+$0xFFFFFFA0];
	_ =	sdelay $0x4  }
0x3ef: {  	[tilespmem:v26+s26+$0x0] =	vst.idx.msk $0xffff, v25  }
0x3f0: {  	s29 =	simm.s32 $0x5;
	v26 =	vadd.s32 v15, v27;
	v25 =	vld [tilespmem:s8+$0xFFFFFFD0]  }
0x3f1: {  	v27 =	vmov s29  }
0x3f2: {  	v27 =	vshrl.u32 v27, $0x3  }
0x3f3: {  	v27 =	vshll.u32 v27, v1  }
0x3f4: {  	v27 =	vbroadcast v27, $0x0  }
0x3f5: {  	[tilespmem:v26+s26+$0x0] =	vst.idx.msk $0xffff, v25  }
0x3f6: {  	v26 =	vadd.s32 v16, v27;
	v25 =	vld [tilespmem:s9+$0xFFFFFFB0];
	_ =	sdelay $0x4  }
0x3f7: {  	[tilespmem:v26+s26+$0x0] =	vst.idx.msk $0xffff, v25  }
0x3f8: {  	v26 =	vadd.s32 v17, v27;
	v25 =	vld [tilespmem:s9+$0xFFFFFFC0];
	_ =	sdelay $0x4  }
0x3f9: {  	[tilespmem:v26+s26+$0x0] =	vst.idx.msk $0xffff, v25  }
0x3fa: {  	s30 =	simm.s32 $0x6;
	v26 =	vadd.s32 v18, v27;
	v25 =	vld [tilespmem:s8+$0xFFFFFFE0]  }
0x3fb: {  	v27 =	vmov s30  }
0x3fc: {  	v27 =	vshrl.u32 v27, $0x3  }
0x3fd: {  	v27 =	vshll.u32 v27, v1  }
0x3fe: {  	v27 =	vbroadcast v27, $0x0  }
0x3ff: {  	[tilespmem:v26+s26+$0x0] =	vst.idx.msk $0xffff, v25  }
0x400: {  	v26 =	vadd.s32 v19, v27;
	v25 =	vld [tilespmem:s9+$0xFFFFFFD0];
	_ =	sdelay $0x4  }
0x401: {  	[tilespmem:v26+s26+$0x0] =	vst.idx.msk $0xffff, v25  }
0x402: {  	v26 =	vadd.s32 v20, v27;
	v25 =	vld [tilespmem:s9+$0xFFFFFFE0];
	_ =	sdelay $0x4  }
0x403: {  	[tilespmem:v26+s26+$0x0] =	vst.idx.msk $0xffff, v25  }
0x404: {  	s31 =	simm.s32 $0x7;
	v26 =	vadd.s32 v21, v27;
	v25 =	vld [tilespmem:s8+$0xFFFFFFF0]  }
0x405: {  	v27 =	vmov s31  }
0x406: {  	v27 =	vshrl.u32 v27, $0x3  }
0x407: {  	v27 =	vshll.u32 v27, v1  }
0x408: {  	v27 =	vbroadcast v27, $0x0  }
0x409: {  	[tilespmem:v26+s26+$0x0] =	vst.idx.msk $0xffff, v25  }
0x40a: {  	v26 =	vadd.s32 v22, v27;
	v25 =	vld [tilespmem:s9+$0xFFFFFFF0];
	_ =	sdelay $0x4  }
0x40b: {  	[tilespmem:v26+s26+$0x0] =	vst.idx.msk $0xffff, v25  }
0x40c: {  	v26 =	vadd.s32 v23, v27;
	v25 =	vld [tilespmem:s9+$0x0];
	_ =	sdelay $0x4  }
0x40d: {  	[tilespmem:v26+s26+$0x0] =	vst.idx.msk $0xffff, v25  }
0x40e: {  	s11 =	simm.s32 $0x8;
	v26 =	vadd.s32 v24, v27;
	v25 =	vld [tilespmem:s8+$0x0]  }
0x40f: {  	s14 =	simm.s32 $0x10;
	v27 =	vmov s11  }
.LBB2_15:
0x410: {  	p0 =	slt.u32 s14, $0x78;
	v27 =	vshrl.u32 v27, $0x3  }
0x411: {  	v27 =	vshll.u32 v27, v1  }
0x412: {  	v27 =	vbroadcast v27, $0x0  }
0x413: {  	s9 =	sadd.s32 $0x100, s9;
	[tilespmem:v26+s26+$0x0] =	vst.idx.msk $0xffff, v25  }
0x414: {  	v25 =	vld [tilespmem:s9+$0xFFFFFF10];
	v26 =	vadd.s32 v0, v27;
	_ =	sdelay $0x4  }
0x415: {  	[tilespmem:v26+s26+$0x0] =	vst.idx.msk $0xffff, v25  }
0x416: {  	v26 =	vadd.s32 v2, v27;
	v25 =	vld [tilespmem:s9+$0xFFFFFF20];
	_ =	sdelay $0x4  }
0x417: {  	s8 =	sadd.s32 $0x80, s8;
	[tilespmem:v26+s26+$0x0] =	vst.idx.msk $0xffff, v25  }
0x418: {  	s0 =	sadd.s32 $0x1, s11;
	v26 =	vadd.s32 v3, v27;
	v25 =	vld [tilespmem:s8+$0xFFFFFF90]  }
0x419: {  	v27 =	vmov s0  }
0x41a: {  	v27 =	vshrl.u32 v27, $0x3  }
0x41b: {  	v27 =	vshll.u32 v27, v1  }
0x41c: {  	v27 =	vbroadcast v27, $0x0  }
0x41d: {  	[tilespmem:v26+s26+$0x0] =	vst.idx.msk $0xffff, v25  }
0x41e: {  	v26 =	vadd.s32 v4, v27;
	v25 =	vld [tilespmem:s9+$0xFFFFFF30];
	_ =	sdelay $0x4  }
0x41f: {  	[tilespmem:v26+s26+$0x0] =	vst.idx.msk $0xffff, v25  }
0x420: {  	v26 =	vadd.s32 v5, v27;
	v25 =	vld [tilespmem:s9+$0xFFFFFF40];
	_ =	sdelay $0x4  }
0x421: {  	[tilespmem:v26+s26+$0x0] =	vst.idx.msk $0xffff, v25  }
0x422: {  	s0 =	sadd.s32 $0x2, s11;
	v26 =	vadd.s32 v6, v27;
	v25 =	vld [tilespmem:s8+$0xFFFFFFA0]  }
0x423: {  	v27 =	vmov s0  }
0x424: {  	v27 =	vshrl.u32 v27, $0x3  }
0x425: {  	v27 =	vshll.u32 v27, v1  }
0x426: {  	v27 =	vbroadcast v27, $0x0  }
0x427: {  	[tilespmem:v26+s26+$0x0] =	vst.idx.msk $0xffff, v25  }
0x428: {  	v26 =	vadd.s32 v7, v27;
	v25 =	vld [tilespmem:s9+$0xFFFFFF50];
	_ =	sdelay $0x4  }
0x429: {  	[tilespmem:v26+s26+$0x0] =	vst.idx.msk $0xffff, v25  }
0x42a: {  	v26 =	vadd.s32 v8, v27;
	v25 =	vld [tilespmem:s9+$0xFFFFFF60];
	_ =	sdelay $0x4  }
0x42b: {  	[tilespmem:v26+s26+$0x0] =	vst.idx.msk $0xffff, v25  }
0x42c: {  	s0 =	sadd.s32 $0x3, s11;
	v26 =	vadd.s32 v9, v27;
	v25 =	vld [tilespmem:s8+$0xFFFFFFB0]  }
0x42d: {  	v27 =	vmov s0  }
0x42e: {  	v27 =	vshrl.u32 v27, $0x3  }
0x42f: {  	v27 =	vshll.u32 v27, v1  }
0x430: {  	v27 =	vbroadcast v27, $0x0  }
0x431: {  	[tilespmem:v26+s26+$0x0] =	vst.idx.msk $0xffff, v25  }
0x432: {  	v26 =	vadd.s32 v10, v27;
	v25 =	vld [tilespmem:s9+$0xFFFFFF70];
	_ =	sdelay $0x4  }
0x433: {  	[tilespmem:v26+s26+$0x0] =	vst.idx.msk $0xffff, v25  }
0x434: {  	v26 =	vadd.s32 v11, v27;
	v25 =	vld [tilespmem:s9+$0xFFFFFF80];
	_ =	sdelay $0x4  }
0x435: {  	[tilespmem:v26+s26+$0x0] =	vst.idx.msk $0xffff, v25  }
0x436: {  	s0 =	sadd.s32 $0x4, s11;
	v26 =	vadd.s32 v12, v27;
	v25 =	vld [tilespmem:s8+$0xFFFFFFC0]  }
0x437: {  	v27 =	vmov s0  }
0x438: {  	v27 =	vshrl.u32 v27, $0x3  }
0x439: {  	v27 =	vshll.u32 v27, v1  }
0x43a: {  	v27 =	vbroadcast v27, $0x0  }
0x43b: {  	[tilespmem:v26+s26+$0x0] =	vst.idx.msk $0xffff, v25  }
0x43c: {  	v26 =	vadd.s32 v13, v27;
	v25 =	vld [tilespmem:s9+$0xFFFFFF90];
	_ =	sdelay $0x4  }
0x43d: {  	[tilespmem:v26+s26+$0x0] =	vst.idx.msk $0xffff, v25  }
0x43e: {  	v26 =	vadd.s32 v14, v27;
	v25 =	vld [tilespmem:s9+$0xFFFFFFA0];
	_ =	sdelay $0x4  }
0x43f: {  	[tilespmem:v26+s26+$0x0] =	vst.idx.msk $0xffff, v25  }
0x440: {  	s0 =	sadd.s32 $0x5, s11;
	v26 =	vadd.s32 v15, v27;
	v25 =	vld [tilespmem:s8+$0xFFFFFFD0]  }
0x441: {  	v27 =	vmov s0  }
0x442: {  	v27 =	vshrl.u32 v27, $0x3  }
0x443: {  	v27 =	vshll.u32 v27, v1  }
0x444: {  	v27 =	vbroadcast v27, $0x0  }
0x445: {  	[tilespmem:v26+s26+$0x0] =	vst.idx.msk $0xffff, v25  }
0x446: {  	v26 =	vadd.s32 v16, v27;
	v25 =	vld [tilespmem:s9+$0xFFFFFFB0];
	_ =	sdelay $0x4  }
0x447: {  	[tilespmem:v26+s26+$0x0] =	vst.idx.msk $0xffff, v25  }
0x448: {  	v26 =	vadd.s32 v17, v27;
	v25 =	vld [tilespmem:s9+$0xFFFFFFC0];
	_ =	sdelay $0x4  }
0x449: {  	[tilespmem:v26+s26+$0x0] =	vst.idx.msk $0xffff, v25  }
0x44a: {  	s0 =	sadd.s32 $0x6, s11;
	v26 =	vadd.s32 v18, v27;
	v25 =	vld [tilespmem:s8+$0xFFFFFFE0]  }
0x44b: {  	v27 =	vmov s0  }
0x44c: {  	v27 =	vshrl.u32 v27, $0x3  }
0x44d: {  	v27 =	vshll.u32 v27, v1  }
0x44e: {  	v27 =	vbroadcast v27, $0x0  }
0x44f: {  	[tilespmem:v26+s26+$0x0] =	vst.idx.msk $0xffff, v25  }
0x450: {  	v26 =	vadd.s32 v19, v27;
	v25 =	vld [tilespmem:s9+$0xFFFFFFD0];
	_ =	sdelay $0x4  }
0x451: {  	[tilespmem:v26+s26+$0x0] =	vst.idx.msk $0xffff, v25  }
0x452: {  	v26 =	vadd.s32 v20, v27;
	v25 =	vld [tilespmem:s9+$0xFFFFFFE0];
	_ =	sdelay $0x4  }
0x453: {  	[tilespmem:v26+s26+$0x0] =	vst.idx.msk $0xffff, v25  }
0x454: {  	s0 =	sadd.s32 $0x7, s11;
	s11 =	smov.u32 s14;
	v26 =	vadd.s32 v21, v27;
	v25 =	vld [tilespmem:s8+$0xFFFFFFF0]  }
0x455: {  	v27 =	vmov s0  }
0x456: {  	v27 =	vshrl.u32 v27, $0x3  }
0x457: {  	v27 =	vshll.u32 v27, v1  }
0x458: {  	v27 =	vbroadcast v27, $0x0  }
0x459: {  	[tilespmem:v26+s26+$0x0] =	vst.idx.msk $0xffff, v25  }
0x45a: {  	v26 =	vadd.s32 v22, v27;
	v25 =	vld [tilespmem:s9+$0xFFFFFFF0];
	_ =	sdelay $0x4  }
0x45b: {  	[tilespmem:v26+s26+$0x0] =	vst.idx.msk $0xffff, v25  }
0x45c: {  	v26 =	vadd.s32 v23, v27;
	v25 =	vld [tilespmem:s9+$0x0];
	_ =	sdelay $0x2  }
.Ltmp6:
0x45d: {  	(pc) =	sbr.rel @p0 .LBB2_15-.Ltmp6, $4  }
0x45e: {  	_ = 	snop  }
0x45f: {  	[tilespmem:v26+s26+$0x0] =	vst.idx.msk $0xffff, v25  }
0x460: {  	v26 =	vadd.s32 v24, v27;
	v25 =	vld [tilespmem:s8+$0x0]  }
0x461: {  	s14 =	sadd.s32 $0x8, s14;
	v27 =	vmov s11  }
0x462: {  	_ = 	snop  }
0x463: {  	v27 =	vshrl.u32 v27, $0x3  }
0x464: {  	v27 =	vshll.u32 v27, v1  }
0x465: {  	v27 =	vbroadcast v27, $0x0  }
0x466: {  	s9 =	sadd.s32 $0x100, s9;
	[tilespmem:v26+s26+$0x0] =	vst.idx.msk $0xffff, v25  }
0x467: {  	v25 =	vld [tilespmem:s9+$0xFFFFFF10];
	v26 =	vadd.s32 v0, v27;
	_ =	sdelay $0x4  }
0x468: {  	[tilespmem:v26+s26+$0x0] =	vst.idx.msk $0xffff, v25  }
0x469: {  	v26 =	vadd.s32 v2, v27;
	v25 =	vld [tilespmem:s9+$0xFFFFFF20];
	_ =	sdelay $0x4  }
0x46a: {  	s8 =	sadd.s32 $0x80, s8;
	[tilespmem:v26+s26+$0x0] =	vst.idx.msk $0xffff, v25  }
0x46b: {  	s0 =	sadd.s32 $0x1, s11;
	v26 =	vadd.s32 v3, v27;
	v25 =	vld [tilespmem:s8+$0xFFFFFF90]  }
0x46c: {  	v27 =	vmov s0  }
0x46d: {  	v27 =	vshrl.u32 v27, $0x3  }
0x46e: {  	v27 =	vshll.u32 v27, v1  }
0x46f: {  	v27 =	vbroadcast v27, $0x0  }
0x470: {  	[tilespmem:v26+s26+$0x0] =	vst.idx.msk $0xffff, v25  }
0x471: {  	v26 =	vadd.s32 v4, v27;
	v25 =	vld [tilespmem:s9+$0xFFFFFF30];
	_ =	sdelay $0x4  }
0x472: {  	[tilespmem:v26+s26+$0x0] =	vst.idx.msk $0xffff, v25  }
0x473: {  	v26 =	vadd.s32 v5, v27;
	v25 =	vld [tilespmem:s9+$0xFFFFFF40];
	_ =	sdelay $0x4  }
0x474: {  	[tilespmem:v26+s26+$0x0] =	vst.idx.msk $0xffff, v25  }
0x475: {  	s28 =	sadd.s32 $0x2, s11;
	v26 =	vadd.s32 v6, v27;
	v25 =	vld [tilespmem:s8+$0xFFFFFFA0]  }
0x476: {  	v27 =	vmov s28  }
0x477: {  	v27 =	vshrl.u32 v27, $0x3  }
0x478: {  	v27 =	vshll.u32 v27, v1  }
0x479: {  	v27 =	vbroadcast v27, $0x0  }
0x47a: {  	[tilespmem:v26+s26+$0x0] =	vst.idx.msk $0xffff, v25  }
0x47b: {  	v26 =	vadd.s32 v7, v27;
	v25 =	vld [tilespmem:s9+$0xFFFFFF50];
	_ =	sdelay $0x4  }
0x47c: {  	[tilespmem:v26+s26+$0x0] =	vst.idx.msk $0xffff, v25  }
0x47d: {  	v26 =	vadd.s32 v8, v27;
	v25 =	vld [tilespmem:s9+$0xFFFFFF60];
	_ =	sdelay $0x4  }
0x47e: {  	[tilespmem:v26+s26+$0x0] =	vst.idx.msk $0xffff, v25  }
0x47f: {  	s29 =	sadd.s32 $0x3, s11;
	v26 =	vadd.s32 v9, v27;
	v25 =	vld [tilespmem:s8+$0xFFFFFFB0]  }
0x480: {  	v27 =	vmov s29  }
0x481: {  	v27 =	vshrl.u32 v27, $0x3  }
0x482: {  	v27 =	vshll.u32 v27, v1  }
0x483: {  	v27 =	vbroadcast v27, $0x0  }
0x484: {  	[tilespmem:v26+s26+$0x0] =	vst.idx.msk $0xffff, v25  }
0x485: {  	v26 =	vadd.s32 v10, v27;
	v25 =	vld [tilespmem:s9+$0xFFFFFF70];
	_ =	sdelay $0x4  }
0x486: {  	[tilespmem:v26+s26+$0x0] =	vst.idx.msk $0xffff, v25  }
0x487: {  	v26 =	vadd.s32 v11, v27;
	v25 =	vld [tilespmem:s9+$0xFFFFFF80];
	_ =	sdelay $0x4  }
0x488: {  	[tilespmem:v26+s26+$0x0] =	vst.idx.msk $0xffff, v25  }
0x489: {  	s30 =	sadd.s32 $0x4, s11;
	v26 =	vadd.s32 v12, v27;
	v25 =	vld [tilespmem:s8+$0xFFFFFFC0]  }
0x48a: {  	v27 =	vmov s30  }
0x48b: {  	v27 =	vshrl.u32 v27, $0x3  }
0x48c: {  	v27 =	vshll.u32 v27, v1  }
0x48d: {  	v27 =	vbroadcast v27, $0x0  }
0x48e: {  	[tilespmem:v26+s26+$0x0] =	vst.idx.msk $0xffff, v25  }
0x48f: {  	v26 =	vadd.s32 v13, v27;
	v25 =	vld [tilespmem:s9+$0xFFFFFF90];
	_ =	sdelay $0x4  }
0x490: {  	[tilespmem:v26+s26+$0x0] =	vst.idx.msk $0xffff, v25  }
0x491: {  	v26 =	vadd.s32 v14, v27;
	v25 =	vld [tilespmem:s9+$0xFFFFFFA0];
	_ =	sdelay $0x4  }
0x492: {  	[tilespmem:v26+s26+$0x0] =	vst.idx.msk $0xffff, v25  }
0x493: {  	s31 =	sadd.s32 $0x5, s11;
	v26 =	vadd.s32 v15, v27;
	v25 =	vld [tilespmem:s8+$0xFFFFFFD0]  }
0x494: {  	v27 =	vmov s31  }
0x495: {  	v27 =	vshrl.u32 v27, $0x3  }
0x496: {  	v27 =	vshll.u32 v27, v1  }
0x497: {  	v27 =	vbroadcast v27, $0x0  }
0x498: {  	[tilespmem:v26+s26+$0x0] =	vst.idx.msk $0xffff, v25  }
0x499: {  	v26 =	vadd.s32 v16, v27;
	v25 =	vld [tilespmem:s9+$0xFFFFFFB0];
	_ =	sdelay $0x4  }
0x49a: {  	[tilespmem:v26+s26+$0x0] =	vst.idx.msk $0xffff, v25  }
0x49b: {  	v26 =	vadd.s32 v17, v27;
	v25 =	vld [tilespmem:s9+$0xFFFFFFC0];
	_ =	sdelay $0x4  }
0x49c: {  	[tilespmem:v26+s26+$0x0] =	vst.idx.msk $0xffff, v25  }
0x49d: {  	s14 =	sadd.s32 $0x6, s11;
	v26 =	vadd.s32 v18, v27;
	v25 =	vld [tilespmem:s8+$0xFFFFFFE0]  }
0x49e: {  	v27 =	vmov s14  }
0x49f: {  	v27 =	vshrl.u32 v27, $0x3  }
0x4a0: {  	v27 =	vshll.u32 v27, v1  }
0x4a1: {  	v27 =	vbroadcast v27, $0x0  }
0x4a2: {  	[tilespmem:v26+s26+$0x0] =	vst.idx.msk $0xffff, v25  }
0x4a3: {  	v26 =	vadd.s32 v19, v27;
	v25 =	vld [tilespmem:s9+$0xFFFFFFD0];
	_ =	sdelay $0x4  }
0x4a4: {  	[tilespmem:v26+s26+$0x0] =	vst.idx.msk $0xffff, v25  }
0x4a5: {  	v26 =	vadd.s32 v20, v27;
	v25 =	vld [tilespmem:s9+$0xFFFFFFE0];
	_ =	sdelay $0x4  }
0x4a6: {  	[tilespmem:v26+s26+$0x0] =	vst.idx.msk $0xffff, v25  }
0x4a7: {  	s15 =	sadd.s32 $0x7, s11;
	v26 =	vadd.s32 v21, v27;
	v25 =	vld [tilespmem:s8+$0xFFFFFFF0]  }
0x4a8: {  	v27 =	vmov s15  }
0x4a9: {  	v27 =	vshrl.u32 v27, $0x3  }
0x4aa: {  	v27 =	vshll.u32 v27, v1  }
0x4ab: {  	v27 =	vbroadcast v27, $0x0  }
0x4ac: {  	[tilespmem:v26+s26+$0x0] =	vst.idx.msk $0xffff, v25  }
0x4ad: {  	v26 =	vadd.s32 v22, v27;
	v25 =	vld [tilespmem:s9+$0xFFFFFFF0];
	_ =	sdelay $0x4  }
0x4ae: {  	[tilespmem:v26+s26+$0x0] =	vst.idx.msk $0xffff, v25  }
0x4af: {  	v26 =	vadd.s32 v23, v27;
	v25 =	vld [tilespmem:s9+$0x0];
	_ =	sdelay $0x4  }
0x4b0: {  	s28 =	sand.u32 $0x7, s7;
	[tilespmem:v26+s26+$0x0] =	vst.idx.msk $0xffff, v25  }
0x4b1: {  	s0 =	sor.u32 s28, s12;
	v26 =	vadd.s32 v24, v27;
	v25 =	vld [tilespmem:s8+$0x0]  }
0x4b2: {  	s0 =	smul.u32 $0x30000, s0;
	_ =	sdelay $0x1  }
0x4b3: {  	s0 =	sor.u32 s13, s0  }
0x4b4: {  	s0 =	sshrl.u32 s0, $0x3  }
0x4b5: {  	s29 =	simm.s32 $0x11080;
	s8 =	sadd.s32 s2, s0;
	[tilespmem:v26+s26+$0x0] =	vst.idx.msk $0xffff, v25  }
0x4b6: {  	[hbm4b:s8+s3] =	stream.linear.scatter [tilespmem:s29], [sflag:$0x8], $0x80, $0x38;
	[tilespmem:$0x12A00] =	vst v63  }
0x4b7: {  	s30 =	simm.s32 $0x11108;
	s31 =	sadd.s32 $0x10, s8  }
0x4b8: {  	[hbm4b:s31+s3] =	stream.linear.scatter [tilespmem:s30], [sflag:$0x8], $0x80, $0x38;
	[tilespmem:$0x12A00] =	vst v63  }
0x4b9: {  	s7 =	simm.s32 $0x440;
	s9 =	simm.s32 $0x11190;
	s11 =	sadd.s32 $0x20, s8  }
0x4ba: {  	[hbm4b:s11+s3] =	stream.linear.scatter [tilespmem:s9], [sflag:$0x8], $0x80, $0x38;
	[tilespmem:$0x12A00] =	vst v63  }
0x4bb: {  	s12 =	simm.s32 $0x11218;
	s28 =	simm.s32 $0x11328;
	s13 =	sadd.s32 $0x30, s8  }
0x4bc: {  	[hbm4b:s13+s3] =	stream.linear.scatter [tilespmem:s12], [sflag:$0x8], $0x80, $0x38;
	[tilespmem:$0x12A00] =	vst v63  }
0x4bd: {  	s14 =	simm.s32 $0x112A0;
	s15 =	sadd.s32 $0x40, s8;
	s0 =	sadd.s32 $0x70, s8  }
0x4be: {  	[hbm4b:s15+s3] =	stream.linear.scatter [tilespmem:s14], [sflag:$0x8], $0x80, $0x38;
	[tilespmem:$0x12A00] =	vst v63  }
0x4bf: {  	s29 =	sadd.s32 $0x50, s8;
	s30 =	simm.s32 $0x113B0;
	s31 =	sadd.s32 $0x60, s8  }
0x4c0: {  	[hbm4b:s29+s3] =	stream.linear.scatter [tilespmem:s28], [sflag:$0x8], $0x80, $0x38;
	[tilespmem:$0x12A00] =	vst v63  }
0x4c1: {  	s8 =	sadd.s32 $0x1000, s8;
	s9 =	simm.s32 $0x2200;
	s11 =	simm.s32 $0x11438  }
0x4c2: {  	[hbm4b:s31+s3] =	stream.linear.scatter [tilespmem:s30], [sflag:$0x8], $0x80, $0x38;
	[tilespmem:$0x12A00] =	vst v63  }
.LBB2_17:
0x4c3: {  	[hbm4b:s0+s3] =	stream.linear.scatter [tilespmem:s11], [sflag:$0x8], $0x80, $0x38;
	[tilespmem:$0x12A00] =	vst v63  }
0x4c4: {  	s0 =	smov.u32 s7;
	s7 =	smov.u32 s9  }
0x4c5: {  	s12 =	sadd.s32 $0x1100, s9;
	s7 =	sshra.s32 s7, $0x2;
	s11 =	sadd.s32 $0x11080, s0  }
0x4c6: {  	[hbm4b:s8+s3] =	stream.linear.scatter [tilespmem:s11], [sflag:$0x8], $0x80, $0x38;
	[tilespmem:$0x12A00] =	vst v63  }
0x4c7: {  	p0 =	sne.s32 s9, $0x5500;
	s9 =	sadd.s32 $0x11108, s0;
	s11 =	sadd.s32 $0x10, s8  }
0x4c8: {  	[hbm4b:s11+s3] =	stream.linear.scatter [tilespmem:s9], [sflag:$0x8], $0x80, $0x38;
	[tilespmem:$0x12A00] =	vst v63  }
0x4c9: {  	s9 =	sadd.s32 $0x11190, s0;
	s11 =	sadd.s32 $0x20, s8  }
0x4ca: {  	[hbm4b:s11+s3] =	stream.linear.scatter [tilespmem:s9], [sflag:$0x8], $0x80, $0x38;
	[tilespmem:$0x12A00] =	vst v63  }
0x4cb: {  	s9 =	sadd.s32 $0x11218, s0;
	s11 =	sadd.s32 $0x30, s8  }
0x4cc: {  	[hbm4b:s11+s3] =	stream.linear.scatter [tilespmem:s9], [sflag:$0x8], $0x80, $0x38;
	[tilespmem:$0x12A00] =	vst v63  }
0x4cd: {  	s9 =	sadd.s32 $0x112A0, s0;
	s11 =	sadd.s32 $0x40, s8  }
0x4ce: {  	[hbm4b:s11+s3] =	stream.linear.scatter [tilespmem:s9], [sflag:$0x8], $0x80, $0x38;
	[tilespmem:$0x12A00] =	vst v63  }
0x4cf: {  	s9 =	sadd.s32 $0x11328, s0;
	s11 =	sadd.s32 $0x50, s8  }
0x4d0: {  	[hbm4b:s11+s3] =	stream.linear.scatter [tilespmem:s9], [sflag:$0x8], $0x80, $0x38;
	[tilespmem:$0x12A00] =	vst v63  }
.Ltmp7:
0x4d1: {  	_ = 	snop;
	(pc) =	sbr.rel @p0 .LBB2_17-.Ltmp7, $4  }
0x4d2: {  	s9 =	sadd.s32 $0x113B0, s0;
	s11 =	sadd.s32 $0x60, s8  }
0x4d3: {  	[hbm4b:s11+s3] =	stream.linear.scatter [tilespmem:s9], [sflag:$0x8], $0x80, $0x38;
	[tilespmem:$0x12A00] =	vst v63  }
0x4d4: {  	s11 =	sadd.s32 $0x11438, s0  }
0x4d5: {  	s0 =	sadd.s32 $0x70, s8;
	s8 =	sadd.s32 $0x1000, s8;
	s9 =	smov.u32 s12  }
0x4d6: {  	[hbm4b:s0+s3] =	stream.linear.scatter [tilespmem:s11], [sflag:$0x8], $0x80, $0x38;
	[tilespmem:$0x12A00] =	vst v63  }
0x4d7: {  	s28 =	sadd.s32 $0x11080, s7  }
0x4d8: {  	[hbm4b:s8+s3] =	stream.linear.scatter [tilespmem:s28], [sflag:$0x8], $0x80, $0x38;
	[tilespmem:$0x12A00] =	vst v63  }
0x4d9: {  	s29 =	sadd.s32 $0x11108, s7;
	s9 =	sadd.s32 $0x10, s8  }
0x4da: {  	[hbm4b:s9+s3] =	stream.linear.scatter [tilespmem:s29], [sflag:$0x8], $0x80, $0x38;
	[tilespmem:$0x12A00] =	vst v63  }
0x4db: {  	s30 =	sadd.s32 $0x11190, s7;
	s31 =	sadd.s32 $0x20, s8  }
0x4dc: {  	[hbm4b:s31+s3] =	stream.linear.scatter [tilespmem:s30], [sflag:$0x8], $0x80, $0x38;
	[tilespmem:$0x12A00] =	vst v63  }
0x4dd: {  	s11 =	sadd.s32 $0x30, s8;
	s9 =	sadd.s32 $0x11218, s7  }
0x4de: {  	[hbm4b:s11+s3] =	stream.linear.scatter [tilespmem:s9], [sflag:$0x8], $0x80, $0x38;
	[tilespmem:$0x12A00] =	vst v63  }
0x4df: {  	s12 =	sadd.s32 $0x112A0, s7;
	s13 =	sadd.s32 $0x40, s8;
	s1 =	sadd.s32 $0x1, s1  }
0x4e0: {  	[hbm4b:s13+s3] =	stream.linear.scatter [tilespmem:s12], [sflag:$0x8], $0x80, $0x38;
	[tilespmem:$0x12A00] =	vst v63  }
0x4e1: {  	s14 =	sadd.s32 $0x11328, s7;
	s15 =	sadd.s32 $0x50, s8;
	p0 =	sne.s32 s1, $0x32  }
0x4e2: {  	[hbm4b:s15+s3] =	stream.linear.scatter [tilespmem:s14], [sflag:$0x8], $0x80, $0x38;
	[tilespmem:$0x12A00] =	vst v63  }
.Ltmp8:
0x4e3: {  	_ = 	snop;
	(pc) =	sbr.rel @p0 .LBB2_2-.Ltmp8, $4  }
0x4e4: {  	s28 =	sadd.s32 $0x113B0, s7;
	s29 =	sadd.s32 $0x60, s8  }
0x4e5: {  	[hbm4b:s29+s3] =	stream.linear.scatter [tilespmem:s28], [sflag:$0x8], $0x80, $0x38;
	[tilespmem:$0x12A00] =	vst v63  }
0x4e6: {  	s30 =	sadd.s32 $0x11438, s7;
	s31 =	sadd.s32 $0x70, s8  }
0x4e7: {  	[hbm4b:s31+s3] =	stream.linear.scatter [tilespmem:s30], [sflag:$0x8], $0x80, $0x38;
	[tilespmem:$0x12A00] =	vst v63  }
0x4e8: {  	s0 =	simm.s32 $0x5  }
0x4e9: {  	_ =	swait.ge [sflag:s0], $0x1800  }
0x4ea: {  	[sflag:s0] =	ssyncset.done $0x0  }
0x4eb: {  	s29 =	simm.s32 $0x6;
	[sflag:s0] =	ssyncadd.s32 $0xFFFFE800  }
0x4ec: {  	_ =	swait.ge [sflag:s29], $0x1800  }
0x4ed: {  	[sflag:s29] =	ssyncset.done $0x0  }
0x4ee: {  	s30 =	simm.s32 $0x7;
	[sflag:s29] =	ssyncadd.s32 $0xFFFFE800  }
0x4ef: {  	_ =	swait.ge [sflag:s30], $0x1800  }
0x4f0: {  	[sflag:s30] =	ssyncset.done $0x0  }
0x4f1: {  	s1 =	simm.s32 $0x8;
	[sflag:s30] =	ssyncadd.s32 $0xFFFFE800  }
0x4f2: {  	_ =	swait.ge [sflag:s1], $0x1800  }
0x4f3: {  	s7 =	rddreg [dreg:$0x6]  }
0x4f4: {  	s31 =	rddreg [dreg:$0x5];
	s7 =	sadd.s32 $0x1, s7  }
0x4f5: {  	p0 =	sne.s32 s7, s31  }
.Ltmp9:
0x4f6: {  	_ = 	snop;
	(pc) =	sbr.rel @p0 .LBB2_1-.Ltmp9, $3  }
0x4f7: {  	_ =	sdelay $0x1  }
0x4f8: {  	[sflag:s1] =	ssyncset.done $0x0  }
0x4f9: {  	[sflag:s1] =	ssyncadd.s32 $0xFFFFE800  }
0x4fa: {  	_ =	sfence.sel $0x180000  }
0x4fb: {  	[bflag:$0x0] =	sbarrier.arrive $0xFFFF  }
0x4fc: {  	_ =	strace $0x90000047  }
0x4fd: {  	s0 =	stileid.u32;
	[bflag:$0x2] =	sbarrier.arrive $0xFFFF  }
0x4fe: {  	p0 =	sne.s32 s0, $0x0;
	s0 =	rddreg [dreg:$0x3]  }
0x4ff: {  	s0 =	sadd.s32 @!p0 $0x100000, s0  }
0x500: {  	[sflag:s0] =	ssyncadd.tile.s32 @!p0 $0x1;
	_ =	shalt  }
.Lfunc_end2:
_tile_overlayer_lowered:
.L_overlay_start_2:
0x501: {  	(tag) =	ssettag $0x2  }
0x502: {  	s0 =	rddreg [dreg:$0x0];
	s2 =	stileid.u32  }
0x503: {  	s1 =	rddreg [dreg:$0x1];
	p0 =	sne.s32 s2, $0x0  }
0x504: {  	s3 =	rddreg [dreg:$0x2];
	[bflag:$0x3] =	sbarrier.arrive $0xFFFF;
	s2 =	simm.s32 @!p0 $0x1C09  }
0x505: {  	[timem:s3], [sflag:s2] =	dma.local @!p0 [hbm:s0], s1  }
0x506: {  	s0 =	simm.s32 @!p0 $0x9  }
0x507: {  	_ =	swait.ge @!p0 [sflag:s0], s1  }
0x508: {  	s1 =	ssub.s32 @!p0 $0x0, s1;
	[sflag:s0] =	ssyncset.done @!p0 $0x0  }
0x509: {  	[sflag:s0] =	ssyncadd.s32 @!p0 s1  }
0x50a: {  	[bflag:$0x3] =	sbarrier.arrive $0xFFFF  }
0x50b: {  	_ =	shalt  }

</sc_bundles>
